<compile_context>
chip_gen: v7x
topology: tpu7x:2x2x1
jax: 0.10.2.dev20260603
libtpu: 0.0.44.dev20260713+nightly
codegen_flags: <defaults>
</compile_context>

<pallas_src>
import functools

import jax
import jax.numpy as jnp
from jax import lax
from jax.experimental import pallas as pl
from jax.experimental.pallas import tpu as pltpu
from jax.experimental.pallas import tpu_sc as plsc

NC = 2
NS = 16
NW = NC * NS
L = 16
CB = 128
NB = 8

BN = 256


def _deg_body(npad, ept0, unr, edge_hbm, deg_hbm, dst_v, deg_v, sem):
  cid = lax.axis_index("c")
  sid = lax.axis_index("s")
  wid = cid * NS + sid
  pltpu.async_copy(edge_hbm.at[1, pl.ds(wid * ept0, ept0)], dst_v, sem).wait()

  zv = jnp.zeros((L,), jnp.float32)

  def zero(i, carry):
    for u in range(8):
      deg_v[pl.ds((i * 8 + u) * L, L)] = zv
    return carry

  lax.fori_loop(0, npad // (8 * L), zero, 0)

  ones = jnp.ones((L,), jnp.float32)

  def count(i, carry):
    for u in range(unr):
      idx = dst_v[pl.ds((i * unr + u) * L, L)]
      plsc.addupdate_scatter(deg_v, [idx], ones)
    return carry

  lax.fori_loop(0, ept0 // (unr * L), count, 0)
  pltpu.async_copy(deg_v, deg_hbm.at[wid], sem).wait()


def _agg_body(npad, nch, ys_hbm, src_hbm, dst_hbm, out_hbm,
              src_v, dst_v, rows, zero_v, agg_sh, tab_sh, gsem, ssem, sem, sem2):
  cid = lax.axis_index("c")
  sid = lax.axis_index("s")
  wid = cid * NS + sid
  rpt = npad // NS

  stripe = pl.ds(sid * rpt, rpt)
  pltpu.async_copy(ys_hbm.at[stripe], tab_sh.at[stripe], sem2)
  pltpu.async_copy(src_hbm.at[wid], src_v, sem).wait()
  pltpu.async_copy(dst_hbm.at[wid], dst_v, sem).wait()

  zv = jnp.zeros((L,), jnp.float32)

  def zero(i, carry):
    for u in range(8):
      zero_v[i * 8 + u] = zv
    return carry

  lax.fori_loop(0, rpt // 8, zero, 0)
  pltpu.sync_copy(zero_v, agg_sh.at[pl.ds(sid * rpt, rpt)])
  pltpu.make_async_copy(ys_hbm.at[stripe], tab_sh.at[stripe], sem2).wait()
  plsc.subcore_barrier()

  groups = nch // NB

  for b in range(NB):
    pltpu.async_copy(tab_sh.at[src_v.at[b]], rows.at[b], gsem.at[b])

  def step(g, carry):
    j0 = g * NB
    for b in range(NB):
      pltpu.make_async_copy(tab_sh.at[src_v.at[j0 + b]],
                            rows.at[b], gsem.at[b]).wait()
      pltpu.async_copy(rows.at[b], agg_sh.at[dst_v.at[j0 + b]],
                       ssem.at[b], add=True)
    for b in range(NB):
      pltpu.make_async_copy(rows.at[b], agg_sh.at[dst_v.at[j0 + b]],
                            ssem.at[b]).wait()
      pltpu.async_copy(tab_sh.at[src_v.at[j0 + NB + b]],
                       rows.at[b], gsem.at[b])
    return carry

  lax.fori_loop(0, groups - 1, step, 0)

  j0 = (groups - 1) * NB
  for b in range(NB):
    pltpu.make_async_copy(tab_sh.at[src_v.at[j0 + b]],
                          rows.at[b], gsem.at[b]).wait()
    pltpu.async_copy(rows.at[b], agg_sh.at[dst_v.at[j0 + b]],
                     ssem.at[b], add=True)
  for b in range(NB):
    pltpu.make_async_copy(rows.at[b], agg_sh.at[dst_v.at[j0 + b]],
                          ssem.at[b]).wait()

  plsc.subcore_barrier()
  pltpu.sync_copy(agg_sh.at[pl.ds(sid * rpt, rpt)],
                  out_hbm.at[cid, pl.ds(sid * rpt, rpt)])


def _make_sc_kernels(npad, ept, nch, ept0, unr):
  mesh = plsc.VectorSubcoreMesh(core_axis_name="c", subcore_axis_name="s")
  cp = pltpu.CompilerParams(needs_layout_passes=False, use_tc_tiling_on_sc=False)
  deg_k = pl.kernel(
      functools.partial(_deg_body, npad, ept0, unr),
      out_type=jax.ShapeDtypeStruct((NW, npad), jnp.float32),
      mesh=mesh,
      scratch_types=[
          pltpu.VMEM((ept0,), jnp.int32),
          pltpu.VMEM((npad,), jnp.float32),
          pltpu.SemaphoreType.DMA,
      ],
      compiler_params=cp,
  )
  agg_k = pl.kernel(
      functools.partial(_agg_body, npad, nch),
      out_type=jax.ShapeDtypeStruct((NC, npad, L), jnp.float32),
      mesh=mesh,
      scratch_types=[
          pltpu.VMEM((nch, CB), jnp.int32),
          pltpu.VMEM((nch, CB), jnp.int32),
          pltpu.VMEM((NB, CB, L), jnp.float32),
          pltpu.VMEM((npad // NS, L), jnp.float32),
          pltpu.VMEM_SHARED((npad, L), jnp.float32),
          pltpu.VMEM_SHARED((npad, L), jnp.float32),
          pltpu.SemaphoreType.DMA((NB,)),
          pltpu.SemaphoreType.DMA((NB,)),
          pltpu.SemaphoreType.DMA,
          pltpu.SemaphoreType.DMA,
      ],
      compiler_params=cp,
  )
  return deg_k, agg_k


def _dinv_of(dp):
  return lax.rsqrt(jnp.sum(dp, axis=0) + 1.0)[:, None]


def _mm1_body(x_ref, w_ref, dp_ref, out_ref):
  dinv = _dinv_of(dp_ref[...])
  h = jnp.dot(x_ref[...], w_ref[...], preferred_element_type=jnp.float32)
  out_ref[...] = h * dinv


def _mm2_body(p_ref, ys_ref, b1_ref, w2_ref, dp_ref, out_ref):
  dinv = _dinv_of(dp_ref[...])
  tot = p_ref[0] + p_ref[1] + ys_ref[...]
  t = jnp.maximum(tot * dinv + b1_ref[...], 0.0)
  out_ref[...] = jnp.dot(t, w2_ref[...],
                         preferred_element_type=jnp.float32) * dinv


def _out_body(c, q_ref, ys_ref, b2_ref, dp_ref, out_ref):
  dinv = _dinv_of(dp_ref[...])
  o = (q_ref[0] + q_ref[1] + ys_ref[...]) * dinv + b2_ref[...]
  col = lax.broadcasted_iota(jnp.int32, o.shape, 1)
  om = jnp.where(col < c, o, -1e30)
  m = jnp.max(om, axis=1, keepdims=True)
  e = jnp.exp(om - m)
  s = jnp.sum(e, axis=1, keepdims=True)
  out_ref[...] = (om - m - jnp.log(s))[:, :out_ref.shape[1]]


def kernel(x, edge_index, W1, b1, W2, b2):
  n, d = x.shape
  h = W1.shape[1]
  c = W2.shape[1]
  assert h == L
  npad = ((n + BN - 1) // BN) * BN
  while npad % (NS * L) != 0:
    npad += BN
  e = edge_index.shape[1]
  ept = ((e + NW * CB - 1) // (NW * CB)) * CB
  while (ept // CB) % NB != 0:
    ept += CB
  nch = ept // CB
  epad = NW * ept

  pad = jnp.full((epad - e,), n, dtype=jnp.int32)
  srcp = jnp.concatenate([edge_index[0].astype(jnp.int32), pad])
  dstp = jnp.concatenate([edge_index[1].astype(jnp.int32), pad])
  src3 = srcp.reshape(NW, nch, CB)
  dst3 = dstp.reshape(NW, nch, CB)

  w2p = jnp.pad(W2, ((0, 0), (0, L - c)))
  b1r = b1.reshape(1, h)
  b2r = jnp.pad(b2, (0, L - c)).reshape(1, L)

  xp = jnp.pad(x, ((0, npad - n), (0, 0)))
  assert e % (NW * L) == 0
  ept0 = e // NW
  unr = 5 if ept0 % (5 * L) == 0 else 1
  deg_k, agg_k = _make_sc_kernels(npad, ept, nch, ept0, unr)
  bp = 2048
  assert npad % bp == 0
  grid = (npad // bp,)
  dp_spec = pl.BlockSpec((NW, bp), lambda j: (0, j))
  row_spec = pl.BlockSpec((bp, L), lambda j: (j, 0))
  part_spec = pl.BlockSpec((NC, bp, L), lambda j: (0, j, 0))

  deg3 = deg_k(edge_index.astype(jnp.int32))

  ys1 = pl.pallas_call(
      _mm1_body,
      grid=grid,
      in_specs=[pl.BlockSpec((bp, d), lambda j: (j, 0)),
                pl.BlockSpec((d, h), lambda j: (0, 0)),
                dp_spec],
      out_specs=row_spec,
      out_shape=jax.ShapeDtypeStruct((npad, h), jnp.float32),
  )(xp, W1, deg3)

  p1 = agg_k(ys1, src3, dst3)

  ys2 = pl.pallas_call(
      _mm2_body,
      grid=grid,
      in_specs=[part_spec, row_spec,
                pl.BlockSpec((1, h), lambda j: (0, 0)),
                pl.BlockSpec((h, L), lambda j: (0, 0)),
                dp_spec],
      out_specs=row_spec,
      out_shape=jax.ShapeDtypeStruct((npad, L), jnp.float32),
  )(p1, ys1, b1r, w2p, deg3)

  p2 = agg_k(ys2, src3, dst3)

  out = pl.pallas_call(
      functools.partial(_out_body, c),
      grid=grid,
      in_specs=[part_spec, row_spec,
                pl.BlockSpec((1, L), lambda j: (0, 0)),
                dp_spec],
      out_specs=pl.BlockSpec((bp, c), lambda j: (j, 0)),
      out_shape=jax.ShapeDtypeStruct((npad, c), jnp.float32),
  )(p2, ys2, b2r, deg3)

  return out[:n]

# --- scband reference (transcript-rebuilt; emitter-appended) ---
"""Pipeline reference for scband-gcn-23149873725488 (READ-ONLY COPY).

The authoritative reference and input builder live on the scoring server;
editing this copy changes nothing except your own understanding.
"""

import jax, jax.numpy as jnp
import numpy as np

N = 10000
E = 320000
D = 128
H = 16
C = 7


def setup_inputs(seed: int = 0) -> dict:
    key = jax.random.key(seed)
    k1, k2, k3, k4 = jax.random.split(key, 4)
    x = jax.random.normal(k1, (N, D), dtype=jnp.float32)
    edge_index = jax.random.randint(k2, (2, E), 0, N)
    W1 = jax.random.normal(k3, (D, H), dtype=jnp.float32) * (1.0 / np.sqrt(D))
    b1 = jnp.zeros((H,), dtype=jnp.float32)
    W2 = jax.random.normal(k4, (H, C), dtype=jnp.float32) * (1.0 / np.sqrt(H))
    b2 = jnp.zeros((C,), dtype=jnp.float32)
    return {"x": x, "edge_index": edge_index, "W1": W1, "b1": b1, "W2": W2, "b2": b2}


def _gcn_conv(x, src, dst, W, b, num_nodes):
    # GCNConv with add_self_loops already applied to (src, dst), edge_weight=None
    h = x @ W
    deg = jnp.zeros((num_nodes,), dtype=x.dtype).at[dst].add(jnp.ones_like(dst, dtype=x.dtype))
    deg_inv_sqrt = jnp.where(deg > 0, deg ** -0.5, 0.0)
    norm = deg_inv_sqrt[src] * deg_inv_sqrt[dst]
    msg = h[src] * norm[:, None]
    out = jax.ops.segment_sum(msg, dst, num_segments=num_nodes)
    return out + b


def reference(x, edge_index, W1, b1, W2, b2):
    # add self-loops once (shared by both convs since edge_weight is None)
    loop = jnp.arange(N, dtype=edge_index.dtype)
    src = jnp.concatenate([edge_index[0], loop])
    dst = jnp.concatenate([edge_index[1], loop])
    h = jax.nn.relu(_gcn_conv(x, src, dst, W1, b1, N))
    # F.dropout with training=False is identity (eval-mode reference)
    out = _gcn_conv(h, src, dst, W2, b2, N)
    return jax.nn.log_softmax(out, axis=1)

if __name__ == "__main__":
    import jax
    _d = setup_inputs()
    print(jax.jit(kernel)(*tuple(_d.values())))

</pallas_src>

<mosaic_0001>
#map = affine_map<(d0, d1) -> (0, 0)>
module attributes {stable_mosaic.version = 14 : i64} {
  func.func @_deg_body(%arg0: i32, %arg1: i32, %arg2: memref<2x320000xi32, #tpu.memory_space<hbm>>, %arg3: memref<32x10240xf32, #tpu.memory_space<hbm>>, %arg4: memref<10000xi32, #tpu.memory_space<vmem>>, %arg5: memref<10240xf32, #tpu.memory_space<vmem>>, %arg6: memref<!tpu.dma_semaphore, #tpu.memory_space<semaphore_mem>>) attributes {dimension_semantics = [#tpu.dimension_semantics<core_parallel>, #tpu.dimension_semantics<subcore_parallel>], iteration_bounds = array<i64: 2, 16>, scalar_prefetch = 0 : i64, scratch_operands = 3 : i64, tpu.core_type = #tpu.core_type<sc_vector_subcore>, window_params = [{transform_indices = #map}, {transform_indices = #map}]} {
    %mul3A = arith.constant 16 : i32
    %mul3A_0 = arith.muli %arg0, %mul3A : i32
    %add3A = arith.addi %mul3A_0, %arg1 : i32
    %mul3A_1 = arith.constant 10000 : i32
    %mul3A_2 = arith.muli %add3A, %mul3A_1 : i32
    %dma_start3A = arith.constant 1 : i32
    %dma_start3A_3 = tpu.memref_slice %arg2[%dma_start3A, %mul3A_2] : memref<2x320000xi32, #tpu.memory_space<hbm>> -> memref<1x10000xi32, #tpu.memory_space<hbm>>
    %dma_start3A_4 = tpu.memref_squeeze %dma_start3A_3 : memref<1x10000xi32, #tpu.memory_space<hbm>> -> memref<10000xi32, #tpu.memory_space<hbm>>
    %dma_start3A_5 = tpu.memref_slice %arg2[%dma_start3A, %mul3A_2] : memref<2x320000xi32, #tpu.memory_space<hbm>> -> memref<1x10000xi32, #tpu.memory_space<hbm>>
    %dma_start3A_6 = tpu.memref_squeeze %dma_start3A_5 : memref<1x10000xi32, #tpu.memory_space<hbm>> -> memref<10000xi32, #tpu.memory_space<hbm>>
    tpu.enqueue_dma source(%dma_start3A_6 : memref<10000xi32, #tpu.memory_space<hbm>>) target(%arg4 : memref<10000xi32, #tpu.memory_space<vmem>>) target_semaphore(%arg6 : memref<!tpu.dma_semaphore, #tpu.memory_space<semaphore_mem>>)
    %dma_wait3A = arith.constant 1 : i32
    %dma_wait3A_7 = tpu.memref_slice %arg2[%dma_wait3A, %mul3A_2] : memref<2x320000xi32, #tpu.memory_space<hbm>> -> memref<1x10000xi32, #tpu.memory_space<hbm>>
    %dma_wait3A_8 = tpu.memref_squeeze %dma_wait3A_7 : memref<1x10000xi32, #tpu.memory_space<hbm>> -> memref<10000xi32, #tpu.memory_space<hbm>>
    %dma_wait3A_9 = tpu.memref_slice %arg2[%dma_wait3A, %mul3A_2] : memref<2x320000xi32, #tpu.memory_space<hbm>> -> memref<1x10000xi32, #tpu.memory_space<hbm>>
    %dma_wait3A_10 = tpu.memref_squeeze %dma_wait3A_9 : memref<1x10000xi32, #tpu.memory_space<hbm>> -> memref<10000xi32, #tpu.memory_space<hbm>>
    tpu.wait_dma2 semaphore(%arg6 : memref<!tpu.dma_semaphore, #tpu.memory_space<semaphore_mem>>) src(%dma_wait3A_10 : memref<10000xi32, #tpu.memory_space<hbm>>) dst(%arg4 : memref<10000xi32, #tpu.memory_space<vmem>>)
    %broadcast_in_dim3A = arith.constant 0.000000e+00 : f32
    %broadcast_in_dim3A_11 = vector.broadcast %broadcast_in_dim3A : f32 to vector<16xf32>
    %scan3A = arith.constant 0 : i32
    %scan3A_12 = arith.constant 0 : i32
    %scan3A_13 = arith.constant 80 : i32
    %scan3A_14 = arith.addi %scan3A_12, %scan3A_13 : i32
    %scan3A_15 = arith.constant 1 : i32
    scf.for %scan3A_37 = %scan3A_12 to %scan3A_14 step %scan3A_15  : i32 {
      %mul3A_38 = arith.constant 8 : i32
      %mul3A_39 = arith.muli %scan3A_37, %mul3A_38 : i32
      %add3A_40 = arith.constant 0 : i32
      %add3A_41 = arith.addi %mul3A_39, %add3A_40 : i32
      %mul3A_42 = arith.constant 16 : i32
      %mul3A_43 = arith.muli %add3A_41, %mul3A_42 : i32
      %swap3A = arith.index_cast %mul3A_43 : i32 to index
      %swap3A_44 = tpu.vector_load %arg5[%swap3A] {strides = array<i32>} : memref<10240xf32, #tpu.memory_space<vmem>>, vector<16xf32>,
      tpu.vector_store %arg5[%swap3A], %broadcast_in_dim3A_11 {strides = array<i32>} : memref<10240xf32, #tpu.memory_space<vmem>>, vector<16xf32>,
      %mul3A_45 = arith.constant 8 : i32
      %mul3A_46 = arith.muli %scan3A_37, %mul3A_45 : i32
      %add3A_47 = arith.constant 1 : i32
      %add3A_48 = arith.addi %mul3A_46, %add3A_47 : i32
      %mul3A_49 = arith.constant 16 : i32
      %mul3A_50 = arith.muli %add3A_48, %mul3A_49 : i32
      %swap3A_51 = arith.index_cast %mul3A_50 : i32 to index
      %swap3A_52 = tpu.vector_load %arg5[%swap3A_51] {strides = array<i32>} : memref<10240xf32, #tpu.memory_space<vmem>>, vector<16xf32>,
      tpu.vector_store %arg5[%swap3A_51], %broadcast_in_dim3A_11 {strides = array<i32>} : memref<10240xf32, #tpu.memory_space<vmem>>, vector<16xf32>,
      %mul3A_53 = arith.constant 8 : i32
      %mul3A_54 = arith.muli %scan3A_37, %mul3A_53 : i32
      %add3A_55 = arith.constant 2 : i32
      %add3A_56 = arith.addi %mul3A_54, %add3A_55 : i32
      %mul3A_57 = arith.constant 16 : i32
      %mul3A_58 = arith.muli %add3A_56, %mul3A_57 : i32
      %swap3A_59 = arith.index_cast %mul3A_58 : i32 to index
      %swap3A_60 = tpu.vector_load %arg5[%swap3A_59] {strides = array<i32>} : memref<10240xf32, #tpu.memory_space<vmem>>, vector<16xf32>,
      tpu.vector_store %arg5[%swap3A_59], %broadcast_in_dim3A_11 {strides = array<i32>} : memref<10240xf32, #tpu.memory_space<vmem>>, vector<16xf32>,
      %mul3A_61 = arith.constant 8 : i32
      %mul3A_62 = arith.muli %scan3A_37, %mul3A_61 : i32
      %add3A_63 = arith.constant 3 : i32
      %add3A_64 = arith.addi %mul3A_62, %add3A_63 : i32
      %mul3A_65 = arith.constant 16 : i32
      %mul3A_66 = arith.muli %add3A_64, %mul3A_65 : i32
      %swap3A_67 = arith.index_cast %mul3A_66 : i32 to index
      %swap3A_68 = tpu.vector_load %arg5[%swap3A_67] {strides = array<i32>} : memref<10240xf32, #tpu.memory_space<vmem>>, vector<16xf32>,
      tpu.vector_store %arg5[%swap3A_67], %broadcast_in_dim3A_11 {strides = array<i32>} : memref<10240xf32, #tpu.memory_space<vmem>>, vector<16xf32>,
      %mul3A_69 = arith.constant 8 : i32
      %mul3A_70 = arith.muli %scan3A_37, %mul3A_69 : i32
      %add3A_71 = arith.constant 4 : i32
      %add3A_72 = arith.addi %mul3A_70, %add3A_71 : i32
      %mul3A_73 = arith.constant 16 : i32
      %mul3A_74 = arith.muli %add3A_72, %mul3A_73 : i32
      %swap3A_75 = arith.index_cast %mul3A_74 : i32 to index
      %swap3A_76 = tpu.vector_load %arg5[%swap3A_75] {strides = array<i32>} : memref<10240xf32, #tpu.memory_space<vmem>>, vector<16xf32>,
      tpu.vector_store %arg5[%swap3A_75], %broadcast_in_dim3A_11 {strides = array<i32>} : memref<10240xf32, #tpu.memory_space<vmem>>, vector<16xf32>,
      %mul3A_77 = arith.constant 8 : i32
      %mul3A_78 = arith.muli %scan3A_37, %mul3A_77 : i32
      %add3A_79 = arith.constant 5 : i32
      %add3A_80 = arith.addi %mul3A_78, %add3A_79 : i32
      %mul3A_81 = arith.constant 16 : i32
      %mul3A_82 = arith.muli %add3A_80, %mul3A_81 : i32
      %swap3A_83 = arith.index_cast %mul3A_82 : i32 to index
      %swap3A_84 = tpu.vector_load %arg5[%swap3A_83] {strides = array<i32>} : memref<10240xf32, #tpu.memory_space<vmem>>, vector<16xf32>,
      tpu.vector_store %arg5[%swap3A_83], %broadcast_in_dim3A_11 {strides = array<i32>} : memref<10240xf32, #tpu.memory_space<vmem>>, vector<16xf32>,
      %mul3A_85 = arith.constant 8 : i32
      %mul3A_86 = arith.muli %scan3A_37, %mul3A_85 : i32
      %add3A_87 = arith.constant 6 : i32
      %add3A_88 = arith.addi %mul3A_86, %add3A_87 : i32
      %mul3A_89 = arith.constant 16 : i32
      %mul3A_90 = arith.muli %add3A_88, %mul3A_89 : i32
      %swap3A_91 = arith.index_cast %mul3A_90 : i32 to index
      %swap3A_92 = tpu.vector_load %arg5[%swap3A_91] {strides = array<i32>} : memref<10240xf32, #tpu.memory_space<vmem>>, vector<16xf32>,
      tpu.vector_store %arg5[%swap3A_91], %broadcast_in_dim3A_11 {strides = array<i32>} : memref<10240xf32, #tpu.memory_space<vmem>>, vector<16xf32>,
      %mul3A_93 = arith.constant 8 : i32
      %mul3A_94 = arith.muli %scan3A_37, %mul3A_93 : i32
      %add3A_95 = arith.constant 7 : i32
      %add3A_96 = arith.addi %mul3A_94, %add3A_95 : i32
      %mul3A_97 = arith.constant 16 : i32
      %mul3A_98 = arith.muli %add3A_96, %mul3A_97 : i32
      %swap3A_99 = arith.index_cast %mul3A_98 : i32 to index
      %swap3A_100 = tpu.vector_load %arg5[%swap3A_99] {strides = array<i32>} : memref<10240xf32, #tpu.memory_space<vmem>>, vector<16xf32>,
      tpu.vector_store %arg5[%swap3A_99], %broadcast_in_dim3A_11 {strides = array<i32>} : memref<10240xf32, #tpu.memory_space<vmem>>, vector<16xf32>,
    }
    %scan3A_16 = arith.constant 80 : i32
    %broadcast_in_dim3A_17 = arith.constant 1.000000e+00 : f32
    %broadcast_in_dim3A_18 = vector.broadcast %broadcast_in_dim3A_17 : f32 to vector<16xf32>
    %scan3A_19 = arith.constant 0 : i32
    %scan3A_20 = arith.constant 0 : i32
    %scan3A_21 = arith.constant 125 : i32
    %scan3A_22 = arith.addi %scan3A_20, %scan3A_21 : i32
    %scan3A_23 = arith.constant 1 : i32
    scf.for %scan3A_37 = %scan3A_20 to %scan3A_22 step %scan3A_23  : i32 {
      %mul3A_38 = arith.constant 5 : i32
      %mul3A_39 = arith.muli %scan3A_37, %mul3A_38 : i32
      %add3A_40 = arith.constant 0 : i32
      %add3A_41 = arith.addi %mul3A_39, %add3A_40 : i32
      %mul3A_42 = arith.constant 16 : i32
      %mul3A_43 = arith.muli %add3A_41, %mul3A_42 : i32
      %get3A = arith.index_cast %mul3A_43 : i32 to index
      %get3A_44 = tpu.vector_load %arg4[%get3A] {strides = array<i32>} : memref<10000xi32, #tpu.memory_space<vmem>>, vector<16xi32>,
      tpu.vector_store_idx %arg5[%get3A_44], %broadcast_in_dim3A_18 {add = true} : memref<10240xf32, #tpu.memory_space<vmem>>[vector<16xi32>], vector<16xf32>,
      %mul3A_45 = arith.constant 5 : i32
      %mul3A_46 = arith.muli %scan3A_37, %mul3A_45 : i32
      %add3A_47 = arith.constant 1 : i32
      %add3A_48 = arith.addi %mul3A_46, %add3A_47 : i32
      %mul3A_49 = arith.constant 16 : i32
      %mul3A_50 = arith.muli %add3A_48, %mul3A_49 : i32
      %get3A_51 = arith.index_cast %mul3A_50 : i32 to index
      %get3A_52 = tpu.vector_load %arg4[%get3A_51] {strides = array<i32>} : memref<10000xi32, #tpu.memory_space<vmem>>, vector<16xi32>,
      tpu.vector_store_idx %arg5[%get3A_52], %broadcast_in_dim3A_18 {add = true} : memref<10240xf32, #tpu.memory_space<vmem>>[vector<16xi32>], vector<16xf32>,
      %mul3A_53 = arith.constant 5 : i32
      %mul3A_54 = arith.muli %scan3A_37, %mul3A_53 : i32
      %add3A_55 = arith.constant 2 : i32
      %add3A_56 = arith.addi %mul3A_54, %add3A_55 : i32
      %mul3A_57 = arith.constant 16 : i32
      %mul3A_58 = arith.muli %add3A_56, %mul3A_57 : i32
      %get3A_59 = arith.index_cast %mul3A_58 : i32 to index
      %get3A_60 = tpu.vector_load %arg4[%get3A_59] {strides = array<i32>} : memref<10000xi32, #tpu.memory_space<vmem>>, vector<16xi32>,
      tpu.vector_store_idx %arg5[%get3A_60], %broadcast_in_dim3A_18 {add = true} : memref<10240xf32, #tpu.memory_space<vmem>>[vector<16xi32>], vector<16xf32>,
      %mul3A_61 = arith.constant 5 : i32
      %mul3A_62 = arith.muli %scan3A_37, %mul3A_61 : i32
      %add3A_63 = arith.constant 3 : i32
      %add3A_64 = arith.addi %mul3A_62, %add3A_63 : i32
      %mul3A_65 = arith.constant 16 : i32
      %mul3A_66 = arith.muli %add3A_64, %mul3A_65 : i32
      %get3A_67 = arith.index_cast %mul3A_66 : i32 to index
      %get3A_68 = tpu.vector_load %arg4[%get3A_67] {strides = array<i32>} : memref<10000xi32, #tpu.memory_space<vmem>>, vector<16xi32>,
      tpu.vector_store_idx %arg5[%get3A_68], %broadcast_in_dim3A_18 {add = true} : memref<10240xf32, #tpu.memory_space<vmem>>[vector<16xi32>], vector<16xf32>,
      %mul3A_69 = arith.constant 5 : i32
      %mul3A_70 = arith.muli %scan3A_37, %mul3A_69 : i32
      %add3A_71 = arith.constant 4 : i32
      %add3A_72 = arith.addi %mul3A_70, %add3A_71 : i32
      %mul3A_73 = arith.constant 16 : i32
      %mul3A_74 = arith.muli %add3A_72, %mul3A_73 : i32
      %get3A_75 = arith.index_cast %mul3A_74 : i32 to index
      %get3A_76 = tpu.vector_load %arg4[%get3A_75] {strides = array<i32>} : memref<10000xi32, #tpu.memory_space<vmem>>, vector<16xi32>,
      tpu.vector_store_idx %arg5[%get3A_76], %broadcast_in_dim3A_18 {add = true} : memref<10240xf32, #tpu.memory_space<vmem>>[vector<16xi32>], vector<16xf32>,
    }
    %scan3A_24 = arith.constant 125 : i32
    %dma_start3A_25 = arith.constant 0 : i32
    %dma_start3A_26 = tpu.memref_slice %arg3[%add3A, %dma_start3A_25] : memref<32x10240xf32, #tpu.memory_space<hbm>> -> memref<1x10240xf32, #tpu.memory_space<hbm>>
    %dma_start3A_27 = tpu.memref_squeeze %dma_start3A_26 : memref<1x10240xf32, #tpu.memory_space<hbm>> -> memref<10240xf32, #tpu.memory_space<hbm>>
    %dma_start3A_28 = arith.constant 0 : i32
    %dma_start3A_29 = tpu.memref_slice %arg3[%add3A, %dma_start3A_28] : memref<32x10240xf32, #tpu.memory_space<hbm>> -> memref<1x10240xf32, #tpu.memory_space<hbm>>
    %dma_start3A_30 = tpu.memref_squeeze %dma_start3A_29 : memref<1x10240xf32, #tpu.memory_space<hbm>> -> memref<10240xf32, #tpu.memory_space<hbm>>
    tpu.enqueue_dma source(%arg5 : memref<10240xf32, #tpu.memory_space<vmem>>) target(%dma_start3A_30 : memref<10240xf32, #tpu.memory_space<hbm>>) target_semaphore(%arg6 : memref<!tpu.dma_semaphore, #tpu.memory_space<semaphore_mem>>)
    %dma_wait3A_31 = arith.constant 0 : i32
    %dma_wait3A_32 = tpu.memref_slice %arg3[%add3A, %dma_wait3A_31] : memref<32x10240xf32, #tpu.memory_space<hbm>> -> memref<1x10240xf32, #tpu.memory_space<hbm>>
    %dma_wait3A_33 = tpu.memref_squeeze %dma_wait3A_32 : memref<1x10240xf32, #tpu.memory_space<hbm>> -> memref<10240xf32, #tpu.memory_space<hbm>>
    %dma_wait3A_34 = arith.constant 0 : i32
    %dma_wait3A_35 = tpu.memref_slice %arg3[%add3A, %dma_wait3A_34] : memref<32x10240xf32, #tpu.memory_space<hbm>> -> memref<1x10240xf32, #tpu.memory_space<hbm>>
    %dma_wait3A_36 = tpu.memref_squeeze %dma_wait3A_35 : memref<1x10240xf32, #tpu.memory_space<hbm>> -> memref<10240xf32, #tpu.memory_space<hbm>>
    tpu.wait_dma2 semaphore(%arg6 : memref<!tpu.dma_semaphore, #tpu.memory_space<semaphore_mem>>) src(%arg5 : memref<10240xf32, #tpu.memory_space<vmem>>) dst(%dma_wait3A_36 : memref<10240xf32, #tpu.memory_space<hbm>>)
    return
  }
}

#map = affine_map<(d0, d1) -> (0, 0)>
#map1 = affine_map<(d0, d1) -> (0, 0, 0)>
module attributes {stable_mosaic.version = 14 : i64} {
  func.func @_agg_body(%arg0: i32, %arg1: i32, %arg2: memref<10240x16xf32, #tpu.memory_space<hbm>>, %arg3: memref<32x80x128xi32, #tpu.memory_space<hbm>>, %arg4: memref<32x80x128xi32, #tpu.memory_space<hbm>>, %arg5: memref<2x10240x16xf32, #tpu.memory_space<hbm>>, %arg6: memref<80x128xi32, #tpu.memory_space<vmem>>, %arg7: memref<80x128xi32, #tpu.memory_space<vmem>>, %arg8: memref<8x128x16xf32, #tpu.memory_space<vmem>>, %arg9: memref<640x16xf32, #tpu.memory_space<vmem>>, %arg10: memref<10240x16xf32, #tpu.memory_space<vmem_shared>>, %arg11: memref<10240x16xf32, #tpu.memory_space<vmem_shared>>, %arg12: memref<8x!tpu.dma_semaphore, #tpu.memory_space<semaphore_mem>>, %arg13: memref<8x!tpu.dma_semaphore, #tpu.memory_space<semaphore_mem>>, %arg14: memref<!tpu.dma_semaphore, #tpu.memory_space<semaphore_mem>>, %arg15: memref<!tpu.dma_semaphore, #tpu.memory_space<semaphore_mem>>) attributes {dimension_semantics = [#tpu.dimension_semantics<core_parallel>, #tpu.dimension_semantics<subcore_parallel>], iteration_bounds = array<i64: 2, 16>, scalar_prefetch = 0 : i64, scratch_operands = 10 : i64, tpu.core_type = #tpu.core_type<sc_vector_subcore>, window_params = [{transform_indices = #map}, {transform_indices = #map1}, {transform_indices = #map1}, {transform_indices = #map1}]} {
    %mul3A = arith.constant 16 : i32
    %mul3A_0 = arith.muli %arg0, %mul3A : i32
    %add3A = arith.addi %mul3A_0, %arg1 : i32
    %mul3A_1 = arith.constant 640 : i32
    %mul3A_2 = arith.muli %arg1, %mul3A_1 : i32
    %dma_start3A = arith.constant 0 : i32
    %dma_start3A_3 = tpu.memref_slice %arg11[%mul3A_2, %dma_start3A] : memref<10240x16xf32, #tpu.memory_space<vmem_shared>> -> memref<640x16xf32, #tpu.memory_space<vmem_shared>>
    %dma_start3A_4 = arith.constant 0 : i32
    %dma_start3A_5 = tpu.memref_slice %arg2[%mul3A_2, %dma_start3A_4] : memref<10240x16xf32, #tpu.memory_space<hbm>> -> memref<640x16xf32, #tpu.memory_space<hbm>>
    tpu.enqueue_dma source(%dma_start3A_5 : memref<640x16xf32, #tpu.memory_space<hbm>>) target(%dma_start3A_3 : memref<640x16xf32, #tpu.memory_space<vmem_shared>>) target_semaphore(%arg15 : memref<!tpu.dma_semaphore, #tpu.memory_space<semaphore_mem>>)
    %dma_start3A_6 = arith.constant 0 : i32
    %dma_start3A_7 = arith.constant 0 : i32
    %dma_start3A_8 = tpu.memref_slice %arg3[%add3A, %dma_start3A_6, %dma_start3A_7] : memref<32x80x128xi32, #tpu.memory_space<hbm>> -> memref<1x80x128xi32, #tpu.memory_space<hbm>>
    %dma_start3A_9 = tpu.memref_squeeze %dma_start3A_8 : memref<1x80x128xi32, #tpu.memory_space<hbm>> -> memref<80x128xi32, #tpu.memory_space<hbm>>
    %dma_start3A_10 = arith.constant 0 : i32
    %dma_start3A_11 = arith.constant 0 : i32
    %dma_start3A_12 = tpu.memref_slice %arg3[%add3A, %dma_start3A_10, %dma_start3A_11] : memref<32x80x128xi32, #tpu.memory_space<hbm>> -> memref<1x80x128xi32, #tpu.memory_space<hbm>>
    %dma_start3A_13 = tpu.memref_squeeze %dma_start3A_12 : memref<1x80x128xi32, #tpu.memory_space<hbm>> -> memref<80x128xi32, #tpu.memory_space<hbm>>
    tpu.enqueue_dma source(%dma_start3A_13 : memref<80x128xi32, #tpu.memory_space<hbm>>) target(%arg6 : memref<80x128xi32, #tpu.memory_space<vmem>>) target_semaphore(%arg14 : memref<!tpu.dma_semaphore, #tpu.memory_space<semaphore_mem>>)
    %dma_wait3A = arith.constant 0 : i32
    %dma_wait3A_14 = arith.constant 0 : i32
    %dma_wait3A_15 = tpu.memref_slice %arg3[%add3A, %dma_wait3A, %dma_wait3A_14] : memref<32x80x128xi32, #tpu.memory_space<hbm>> -> memref<1x80x128xi32, #tpu.memory_space<hbm>>
    %dma_wait3A_16 = tpu.memref_squeeze %dma_wait3A_15 : memref<1x80x128xi32, #tpu.memory_space<hbm>> -> memref<80x128xi32, #tpu.memory_space<hbm>>
    %dma_wait3A_17 = arith.constant 0 : i32
    %dma_wait3A_18 = arith.constant 0 : i32
    %dma_wait3A_19 = tpu.memref_slice %arg3[%add3A, %dma_wait3A_17, %dma_wait3A_18] : memref<32x80x128xi32, #tpu.memory_space<hbm>> -> memref<1x80x128xi32, #tpu.memory_space<hbm>>
    %dma_wait3A_20 = tpu.memref_squeeze %dma_wait3A_19 : memref<1x80x128xi32, #tpu.memory_space<hbm>> -> memref<80x128xi32, #tpu.memory_space<hbm>>
    tpu.wait_dma2 semaphore(%arg14 : memref<!tpu.dma_semaphore, #tpu.memory_space<semaphore_mem>>) src(%dma_wait3A_20 : memref<80x128xi32, #tpu.memory_space<hbm>>) dst(%arg6 : memref<80x128xi32, #tpu.memory_space<vmem>>)
    %dma_start3A_21 = arith.constant 0 : i32
    %dma_start3A_22 = arith.constant 0 : i32
    %dma_start3A_23 = tpu.memref_slice %arg4[%add3A, %dma_start3A_21, %dma_start3A_22] : memref<32x80x128xi32, #tpu.memory_space<hbm>> -> memref<1x80x128xi32, #tpu.memory_space<hbm>>
    %dma_start3A_24 = tpu.memref_squeeze %dma_start3A_23 : memref<1x80x128xi32, #tpu.memory_space<hbm>> -> memref<80x128xi32, #tpu.memory_space<hbm>>
    %dma_start3A_25 = arith.constant 0 : i32
    %dma_start3A_26 = arith.constant 0 : i32
    %dma_start3A_27 = tpu.memref_slice %arg4[%add3A, %dma_start3A_25, %dma_start3A_26] : memref<32x80x128xi32, #tpu.memory_space<hbm>> -> memref<1x80x128xi32, #tpu.memory_space<hbm>>
    %dma_start3A_28 = tpu.memref_squeeze %dma_start3A_27 : memref<1x80x128xi32, #tpu.memory_space<hbm>> -> memref<80x128xi32, #tpu.memory_space<hbm>>
    tpu.enqueue_dma source(%dma_start3A_28 : memref<80x128xi32, #tpu.memory_space<hbm>>) target(%arg7 : memref<80x128xi32, #tpu.memory_space<vmem>>) target_semaphore(%arg14 : memref<!tpu.dma_semaphore, #tpu.memory_space<semaphore_mem>>)
    %dma_wait3A_29 = arith.constant 0 : i32
    %dma_wait3A_30 = arith.constant 0 : i32
    %dma_wait3A_31 = tpu.memref_slice %arg4[%add3A, %dma_wait3A_29, %dma_wait3A_30] : memref<32x80x128xi32, #tpu.memory_space<hbm>> -> memref<1x80x128xi32, #tpu.memory_space<hbm>>
    %dma_wait3A_32 = tpu.memref_squeeze %dma_wait3A_31 : memref<1x80x128xi32, #tpu.memory_space<hbm>> -> memref<80x128xi32, #tpu.memory_space<hbm>>
    %dma_wait3A_33 = arith.constant 0 : i32
    %dma_wait3A_34 = arith.constant 0 : i32
    %dma_wait3A_35 = tpu.memref_slice %arg4[%add3A, %dma_wait3A_33, %dma_wait3A_34] : memref<32x80x128xi32, #tpu.memory_space<hbm>> -> memref<1x80x128xi32, #tpu.memory_space<hbm>>
    %dma_wait3A_36 = tpu.memref_squeeze %dma_wait3A_35 : memref<1x80x128xi32, #tpu.memory_space<hbm>> -> memref<80x128xi32, #tpu.memory_space<hbm>>
    tpu.wait_dma2 semaphore(%arg14 : memref<!tpu.dma_semaphore, #tpu.memory_space<semaphore_mem>>) src(%dma_wait3A_36 : memref<80x128xi32, #tpu.memory_space<hbm>>) dst(%arg7 : memref<80x128xi32, #tpu.memory_space<vmem>>)
    %broadcast_in_dim3A = arith.constant 0.000000e+00 : f32
    %broadcast_in_dim3A_37 = vector.broadcast %broadcast_in_dim3A : f32 to vector<16xf32>
    %scan3A = arith.constant 0 : i32
    %scan3A_38 = arith.constant 0 : i32
    %scan3A_39 = arith.constant 80 : i32
    %scan3A_40 = arith.addi %scan3A_38, %scan3A_39 : i32
    %scan3A_41 = arith.constant 1 : i32
    scf.for %scan3A_540 = %scan3A_38 to %scan3A_40 step %scan3A_41  : i32 {
      %mul3A_541 = arith.constant 8 : i32
      %mul3A_542 = arith.muli %scan3A_540, %mul3A_541 : i32
      %add3A_543 = arith.constant 0 : i32
      %add3A_544 = arith.addi %mul3A_542, %add3A_543 : i32
      %swap3A = arith.index_cast %add3A_544 : i32 to index
      %swap3A_545 = arith.constant 0 : index
      %swap3A_546 = tpu.vector_load %arg9[%swap3A, %swap3A_545] {strides = array<i32>} : memref<640x16xf32, #tpu.memory_space<vmem>>, vector<16xf32>,
      tpu.vector_store %arg9[%swap3A, %swap3A_545], %broadcast_in_dim3A_37 {strides = array<i32>} : memref<640x16xf32, #tpu.memory_space<vmem>>, vector<16xf32>,
      %mul3A_547 = arith.constant 8 : i32
      %mul3A_548 = arith.muli %scan3A_540, %mul3A_547 : i32
      %add3A_549 = arith.constant 1 : i32
      %add3A_550 = arith.addi %mul3A_548, %add3A_549 : i32
      %swap3A_551 = arith.index_cast %add3A_550 : i32 to index
      %swap3A_552 = arith.constant 0 : index
      %swap3A_553 = tpu.vector_load %arg9[%swap3A_551, %swap3A_552] {strides = array<i32>} : memref<640x16xf32, #tpu.memory_space<vmem>>, vector<16xf32>,
      tpu.vector_store %arg9[%swap3A_551, %swap3A_552], %broadcast_in_dim3A_37 {strides = array<i32>} : memref<640x16xf32, #tpu.memory_space<vmem>>, vector<16xf32>,
      %mul3A_554 = arith.constant 8 : i32
      %mul3A_555 = arith.muli %scan3A_540, %mul3A_554 : i32
      %add3A_556 = arith.constant 2 : i32
      %add3A_557 = arith.addi %mul3A_555, %add3A_556 : i32
      %swap3A_558 = arith.index_cast %add3A_557 : i32 to index
      %swap3A_559 = arith.constant 0 : index
      %swap3A_560 = tpu.vector_load %arg9[%swap3A_558, %swap3A_559] {strides = array<i32>} : memref<640x16xf32, #tpu.memory_space<vmem>>, vector<16xf32>,
      tpu.vector_store %arg9[%swap3A_558, %swap3A_559], %broadcast_in_dim3A_37 {strides = array<i32>} : memref<640x16xf32, #tpu.memory_space<vmem>>, vector<16xf32>,
      %mul3A_561 = arith.constant 8 : i32
      %mul3A_562 = arith.muli %scan3A_540, %mul3A_561 : i32
      %add3A_563 = arith.constant 3 : i32
      %add3A_564 = arith.addi %mul3A_562, %add3A_563 : i32
      %swap3A_565 = arith.index_cast %add3A_564 : i32 to index
      %swap3A_566 = arith.constant 0 : index
      %swap3A_567 = tpu.vector_load %arg9[%swap3A_565, %swap3A_566] {strides = array<i32>} : memref<640x16xf32, #tpu.memory_space<vmem>>, vector<16xf32>,
      tpu.vector_store %arg9[%swap3A_565, %swap3A_566], %broadcast_in_dim3A_37 {strides = array<i32>} : memref<640x16xf32, #tpu.memory_space<vmem>>, vector<16xf32>,
      %mul3A_568 = arith.constant 8 : i32
      %mul3A_569 = arith.muli %scan3A_540, %mul3A_568 : i32
      %add3A_570 = arith.constant 4 : i32
      %add3A_571 = arith.addi %mul3A_569, %add3A_570 : i32
      %swap3A_572 = arith.index_cast %add3A_571 : i32 to index
      %swap3A_573 = arith.constant 0 : index
      %swap3A_574 = tpu.vector_load %arg9[%swap3A_572, %swap3A_573] {strides = array<i32>} : memref<640x16xf32, #tpu.memory_space<vmem>>, vector<16xf32>,
      tpu.vector_store %arg9[%swap3A_572, %swap3A_573], %broadcast_in_dim3A_37 {strides = array<i32>} : memref<640x16xf32, #tpu.memory_space<vmem>>, vector<16xf32>,
      %mul3A_575 = arith.constant 8 : i32
      %mul3A_576 = arith.muli %scan3A_540, %mul3A_575 : i32
      %add3A_577 = arith.constant 5 : i32
      %add3A_578 = arith.addi %mul3A_576, %add3A_577 : i32
      %swap3A_579 = arith.index_cast %add3A_578 : i32 to index
      %swap3A_580 = arith.constant 0 : index
      %swap3A_581 = tpu.vector_load %arg9[%swap3A_579, %swap3A_580] {strides = array<i32>} : memref<640x16xf32, #tpu.memory_space<vmem>>, vector<16xf32>,
      tpu.vector_store %arg9[%swap3A_579, %swap3A_580], %broadcast_in_dim3A_37 {strides = array<i32>} : memref<640x16xf32, #tpu.memory_space<vmem>>, vector<16xf32>,
      %mul3A_582 = arith.constant 8 : i32
      %mul3A_583 = arith.muli %scan3A_540, %mul3A_582 : i32
      %add3A_584 = arith.constant 6 : i32
      %add3A_585 = arith.addi %mul3A_583, %add3A_584 : i32
      %swap3A_586 = arith.index_cast %add3A_585 : i32 to index
      %swap3A_587 = arith.constant 0 : index
      %swap3A_588 = tpu.vector_load %arg9[%swap3A_586, %swap3A_587] {strides = array<i32>} : memref<640x16xf32, #tpu.memory_space<vmem>>, vector<16xf32>,
      tpu.vector_store %arg9[%swap3A_586, %swap3A_587], %broadcast_in_dim3A_37 {strides = array<i32>} : memref<640x16xf32, #tpu.memory_space<vmem>>, vector<16xf32>,
      %mul3A_589 = arith.constant 8 : i32
      %mul3A_590 = arith.muli %scan3A_540, %mul3A_589 : i32
      %add3A_591 = arith.constant 7 : i32
      %add3A_592 = arith.addi %mul3A_590, %add3A_591 : i32
      %swap3A_593 = arith.index_cast %add3A_592 : i32 to index
      %swap3A_594 = arith.constant 0 : index
      %swap3A_595 = tpu.vector_load %arg9[%swap3A_593, %swap3A_594] {strides = array<i32>} : memref<640x16xf32, #tpu.memory_space<vmem>>, vector<16xf32>,
      tpu.vector_store %arg9[%swap3A_593, %swap3A_594], %broadcast_in_dim3A_37 {strides = array<i32>} : memref<640x16xf32, #tpu.memory_space<vmem>>, vector<16xf32>,
    }
    %scan3A_42 = arith.constant 80 : i32
    %mul3A_43 = arith.constant 640 : i32
    %mul3A_44 = arith.muli %arg1, %mul3A_43 : i32
    "tpu.region"() ({
      %run_scoped3A = tpu.sem_alloc : memref<!tpu.dma_semaphore, #tpu.memory_space<semaphore_mem>>
      %dma_start3A_540 = arith.constant 0 : i32
      %dma_start3A_541 = tpu.memref_slice %arg10[%mul3A_44, %dma_start3A_540] : memref<10240x16xf32, #tpu.memory_space<vmem_shared>> -> memref<640x16xf32, #tpu.memory_space<vmem_shared>>
      %dma_start3A_542 = arith.constant 0 : i32
      %dma_start3A_543 = tpu.memref_slice %arg10[%mul3A_44, %dma_start3A_542] : memref<10240x16xf32, #tpu.memory_space<vmem_shared>> -> memref<640x16xf32, #tpu.memory_space<vmem_shared>>
      tpu.enqueue_dma source(%arg9 : memref<640x16xf32, #tpu.memory_space<vmem>>) target(%dma_start3A_543 : memref<640x16xf32, #tpu.memory_space<vmem_shared>>) target_semaphore(%run_scoped3A : memref<!tpu.dma_semaphore, #tpu.memory_space<semaphore_mem>>)
      %dma_wait3A_544 = arith.constant 0 : i32
      %dma_wait3A_545 = tpu.memref_slice %arg10[%mul3A_44, %dma_wait3A_544] : memref<10240x16xf32, #tpu.memory_space<vmem_shared>> -> memref<640x16xf32, #tpu.memory_space<vmem_shared>>
      %dma_wait3A_546 = arith.constant 0 : i32
      %dma_wait3A_547 = tpu.memref_slice %arg10[%mul3A_44, %dma_wait3A_546] : memref<10240x16xf32, #tpu.memory_space<vmem_shared>> -> memref<640x16xf32, #tpu.memory_space<vmem_shared>>
      tpu.wait_dma2 semaphore(%run_scoped3A : memref<!tpu.dma_semaphore, #tpu.memory_space<semaphore_mem>>) src(%arg9 : memref<640x16xf32, #tpu.memory_space<vmem>>) dst(%dma_wait3A_547 : memref<640x16xf32, #tpu.memory_space<vmem_shared>>)
      tpu.yield
    }) : () -> ()
    %dma_wait3A_45 = arith.constant 0 : i32
    %dma_wait3A_46 = tpu.memref_slice %arg11[%mul3A_2, %dma_wait3A_45] : memref<10240x16xf32, #tpu.memory_space<vmem_shared>> -> memref<640x16xf32, #tpu.memory_space<vmem_shared>>
    %dma_wait3A_47 = arith.constant 0 : i32
    %dma_wait3A_48 = tpu.memref_slice %arg2[%mul3A_2, %dma_wait3A_47] : memref<10240x16xf32, #tpu.memory_space<hbm>> -> memref<640x16xf32, #tpu.memory_space<hbm>>
    tpu.wait_dma2 semaphore(%arg15 : memref<!tpu.dma_semaphore, #tpu.memory_space<semaphore_mem>>) src(%dma_wait3A_48 : memref<640x16xf32, #tpu.memory_space<hbm>>) dst(%dma_wait3A_46 : memref<640x16xf32, #tpu.memory_space<vmem_shared>>)
    %barrier3A = arith.constant 0 : index
    tpu.barrier barrier_id(%barrier3A)
    %dma_start3A_49 = arith.constant 0 : i32
    %dma_start3A_50 = arith.constant 0 : i32
    %dma_start3A_51 = arith.constant 0 : i32
    %dma_start3A_52 = arith.constant 0 : i32
    %dma_start3A_53 = arith.constant 0 : i32
    %dma_start3A_54 = tpu.memref_slice %arg8[%dma_start3A_50, %dma_start3A_52, %dma_start3A_53] : memref<8x128x16xf32, #tpu.memory_space<vmem>> -> memref<1x128x16xf32, #tpu.memory_space<vmem>>
    %dma_start3A_55 = tpu.memref_squeeze %dma_start3A_54 : memref<1x128x16xf32, #tpu.memory_space<vmem>> -> memref<128x16xf32, #tpu.memory_space<vmem>>
    %dma_start3A_56 = arith.constant 0 : i32
    %dma_start3A_57 = tpu.memref_slice %arg6[%dma_start3A_49, %dma_start3A_56] : memref<80x128xi32, #tpu.memory_space<vmem>> -> memref<1x128xi32, #tpu.memory_space<vmem>>
    %dma_start3A_58 = tpu.memref_squeeze %dma_start3A_57 : memref<1x128xi32, #tpu.memory_space<vmem>> -> memref<128xi32, #tpu.memory_space<vmem>>
    %dma_start3A_59 = arith.constant 0 : i32
    %dma_start3A_60 = arith.constant 0 : i32
    %dma_start3A_61 = tpu.memref_slice %arg11[%dma_start3A_59, %dma_start3A_60] : memref<10240x16xf32, #tpu.memory_space<vmem_shared>> -> memref<10240x16xf32, #tpu.memory_space<vmem_shared>>
    %dma_start3A_62 = tpu.memref_slice %arg12[%dma_start3A_51] : memref<8x!tpu.dma_semaphore, #tpu.memory_space<semaphore_mem>> -> memref<1x!tpu.dma_semaphore, #tpu.memory_space<semaphore_mem>>
    %dma_start3A_63 = tpu.memref_squeeze %dma_start3A_62 : memref<1x!tpu.dma_semaphore, #tpu.memory_space<semaphore_mem>> -> memref<!tpu.dma_semaphore, #tpu.memory_space<semaphore_mem>>
    tpu.enqueue_indirect_dma source(%dma_start3A_61 : memref<10240x16xf32, #tpu.memory_space<vmem_shared>>) target(%dma_start3A_55 : memref<128x16xf32, #tpu.memory_space<vmem>>) offsets(%dma_start3A_58 : memref<128xi32, #tpu.memory_space<vmem>>) semaphore(%dma_start3A_63 : memref<!tpu.dma_semaphore, #tpu.memory_space<semaphore_mem>>)
    %dma_start3A_64 = arith.constant 1 : i32
    %dma_start3A_65 = arith.constant 1 : i32
    %dma_start3A_66 = arith.constant 1 : i32
    %dma_start3A_67 = arith.constant 0 : i32
    %dma_start3A_68 = arith.constant 0 : i32
    %dma_start3A_69 = tpu.memref_slice %arg8[%dma_start3A_65, %dma_start3A_67, %dma_start3A_68] : memref<8x128x16xf32, #tpu.memory_space<vmem>> -> memref<1x128x16xf32, #tpu.memory_space<vmem>>
    %dma_start3A_70 = tpu.memref_squeeze %dma_start3A_69 : memref<1x128x16xf32, #tpu.memory_space<vmem>> -> memref<128x16xf32, #tpu.memory_space<vmem>>
    %dma_start3A_71 = arith.constant 0 : i32
    %dma_start3A_72 = tpu.memref_slice %arg6[%dma_start3A_64, %dma_start3A_71] : memref<80x128xi32, #tpu.memory_space<vmem>> -> memref<1x128xi32, #tpu.memory_space<vmem>>
    %dma_start3A_73 = tpu.memref_squeeze %dma_start3A_72 : memref<1x128xi32, #tpu.memory_space<vmem>> -> memref<128xi32, #tpu.memory_space<vmem>>
    %dma_start3A_74 = arith.constant 0 : i32
    %dma_start3A_75 = arith.constant 0 : i32
    %dma_start3A_76 = tpu.memref_slice %arg11[%dma_start3A_74, %dma_start3A_75] : memref<10240x16xf32, #tpu.memory_space<vmem_shared>> -> memref<10240x16xf32, #tpu.memory_space<vmem_shared>>
    %dma_start3A_77 = tpu.memref_slice %arg12[%dma_start3A_66] : memref<8x!tpu.dma_semaphore, #tpu.memory_space<semaphore_mem>> -> memref<1x!tpu.dma_semaphore, #tpu.memory_space<semaphore_mem>>
    %dma_start3A_78 = tpu.memref_squeeze %dma_start3A_77 : memref<1x!tpu.dma_semaphore, #tpu.memory_space<semaphore_mem>> -> memref<!tpu.dma_semaphore, #tpu.memory_space<semaphore_mem>>
    tpu.enqueue_indirect_dma source(%dma_start3A_76 : memref<10240x16xf32, #tpu.memory_space<vmem_shared>>) target(%dma_start3A_70 : memref<128x16xf32, #tpu.memory_space<vmem>>) offsets(%dma_start3A_73 : memref<128xi32, #tpu.memory_space<vmem>>) semaphore(%dma_start3A_78 : memref<!tpu.dma_semaphore, #tpu.memory_space<semaphore_mem>>)
    %dma_start3A_79 = arith.constant 2 : i32
    %dma_start3A_80 = arith.constant 2 : i32
    %dma_start3A_81 = arith.constant 2 : i32
    %dma_start3A_82 = arith.constant 0 : i32
    %dma_start3A_83 = arith.constant 0 : i32
    %dma_start3A_84 = tpu.memref_slice %arg8[%dma_start3A_80, %dma_start3A_82, %dma_start3A_83] : memref<8x128x16xf32, #tpu.memory_space<vmem>> -> memref<1x128x16xf32, #tpu.memory_space<vmem>>
    %dma_start3A_85 = tpu.memref_squeeze %dma_start3A_84 : memref<1x128x16xf32, #tpu.memory_space<vmem>> -> memref<128x16xf32, #tpu.memory_space<vmem>>
    %dma_start3A_86 = arith.constant 0 : i32
    %dma_start3A_87 = tpu.memref_slice %arg6[%dma_start3A_79, %dma_start3A_86] : memref<80x128xi32, #tpu.memory_space<vmem>> -> memref<1x128xi32, #tpu.memory_space<vmem>>
    %dma_start3A_88 = tpu.memref_squeeze %dma_start3A_87 : memref<1x128xi32, #tpu.memory_space<vmem>> -> memref<128xi32, #tpu.memory_space<vmem>>
    %dma_start3A_89 = arith.constant 0 : i32
    %dma_start3A_90 = arith.constant 0 : i32
    %dma_start3A_91 = tpu.memref_slice %arg11[%dma_start3A_89, %dma_start3A_90] : memref<10240x16xf32, #tpu.memory_space<vmem_shared>> -> memref<10240x16xf32, #tpu.memory_space<vmem_shared>>
    %dma_start3A_92 = tpu.memref_slice %arg12[%dma_start3A_81] : memref<8x!tpu.dma_semaphore, #tpu.memory_space<semaphore_mem>> -> memref<1x!tpu.dma_semaphore, #tpu.memory_space<semaphore_mem>>
    %dma_start3A_93 = tpu.memref_squeeze %dma_start3A_92 : memref<1x!tpu.dma_semaphore, #tpu.memory_space<semaphore_mem>> -> memref<!tpu.dma_semaphore, #tpu.memory_space<semaphore_mem>>
    tpu.enqueue_indirect_dma source(%dma_start3A_91 : memref<10240x16xf32, #tpu.memory_space<vmem_shared>>) target(%dma_start3A_85 : memref<128x16xf32, #tpu.memory_space<vmem>>) offsets(%dma_start3A_88 : memref<128xi32, #tpu.memory_space<vmem>>) semaphore(%dma_start3A_93 : memref<!tpu.dma_semaphore, #tpu.memory_space<semaphore_mem>>)
    %dma_start3A_94 = arith.constant 3 : i32
    %dma_start3A_95 = arith.constant 3 : i32
    %dma_start3A_96 = arith.constant 3 : i32
    %dma_start3A_97 = arith.constant 0 : i32
    %dma_start3A_98 = arith.constant 0 : i32
    %dma_start3A_99 = tpu.memref_slice %arg8[%dma_start3A_95, %dma_start3A_97, %dma_start3A_98] : memref<8x128x16xf32, #tpu.memory_space<vmem>> -> memref<1x128x16xf32, #tpu.memory_space<vmem>>
    %dma_start3A_100 = tpu.memref_squeeze %dma_start3A_99 : memref<1x128x16xf32, #tpu.memory_space<vmem>> -> memref<128x16xf32, #tpu.memory_space<vmem>>
    %dma_start3A_101 = arith.constant 0 : i32
    %dma_start3A_102 = tpu.memref_slice %arg6[%dma_start3A_94, %dma_start3A_101] : memref<80x128xi32, #tpu.memory_space<vmem>> -> memref<1x128xi32, #tpu.memory_space<vmem>>
    %dma_start3A_103 = tpu.memref_squeeze %dma_start3A_102 : memref<1x128xi32, #tpu.memory_space<vmem>> -> memref<128xi32, #tpu.memory_space<vmem>>
    %dma_start3A_104 = arith.constant 0 : i32
    %dma_start3A_105 = arith.constant 0 : i32
    %dma_start3A_106 = tpu.memref_slice %arg11[%dma_start3A_104, %dma_start3A_105] : memref<10240x16xf32, #tpu.memory_space<vmem_shared>> -> memref<10240x16xf32, #tpu.memory_space<vmem_shared>>
    %dma_start3A_107 = tpu.memref_slice %arg12[%dma_start3A_96] : memref<8x!tpu.dma_semaphore, #tpu.memory_space<semaphore_mem>> -> memref<1x!tpu.dma_semaphore, #tpu.memory_space<semaphore_mem>>
    %dma_start3A_108 = tpu.memref_squeeze %dma_start3A_107 : memref<1x!tpu.dma_semaphore, #tpu.memory_space<semaphore_mem>> -> memref<!tpu.dma_semaphore, #tpu.memory_space<semaphore_mem>>
    tpu.enqueue_indirect_dma source(%dma_start3A_106 : memref<10240x16xf32, #tpu.memory_space<vmem_shared>>) target(%dma_start3A_100 : memref<128x16xf32, #tpu.memory_space<vmem>>) offsets(%dma_start3A_103 : memref<128xi32, #tpu.memory_space<vmem>>) semaphore(%dma_start3A_108 : memref<!tpu.dma_semaphore, #tpu.memory_space<semaphore_mem>>)
    %dma_start3A_109 = arith.constant 4 : i32
    %dma_start3A_110 = arith.constant 4 : i32
    %dma_start3A_111 = arith.constant 4 : i32
    %dma_start3A_112 = arith.constant 0 : i32
    %dma_start3A_113 = arith.constant 0 : i32
    %dma_start3A_114 = tpu.memref_slice %arg8[%dma_start3A_110, %dma_start3A_112, %dma_start3A_113] : memref<8x128x16xf32, #tpu.memory_space<vmem>> -> memref<1x128x16xf32, #tpu.memory_space<vmem>>
    %dma_start3A_115 = tpu.memref_squeeze %dma_start3A_114 : memref<1x128x16xf32, #tpu.memory_space<vmem>> -> memref<128x16xf32, #tpu.memory_space<vmem>>
    %dma_start3A_116 = arith.constant 0 : i32
    %dma_start3A_117 = tpu.memref_slice %arg6[%dma_start3A_109, %dma_start3A_116] : memref<80x128xi32, #tpu.memory_space<vmem>> -> memref<1x128xi32, #tpu.memory_space<vmem>>
    %dma_start3A_118 = tpu.memref_squeeze %dma_start3A_117 : memref<1x128xi32, #tpu.memory_space<vmem>> -> memref<128xi32, #tpu.memory_space<vmem>>
    %dma_start3A_119 = arith.constant 0 : i32
    %dma_start3A_120 = arith.constant 0 : i32
    %dma_start3A_121 = tpu.memref_slice %arg11[%dma_start3A_119, %dma_start3A_120] : memref<10240x16xf32, #tpu.memory_space<vmem_shared>> -> memref<10240x16xf32, #tpu.memory_space<vmem_shared>>
    %dma_start3A_122 = tpu.memref_slice %arg12[%dma_start3A_111] : memref<8x!tpu.dma_semaphore, #tpu.memory_space<semaphore_mem>> -> memref<1x!tpu.dma_semaphore, #tpu.memory_space<semaphore_mem>>
    %dma_start3A_123 = tpu.memref_squeeze %dma_start3A_122 : memref<1x!tpu.dma_semaphore, #tpu.memory_space<semaphore_mem>> -> memref<!tpu.dma_semaphore, #tpu.memory_space<semaphore_mem>>
    tpu.enqueue_indirect_dma source(%dma_start3A_121 : memref<10240x16xf32, #tpu.memory_space<vmem_shared>>) target(%dma_start3A_115 : memref<128x16xf32, #tpu.memory_space<vmem>>) offsets(%dma_start3A_118 : memref<128xi32, #tpu.memory_space<vmem>>) semaphore(%dma_start3A_123 : memref<!tpu.dma_semaphore, #tpu.memory_space<semaphore_mem>>)
    %dma_start3A_124 = arith.constant 5 : i32
    %dma_start3A_125 = arith.constant 5 : i32
    %dma_start3A_126 = arith.constant 5 : i32
    %dma_start3A_127 = arith.constant 0 : i32
    %dma_start3A_128 = arith.constant 0 : i32
    %dma_start3A_129 = tpu.memref_slice %arg8[%dma_start3A_125, %dma_start3A_127, %dma_start3A_128] : memref<8x128x16xf32, #tpu.memory_space<vmem>> -> memref<1x128x16xf32, #tpu.memory_space<vmem>>
    %dma_start3A_130 = tpu.memref_squeeze %dma_start3A_129 : memref<1x128x16xf32, #tpu.memory_space<vmem>> -> memref<128x16xf32, #tpu.memory_space<vmem>>
    %dma_start3A_131 = arith.constant 0 : i32
    %dma_start3A_132 = tpu.memref_slice %arg6[%dma_start3A_124, %dma_start3A_131] : memref<80x128xi32, #tpu.memory_space<vmem>> -> memref<1x128xi32, #tpu.memory_space<vmem>>
    %dma_start3A_133 = tpu.memref_squeeze %dma_start3A_132 : memref<1x128xi32, #tpu.memory_space<vmem>> -> memref<128xi32, #tpu.memory_space<vmem>>
    %dma_start3A_134 = arith.constant 0 : i32
    %dma_start3A_135 = arith.constant 0 : i32
    %dma_start3A_136 = tpu.memref_slice %arg11[%dma_start3A_134, %dma_start3A_135] : memref<10240x16xf32, #tpu.memory_space<vmem_shared>> -> memref<10240x16xf32, #tpu.memory_space<vmem_shared>>
    %dma_start3A_137 = tpu.memref_slice %arg12[%dma_start3A_126] : memref<8x!tpu.dma_semaphore, #tpu.memory_space<semaphore_mem>> -> memref<1x!tpu.dma_semaphore, #tpu.memory_space<semaphore_mem>>
    %dma_start3A_138 = tpu.memref_squeeze %dma_start3A_137 : memref<1x!tpu.dma_semaphore, #tpu.memory_space<semaphore_mem>> -> memref<!tpu.dma_semaphore, #tpu.memory_space<semaphore_mem>>
    tpu.enqueue_indirect_dma source(%dma_start3A_136 : memref<10240x16xf32, #tpu.memory_space<vmem_shared>>) target(%dma_start3A_130 : memref<128x16xf32, #tpu.memory_space<vmem>>) offsets(%dma_start3A_133 : memref<128xi32, #tpu.memory_space<vmem>>) semaphore(%dma_start3A_138 : memref<!tpu.dma_semaphore, #tpu.memory_space<semaphore_mem>>)
    %dma_start3A_139 = arith.constant 6 : i32
    %dma_start3A_140 = arith.constant 6 : i32
    %dma_start3A_141 = arith.constant 6 : i32
    %dma_start3A_142 = arith.constant 0 : i32
    %dma_start3A_143 = arith.constant 0 : i32
    %dma_start3A_144 = tpu.memref_slice %arg8[%dma_start3A_140, %dma_start3A_142, %dma_start3A_143] : memref<8x128x16xf32, #tpu.memory_space<vmem>> -> memref<1x128x16xf32, #tpu.memory_space<vmem>>
    %dma_start3A_145 = tpu.memref_squeeze %dma_start3A_144 : memref<1x128x16xf32, #tpu.memory_space<vmem>> -> memref<128x16xf32, #tpu.memory_space<vmem>>
    %dma_start3A_146 = arith.constant 0 : i32
    %dma_start3A_147 = tpu.memref_slice %arg6[%dma_start3A_139, %dma_start3A_146] : memref<80x128xi32, #tpu.memory_space<vmem>> -> memref<1x128xi32, #tpu.memory_space<vmem>>
    %dma_start3A_148 = tpu.memref_squeeze %dma_start3A_147 : memref<1x128xi32, #tpu.memory_space<vmem>> -> memref<128xi32, #tpu.memory_space<vmem>>
    %dma_start3A_149 = arith.constant 0 : i32
    %dma_start3A_150 = arith.constant 0 : i32
    %dma_start3A_151 = tpu.memref_slice %arg11[%dma_start3A_149, %dma_start3A_150] : memref<10240x16xf32, #tpu.memory_space<vmem_shared>> -> memref<10240x16xf32, #tpu.memory_space<vmem_shared>>
    %dma_start3A_152 = tpu.memref_slice %arg12[%dma_start3A_141] : memref<8x!tpu.dma_semaphore, #tpu.memory_space<semaphore_mem>> -> memref<1x!tpu.dma_semaphore, #tpu.memory_space<semaphore_mem>>
    %dma_start3A_153 = tpu.memref_squeeze %dma_start3A_152 : memref<1x!tpu.dma_semaphore, #tpu.memory_space<semaphore_mem>> -> memref<!tpu.dma_semaphore, #tpu.memory_space<semaphore_mem>>
    tpu.enqueue_indirect_dma source(%dma_start3A_151 : memref<10240x16xf32, #tpu.memory_space<vmem_shared>>) target(%dma_start3A_145 : memref<128x16xf32, #tpu.memory_space<vmem>>) offsets(%dma_start3A_148 : memref<128xi32, #tpu.memory_space<vmem>>) semaphore(%dma_start3A_153 : memref<!tpu.dma_semaphore, #tpu.memory_space<semaphore_mem>>)
    %dma_start3A_154 = arith.constant 7 : i32
    %dma_start3A_155 = arith.constant 7 : i32
    %dma_start3A_156 = arith.constant 7 : i32
    %dma_start3A_157 = arith.constant 0 : i32
    %dma_start3A_158 = arith.constant 0 : i32
    %dma_start3A_159 = tpu.memref_slice %arg8[%dma_start3A_155, %dma_start3A_157, %dma_start3A_158] : memref<8x128x16xf32, #tpu.memory_space<vmem>> -> memref<1x128x16xf32, #tpu.memory_space<vmem>>
    %dma_start3A_160 = tpu.memref_squeeze %dma_start3A_159 : memref<1x128x16xf32, #tpu.memory_space<vmem>> -> memref<128x16xf32, #tpu.memory_space<vmem>>
    %dma_start3A_161 = arith.constant 0 : i32
    %dma_start3A_162 = tpu.memref_slice %arg6[%dma_start3A_154, %dma_start3A_161] : memref<80x128xi32, #tpu.memory_space<vmem>> -> memref<1x128xi32, #tpu.memory_space<vmem>>
    %dma_start3A_163 = tpu.memref_squeeze %dma_start3A_162 : memref<1x128xi32, #tpu.memory_space<vmem>> -> memref<128xi32, #tpu.memory_space<vmem>>
    %dma_start3A_164 = arith.constant 0 : i32
    %dma_start3A_165 = arith.constant 0 : i32
    %dma_start3A_166 = tpu.memref_slice %arg11[%dma_start3A_164, %dma_start3A_165] : memref<10240x16xf32, #tpu.memory_space<vmem_shared>> -> memref<10240x16xf32, #tpu.memory_space<vmem_shared>>
    %dma_start3A_167 = tpu.memref_slice %arg12[%dma_start3A_156] : memref<8x!tpu.dma_semaphore, #tpu.memory_space<semaphore_mem>> -> memref<1x!tpu.dma_semaphore, #tpu.memory_space<semaphore_mem>>
    %dma_start3A_168 = tpu.memref_squeeze %dma_start3A_167 : memref<1x!tpu.dma_semaphore, #tpu.memory_space<semaphore_mem>> -> memref<!tpu.dma_semaphore, #tpu.memory_space<semaphore_mem>>
    tpu.enqueue_indirect_dma source(%dma_start3A_166 : memref<10240x16xf32, #tpu.memory_space<vmem_shared>>) target(%dma_start3A_160 : memref<128x16xf32, #tpu.memory_space<vmem>>) offsets(%dma_start3A_163 : memref<128xi32, #tpu.memory_space<vmem>>) semaphore(%dma_start3A_168 : memref<!tpu.dma_semaphore, #tpu.memory_space<semaphore_mem>>)
    %scan3A_169 = arith.constant 0 : i32
    %scan3A_170 = arith.constant 0 : i32
    %scan3A_171 = arith.constant 9 : i32
    %scan3A_172 = arith.addi %scan3A_170, %scan3A_171 : i32
    %scan3A_173 = arith.constant 1 : i32
    scf.for %scan3A_540 = %scan3A_170 to %scan3A_172 step %scan3A_173  : i32 {
      %mul3A_541 = arith.constant 8 : i32
      %mul3A_542 = arith.muli %scan3A_540, %mul3A_541 : i32
      %add3A_543 = arith.constant 0 : i32
      %add3A_544 = arith.addi %mul3A_542, %add3A_543 : i32
      %dma_wait3A_545 = arith.constant 0 : i32
      %dma_wait3A_546 = arith.constant 0 : i32
      %dma_wait3A_547 = arith.constant 0 : i32
      %dma_wait3A_548 = arith.constant 0 : i32
      %dma_wait3A_549 = tpu.memref_slice %arg8[%dma_wait3A_545, %dma_wait3A_547, %dma_wait3A_548] : memref<8x128x16xf32, #tpu.memory_space<vmem>> -> memref<1x128x16xf32, #tpu.memory_space<vmem>>
      %dma_wait3A_550 = tpu.memref_squeeze %dma_wait3A_549 : memref<1x128x16xf32, #tpu.memory_space<vmem>> -> memref<128x16xf32, #tpu.memory_space<vmem>>
      %dma_wait3A_551 = arith.constant 0 : i32
      %dma_wait3A_552 = tpu.memref_slice %arg6[%add3A_544, %dma_wait3A_551] : memref<80x128xi32, #tpu.memory_space<vmem>> -> memref<1x128xi32, #tpu.memory_space<vmem>>
      %dma_wait3A_553 = tpu.memref_squeeze %dma_wait3A_552 : memref<1x128xi32, #tpu.memory_space<vmem>> -> memref<128xi32, #tpu.memory_space<vmem>>
      %dma_wait3A_554 = arith.constant 0 : i32
      %dma_wait3A_555 = arith.constant 0 : i32
      %dma_wait3A_556 = tpu.memref_slice %arg11[%dma_wait3A_554, %dma_wait3A_555] : memref<10240x16xf32, #tpu.memory_space<vmem_shared>> -> memref<10240x16xf32, #tpu.memory_space<vmem_shared>>
      %dma_wait3A_557 = tpu.memref_slice %arg12[%dma_wait3A_546] : memref<8x!tpu.dma_semaphore, #tpu.memory_space<semaphore_mem>> -> memref<1x!tpu.dma_semaphore, #tpu.memory_space<semaphore_mem>>
      %dma_wait3A_558 = tpu.memref_squeeze %dma_wait3A_557 : memref<1x!tpu.dma_semaphore, #tpu.memory_space<semaphore_mem>> -> memref<!tpu.dma_semaphore, #tpu.memory_space<semaphore_mem>>
      tpu.wait_indirect_dma semaphore(%dma_wait3A_558 : memref<!tpu.dma_semaphore, #tpu.memory_space<semaphore_mem>>) src(%dma_wait3A_556 : memref<10240x16xf32, #tpu.memory_space<vmem_shared>>) dst(%dma_wait3A_550 : memref<128x16xf32, #tpu.memory_space<vmem>>)
      %add3A_559 = arith.constant 0 : i32
      %add3A_560 = arith.addi %mul3A_542, %add3A_559 : i32
      %dma_start3A_561 = arith.constant 0 : i32
      %dma_start3A_562 = arith.constant 0 : i32
      %dma_start3A_563 = arith.constant 0 : i32
      %dma_start3A_564 = arith.constant 0 : i32
      %dma_start3A_565 = tpu.memref_slice %arg8[%dma_start3A_561, %dma_start3A_563, %dma_start3A_564] : memref<8x128x16xf32, #tpu.memory_space<vmem>> -> memref<1x128x16xf32, #tpu.memory_space<vmem>>
      %dma_start3A_566 = tpu.memref_squeeze %dma_start3A_565 : memref<1x128x16xf32, #tpu.memory_space<vmem>> -> memref<128x16xf32, #tpu.memory_space<vmem>>
      %dma_start3A_567 = arith.constant 0 : i32
      %dma_start3A_568 = tpu.memref_slice %arg7[%add3A_560, %dma_start3A_567] : memref<80x128xi32, #tpu.memory_space<vmem>> -> memref<1x128xi32, #tpu.memory_space<vmem>>
      %dma_start3A_569 = tpu.memref_squeeze %dma_start3A_568 : memref<1x128xi32, #tpu.memory_space<vmem>> -> memref<128xi32, #tpu.memory_space<vmem>>
      %dma_start3A_570 = arith.constant 0 : i32
      %dma_start3A_571 = arith.constant 0 : i32
      %dma_start3A_572 = tpu.memref_slice %arg10[%dma_start3A_570, %dma_start3A_571] : memref<10240x16xf32, #tpu.memory_space<vmem_shared>> -> memref<10240x16xf32, #tpu.memory_space<vmem_shared>>
      %dma_start3A_573 = tpu.memref_slice %arg13[%dma_start3A_562] : memref<8x!tpu.dma_semaphore, #tpu.memory_space<semaphore_mem>> -> memref<1x!tpu.dma_semaphore, #tpu.memory_space<semaphore_mem>>
      %dma_start3A_574 = tpu.memref_squeeze %dma_start3A_573 : memref<1x!tpu.dma_semaphore, #tpu.memory_space<semaphore_mem>> -> memref<!tpu.dma_semaphore, #tpu.memory_space<semaphore_mem>>
      tpu.enqueue_indirect_dma source(%dma_start3A_566 : memref<128x16xf32, #tpu.memory_space<vmem>>) target(%dma_start3A_572 : memref<10240x16xf32, #tpu.memory_space<vmem_shared>>) offsets(%dma_start3A_569 : memref<128xi32, #tpu.memory_space<vmem>>) semaphore(%dma_start3A_574 : memref<!tpu.dma_semaphore, #tpu.memory_space<semaphore_mem>>) {add = true}
      %add3A_575 = arith.constant 1 : i32
      %add3A_576 = arith.addi %mul3A_542, %add3A_575 : i32
      %dma_wait3A_577 = arith.constant 1 : i32
      %dma_wait3A_578 = arith.constant 1 : i32
      %dma_wait3A_579 = arith.constant 0 : i32
      %dma_wait3A_580 = arith.constant 0 : i32
      %dma_wait3A_581 = tpu.memref_slice %arg8[%dma_wait3A_577, %dma_wait3A_579, %dma_wait3A_580] : memref<8x128x16xf32, #tpu.memory_space<vmem>> -> memref<1x128x16xf32, #tpu.memory_space<vmem>>
      %dma_wait3A_582 = tpu.memref_squeeze %dma_wait3A_581 : memref<1x128x16xf32, #tpu.memory_space<vmem>> -> memref<128x16xf32, #tpu.memory_space<vmem>>
      %dma_wait3A_583 = arith.constant 0 : i32
      %dma_wait3A_584 = tpu.memref_slice %arg6[%add3A_576, %dma_wait3A_583] : memref<80x128xi32, #tpu.memory_space<vmem>> -> memref<1x128xi32, #tpu.memory_space<vmem>>
      %dma_wait3A_585 = tpu.memref_squeeze %dma_wait3A_584 : memref<1x128xi32, #tpu.memory_space<vmem>> -> memref<128xi32, #tpu.memory_space<vmem>>
      %dma_wait3A_586 = arith.constant 0 : i32
      %dma_wait3A_587 = arith.constant 0 : i32
      %dma_wait3A_588 = tpu.memref_slice %arg11[%dma_wait3A_586, %dma_wait3A_587] : memref<10240x16xf32, #tpu.memory_space<vmem_shared>> -> memref<10240x16xf32, #tpu.memory_space<vmem_shared>>
      %dma_wait3A_589 = tpu.memref_slice %arg12[%dma_wait3A_578] : memref<8x!tpu.dma_semaphore, #tpu.memory_space<semaphore_mem>> -> memref<1x!tpu.dma_semaphore, #tpu.memory_space<semaphore_mem>>
      %dma_wait3A_590 = tpu.memref_squeeze %dma_wait3A_589 : memref<1x!tpu.dma_semaphore, #tpu.memory_space<semaphore_mem>> -> memref<!tpu.dma_semaphore, #tpu.memory_space<semaphore_mem>>
      tpu.wait_indirect_dma semaphore(%dma_wait3A_590 : memref<!tpu.dma_semaphore, #tpu.memory_space<semaphore_mem>>) src(%dma_wait3A_588 : memref<10240x16xf32, #tpu.memory_space<vmem_shared>>) dst(%dma_wait3A_582 : memref<128x16xf32, #tpu.memory_space<vmem>>)
      %add3A_591 = arith.constant 1 : i32
      %add3A_592 = arith.addi %mul3A_542, %add3A_591 : i32
      %dma_start3A_593 = arith.constant 1 : i32
      %dma_start3A_594 = arith.constant 1 : i32
      %dma_start3A_595 = arith.constant 0 : i32
      %dma_start3A_596 = arith.constant 0 : i32
      %dma_start3A_597 = tpu.memref_slice %arg8[%dma_start3A_593, %dma_start3A_595, %dma_start3A_596] : memref<8x128x16xf32, #tpu.memory_space<vmem>> -> memref<1x128x16xf32, #tpu.memory_space<vmem>>
      %dma_start3A_598 = tpu.memref_squeeze %dma_start3A_597 : memref<1x128x16xf32, #tpu.memory_space<vmem>> -> memref<128x16xf32, #tpu.memory_space<vmem>>
      %dma_start3A_599 = arith.constant 0 : i32
      %dma_start3A_600 = tpu.memref_slice %arg7[%add3A_592, %dma_start3A_599] : memref<80x128xi32, #tpu.memory_space<vmem>> -> memref<1x128xi32, #tpu.memory_space<vmem>>
      %dma_start3A_601 = tpu.memref_squeeze %dma_start3A_600 : memref<1x128xi32, #tpu.memory_space<vmem>> -> memref<128xi32, #tpu.memory_space<vmem>>
      %dma_start3A_602 = arith.constant 0 : i32
      %dma_start3A_603 = arith.constant 0 : i32
      %dma_start3A_604 = tpu.memref_slice %arg10[%dma_start3A_602, %dma_start3A_603] : memref<10240x16xf32, #tpu.memory_space<vmem_shared>> -> memref<10240x16xf32, #tpu.memory_space<vmem_shared>>
      %dma_start3A_605 = tpu.memref_slice %arg13[%dma_start3A_594] : memref<8x!tpu.dma_semaphore, #tpu.memory_space<semaphore_mem>> -> memref<1x!tpu.dma_semaphore, #tpu.memory_space<semaphore_mem>>
      %dma_start3A_606 = tpu.memref_squeeze %dma_start3A_605 : memref<1x!tpu.dma_semaphore, #tpu.memory_space<semaphore_mem>> -> memref<!tpu.dma_semaphore, #tpu.memory_space<semaphore_mem>>
      tpu.enqueue_indirect_dma source(%dma_start3A_598 : memref<128x16xf32, #tpu.memory_space<vmem>>) target(%dma_start3A_604 : memref<10240x16xf32, #tpu.memory_space<vmem_shared>>) offsets(%dma_start3A_601 : memref<128xi32, #tpu.memory_space<vmem>>) semaphore(%dma_start3A_606 : memref<!tpu.dma_semaphore, #tpu.memory_space<semaphore_mem>>) {add = true}
      %add3A_607 = arith.constant 2 : i32
      %add3A_608 = arith.addi %mul3A_542, %add3A_607 : i32
      %dma_wait3A_609 = arith.constant 2 : i32
      %dma_wait3A_610 = arith.constant 2 : i32
      %dma_wait3A_611 = arith.constant 0 : i32
      %dma_wait3A_612 = arith.constant 0 : i32
      %dma_wait3A_613 = tpu.memref_slice %arg8[%dma_wait3A_609, %dma_wait3A_611, %dma_wait3A_612] : memref<8x128x16xf32, #tpu.memory_space<vmem>> -> memref<1x128x16xf32, #tpu.memory_space<vmem>>
      %dma_wait3A_614 = tpu.memref_squeeze %dma_wait3A_613 : memref<1x128x16xf32, #tpu.memory_space<vmem>> -> memref<128x16xf32, #tpu.memory_space<vmem>>
      %dma_wait3A_615 = arith.constant 0 : i32
      %dma_wait3A_616 = tpu.memref_slice %arg6[%add3A_608, %dma_wait3A_615] : memref<80x128xi32, #tpu.memory_space<vmem>> -> memref<1x128xi32, #tpu.memory_space<vmem>>
      %dma_wait3A_617 = tpu.memref_squeeze %dma_wait3A_616 : memref<1x128xi32, #tpu.memory_space<vmem>> -> memref<128xi32, #tpu.memory_space<vmem>>
      %dma_wait3A_618 = arith.constant 0 : i32
      %dma_wait3A_619 = arith.constant 0 : i32
      %dma_wait3A_620 = tpu.memref_slice %arg11[%dma_wait3A_618, %dma_wait3A_619] : memref<10240x16xf32, #tpu.memory_space<vmem_shared>> -> memref<10240x16xf32, #tpu.memory_space<vmem_shared>>
      %dma_wait3A_621 = tpu.memref_slice %arg12[%dma_wait3A_610] : memref<8x!tpu.dma_semaphore, #tpu.memory_space<semaphore_mem>> -> memref<1x!tpu.dma_semaphore, #tpu.memory_space<semaphore_mem>>
      %dma_wait3A_622 = tpu.memref_squeeze %dma_wait3A_621 : memref<1x!tpu.dma_semaphore, #tpu.memory_space<semaphore_mem>> -> memref<!tpu.dma_semaphore, #tpu.memory_space<semaphore_mem>>
      tpu.wait_indirect_dma semaphore(%dma_wait3A_622 : memref<!tpu.dma_semaphore, #tpu.memory_space<semaphore_mem>>) src(%dma_wait3A_620 : memref<10240x16xf32, #tpu.memory_space<vmem_shared>>) dst(%dma_wait3A_614 : memref<128x16xf32, #tpu.memory_space<vmem>>)
      %add3A_623 = arith.constant 2 : i32
      %add3A_624 = arith.addi %mul3A_542, %add3A_623 : i32
      %dma_start3A_625 = arith.constant 2 : i32
      %dma_start3A_626 = arith.constant 2 : i32
      %dma_start3A_627 = arith.constant 0 : i32
      %dma_start3A_628 = arith.constant 0 : i32
      %dma_start3A_629 = tpu.memref_slice %arg8[%dma_start3A_625, %dma_start3A_627, %dma_start3A_628] : memref<8x128x16xf32, #tpu.memory_space<vmem>> -> memref<1x128x16xf32, #tpu.memory_space<vmem>>
      %dma_start3A_630 = tpu.memref_squeeze %dma_start3A_629 : memref<1x128x16xf32, #tpu.memory_space<vmem>> -> memref<128x16xf32, #tpu.memory_space<vmem>>
      %dma_start3A_631 = arith.constant 0 : i32
      %dma_start3A_632 = tpu.memref_slice %arg7[%add3A_624, %dma_start3A_631] : memref<80x128xi32, #tpu.memory_space<vmem>> -> memref<1x128xi32, #tpu.memory_space<vmem>>
      %dma_start3A_633 = tpu.memref_squeeze %dma_start3A_632 : memref<1x128xi32, #tpu.memory_space<vmem>> -> memref<128xi32, #tpu.memory_space<vmem>>
      %dma_start3A_634 = arith.constant 0 : i32
      %dma_start3A_635 = arith.constant 0 : i32
      %dma_start3A_636 = tpu.memref_slice %arg10[%dma_start3A_634, %dma_start3A_635] : memref<10240x16xf32, #tpu.memory_space<vmem_shared>> -> memref<10240x16xf32, #tpu.memory_space<vmem_shared>>
      %dma_start3A_637 = tpu.memref_slice %arg13[%dma_start3A_626] : memref<8x!tpu.dma_semaphore, #tpu.memory_space<semaphore_mem>> -> memref<1x!tpu.dma_semaphore, #tpu.memory_space<semaphore_mem>>
      %dma_start3A_638 = tpu.memref_squeeze %dma_start3A_637 : memref<1x!tpu.dma_semaphore, #tpu.memory_space<semaphore_mem>> -> memref<!tpu.dma_semaphore, #tpu.memory_space<semaphore_mem>>
      tpu.enqueue_indirect_dma source(%dma_start3A_630 : memref<128x16xf32, #tpu.memory_space<vmem>>) target(%dma_start3A_636 : memref<10240x16xf32, #tpu.memory_space<vmem_shared>>) offsets(%dma_start3A_633 : memref<128xi32, #tpu.memory_space<vmem>>) semaphore(%dma_start3A_638 : memref<!tpu.dma_semaphore, #tpu.memory_space<semaphore_mem>>) {add = true}
      %add3A_639 = arith.constant 3 : i32
      %add3A_640 = arith.addi %mul3A_542, %add3A_639 : i32
      %dma_wait3A_641 = arith.constant 3 : i32
      %dma_wait3A_642 = arith.constant 3 : i32
      %dma_wait3A_643 = arith.constant 0 : i32
      %dma_wait3A_644 = arith.constant 0 : i32
      %dma_wait3A_645 = tpu.memref_slice %arg8[%dma_wait3A_641, %dma_wait3A_643, %dma_wait3A_644] : memref<8x128x16xf32, #tpu.memory_space<vmem>> -> memref<1x128x16xf32, #tpu.memory_space<vmem>>
      %dma_wait3A_646 = tpu.memref_squeeze %dma_wait3A_645 : memref<1x128x16xf32, #tpu.memory_space<vmem>> -> memref<128x16xf32, #tpu.memory_space<vmem>>
      %dma_wait3A_647 = arith.constant 0 : i32
      %dma_wait3A_648 = tpu.memref_slice %arg6[%add3A_640, %dma_wait3A_647] : memref<80x128xi32, #tpu.memory_space<vmem>> -> memref<1x128xi32, #tpu.memory_space<vmem>>
      %dma_wait3A_649 = tpu.memref_squeeze %dma_wait3A_648 : memref<1x128xi32, #tpu.memory_space<vmem>> -> memref<128xi32, #tpu.memory_space<vmem>>
      %dma_wait3A_650 = arith.constant 0 : i32
      %dma_wait3A_651 = arith.constant 0 : i32
      %dma_wait3A_652 = tpu.memref_slice %arg11[%dma_wait3A_650, %dma_wait3A_651] : memref<10240x16xf32, #tpu.memory_space<vmem_shared>> -> memref<10240x16xf32, #tpu.memory_space<vmem_shared>>
      %dma_wait3A_653 = tpu.memref_slice %arg12[%dma_wait3A_642] : memref<8x!tpu.dma_semaphore, #tpu.memory_space<semaphore_mem>> -> memref<1x!tpu.dma_semaphore, #tpu.memory_space<semaphore_mem>>
      %dma_wait3A_654 = tpu.memref_squeeze %dma_wait3A_653 : memref<1x!tpu.dma_semaphore, #tpu.memory_space<semaphore_mem>> -> memref<!tpu.dma_semaphore, #tpu.memory_space<semaphore_mem>>
      tpu.wait_indirect_dma semaphore(%dma_wait3A_654 : memref<!tpu.dma_semaphore, #tpu.memory_space<semaphore_mem>>) src(%dma_wait3A_652 : memref<10240x16xf32, #tpu.memory_space<vmem_shared>>) dst(%dma_wait3A_646 : memref<128x16xf32, #tpu.memory_space<vmem>>)
      %add3A_655 = arith.constant 3 : i32
      %add3A_656 = arith.addi %mul3A_542, %add3A_655 : i32
      %dma_start3A_657 = arith.constant 3 : i32
      %dma_start3A_658 = arith.constant 3 : i32
      %dma_start3A_659 = arith.constant 0 : i32
      %dma_start3A_660 = arith.constant 0 : i32
      %dma_start3A_661 = tpu.memref_slice %arg8[%dma_start3A_657, %dma_start3A_659, %dma_start3A_660] : memref<8x128x16xf32, #tpu.memory_space<vmem>> -> memref<1x128x16xf32, #tpu.memory_space<vmem>>
      %dma_start3A_662 = tpu.memref_squeeze %dma_start3A_661 : memref<1x128x16xf32, #tpu.memory_space<vmem>> -> memref<128x16xf32, #tpu.memory_space<vmem>>
      %dma_start3A_663 = arith.constant 0 : i32
      %dma_start3A_664 = tpu.memref_slice %arg7[%add3A_656, %dma_start3A_663] : memref<80x128xi32, #tpu.memory_space<vmem>> -> memref<1x128xi32, #tpu.memory_space<vmem>>
      %dma_start3A_665 = tpu.memref_squeeze %dma_start3A_664 : memref<1x128xi32, #tpu.memory_space<vmem>> -> memref<128xi32, #tpu.memory_space<vmem>>
      %dma_start3A_666 = arith.constant 0 : i32
      %dma_start3A_667 = arith.constant 0 : i32
      %dma_start3A_668 = tpu.memref_slice %arg10[%dma_start3A_666, %dma_start3A_667] : memref<10240x16xf32, #tpu.memory_space<vmem_shared>> -> memref<10240x16xf32, #tpu.memory_space<vmem_shared>>
      %dma_start3A_669 = tpu.memref_slice %arg13[%dma_start3A_658] : memref<8x!tpu.dma_semaphore, #tpu.memory_space<semaphore_mem>> -> memref<1x!tpu.dma_semaphore, #tpu.memory_space<semaphore_mem>>
      %dma_start3A_670 = tpu.memref_squeeze %dma_start3A_669 : memref<1x!tpu.dma_semaphore, #tpu.memory_space<semaphore_mem>> -> memref<!tpu.dma_semaphore, #tpu.memory_space<semaphore_mem>>
      tpu.enqueue_indirect_dma source(%dma_start3A_662 : memref<128x16xf32, #tpu.memory_space<vmem>>) target(%dma_start3A_668 : memref<10240x16xf32, #tpu.memory_space<vmem_shared>>) offsets(%dma_start3A_665 : memref<128xi32, #tpu.memory_space<vmem>>) semaphore(%dma_start3A_670 : memref<!tpu.dma_semaphore, #tpu.memory_space<semaphore_mem>>) {add = true}
      %add3A_671 = arith.constant 4 : i32
      %add3A_672 = arith.addi %mul3A_542, %add3A_671 : i32
      %dma_wait3A_673 = arith.constant 4 : i32
      %dma_wait3A_674 = arith.constant 4 : i32
      %dma_wait3A_675 = arith.constant 0 : i32
      %dma_wait3A_676 = arith.constant 0 : i32
      %dma_wait3A_677 = tpu.memref_slice %arg8[%dma_wait3A_673, %dma_wait3A_675, %dma_wait3A_676] : memref<8x128x16xf32, #tpu.memory_space<vmem>> -> memref<1x128x16xf32, #tpu.memory_space<vmem>>
      %dma_wait3A_678 = tpu.memref_squeeze %dma_wait3A_677 : memref<1x128x16xf32, #tpu.memory_space<vmem>> -> memref<128x16xf32, #tpu.memory_space<vmem>>
      %dma_wait3A_679 = arith.constant 0 : i32
      %dma_wait3A_680 = tpu.memref_slice %arg6[%add3A_672, %dma_wait3A_679] : memref<80x128xi32, #tpu.memory_space<vmem>> -> memref<1x128xi32, #tpu.memory_space<vmem>>
      %dma_wait3A_681 = tpu.memref_squeeze %dma_wait3A_680 : memref<1x128xi32, #tpu.memory_space<vmem>> -> memref<128xi32, #tpu.memory_space<vmem>>
      %dma_wait3A_682 = arith.constant 0 : i32
      %dma_wait3A_683 = arith.constant 0 : i32
      %dma_wait3A_684 = tpu.memref_slice %arg11[%dma_wait3A_682, %dma_wait3A_683] : memref<10240x16xf32, #tpu.memory_space<vmem_shared>> -> memref<10240x16xf32, #tpu.memory_space<vmem_shared>>
      %dma_wait3A_685 = tpu.memref_slice %arg12[%dma_wait3A_674] : memref<8x!tpu.dma_semaphore, #tpu.memory_space<semaphore_mem>> -> memref<1x!tpu.dma_semaphore, #tpu.memory_space<semaphore_mem>>
      %dma_wait3A_686 = tpu.memref_squeeze %dma_wait3A_685 : memref<1x!tpu.dma_semaphore, #tpu.memory_space<semaphore_mem>> -> memref<!tpu.dma_semaphore, #tpu.memory_space<semaphore_mem>>
      tpu.wait_indirect_dma semaphore(%dma_wait3A_686 : memref<!tpu.dma_semaphore, #tpu.memory_space<semaphore_mem>>) src(%dma_wait3A_684 : memref<10240x16xf32, #tpu.memory_space<vmem_shared>>) dst(%dma_wait3A_678 : memref<128x16xf32, #tpu.memory_space<vmem>>)
      %add3A_687 = arith.constant 4 : i32
      %add3A_688 = arith.addi %mul3A_542, %add3A_687 : i32
      %dma_start3A_689 = arith.constant 4 : i32
      %dma_start3A_690 = arith.constant 4 : i32
      %dma_start3A_691 = arith.constant 0 : i32
      %dma_start3A_692 = arith.constant 0 : i32
      %dma_start3A_693 = tpu.memref_slice %arg8[%dma_start3A_689, %dma_start3A_691, %dma_start3A_692] : memref<8x128x16xf32, #tpu.memory_space<vmem>> -> memref<1x128x16xf32, #tpu.memory_space<vmem>>
      %dma_start3A_694 = tpu.memref_squeeze %dma_start3A_693 : memref<1x128x16xf32, #tpu.memory_space<vmem>> -> memref<128x16xf32, #tpu.memory_space<vmem>>
      %dma_start3A_695 = arith.constant 0 : i32
      %dma_start3A_696 = tpu.memref_slice %arg7[%add3A_688, %dma_start3A_695] : memref<80x128xi32, #tpu.memory_space<vmem>> -> memref<1x128xi32, #tpu.memory_space<vmem>>
      %dma_start3A_697 = tpu.memref_squeeze %dma_start3A_696 : memref<1x128xi32, #tpu.memory_space<vmem>> -> memref<128xi32, #tpu.memory_space<vmem>>
      %dma_start3A_698 = arith.constant 0 : i32
      %dma_start3A_699 = arith.constant 0 : i32
      %dma_start3A_700 = tpu.memref_slice %arg10[%dma_start3A_698, %dma_start3A_699] : memref<10240x16xf32, #tpu.memory_space<vmem_shared>> -> memref<10240x16xf32, #tpu.memory_space<vmem_shared>>
      %dma_start3A_701 = tpu.memref_slice %arg13[%dma_start3A_690] : memref<8x!tpu.dma_semaphore, #tpu.memory_space<semaphore_mem>> -> memref<1x!tpu.dma_semaphore, #tpu.memory_space<semaphore_mem>>
      %dma_start3A_702 = tpu.memref_squeeze %dma_start3A_701 : memref<1x!tpu.dma_semaphore, #tpu.memory_space<semaphore_mem>> -> memref<!tpu.dma_semaphore, #tpu.memory_space<semaphore_mem>>
      tpu.enqueue_indirect_dma source(%dma_start3A_694 : memref<128x16xf32, #tpu.memory_space<vmem>>) target(%dma_start3A_700 : memref<10240x16xf32, #tpu.memory_space<vmem_shared>>) offsets(%dma_start3A_697 : memref<128xi32, #tpu.memory_space<vmem>>) semaphore(%dma_start3A_702 : memref<!tpu.dma_semaphore, #tpu.memory_space<semaphore_mem>>) {add = true}
      %add3A_703 = arith.constant 5 : i32
      %add3A_704 = arith.addi %mul3A_542, %add3A_703 : i32
      %dma_wait3A_705 = arith.constant 5 : i32
      %dma_wait3A_706 = arith.constant 5 : i32
      %dma_wait3A_707 = arith.constant 0 : i32
      %dma_wait3A_708 = arith.constant 0 : i32
      %dma_wait3A_709 = tpu.memref_slice %arg8[%dma_wait3A_705, %dma_wait3A_707, %dma_wait3A_708] : memref<8x128x16xf32, #tpu.memory_space<vmem>> -> memref<1x128x16xf32, #tpu.memory_space<vmem>>
      %dma_wait3A_710 = tpu.memref_squeeze %dma_wait3A_709 : memref<1x128x16xf32, #tpu.memory_space<vmem>> -> memref<128x16xf32, #tpu.memory_space<vmem>>
      %dma_wait3A_711 = arith.constant 0 : i32
      %dma_wait3A_712 = tpu.memref_slice %arg6[%add3A_704, %dma_wait3A_711] : memref<80x128xi32, #tpu.memory_space<vmem>> -> memref<1x128xi32, #tpu.memory_space<vmem>>
      %dma_wait3A_713 = tpu.memref_squeeze %dma_wait3A_712 : memref<1x128xi32, #tpu.memory_space<vmem>> -> memref<128xi32, #tpu.memory_space<vmem>>
      %dma_wait3A_714 = arith.constant 0 : i32
      %dma_wait3A_715 = arith.constant 0 : i32
      %dma_wait3A_716 = tpu.memref_slice %arg11[%dma_wait3A_714, %dma_wait3A_715] : memref<10240x16xf32, #tpu.memory_space<vmem_shared>> -> memref<10240x16xf32, #tpu.memory_space<vmem_shared>>
      %dma_wait3A_717 = tpu.memref_slice %arg12[%dma_wait3A_706] : memref<8x!tpu.dma_semaphore, #tpu.memory_space<semaphore_mem>> -> memref<1x!tpu.dma_semaphore, #tpu.memory_space<semaphore_mem>>
      %dma_wait3A_718 = tpu.memref_squeeze %dma_wait3A_717 : memref<1x!tpu.dma_semaphore, #tpu.memory_space<semaphore_mem>> -> memref<!tpu.dma_semaphore, #tpu.memory_space<semaphore_mem>>
      tpu.wait_indirect_dma semaphore(%dma_wait3A_718 : memref<!tpu.dma_semaphore, #tpu.memory_space<semaphore_mem>>) src(%dma_wait3A_716 : memref<10240x16xf32, #tpu.memory_space<vmem_shared>>) dst(%dma_wait3A_710 : memref<128x16xf32, #tpu.memory_space<vmem>>)
      %add3A_719 = arith.constant 5 : i32
      %add3A_720 = arith.addi %mul3A_542, %add3A_719 : i32
      %dma_start3A_721 = arith.constant 5 : i32
      %dma_start3A_722 = arith.constant 5 : i32
      %dma_start3A_723 = arith.constant 0 : i32
      %dma_start3A_724 = arith.constant 0 : i32
      %dma_start3A_725 = tpu.memref_slice %arg8[%dma_start3A_721, %dma_start3A_723, %dma_start3A_724] : memref<8x128x16xf32, #tpu.memory_space<vmem>> -> memref<1x128x16xf32, #tpu.memory_space<vmem>>
      %dma_start3A_726 = tpu.memref_squeeze %dma_start3A_725 : memref<1x128x16xf32, #tpu.memory_space<vmem>> -> memref<128x16xf32, #tpu.memory_space<vmem>>
      %dma_start3A_727 = arith.constant 0 : i32
      %dma_start3A_728 = tpu.memref_slice %arg7[%add3A_720, %dma_start3A_727] : memref<80x128xi32, #tpu.memory_space<vmem>> -> memref<1x128xi32, #tpu.memory_space<vmem>>
      %dma_start3A_729 = tpu.memref_squeeze %dma_start3A_728 : memref<1x128xi32, #tpu.memory_space<vmem>> -> memref<128xi32, #tpu.memory_space<vmem>>
      %dma_start3A_730 = arith.constant 0 : i32
      %dma_start3A_731 = arith.constant 0 : i32
      %dma_start3A_732 = tpu.memref_slice %arg10[%dma_start3A_730, %dma_start3A_731] : memref<10240x16xf32, #tpu.memory_space<vmem_shared>> -> memref<10240x16xf32, #tpu.memory_space<vmem_shared>>
      %dma_start3A_733 = tpu.memref_slice %arg13[%dma_start3A_722] : memref<8x!tpu.dma_semaphore, #tpu.memory_space<semaphore_mem>> -> memref<1x!tpu.dma_semaphore, #tpu.memory_space<semaphore_mem>>
      %dma_start3A_734 = tpu.memref_squeeze %dma_start3A_733 : memref<1x!tpu.dma_semaphore, #tpu.memory_space<semaphore_mem>> -> memref<!tpu.dma_semaphore, #tpu.memory_space<semaphore_mem>>
      tpu.enqueue_indirect_dma source(%dma_start3A_726 : memref<128x16xf32, #tpu.memory_space<vmem>>) target(%dma_start3A_732 : memref<10240x16xf32, #tpu.memory_space<vmem_shared>>) offsets(%dma_start3A_729 : memref<128xi32, #tpu.memory_space<vmem>>) semaphore(%dma_start3A_734 : memref<!tpu.dma_semaphore, #tpu.memory_space<semaphore_mem>>) {add = true}
      %add3A_735 = arith.constant 6 : i32
      %add3A_736 = arith.addi %mul3A_542, %add3A_735 : i32
      %dma_wait3A_737 = arith.constant 6 : i32
      %dma_wait3A_738 = arith.constant 6 : i32
      %dma_wait3A_739 = arith.constant 0 : i32
      %dma_wait3A_740 = arith.constant 0 : i32
      %dma_wait3A_741 = tpu.memref_slice %arg8[%dma_wait3A_737, %dma_wait3A_739, %dma_wait3A_740] : memref<8x128x16xf32, #tpu.memory_space<vmem>> -> memref<1x128x16xf32, #tpu.memory_space<vmem>>
      %dma_wait3A_742 = tpu.memref_squeeze %dma_wait3A_741 : memref<1x128x16xf32, #tpu.memory_space<vmem>> -> memref<128x16xf32, #tpu.memory_space<vmem>>
      %dma_wait3A_743 = arith.constant 0 : i32
      %dma_wait3A_744 = tpu.memref_slice %arg6[%add3A_736, %dma_wait3A_743] : memref<80x128xi32, #tpu.memory_space<vmem>> -> memref<1x128xi32, #tpu.memory_space<vmem>>
      %dma_wait3A_745 = tpu.memref_squeeze %dma_wait3A_744 : memref<1x128xi32, #tpu.memory_space<vmem>> -> memref<128xi32, #tpu.memory_space<vmem>>
      %dma_wait3A_746 = arith.constant 0 : i32
      %dma_wait3A_747 = arith.constant 0 : i32
      %dma_wait3A_748 = tpu.memref_slice %arg11[%dma_wait3A_746, %dma_wait3A_747] : memref<10240x16xf32, #tpu.memory_space<vmem_shared>> -> memref<10240x16xf32, #tpu.memory_space<vmem_shared>>
      %dma_wait3A_749 = tpu.memref_slice %arg12[%dma_wait3A_738] : memref<8x!tpu.dma_semaphore, #tpu.memory_space<semaphore_mem>> -> memref<1x!tpu.dma_semaphore, #tpu.memory_space<semaphore_mem>>
      %dma_wait3A_750 = tpu.memref_squeeze %dma_wait3A_749 : memref<1x!tpu.dma_semaphore, #tpu.memory_space<semaphore_mem>> -> memref<!tpu.dma_semaphore, #tpu.memory_space<semaphore_mem>>
      tpu.wait_indirect_dma semaphore(%dma_wait3A_750 : memref<!tpu.dma_semaphore, #tpu.memory_space<semaphore_mem>>) src(%dma_wait3A_748 : memref<10240x16xf32, #tpu.memory_space<vmem_shared>>) dst(%dma_wait3A_742 : memref<128x16xf32, #tpu.memory_space<vmem>>)
      %add3A_751 = arith.constant 6 : i32
      %add3A_752 = arith.addi %mul3A_542, %add3A_751 : i32
      %dma_start3A_753 = arith.constant 6 : i32
      %dma_start3A_754 = arith.constant 6 : i32
      %dma_start3A_755 = arith.constant 0 : i32
      %dma_start3A_756 = arith.constant 0 : i32
      %dma_start3A_757 = tpu.memref_slice %arg8[%dma_start3A_753, %dma_start3A_755, %dma_start3A_756] : memref<8x128x16xf32, #tpu.memory_space<vmem>> -> memref<1x128x16xf32, #tpu.memory_space<vmem>>
      %dma_start3A_758 = tpu.memref_squeeze %dma_start3A_757 : memref<1x128x16xf32, #tpu.memory_space<vmem>> -> memref<128x16xf32, #tpu.memory_space<vmem>>
      %dma_start3A_759 = arith.constant 0 : i32
      %dma_start3A_760 = tpu.memref_slice %arg7[%add3A_752, %dma_start3A_759] : memref<80x128xi32, #tpu.memory_space<vmem>> -> memref<1x128xi32, #tpu.memory_space<vmem>>
      %dma_start3A_761 = tpu.memref_squeeze %dma_start3A_760 : memref<1x128xi32, #tpu.memory_space<vmem>> -> memref<128xi32, #tpu.memory_space<vmem>>
      %dma_start3A_762 = arith.constant 0 : i32
      %dma_start3A_763 = arith.constant 0 : i32
      %dma_start3A_764 = tpu.memref_slice %arg10[%dma_start3A_762, %dma_start3A_763] : memref<10240x16xf32, #tpu.memory_space<vmem_shared>> -> memref<10240x16xf32, #tpu.memory_space<vmem_shared>>
      %dma_start3A_765 = tpu.memref_slice %arg13[%dma_start3A_754] : memref<8x!tpu.dma_semaphore, #tpu.memory_space<semaphore_mem>> -> memref<1x!tpu.dma_semaphore, #tpu.memory_space<semaphore_mem>>
      %dma_start3A_766 = tpu.memref_squeeze %dma_start3A_765 : memref<1x!tpu.dma_semaphore, #tpu.memory_space<semaphore_mem>> -> memref<!tpu.dma_semaphore, #tpu.memory_space<semaphore_mem>>
      tpu.enqueue_indirect_dma source(%dma_start3A_758 : memref<128x16xf32, #tpu.memory_space<vmem>>) target(%dma_start3A_764 : memref<10240x16xf32, #tpu.memory_space<vmem_shared>>) offsets(%dma_start3A_761 : memref<128xi32, #tpu.memory_space<vmem>>) semaphore(%dma_start3A_766 : memref<!tpu.dma_semaphore, #tpu.memory_space<semaphore_mem>>) {add = true}
      %add3A_767 = arith.constant 7 : i32
      %add3A_768 = arith.addi %mul3A_542, %add3A_767 : i32
      %dma_wait3A_769 = arith.constant 7 : i32
      %dma_wait3A_770 = arith.constant 7 : i32
      %dma_wait3A_771 = arith.constant 0 : i32
      %dma_wait3A_772 = arith.constant 0 : i32
      %dma_wait3A_773 = tpu.memref_slice %arg8[%dma_wait3A_769, %dma_wait3A_771, %dma_wait3A_772] : memref<8x128x16xf32, #tpu.memory_space<vmem>> -> memref<1x128x16xf32, #tpu.memory_space<vmem>>
      %dma_wait3A_774 = tpu.memref_squeeze %dma_wait3A_773 : memref<1x128x16xf32, #tpu.memory_space<vmem>> -> memref<128x16xf32, #tpu.memory_space<vmem>>
      %dma_wait3A_775 = arith.constant 0 : i32
      %dma_wait3A_776 = tpu.memref_slice %arg6[%add3A_768, %dma_wait3A_775] : memref<80x128xi32, #tpu.memory_space<vmem>> -> memref<1x128xi32, #tpu.memory_space<vmem>>
      %dma_wait3A_777 = tpu.memref_squeeze %dma_wait3A_776 : memref<1x128xi32, #tpu.memory_space<vmem>> -> memref<128xi32, #tpu.memory_space<vmem>>
      %dma_wait3A_778 = arith.constant 0 : i32
      %dma_wait3A_779 = arith.constant 0 : i32
      %dma_wait3A_780 = tpu.memref_slice %arg11[%dma_wait3A_778, %dma_wait3A_779] : memref<10240x16xf32, #tpu.memory_space<vmem_shared>> -> memref<10240x16xf32, #tpu.memory_space<vmem_shared>>
      %dma_wait3A_781 = tpu.memref_slice %arg12[%dma_wait3A_770] : memref<8x!tpu.dma_semaphore, #tpu.memory_space<semaphore_mem>> -> memref<1x!tpu.dma_semaphore, #tpu.memory_space<semaphore_mem>>
      %dma_wait3A_782 = tpu.memref_squeeze %dma_wait3A_781 : memref<1x!tpu.dma_semaphore, #tpu.memory_space<semaphore_mem>> -> memref<!tpu.dma_semaphore, #tpu.memory_space<semaphore_mem>>
      tpu.wait_indirect_dma semaphore(%dma_wait3A_782 : memref<!tpu.dma_semaphore, #tpu.memory_space<semaphore_mem>>) src(%dma_wait3A_780 : memref<10240x16xf32, #tpu.memory_space<vmem_shared>>) dst(%dma_wait3A_774 : memref<128x16xf32, #tpu.memory_space<vmem>>)
      %add3A_783 = arith.constant 7 : i32
      %add3A_784 = arith.addi %mul3A_542, %add3A_783 : i32
      %dma_start3A_785 = arith.constant 7 : i32
      %dma_start3A_786 = arith.constant 7 : i32
      %dma_start3A_787 = arith.constant 0 : i32
      %dma_start3A_788 = arith.constant 0 : i32
      %dma_start3A_789 = tpu.memref_slice %arg8[%dma_start3A_785, %dma_start3A_787, %dma_start3A_788] : memref<8x128x16xf32, #tpu.memory_space<vmem>> -> memref<1x128x16xf32, #tpu.memory_space<vmem>>
      %dma_start3A_790 = tpu.memref_squeeze %dma_start3A_789 : memref<1x128x16xf32, #tpu.memory_space<vmem>> -> memref<128x16xf32, #tpu.memory_space<vmem>>
      %dma_start3A_791 = arith.constant 0 : i32
      %dma_start3A_792 = tpu.memref_slice %arg7[%add3A_784, %dma_start3A_791] : memref<80x128xi32, #tpu.memory_space<vmem>> -> memref<1x128xi32, #tpu.memory_space<vmem>>
      %dma_start3A_793 = tpu.memref_squeeze %dma_start3A_792 : memref<1x128xi32, #tpu.memory_space<vmem>> -> memref<128xi32, #tpu.memory_space<vmem>>
      %dma_start3A_794 = arith.constant 0 : i32
      %dma_start3A_795 = arith.constant 0 : i32
      %dma_start3A_796 = tpu.memref_slice %arg10[%dma_start3A_794, %dma_start3A_795] : memref<10240x16xf32, #tpu.memory_space<vmem_shared>> -> memref<10240x16xf32, #tpu.memory_space<vmem_shared>>
      %dma_start3A_797 = tpu.memref_slice %arg13[%dma_start3A_786] : memref<8x!tpu.dma_semaphore, #tpu.memory_space<semaphore_mem>> -> memref<1x!tpu.dma_semaphore, #tpu.memory_space<semaphore_mem>>
      %dma_start3A_798 = tpu.memref_squeeze %dma_start3A_797 : memref<1x!tpu.dma_semaphore, #tpu.memory_space<semaphore_mem>> -> memref<!tpu.dma_semaphore, #tpu.memory_space<semaphore_mem>>
      tpu.enqueue_indirect_dma source(%dma_start3A_790 : memref<128x16xf32, #tpu.memory_space<vmem>>) target(%dma_start3A_796 : memref<10240x16xf32, #tpu.memory_space<vmem_shared>>) offsets(%dma_start3A_793 : memref<128xi32, #tpu.memory_space<vmem>>) semaphore(%dma_start3A_798 : memref<!tpu.dma_semaphore, #tpu.memory_space<semaphore_mem>>) {add = true}
      %add3A_799 = arith.constant 0 : i32
      %add3A_800 = arith.addi %mul3A_542, %add3A_799 : i32
      %dma_wait3A_801 = arith.constant 0 : i32
      %dma_wait3A_802 = arith.constant 0 : i32
      %dma_wait3A_803 = arith.constant 0 : i32
      %dma_wait3A_804 = arith.constant 0 : i32
      %dma_wait3A_805 = tpu.memref_slice %arg8[%dma_wait3A_801, %dma_wait3A_803, %dma_wait3A_804] : memref<8x128x16xf32, #tpu.memory_space<vmem>> -> memref<1x128x16xf32, #tpu.memory_space<vmem>>
      %dma_wait3A_806 = tpu.memref_squeeze %dma_wait3A_805 : memref<1x128x16xf32, #tpu.memory_space<vmem>> -> memref<128x16xf32, #tpu.memory_space<vmem>>
      %dma_wait3A_807 = arith.constant 0 : i32
      %dma_wait3A_808 = tpu.memref_slice %arg7[%add3A_800, %dma_wait3A_807] : memref<80x128xi32, #tpu.memory_space<vmem>> -> memref<1x128xi32, #tpu.memory_space<vmem>>
      %dma_wait3A_809 = tpu.memref_squeeze %dma_wait3A_808 : memref<1x128xi32, #tpu.memory_space<vmem>> -> memref<128xi32, #tpu.memory_space<vmem>>
      %dma_wait3A_810 = arith.constant 0 : i32
      %dma_wait3A_811 = arith.constant 0 : i32
      %dma_wait3A_812 = tpu.memref_slice %arg10[%dma_wait3A_810, %dma_wait3A_811] : memref<10240x16xf32, #tpu.memory_space<vmem_shared>> -> memref<10240x16xf32, #tpu.memory_space<vmem_shared>>
      %dma_wait3A_813 = tpu.memref_slice %arg13[%dma_wait3A_802] : memref<8x!tpu.dma_semaphore, #tpu.memory_space<semaphore_mem>> -> memref<1x!tpu.dma_semaphore, #tpu.memory_space<semaphore_mem>>
      %dma_wait3A_814 = tpu.memref_squeeze %dma_wait3A_813 : memref<1x!tpu.dma_semaphore, #tpu.memory_space<semaphore_mem>> -> memref<!tpu.dma_semaphore, #tpu.memory_space<semaphore_mem>>
      tpu.wait_indirect_dma semaphore(%dma_wait3A_814 : memref<!tpu.dma_semaphore, #tpu.memory_space<semaphore_mem>>) src(%dma_wait3A_806 : memref<128x16xf32, #tpu.memory_space<vmem>>) dst(%dma_wait3A_812 : memref<10240x16xf32, #tpu.memory_space<vmem_shared>>)
      %add3A_815 = arith.constant 8 : i32
      %add3A_816 = arith.addi %mul3A_542, %add3A_815 : i32
      %add3A_817 = arith.constant 0 : i32
      %add3A_818 = arith.addi %add3A_816, %add3A_817 : i32
      %dma_start3A_819 = arith.constant 0 : i32
      %dma_start3A_820 = arith.constant 0 : i32
      %dma_start3A_821 = arith.constant 0 : i32
      %dma_start3A_822 = arith.constant 0 : i32
      %dma_start3A_823 = tpu.memref_slice %arg8[%dma_start3A_819, %dma_start3A_821, %dma_start3A_822] : memref<8x128x16xf32, #tpu.memory_space<vmem>> -> memref<1x128x16xf32, #tpu.memory_space<vmem>>
      %dma_start3A_824 = tpu.memref_squeeze %dma_start3A_823 : memref<1x128x16xf32, #tpu.memory_space<vmem>> -> memref<128x16xf32, #tpu.memory_space<vmem>>
      %dma_start3A_825 = arith.constant 0 : i32
      %dma_start3A_826 = tpu.memref_slice %arg6[%add3A_818, %dma_start3A_825] : memref<80x128xi32, #tpu.memory_space<vmem>> -> memref<1x128xi32, #tpu.memory_space<vmem>>
      %dma_start3A_827 = tpu.memref_squeeze %dma_start3A_826 : memref<1x128xi32, #tpu.memory_space<vmem>> -> memref<128xi32, #tpu.memory_space<vmem>>
      %dma_start3A_828 = arith.constant 0 : i32
      %dma_start3A_829 = arith.constant 0 : i32
      %dma_start3A_830 = tpu.memref_slice %arg11[%dma_start3A_828, %dma_start3A_829] : memref<10240x16xf32, #tpu.memory_space<vmem_shared>> -> memref<10240x16xf32, #tpu.memory_space<vmem_shared>>
      %dma_start3A_831 = tpu.memref_slice %arg12[%dma_start3A_820] : memref<8x!tpu.dma_semaphore, #tpu.memory_space<semaphore_mem>> -> memref<1x!tpu.dma_semaphore, #tpu.memory_space<semaphore_mem>>
      %dma_start3A_832 = tpu.memref_squeeze %dma_start3A_831 : memref<1x!tpu.dma_semaphore, #tpu.memory_space<semaphore_mem>> -> memref<!tpu.dma_semaphore, #tpu.memory_space<semaphore_mem>>
      tpu.enqueue_indirect_dma source(%dma_start3A_830 : memref<10240x16xf32, #tpu.memory_space<vmem_shared>>) target(%dma_start3A_824 : memref<128x16xf32, #tpu.memory_space<vmem>>) offsets(%dma_start3A_827 : memref<128xi32, #tpu.memory_space<vmem>>) semaphore(%dma_start3A_832 : memref<!tpu.dma_semaphore, #tpu.memory_space<semaphore_mem>>)
      %add3A_833 = arith.constant 1 : i32
      %add3A_834 = arith.addi %mul3A_542, %add3A_833 : i32
      %dma_wait3A_835 = arith.constant 1 : i32
      %dma_wait3A_836 = arith.constant 1 : i32
      %dma_wait3A_837 = arith.constant 0 : i32
      %dma_wait3A_838 = arith.constant 0 : i32
      %dma_wait3A_839 = tpu.memref_slice %arg8[%dma_wait3A_835, %dma_wait3A_837, %dma_wait3A_838] : memref<8x128x16xf32, #tpu.memory_space<vmem>> -> memref<1x128x16xf32, #tpu.memory_space<vmem>>
      %dma_wait3A_840 = tpu.memref_squeeze %dma_wait3A_839 : memref<1x128x16xf32, #tpu.memory_space<vmem>> -> memref<128x16xf32, #tpu.memory_space<vmem>>
      %dma_wait3A_841 = arith.constant 0 : i32
      %dma_wait3A_842 = tpu.memref_slice %arg7[%add3A_834, %dma_wait3A_841] : memref<80x128xi32, #tpu.memory_space<vmem>> -> memref<1x128xi32, #tpu.memory_space<vmem>>
      %dma_wait3A_843 = tpu.memref_squeeze %dma_wait3A_842 : memref<1x128xi32, #tpu.memory_space<vmem>> -> memref<128xi32, #tpu.memory_space<vmem>>
      %dma_wait3A_844 = arith.constant 0 : i32
      %dma_wait3A_845 = arith.constant 0 : i32
      %dma_wait3A_846 = tpu.memref_slice %arg10[%dma_wait3A_844, %dma_wait3A_845] : memref<10240x16xf32, #tpu.memory_space<vmem_shared>> -> memref<10240x16xf32, #tpu.memory_space<vmem_shared>>
      %dma_wait3A_847 = tpu.memref_slice %arg13[%dma_wait3A_836] : memref<8x!tpu.dma_semaphore, #tpu.memory_space<semaphore_mem>> -> memref<1x!tpu.dma_semaphore, #tpu.memory_space<semaphore_mem>>
      %dma_wait3A_848 = tpu.memref_squeeze %dma_wait3A_847 : memref<1x!tpu.dma_semaphore, #tpu.memory_space<semaphore_mem>> -> memref<!tpu.dma_semaphore, #tpu.memory_space<semaphore_mem>>
      tpu.wait_indirect_dma semaphore(%dma_wait3A_848 : memref<!tpu.dma_semaphore, #tpu.memory_space<semaphore_mem>>) src(%dma_wait3A_840 : memref<128x16xf32, #tpu.memory_space<vmem>>) dst(%dma_wait3A_846 : memref<10240x16xf32, #tpu.memory_space<vmem_shared>>)
      %add3A_849 = arith.constant 8 : i32
      %add3A_850 = arith.addi %mul3A_542, %add3A_849 : i32
      %add3A_851 = arith.constant 1 : i32
      %add3A_852 = arith.addi %add3A_850, %add3A_851 : i32
      %dma_start3A_853 = arith.constant 1 : i32
      %dma_start3A_854 = arith.constant 1 : i32
      %dma_start3A_855 = arith.constant 0 : i32
      %dma_start3A_856 = arith.constant 0 : i32
      %dma_start3A_857 = tpu.memref_slice %arg8[%dma_start3A_853, %dma_start3A_855, %dma_start3A_856] : memref<8x128x16xf32, #tpu.memory_space<vmem>> -> memref<1x128x16xf32, #tpu.memory_space<vmem>>
      %dma_start3A_858 = tpu.memref_squeeze %dma_start3A_857 : memref<1x128x16xf32, #tpu.memory_space<vmem>> -> memref<128x16xf32, #tpu.memory_space<vmem>>
      %dma_start3A_859 = arith.constant 0 : i32
      %dma_start3A_860 = tpu.memref_slice %arg6[%add3A_852, %dma_start3A_859] : memref<80x128xi32, #tpu.memory_space<vmem>> -> memref<1x128xi32, #tpu.memory_space<vmem>>
      %dma_start3A_861 = tpu.memref_squeeze %dma_start3A_860 : memref<1x128xi32, #tpu.memory_space<vmem>> -> memref<128xi32, #tpu.memory_space<vmem>>
      %dma_start3A_862 = arith.constant 0 : i32
      %dma_start3A_863 = arith.constant 0 : i32
      %dma_start3A_864 = tpu.memref_slice %arg11[%dma_start3A_862, %dma_start3A_863] : memref<10240x16xf32, #tpu.memory_space<vmem_shared>> -> memref<10240x16xf32, #tpu.memory_space<vmem_shared>>
      %dma_start3A_865 = tpu.memref_slice %arg12[%dma_start3A_854] : memref<8x!tpu.dma_semaphore, #tpu.memory_space<semaphore_mem>> -> memref<1x!tpu.dma_semaphore, #tpu.memory_space<semaphore_mem>>
      %dma_start3A_866 = tpu.memref_squeeze %dma_start3A_865 : memref<1x!tpu.dma_semaphore, #tpu.memory_space<semaphore_mem>> -> memref<!tpu.dma_semaphore, #tpu.memory_space<semaphore_mem>>
      tpu.enqueue_indirect_dma source(%dma_start3A_864 : memref<10240x16xf32, #tpu.memory_space<vmem_shared>>) target(%dma_start3A_858 : memref<128x16xf32, #tpu.memory_space<vmem>>) offsets(%dma_start3A_861 : memref<128xi32, #tpu.memory_space<vmem>>) semaphore(%dma_start3A_866 : memref<!tpu.dma_semaphore, #tpu.memory_space<semaphore_mem>>)
      %add3A_867 = arith.constant 2 : i32
      %add3A_868 = arith.addi %mul3A_542, %add3A_867 : i32
      %dma_wait3A_869 = arith.constant 2 : i32
      %dma_wait3A_870 = arith.constant 2 : i32
      %dma_wait3A_871 = arith.constant 0 : i32
      %dma_wait3A_872 = arith.constant 0 : i32
      %dma_wait3A_873 = tpu.memref_slice %arg8[%dma_wait3A_869, %dma_wait3A_871, %dma_wait3A_872] : memref<8x128x16xf32, #tpu.memory_space<vmem>> -> memref<1x128x16xf32, #tpu.memory_space<vmem>>
      %dma_wait3A_874 = tpu.memref_squeeze %dma_wait3A_873 : memref<1x128x16xf32, #tpu.memory_space<vmem>> -> memref<128x16xf32, #tpu.memory_space<vmem>>
      %dma_wait3A_875 = arith.constant 0 : i32
      %dma_wait3A_876 = tpu.memref_slice %arg7[%add3A_868, %dma_wait3A_875] : memref<80x128xi32, #tpu.memory_space<vmem>> -> memref<1x128xi32, #tpu.memory_space<vmem>>
      %dma_wait3A_877 = tpu.memref_squeeze %dma_wait3A_876 : memref<1x128xi32, #tpu.memory_space<vmem>> -> memref<128xi32, #tpu.memory_space<vmem>>
      %dma_wait3A_878 = arith.constant 0 : i32
      %dma_wait3A_879 = arith.constant 0 : i32
      %dma_wait3A_880 = tpu.memref_slice %arg10[%dma_wait3A_878, %dma_wait3A_879] : memref<10240x16xf32, #tpu.memory_space<vmem_shared>> -> memref<10240x16xf32, #tpu.memory_space<vmem_shared>>
      %dma_wait3A_881 = tpu.memref_slice %arg13[%dma_wait3A_870] : memref<8x!tpu.dma_semaphore, #tpu.memory_space<semaphore_mem>> -> memref<1x!tpu.dma_semaphore, #tpu.memory_space<semaphore_mem>>
      %dma_wait3A_882 = tpu.memref_squeeze %dma_wait3A_881 : memref<1x!tpu.dma_semaphore, #tpu.memory_space<semaphore_mem>> -> memref<!tpu.dma_semaphore, #tpu.memory_space<semaphore_mem>>
      tpu.wait_indirect_dma semaphore(%dma_wait3A_882 : memref<!tpu.dma_semaphore, #tpu.memory_space<semaphore_mem>>) src(%dma_wait3A_874 : memref<128x16xf32, #tpu.memory_space<vmem>>) dst(%dma_wait3A_880 : memref<10240x16xf32, #tpu.memory_space<vmem_shared>>)
      %add3A_883 = arith.constant 8 : i32
      %add3A_884 = arith.addi %mul3A_542, %add3A_883 : i32
      %add3A_885 = arith.constant 2 : i32
      %add3A_886 = arith.addi %add3A_884, %add3A_885 : i32
      %dma_start3A_887 = arith.constant 2 : i32
      %dma_start3A_888 = arith.constant 2 : i32
      %dma_start3A_889 = arith.constant 0 : i32
      %dma_start3A_890 = arith.constant 0 : i32
      %dma_start3A_891 = tpu.memref_slice %arg8[%dma_start3A_887, %dma_start3A_889, %dma_start3A_890] : memref<8x128x16xf32, #tpu.memory_space<vmem>> -> memref<1x128x16xf32, #tpu.memory_space<vmem>>
      %dma_start3A_892 = tpu.memref_squeeze %dma_start3A_891 : memref<1x128x16xf32, #tpu.memory_space<vmem>> -> memref<128x16xf32, #tpu.memory_space<vmem>>
      %dma_start3A_893 = arith.constant 0 : i32
      %dma_start3A_894 = tpu.memref_slice %arg6[%add3A_886, %dma_start3A_893] : memref<80x128xi32, #tpu.memory_space<vmem>> -> memref<1x128xi32, #tpu.memory_space<vmem>>
      %dma_start3A_895 = tpu.memref_squeeze %dma_start3A_894 : memref<1x128xi32, #tpu.memory_space<vmem>> -> memref<128xi32, #tpu.memory_space<vmem>>
      %dma_start3A_896 = arith.constant 0 : i32
      %dma_start3A_897 = arith.constant 0 : i32
      %dma_start3A_898 = tpu.memref_slice %arg11[%dma_start3A_896, %dma_start3A_897] : memref<10240x16xf32, #tpu.memory_space<vmem_shared>> -> memref<10240x16xf32, #tpu.memory_space<vmem_shared>>
      %dma_start3A_899 = tpu.memref_slice %arg12[%dma_start3A_888] : memref<8x!tpu.dma_semaphore, #tpu.memory_space<semaphore_mem>> -> memref<1x!tpu.dma_semaphore, #tpu.memory_space<semaphore_mem>>
      %dma_start3A_900 = tpu.memref_squeeze %dma_start3A_899 : memref<1x!tpu.dma_semaphore, #tpu.memory_space<semaphore_mem>> -> memref<!tpu.dma_semaphore, #tpu.memory_space<semaphore_mem>>
      tpu.enqueue_indirect_dma source(%dma_start3A_898 : memref<10240x16xf32, #tpu.memory_space<vmem_shared>>) target(%dma_start3A_892 : memref<128x16xf32, #tpu.memory_space<vmem>>) offsets(%dma_start3A_895 : memref<128xi32, #tpu.memory_space<vmem>>) semaphore(%dma_start3A_900 : memref<!tpu.dma_semaphore, #tpu.memory_space<semaphore_mem>>)
      %add3A_901 = arith.constant 3 : i32
      %add3A_902 = arith.addi %mul3A_542, %add3A_901 : i32
      %dma_wait3A_903 = arith.constant 3 : i32
      %dma_wait3A_904 = arith.constant 3 : i32
      %dma_wait3A_905 = arith.constant 0 : i32
      %dma_wait3A_906 = arith.constant 0 : i32
      %dma_wait3A_907 = tpu.memref_slice %arg8[%dma_wait3A_903, %dma_wait3A_905, %dma_wait3A_906] : memref<8x128x16xf32, #tpu.memory_space<vmem>> -> memref<1x128x16xf32, #tpu.memory_space<vmem>>
      %dma_wait3A_908 = tpu.memref_squeeze %dma_wait3A_907 : memref<1x128x16xf32, #tpu.memory_space<vmem>> -> memref<128x16xf32, #tpu.memory_space<vmem>>
      %dma_wait3A_909 = arith.constant 0 : i32
      %dma_wait3A_910 = tpu.memref_slice %arg7[%add3A_902, %dma_wait3A_909] : memref<80x128xi32, #tpu.memory_space<vmem>> -> memref<1x128xi32, #tpu.memory_space<vmem>>
      %dma_wait3A_911 = tpu.memref_squeeze %dma_wait3A_910 : memref<1x128xi32, #tpu.memory_space<vmem>> -> memref<128xi32, #tpu.memory_space<vmem>>
      %dma_wait3A_912 = arith.constant 0 : i32
      %dma_wait3A_913 = arith.constant 0 : i32
      %dma_wait3A_914 = tpu.memref_slice %arg10[%dma_wait3A_912, %dma_wait3A_913] : memref<10240x16xf32, #tpu.memory_space<vmem_shared>> -> memref<10240x16xf32, #tpu.memory_space<vmem_shared>>
      %dma_wait3A_915 = tpu.memref_slice %arg13[%dma_wait3A_904] : memref<8x!tpu.dma_semaphore, #tpu.memory_space<semaphore_mem>> -> memref<1x!tpu.dma_semaphore, #tpu.memory_space<semaphore_mem>>
      %dma_wait3A_916 = tpu.memref_squeeze %dma_wait3A_915 : memref<1x!tpu.dma_semaphore, #tpu.memory_space<semaphore_mem>> -> memref<!tpu.dma_semaphore, #tpu.memory_space<semaphore_mem>>
      tpu.wait_indirect_dma semaphore(%dma_wait3A_916 : memref<!tpu.dma_semaphore, #tpu.memory_space<semaphore_mem>>) src(%dma_wait3A_908 : memref<128x16xf32, #tpu.memory_space<vmem>>) dst(%dma_wait3A_914 : memref<10240x16xf32, #tpu.memory_space<vmem_shared>>)
      %add3A_917 = arith.constant 8 : i32
      %add3A_918 = arith.addi %mul3A_542, %add3A_917 : i32
      %add3A_919 = arith.constant 3 : i32
      %add3A_920 = arith.addi %add3A_918, %add3A_919 : i32
      %dma_start3A_921 = arith.constant 3 : i32
      %dma_start3A_922 = arith.constant 3 : i32
      %dma_start3A_923 = arith.constant 0 : i32
      %dma_start3A_924 = arith.constant 0 : i32
      %dma_start3A_925 = tpu.memref_slice %arg8[%dma_start3A_921, %dma_start3A_923, %dma_start3A_924] : memref<8x128x16xf32, #tpu.memory_space<vmem>> -> memref<1x128x16xf32, #tpu.memory_space<vmem>>
      %dma_start3A_926 = tpu.memref_squeeze %dma_start3A_925 : memref<1x128x16xf32, #tpu.memory_space<vmem>> -> memref<128x16xf32, #tpu.memory_space<vmem>>
      %dma_start3A_927 = arith.constant 0 : i32
      %dma_start3A_928 = tpu.memref_slice %arg6[%add3A_920, %dma_start3A_927] : memref<80x128xi32, #tpu.memory_space<vmem>> -> memref<1x128xi32, #tpu.memory_space<vmem>>
      %dma_start3A_929 = tpu.memref_squeeze %dma_start3A_928 : memref<1x128xi32, #tpu.memory_space<vmem>> -> memref<128xi32, #tpu.memory_space<vmem>>
      %dma_start3A_930 = arith.constant 0 : i32
      %dma_start3A_931 = arith.constant 0 : i32
      %dma_start3A_932 = tpu.memref_slice %arg11[%dma_start3A_930, %dma_start3A_931] : memref<10240x16xf32, #tpu.memory_space<vmem_shared>> -> memref<10240x16xf32, #tpu.memory_space<vmem_shared>>
      %dma_start3A_933 = tpu.memref_slice %arg12[%dma_start3A_922] : memref<8x!tpu.dma_semaphore, #tpu.memory_space<semaphore_mem>> -> memref<1x!tpu.dma_semaphore, #tpu.memory_space<semaphore_mem>>
      %dma_start3A_934 = tpu.memref_squeeze %dma_start3A_933 : memref<1x!tpu.dma_semaphore, #tpu.memory_space<semaphore_mem>> -> memref<!tpu.dma_semaphore, #tpu.memory_space<semaphore_mem>>
      tpu.enqueue_indirect_dma source(%dma_start3A_932 : memref<10240x16xf32, #tpu.memory_space<vmem_shared>>) target(%dma_start3A_926 : memref<128x16xf32, #tpu.memory_space<vmem>>) offsets(%dma_start3A_929 : memref<128xi32, #tpu.memory_space<vmem>>) semaphore(%dma_start3A_934 : memref<!tpu.dma_semaphore, #tpu.memory_space<semaphore_mem>>)
      %add3A_935 = arith.constant 4 : i32
      %add3A_936 = arith.addi %mul3A_542, %add3A_935 : i32
      %dma_wait3A_937 = arith.constant 4 : i32
      %dma_wait3A_938 = arith.constant 4 : i32
      %dma_wait3A_939 = arith.constant 0 : i32
      %dma_wait3A_940 = arith.constant 0 : i32
      %dma_wait3A_941 = tpu.memref_slice %arg8[%dma_wait3A_937, %dma_wait3A_939, %dma_wait3A_940] : memref<8x128x16xf32, #tpu.memory_space<vmem>> -> memref<1x128x16xf32, #tpu.memory_space<vmem>>
      %dma_wait3A_942 = tpu.memref_squeeze %dma_wait3A_941 : memref<1x128x16xf32, #tpu.memory_space<vmem>> -> memref<128x16xf32, #tpu.memory_space<vmem>>
      %dma_wait3A_943 = arith.constant 0 : i32
      %dma_wait3A_944 = tpu.memref_slice %arg7[%add3A_936, %dma_wait3A_943] : memref<80x128xi32, #tpu.memory_space<vmem>> -> memref<1x128xi32, #tpu.memory_space<vmem>>
      %dma_wait3A_945 = tpu.memref_squeeze %dma_wait3A_944 : memref<1x128xi32, #tpu.memory_space<vmem>> -> memref<128xi32, #tpu.memory_space<vmem>>
      %dma_wait3A_946 = arith.constant 0 : i32
      %dma_wait3A_947 = arith.constant 0 : i32
      %dma_wait3A_948 = tpu.memref_slice %arg10[%dma_wait3A_946, %dma_wait3A_947] : memref<10240x16xf32, #tpu.memory_space<vmem_shared>> -> memref<10240x16xf32, #tpu.memory_space<vmem_shared>>
      %dma_wait3A_949 = tpu.memref_slice %arg13[%dma_wait3A_938] : memref<8x!tpu.dma_semaphore, #tpu.memory_space<semaphore_mem>> -> memref<1x!tpu.dma_semaphore, #tpu.memory_space<semaphore_mem>>
      %dma_wait3A_950 = tpu.memref_squeeze %dma_wait3A_949 : memref<1x!tpu.dma_semaphore, #tpu.memory_space<semaphore_mem>> -> memref<!tpu.dma_semaphore, #tpu.memory_space<semaphore_mem>>
      tpu.wait_indirect_dma semaphore(%dma_wait3A_950 : memref<!tpu.dma_semaphore, #tpu.memory_space<semaphore_mem>>) src(%dma_wait3A_942 : memref<128x16xf32, #tpu.memory_space<vmem>>) dst(%dma_wait3A_948 : memref<10240x16xf32, #tpu.memory_space<vmem_shared>>)
      %add3A_951 = arith.constant 8 : i32
      %add3A_952 = arith.addi %mul3A_542, %add3A_951 : i32
      %add3A_953 = arith.constant 4 : i32
      %add3A_954 = arith.addi %add3A_952, %add3A_953 : i32
      %dma_start3A_955 = arith.constant 4 : i32
      %dma_start3A_956 = arith.constant 4 : i32
      %dma_start3A_957 = arith.constant 0 : i32
      %dma_start3A_958 = arith.constant 0 : i32
      %dma_start3A_959 = tpu.memref_slice %arg8[%dma_start3A_955, %dma_start3A_957, %dma_start3A_958] : memref<8x128x16xf32, #tpu.memory_space<vmem>> -> memref<1x128x16xf32, #tpu.memory_space<vmem>>
      %dma_start3A_960 = tpu.memref_squeeze %dma_start3A_959 : memref<1x128x16xf32, #tpu.memory_space<vmem>> -> memref<128x16xf32, #tpu.memory_space<vmem>>
      %dma_start3A_961 = arith.constant 0 : i32
      %dma_start3A_962 = tpu.memref_slice %arg6[%add3A_954, %dma_start3A_961] : memref<80x128xi32, #tpu.memory_space<vmem>> -> memref<1x128xi32, #tpu.memory_space<vmem>>
      %dma_start3A_963 = tpu.memref_squeeze %dma_start3A_962 : memref<1x128xi32, #tpu.memory_space<vmem>> -> memref<128xi32, #tpu.memory_space<vmem>>
      %dma_start3A_964 = arith.constant 0 : i32
      %dma_start3A_965 = arith.constant 0 : i32
      %dma_start3A_966 = tpu.memref_slice %arg11[%dma_start3A_964, %dma_start3A_965] : memref<10240x16xf32, #tpu.memory_space<vmem_shared>> -> memref<10240x16xf32, #tpu.memory_space<vmem_shared>>
      %dma_start3A_967 = tpu.memref_slice %arg12[%dma_start3A_956] : memref<8x!tpu.dma_semaphore, #tpu.memory_space<semaphore_mem>> -> memref<1x!tpu.dma_semaphore, #tpu.memory_space<semaphore_mem>>
      %dma_start3A_968 = tpu.memref_squeeze %dma_start3A_967 : memref<1x!tpu.dma_semaphore, #tpu.memory_space<semaphore_mem>> -> memref<!tpu.dma_semaphore, #tpu.memory_space<semaphore_mem>>
      tpu.enqueue_indirect_dma source(%dma_start3A_966 : memref<10240x16xf32, #tpu.memory_space<vmem_shared>>) target(%dma_start3A_960 : memref<128x16xf32, #tpu.memory_space<vmem>>) offsets(%dma_start3A_963 : memref<128xi32, #tpu.memory_space<vmem>>) semaphore(%dma_start3A_968 : memref<!tpu.dma_semaphore, #tpu.memory_space<semaphore_mem>>)
      %add3A_969 = arith.constant 5 : i32
      %add3A_970 = arith.addi %mul3A_542, %add3A_969 : i32
      %dma_wait3A_971 = arith.constant 5 : i32
      %dma_wait3A_972 = arith.constant 5 : i32
      %dma_wait3A_973 = arith.constant 0 : i32
      %dma_wait3A_974 = arith.constant 0 : i32
      %dma_wait3A_975 = tpu.memref_slice %arg8[%dma_wait3A_971, %dma_wait3A_973, %dma_wait3A_974] : memref<8x128x16xf32, #tpu.memory_space<vmem>> -> memref<1x128x16xf32, #tpu.memory_space<vmem>>
      %dma_wait3A_976 = tpu.memref_squeeze %dma_wait3A_975 : memref<1x128x16xf32, #tpu.memory_space<vmem>> -> memref<128x16xf32, #tpu.memory_space<vmem>>
      %dma_wait3A_977 = arith.constant 0 : i32
      %dma_wait3A_978 = tpu.memref_slice %arg7[%add3A_970, %dma_wait3A_977] : memref<80x128xi32, #tpu.memory_space<vmem>> -> memref<1x128xi32, #tpu.memory_space<vmem>>
      %dma_wait3A_979 = tpu.memref_squeeze %dma_wait3A_978 : memref<1x128xi32, #tpu.memory_space<vmem>> -> memref<128xi32, #tpu.memory_space<vmem>>
      %dma_wait3A_980 = arith.constant 0 : i32
      %dma_wait3A_981 = arith.constant 0 : i32
      %dma_wait3A_982 = tpu.memref_slice %arg10[%dma_wait3A_980, %dma_wait3A_981] : memref<10240x16xf32, #tpu.memory_space<vmem_shared>> -> memref<10240x16xf32, #tpu.memory_space<vmem_shared>>
      %dma_wait3A_983 = tpu.memref_slice %arg13[%dma_wait3A_972] : memref<8x!tpu.dma_semaphore, #tpu.memory_space<semaphore_mem>> -> memref<1x!tpu.dma_semaphore, #tpu.memory_space<semaphore_mem>>
      %dma_wait3A_984 = tpu.memref_squeeze %dma_wait3A_983 : memref<1x!tpu.dma_semaphore, #tpu.memory_space<semaphore_mem>> -> memref<!tpu.dma_semaphore, #tpu.memory_space<semaphore_mem>>
      tpu.wait_indirect_dma semaphore(%dma_wait3A_984 : memref<!tpu.dma_semaphore, #tpu.memory_space<semaphore_mem>>) src(%dma_wait3A_976 : memref<128x16xf32, #tpu.memory_space<vmem>>) dst(%dma_wait3A_982 : memref<10240x16xf32, #tpu.memory_space<vmem_shared>>)
      %add3A_985 = arith.constant 8 : i32
      %add3A_986 = arith.addi %mul3A_542, %add3A_985 : i32
      %add3A_987 = arith.constant 5 : i32
      %add3A_988 = arith.addi %add3A_986, %add3A_987 : i32
      %dma_start3A_989 = arith.constant 5 : i32
      %dma_start3A_990 = arith.constant 5 : i32
      %dma_start3A_991 = arith.constant 0 : i32
      %dma_start3A_992 = arith.constant 0 : i32
      %dma_start3A_993 = tpu.memref_slice %arg8[%dma_start3A_989, %dma_start3A_991, %dma_start3A_992] : memref<8x128x16xf32, #tpu.memory_space<vmem>> -> memref<1x128x16xf32, #tpu.memory_space<vmem>>
      %dma_start3A_994 = tpu.memref_squeeze %dma_start3A_993 : memref<1x128x16xf32, #tpu.memory_space<vmem>> -> memref<128x16xf32, #tpu.memory_space<vmem>>
      %dma_start3A_995 = arith.constant 0 : i32
      %dma_start3A_996 = tpu.memref_slice %arg6[%add3A_988, %dma_start3A_995] : memref<80x128xi32, #tpu.memory_space<vmem>> -> memref<1x128xi32, #tpu.memory_space<vmem>>
      %dma_start3A_997 = tpu.memref_squeeze %dma_start3A_996 : memref<1x128xi32, #tpu.memory_space<vmem>> -> memref<128xi32, #tpu.memory_space<vmem>>
      %dma_start3A_998 = arith.constant 0 : i32
      %dma_start3A_999 = arith.constant 0 : i32
      %dma_start3A_1000 = tpu.memref_slice %arg11[%dma_start3A_998, %dma_start3A_999] : memref<10240x16xf32, #tpu.memory_space<vmem_shared>> -> memref<10240x16xf32, #tpu.memory_space<vmem_shared>>
      %dma_start3A_1001 = tpu.memref_slice %arg12[%dma_start3A_990] : memref<8x!tpu.dma_semaphore, #tpu.memory_space<semaphore_mem>> -> memref<1x!tpu.dma_semaphore, #tpu.memory_space<semaphore_mem>>
      %dma_start3A_1002 = tpu.memref_squeeze %dma_start3A_1001 : memref<1x!tpu.dma_semaphore, #tpu.memory_space<semaphore_mem>> -> memref<!tpu.dma_semaphore, #tpu.memory_space<semaphore_mem>>
      tpu.enqueue_indirect_dma source(%dma_start3A_1000 : memref<10240x16xf32, #tpu.memory_space<vmem_shared>>) target(%dma_start3A_994 : memref<128x16xf32, #tpu.memory_space<vmem>>) offsets(%dma_start3A_997 : memref<128xi32, #tpu.memory_space<vmem>>) semaphore(%dma_start3A_1002 : memref<!tpu.dma_semaphore, #tpu.memory_space<semaphore_mem>>)
      %add3A_1003 = arith.constant 6 : i32
      %add3A_1004 = arith.addi %mul3A_542, %add3A_1003 : i32
      %dma_wait3A_1005 = arith.constant 6 : i32
      %dma_wait3A_1006 = arith.constant 6 : i32
      %dma_wait3A_1007 = arith.constant 0 : i32
      %dma_wait3A_1008 = arith.constant 0 : i32
      %dma_wait3A_1009 = tpu.memref_slice %arg8[%dma_wait3A_1005, %dma_wait3A_1007, %dma_wait3A_1008] : memref<8x128x16xf32, #tpu.memory_space<vmem>> -> memref<1x128x16xf32, #tpu.memory_space<vmem>>
      %dma_wait3A_1010 = tpu.memref_squeeze %dma_wait3A_1009 : memref<1x128x16xf32, #tpu.memory_space<vmem>> -> memref<128x16xf32, #tpu.memory_space<vmem>>
      %dma_wait3A_1011 = arith.constant 0 : i32
      %dma_wait3A_1012 = tpu.memref_slice %arg7[%add3A_1004, %dma_wait3A_1011] : memref<80x128xi32, #tpu.memory_space<vmem>> -> memref<1x128xi32, #tpu.memory_space<vmem>>
      %dma_wait3A_1013 = tpu.memref_squeeze %dma_wait3A_1012 : memref<1x128xi32, #tpu.memory_space<vmem>> -> memref<128xi32, #tpu.memory_space<vmem>>
      %dma_wait3A_1014 = arith.constant 0 : i32
      %dma_wait3A_1015 = arith.constant 0 : i32
      %dma_wait3A_1016 = tpu.memref_slice %arg10[%dma_wait3A_1014, %dma_wait3A_1015] : memref<10240x16xf32, #tpu.memory_space<vmem_shared>> -> memref<10240x16xf32, #tpu.memory_space<vmem_shared>>
      %dma_wait3A_1017 = tpu.memref_slice %arg13[%dma_wait3A_1006] : memref<8x!tpu.dma_semaphore, #tpu.memory_space<semaphore_mem>> -> memref<1x!tpu.dma_semaphore, #tpu.memory_space<semaphore_mem>>
      %dma_wait3A_1018 = tpu.memref_squeeze %dma_wait3A_1017 : memref<1x!tpu.dma_semaphore, #tpu.memory_space<semaphore_mem>> -> memref<!tpu.dma_semaphore, #tpu.memory_space<semaphore_mem>>
      tpu.wait_indirect_dma semaphore(%dma_wait3A_1018 : memref<!tpu.dma_semaphore, #tpu.memory_space<semaphore_mem>>) src(%dma_wait3A_1010 : memref<128x16xf32, #tpu.memory_space<vmem>>) dst(%dma_wait3A_1016 : memref<10240x16xf32, #tpu.memory_space<vmem_shared>>)
      %add3A_1019 = arith.constant 8 : i32
      %add3A_1020 = arith.addi %mul3A_542, %add3A_1019 : i32
      %add3A_1021 = arith.constant 6 : i32
      %add3A_1022 = arith.addi %add3A_1020, %add3A_1021 : i32
      %dma_start3A_1023 = arith.constant 6 : i32
      %dma_start3A_1024 = arith.constant 6 : i32
      %dma_start3A_1025 = arith.constant 0 : i32
      %dma_start3A_1026 = arith.constant 0 : i32
      %dma_start3A_1027 = tpu.memref_slice %arg8[%dma_start3A_1023, %dma_start3A_1025, %dma_start3A_1026] : memref<8x128x16xf32, #tpu.memory_space<vmem>> -> memref<1x128x16xf32, #tpu.memory_space<vmem>>
      %dma_start3A_1028 = tpu.memref_squeeze %dma_start3A_1027 : memref<1x128x16xf32, #tpu.memory_space<vmem>> -> memref<128x16xf32, #tpu.memory_space<vmem>>
      %dma_start3A_1029 = arith.constant 0 : i32
      %dma_start3A_1030 = tpu.memref_slice %arg6[%add3A_1022, %dma_start3A_1029] : memref<80x128xi32, #tpu.memory_space<vmem>> -> memref<1x128xi32, #tpu.memory_space<vmem>>
      %dma_start3A_1031 = tpu.memref_squeeze %dma_start3A_1030 : memref<1x128xi32, #tpu.memory_space<vmem>> -> memref<128xi32, #tpu.memory_space<vmem>>
      %dma_start3A_1032 = arith.constant 0 : i32
      %dma_start3A_1033 = arith.constant 0 : i32
      %dma_start3A_1034 = tpu.memref_slice %arg11[%dma_start3A_1032, %dma_start3A_1033] : memref<10240x16xf32, #tpu.memory_space<vmem_shared>> -> memref<10240x16xf32, #tpu.memory_space<vmem_shared>>
      %dma_start3A_1035 = tpu.memref_slice %arg12[%dma_start3A_1024] : memref<8x!tpu.dma_semaphore, #tpu.memory_space<semaphore_mem>> -> memref<1x!tpu.dma_semaphore, #tpu.memory_space<semaphore_mem>>
      %dma_start3A_1036 = tpu.memref_squeeze %dma_start3A_1035 : memref<1x!tpu.dma_semaphore, #tpu.memory_space<semaphore_mem>> -> memref<!tpu.dma_semaphore, #tpu.memory_space<semaphore_mem>>
      tpu.enqueue_indirect_dma source(%dma_start3A_1034 : memref<10240x16xf32, #tpu.memory_space<vmem_shared>>) target(%dma_start3A_1028 : memref<128x16xf32, #tpu.memory_space<vmem>>) offsets(%dma_start3A_1031 : memref<128xi32, #tpu.memory_space<vmem>>) semaphore(%dma_start3A_1036 : memref<!tpu.dma_semaphore, #tpu.memory_space<semaphore_mem>>)
      %add3A_1037 = arith.constant 7 : i32
      %add3A_1038 = arith.addi %mul3A_542, %add3A_1037 : i32
      %dma_wait3A_1039 = arith.constant 7 : i32
      %dma_wait3A_1040 = arith.constant 7 : i32
      %dma_wait3A_1041 = arith.constant 0 : i32
      %dma_wait3A_1042 = arith.constant 0 : i32
      %dma_wait3A_1043 = tpu.memref_slice %arg8[%dma_wait3A_1039, %dma_wait3A_1041, %dma_wait3A_1042] : memref<8x128x16xf32, #tpu.memory_space<vmem>> -> memref<1x128x16xf32, #tpu.memory_space<vmem>>
      %dma_wait3A_1044 = tpu.memref_squeeze %dma_wait3A_1043 : memref<1x128x16xf32, #tpu.memory_space<vmem>> -> memref<128x16xf32, #tpu.memory_space<vmem>>
      %dma_wait3A_1045 = arith.constant 0 : i32
      %dma_wait3A_1046 = tpu.memref_slice %arg7[%add3A_1038, %dma_wait3A_1045] : memref<80x128xi32, #tpu.memory_space<vmem>> -> memref<1x128xi32, #tpu.memory_space<vmem>>
      %dma_wait3A_1047 = tpu.memref_squeeze %dma_wait3A_1046 : memref<1x128xi32, #tpu.memory_space<vmem>> -> memref<128xi32, #tpu.memory_space<vmem>>
      %dma_wait3A_1048 = arith.constant 0 : i32
      %dma_wait3A_1049 = arith.constant 0 : i32
      %dma_wait3A_1050 = tpu.memref_slice %arg10[%dma_wait3A_1048, %dma_wait3A_1049] : memref<10240x16xf32, #tpu.memory_space<vmem_shared>> -> memref<10240x16xf32, #tpu.memory_space<vmem_shared>>
      %dma_wait3A_1051 = tpu.memref_slice %arg13[%dma_wait3A_1040] : memref<8x!tpu.dma_semaphore, #tpu.memory_space<semaphore_mem>> -> memref<1x!tpu.dma_semaphore, #tpu.memory_space<semaphore_mem>>
      %dma_wait3A_1052 = tpu.memref_squeeze %dma_wait3A_1051 : memref<1x!tpu.dma_semaphore, #tpu.memory_space<semaphore_mem>> -> memref<!tpu.dma_semaphore, #tpu.memory_space<semaphore_mem>>
      tpu.wait_indirect_dma semaphore(%dma_wait3A_1052 : memref<!tpu.dma_semaphore, #tpu.memory_space<semaphore_mem>>) src(%dma_wait3A_1044 : memref<128x16xf32, #tpu.memory_space<vmem>>) dst(%dma_wait3A_1050 : memref<10240x16xf32, #tpu.memory_space<vmem_shared>>)
      %add3A_1053 = arith.constant 8 : i32
      %add3A_1054 = arith.addi %mul3A_542, %add3A_1053 : i32
      %add3A_1055 = arith.constant 7 : i32
      %add3A_1056 = arith.addi %add3A_1054, %add3A_1055 : i32
      %dma_start3A_1057 = arith.constant 7 : i32
      %dma_start3A_1058 = arith.constant 7 : i32
      %dma_start3A_1059 = arith.constant 0 : i32
      %dma_start3A_1060 = arith.constant 0 : i32
      %dma_start3A_1061 = tpu.memref_slice %arg8[%dma_start3A_1057, %dma_start3A_1059, %dma_start3A_1060] : memref<8x128x16xf32, #tpu.memory_space<vmem>> -> memref<1x128x16xf32, #tpu.memory_space<vmem>>
      %dma_start3A_1062 = tpu.memref_squeeze %dma_start3A_1061 : memref<1x128x16xf32, #tpu.memory_space<vmem>> -> memref<128x16xf32, #tpu.memory_space<vmem>>
      %dma_start3A_1063 = arith.constant 0 : i32
      %dma_start3A_1064 = tpu.memref_slice %arg6[%add3A_1056, %dma_start3A_1063] : memref<80x128xi32, #tpu.memory_space<vmem>> -> memref<1x128xi32, #tpu.memory_space<vmem>>
      %dma_start3A_1065 = tpu.memref_squeeze %dma_start3A_1064 : memref<1x128xi32, #tpu.memory_space<vmem>> -> memref<128xi32, #tpu.memory_space<vmem>>
      %dma_start3A_1066 = arith.constant 0 : i32
      %dma_start3A_1067 = arith.constant 0 : i32
      %dma_start3A_1068 = tpu.memref_slice %arg11[%dma_start3A_1066, %dma_start3A_1067] : memref<10240x16xf32, #tpu.memory_space<vmem_shared>> -> memref<10240x16xf32, #tpu.memory_space<vmem_shared>>
      %dma_start3A_1069 = tpu.memref_slice %arg12[%dma_start3A_1058] : memref<8x!tpu.dma_semaphore, #tpu.memory_space<semaphore_mem>> -> memref<1x!tpu.dma_semaphore, #tpu.memory_space<semaphore_mem>>
      %dma_start3A_1070 = tpu.memref_squeeze %dma_start3A_1069 : memref<1x!tpu.dma_semaphore, #tpu.memory_space<semaphore_mem>> -> memref<!tpu.dma_semaphore, #tpu.memory_space<semaphore_mem>>
      tpu.enqueue_indirect_dma source(%dma_start3A_1068 : memref<10240x16xf32, #tpu.memory_space<vmem_shared>>) target(%dma_start3A_1062 : memref<128x16xf32, #tpu.memory_space<vmem>>) offsets(%dma_start3A_1065 : memref<128xi32, #tpu.memory_space<vmem>>) semaphore(%dma_start3A_1070 : memref<!tpu.dma_semaphore, #tpu.memory_space<semaphore_mem>>)
    }
    %scan3A_174 = arith.constant 9 : i32
    %dma_wait3A_175 = arith.constant 72 : i32
    %dma_wait3A_176 = arith.constant 0 : i32
    %dma_wait3A_177 = arith.constant 0 : i32
    %dma_wait3A_178 = arith.constant 0 : i32
    %dma_wait3A_179 = arith.constant 0 : i32
    %dma_wait3A_180 = tpu.memref_slice %arg8[%dma_wait3A_176, %dma_wait3A_178, %dma_wait3A_179] : memref<8x128x16xf32, #tpu.memory_space<vmem>> -> memref<1x128x16xf32, #tpu.memory_space<vmem>>
    %dma_wait3A_181 = tpu.memref_squeeze %dma_wait3A_180 : memref<1x128x16xf32, #tpu.memory_space<vmem>> -> memref<128x16xf32, #tpu.memory_space<vmem>>
    %dma_wait3A_182 = arith.constant 0 : i32
    %dma_wait3A_183 = tpu.memref_slice %arg6[%dma_wait3A_175, %dma_wait3A_182] : memref<80x128xi32, #tpu.memory_space<vmem>> -> memref<1x128xi32, #tpu.memory_space<vmem>>
    %dma_wait3A_184 = tpu.memref_squeeze %dma_wait3A_183 : memref<1x128xi32, #tpu.memory_space<vmem>> -> memref<128xi32, #tpu.memory_space<vmem>>
    %dma_wait3A_185 = arith.constant 0 : i32
    %dma_wait3A_186 = arith.constant 0 : i32
    %dma_wait3A_187 = tpu.memref_slice %arg11[%dma_wait3A_185, %dma_wait3A_186] : memref<10240x16xf32, #tpu.memory_space<vmem_shared>> -> memref<10240x16xf32, #tpu.memory_space<vmem_shared>>
    %dma_wait3A_188 = tpu.memref_slice %arg12[%dma_wait3A_177] : memref<8x!tpu.dma_semaphore, #tpu.memory_space<semaphore_mem>> -> memref<1x!tpu.dma_semaphore, #tpu.memory_space<semaphore_mem>>
    %dma_wait3A_189 = tpu.memref_squeeze %dma_wait3A_188 : memref<1x!tpu.dma_semaphore, #tpu.memory_space<semaphore_mem>> -> memref<!tpu.dma_semaphore, #tpu.memory_space<semaphore_mem>>
    tpu.wait_indirect_dma semaphore(%dma_wait3A_189 : memref<!tpu.dma_semaphore, #tpu.memory_space<semaphore_mem>>) src(%dma_wait3A_187 : memref<10240x16xf32, #tpu.memory_space<vmem_shared>>) dst(%dma_wait3A_181 : memref<128x16xf32, #tpu.memory_space<vmem>>)
    %dma_start3A_190 = arith.constant 0 : i32
    %dma_start3A_191 = arith.constant 72 : i32
    %dma_start3A_192 = arith.constant 0 : i32
    %dma_start3A_193 = arith.constant 0 : i32
    %dma_start3A_194 = arith.constant 0 : i32
    %dma_start3A_195 = tpu.memref_slice %arg8[%dma_start3A_190, %dma_start3A_193, %dma_start3A_194] : memref<8x128x16xf32, #tpu.memory_space<vmem>> -> memref<1x128x16xf32, #tpu.memory_space<vmem>>
    %dma_start3A_196 = tpu.memref_squeeze %dma_start3A_195 : memref<1x128x16xf32, #tpu.memory_space<vmem>> -> memref<128x16xf32, #tpu.memory_space<vmem>>
    %dma_start3A_197 = arith.constant 0 : i32
    %dma_start3A_198 = tpu.memref_slice %arg7[%dma_start3A_191, %dma_start3A_197] : memref<80x128xi32, #tpu.memory_space<vmem>> -> memref<1x128xi32, #tpu.memory_space<vmem>>
    %dma_start3A_199 = tpu.memref_squeeze %dma_start3A_198 : memref<1x128xi32, #tpu.memory_space<vmem>> -> memref<128xi32, #tpu.memory_space<vmem>>
    %dma_start3A_200 = arith.constant 0 : i32
    %dma_start3A_201 = arith.constant 0 : i32
    %dma_start3A_202 = tpu.memref_slice %arg10[%dma_start3A_200, %dma_start3A_201] : memref<10240x16xf32, #tpu.memory_space<vmem_shared>> -> memref<10240x16xf32, #tpu.memory_space<vmem_shared>>
    %dma_start3A_203 = tpu.memref_slice %arg13[%dma_start3A_192] : memref<8x!tpu.dma_semaphore, #tpu.memory_space<semaphore_mem>> -> memref<1x!tpu.dma_semaphore, #tpu.memory_space<semaphore_mem>>
    %dma_start3A_204 = tpu.memref_squeeze %dma_start3A_203 : memref<1x!tpu.dma_semaphore, #tpu.memory_space<semaphore_mem>> -> memref<!tpu.dma_semaphore, #tpu.memory_space<semaphore_mem>>
    tpu.enqueue_indirect_dma source(%dma_start3A_196 : memref<128x16xf32, #tpu.memory_space<vmem>>) target(%dma_start3A_202 : memref<10240x16xf32, #tpu.memory_space<vmem_shared>>) offsets(%dma_start3A_199 : memref<128xi32, #tpu.memory_space<vmem>>) semaphore(%dma_start3A_204 : memref<!tpu.dma_semaphore, #tpu.memory_space<semaphore_mem>>) {add = true}
    %dma_wait3A_205 = arith.constant 73 : i32
    %dma_wait3A_206 = arith.constant 1 : i32
    %dma_wait3A_207 = arith.constant 1 : i32
    %dma_wait3A_208 = arith.constant 0 : i32
    %dma_wait3A_209 = arith.constant 0 : i32
    %dma_wait3A_210 = tpu.memref_slice %arg8[%dma_wait3A_206, %dma_wait3A_208, %dma_wait3A_209] : memref<8x128x16xf32, #tpu.memory_space<vmem>> -> memref<1x128x16xf32, #tpu.memory_space<vmem>>
    %dma_wait3A_211 = tpu.memref_squeeze %dma_wait3A_210 : memref<1x128x16xf32, #tpu.memory_space<vmem>> -> memref<128x16xf32, #tpu.memory_space<vmem>>
    %dma_wait3A_212 = arith.constant 0 : i32
    %dma_wait3A_213 = tpu.memref_slice %arg6[%dma_wait3A_205, %dma_wait3A_212] : memref<80x128xi32, #tpu.memory_space<vmem>> -> memref<1x128xi32, #tpu.memory_space<vmem>>
    %dma_wait3A_214 = tpu.memref_squeeze %dma_wait3A_213 : memref<1x128xi32, #tpu.memory_space<vmem>> -> memref<128xi32, #tpu.memory_space<vmem>>
    %dma_wait3A_215 = arith.constant 0 : i32
    %dma_wait3A_216 = arith.constant 0 : i32
    %dma_wait3A_217 = tpu.memref_slice %arg11[%dma_wait3A_215, %dma_wait3A_216] : memref<10240x16xf32, #tpu.memory_space<vmem_shared>> -> memref<10240x16xf32, #tpu.memory_space<vmem_shared>>
    %dma_wait3A_218 = tpu.memref_slice %arg12[%dma_wait3A_207] : memref<8x!tpu.dma_semaphore, #tpu.memory_space<semaphore_mem>> -> memref<1x!tpu.dma_semaphore, #tpu.memory_space<semaphore_mem>>
    %dma_wait3A_219 = tpu.memref_squeeze %dma_wait3A_218 : memref<1x!tpu.dma_semaphore, #tpu.memory_space<semaphore_mem>> -> memref<!tpu.dma_semaphore, #tpu.memory_space<semaphore_mem>>
    tpu.wait_indirect_dma semaphore(%dma_wait3A_219 : memref<!tpu.dma_semaphore, #tpu.memory_space<semaphore_mem>>) src(%dma_wait3A_217 : memref<10240x16xf32, #tpu.memory_space<vmem_shared>>) dst(%dma_wait3A_211 : memref<128x16xf32, #tpu.memory_space<vmem>>)
    %dma_start3A_220 = arith.constant 1 : i32
    %dma_start3A_221 = arith.constant 73 : i32
    %dma_start3A_222 = arith.constant 1 : i32
    %dma_start3A_223 = arith.constant 0 : i32
    %dma_start3A_224 = arith.constant 0 : i32
    %dma_start3A_225 = tpu.memref_slice %arg8[%dma_start3A_220, %dma_start3A_223, %dma_start3A_224] : memref<8x128x16xf32, #tpu.memory_space<vmem>> -> memref<1x128x16xf32, #tpu.memory_space<vmem>>
    %dma_start3A_226 = tpu.memref_squeeze %dma_start3A_225 : memref<1x128x16xf32, #tpu.memory_space<vmem>> -> memref<128x16xf32, #tpu.memory_space<vmem>>
    %dma_start3A_227 = arith.constant 0 : i32
    %dma_start3A_228 = tpu.memref_slice %arg7[%dma_start3A_221, %dma_start3A_227] : memref<80x128xi32, #tpu.memory_space<vmem>> -> memref<1x128xi32, #tpu.memory_space<vmem>>
    %dma_start3A_229 = tpu.memref_squeeze %dma_start3A_228 : memref<1x128xi32, #tpu.memory_space<vmem>> -> memref<128xi32, #tpu.memory_space<vmem>>
    %dma_start3A_230 = arith.constant 0 : i32
    %dma_start3A_231 = arith.constant 0 : i32
    %dma_start3A_232 = tpu.memref_slice %arg10[%dma_start3A_230, %dma_start3A_231] : memref<10240x16xf32, #tpu.memory_space<vmem_shared>> -> memref<10240x16xf32, #tpu.memory_space<vmem_shared>>
    %dma_start3A_233 = tpu.memref_slice %arg13[%dma_start3A_222] : memref<8x!tpu.dma_semaphore, #tpu.memory_space<semaphore_mem>> -> memref<1x!tpu.dma_semaphore, #tpu.memory_space<semaphore_mem>>
    %dma_start3A_234 = tpu.memref_squeeze %dma_start3A_233 : memref<1x!tpu.dma_semaphore, #tpu.memory_space<semaphore_mem>> -> memref<!tpu.dma_semaphore, #tpu.memory_space<semaphore_mem>>
    tpu.enqueue_indirect_dma source(%dma_start3A_226 : memref<128x16xf32, #tpu.memory_space<vmem>>) target(%dma_start3A_232 : memref<10240x16xf32, #tpu.memory_space<vmem_shared>>) offsets(%dma_start3A_229 : memref<128xi32, #tpu.memory_space<vmem>>) semaphore(%dma_start3A_234 : memref<!tpu.dma_semaphore, #tpu.memory_space<semaphore_mem>>) {add = true}
    %dma_wait3A_235 = arith.constant 74 : i32
    %dma_wait3A_236 = arith.constant 2 : i32
    %dma_wait3A_237 = arith.constant 2 : i32
    %dma_wait3A_238 = arith.constant 0 : i32
    %dma_wait3A_239 = arith.constant 0 : i32
    %dma_wait3A_240 = tpu.memref_slice %arg8[%dma_wait3A_236, %dma_wait3A_238, %dma_wait3A_239] : memref<8x128x16xf32, #tpu.memory_space<vmem>> -> memref<1x128x16xf32, #tpu.memory_space<vmem>>
    %dma_wait3A_241 = tpu.memref_squeeze %dma_wait3A_240 : memref<1x128x16xf32, #tpu.memory_space<vmem>> -> memref<128x16xf32, #tpu.memory_space<vmem>>
    %dma_wait3A_242 = arith.constant 0 : i32
    %dma_wait3A_243 = tpu.memref_slice %arg6[%dma_wait3A_235, %dma_wait3A_242] : memref<80x128xi32, #tpu.memory_space<vmem>> -> memref<1x128xi32, #tpu.memory_space<vmem>>
    %dma_wait3A_244 = tpu.memref_squeeze %dma_wait3A_243 : memref<1x128xi32, #tpu.memory_space<vmem>> -> memref<128xi32, #tpu.memory_space<vmem>>
    %dma_wait3A_245 = arith.constant 0 : i32
    %dma_wait3A_246 = arith.constant 0 : i32
    %dma_wait3A_247 = tpu.memref_slice %arg11[%dma_wait3A_245, %dma_wait3A_246] : memref<10240x16xf32, #tpu.memory_space<vmem_shared>> -> memref<10240x16xf32, #tpu.memory_space<vmem_shared>>
    %dma_wait3A_248 = tpu.memref_slice %arg12[%dma_wait3A_237] : memref<8x!tpu.dma_semaphore, #tpu.memory_space<semaphore_mem>> -> memref<1x!tpu.dma_semaphore, #tpu.memory_space<semaphore_mem>>
    %dma_wait3A_249 = tpu.memref_squeeze %dma_wait3A_248 : memref<1x!tpu.dma_semaphore, #tpu.memory_space<semaphore_mem>> -> memref<!tpu.dma_semaphore, #tpu.memory_space<semaphore_mem>>
    tpu.wait_indirect_dma semaphore(%dma_wait3A_249 : memref<!tpu.dma_semaphore, #tpu.memory_space<semaphore_mem>>) src(%dma_wait3A_247 : memref<10240x16xf32, #tpu.memory_space<vmem_shared>>) dst(%dma_wait3A_241 : memref<128x16xf32, #tpu.memory_space<vmem>>)
    %dma_start3A_250 = arith.constant 2 : i32
    %dma_start3A_251 = arith.constant 74 : i32
    %dma_start3A_252 = arith.constant 2 : i32
    %dma_start3A_253 = arith.constant 0 : i32
    %dma_start3A_254 = arith.constant 0 : i32
    %dma_start3A_255 = tpu.memref_slice %arg8[%dma_start3A_250, %dma_start3A_253, %dma_start3A_254] : memref<8x128x16xf32, #tpu.memory_space<vmem>> -> memref<1x128x16xf32, #tpu.memory_space<vmem>>
    %dma_start3A_256 = tpu.memref_squeeze %dma_start3A_255 : memref<1x128x16xf32, #tpu.memory_space<vmem>> -> memref<128x16xf32, #tpu.memory_space<vmem>>
    %dma_start3A_257 = arith.constant 0 : i32
    %dma_start3A_258 = tpu.memref_slice %arg7[%dma_start3A_251, %dma_start3A_257] : memref<80x128xi32, #tpu.memory_space<vmem>> -> memref<1x128xi32, #tpu.memory_space<vmem>>
    %dma_start3A_259 = tpu.memref_squeeze %dma_start3A_258 : memref<1x128xi32, #tpu.memory_space<vmem>> -> memref<128xi32, #tpu.memory_space<vmem>>
    %dma_start3A_260 = arith.constant 0 : i32
    %dma_start3A_261 = arith.constant 0 : i32
    %dma_start3A_262 = tpu.memref_slice %arg10[%dma_start3A_260, %dma_start3A_261] : memref<10240x16xf32, #tpu.memory_space<vmem_shared>> -> memref<10240x16xf32, #tpu.memory_space<vmem_shared>>
    %dma_start3A_263 = tpu.memref_slice %arg13[%dma_start3A_252] : memref<8x!tpu.dma_semaphore, #tpu.memory_space<semaphore_mem>> -> memref<1x!tpu.dma_semaphore, #tpu.memory_space<semaphore_mem>>
    %dma_start3A_264 = tpu.memref_squeeze %dma_start3A_263 : memref<1x!tpu.dma_semaphore, #tpu.memory_space<semaphore_mem>> -> memref<!tpu.dma_semaphore, #tpu.memory_space<semaphore_mem>>
    tpu.enqueue_indirect_dma source(%dma_start3A_256 : memref<128x16xf32, #tpu.memory_space<vmem>>) target(%dma_start3A_262 : memref<10240x16xf32, #tpu.memory_space<vmem_shared>>) offsets(%dma_start3A_259 : memref<128xi32, #tpu.memory_space<vmem>>) semaphore(%dma_start3A_264 : memref<!tpu.dma_semaphore, #tpu.memory_space<semaphore_mem>>) {add = true}
    %dma_wait3A_265 = arith.constant 75 : i32
    %dma_wait3A_266 = arith.constant 3 : i32
    %dma_wait3A_267 = arith.constant 3 : i32
    %dma_wait3A_268 = arith.constant 0 : i32
    %dma_wait3A_269 = arith.constant 0 : i32
    %dma_wait3A_270 = tpu.memref_slice %arg8[%dma_wait3A_266, %dma_wait3A_268, %dma_wait3A_269] : memref<8x128x16xf32, #tpu.memory_space<vmem>> -> memref<1x128x16xf32, #tpu.memory_space<vmem>>
    %dma_wait3A_271 = tpu.memref_squeeze %dma_wait3A_270 : memref<1x128x16xf32, #tpu.memory_space<vmem>> -> memref<128x16xf32, #tpu.memory_space<vmem>>
    %dma_wait3A_272 = arith.constant 0 : i32
    %dma_wait3A_273 = tpu.memref_slice %arg6[%dma_wait3A_265, %dma_wait3A_272] : memref<80x128xi32, #tpu.memory_space<vmem>> -> memref<1x128xi32, #tpu.memory_space<vmem>>
    %dma_wait3A_274 = tpu.memref_squeeze %dma_wait3A_273 : memref<1x128xi32, #tpu.memory_space<vmem>> -> memref<128xi32, #tpu.memory_space<vmem>>
    %dma_wait3A_275 = arith.constant 0 : i32
    %dma_wait3A_276 = arith.constant 0 : i32
    %dma_wait3A_277 = tpu.memref_slice %arg11[%dma_wait3A_275, %dma_wait3A_276] : memref<10240x16xf32, #tpu.memory_space<vmem_shared>> -> memref<10240x16xf32, #tpu.memory_space<vmem_shared>>
    %dma_wait3A_278 = tpu.memref_slice %arg12[%dma_wait3A_267] : memref<8x!tpu.dma_semaphore, #tpu.memory_space<semaphore_mem>> -> memref<1x!tpu.dma_semaphore, #tpu.memory_space<semaphore_mem>>
    %dma_wait3A_279 = tpu.memref_squeeze %dma_wait3A_278 : memref<1x!tpu.dma_semaphore, #tpu.memory_space<semaphore_mem>> -> memref<!tpu.dma_semaphore, #tpu.memory_space<semaphore_mem>>
    tpu.wait_indirect_dma semaphore(%dma_wait3A_279 : memref<!tpu.dma_semaphore, #tpu.memory_space<semaphore_mem>>) src(%dma_wait3A_277 : memref<10240x16xf32, #tpu.memory_space<vmem_shared>>) dst(%dma_wait3A_271 : memref<128x16xf32, #tpu.memory_space<vmem>>)
    %dma_start3A_280 = arith.constant 3 : i32
    %dma_start3A_281 = arith.constant 75 : i32
    %dma_start3A_282 = arith.constant 3 : i32
    %dma_start3A_283 = arith.constant 0 : i32
    %dma_start3A_284 = arith.constant 0 : i32
    %dma_start3A_285 = tpu.memref_slice %arg8[%dma_start3A_280, %dma_start3A_283, %dma_start3A_284] : memref<8x128x16xf32, #tpu.memory_space<vmem>> -> memref<1x128x16xf32, #tpu.memory_space<vmem>>
    %dma_start3A_286 = tpu.memref_squeeze %dma_start3A_285 : memref<1x128x16xf32, #tpu.memory_space<vmem>> -> memref<128x16xf32, #tpu.memory_space<vmem>>
    %dma_start3A_287 = arith.constant 0 : i32
    %dma_start3A_288 = tpu.memref_slice %arg7[%dma_start3A_281, %dma_start3A_287] : memref<80x128xi32, #tpu.memory_space<vmem>> -> memref<1x128xi32, #tpu.memory_space<vmem>>
    %dma_start3A_289 = tpu.memref_squeeze %dma_start3A_288 : memref<1x128xi32, #tpu.memory_space<vmem>> -> memref<128xi32, #tpu.memory_space<vmem>>
    %dma_start3A_290 = arith.constant 0 : i32
    %dma_start3A_291 = arith.constant 0 : i32
    %dma_start3A_292 = tpu.memref_slice %arg10[%dma_start3A_290, %dma_start3A_291] : memref<10240x16xf32, #tpu.memory_space<vmem_shared>> -> memref<10240x16xf32, #tpu.memory_space<vmem_shared>>
    %dma_start3A_293 = tpu.memref_slice %arg13[%dma_start3A_282] : memref<8x!tpu.dma_semaphore, #tpu.memory_space<semaphore_mem>> -> memref<1x!tpu.dma_semaphore, #tpu.memory_space<semaphore_mem>>
    %dma_start3A_294 = tpu.memref_squeeze %dma_start3A_293 : memref<1x!tpu.dma_semaphore, #tpu.memory_space<semaphore_mem>> -> memref<!tpu.dma_semaphore, #tpu.memory_space<semaphore_mem>>
    tpu.enqueue_indirect_dma source(%dma_start3A_286 : memref<128x16xf32, #tpu.memory_space<vmem>>) target(%dma_start3A_292 : memref<10240x16xf32, #tpu.memory_space<vmem_shared>>) offsets(%dma_start3A_289 : memref<128xi32, #tpu.memory_space<vmem>>) semaphore(%dma_start3A_294 : memref<!tpu.dma_semaphore, #tpu.memory_space<semaphore_mem>>) {add = true}
    %dma_wait3A_295 = arith.constant 76 : i32
    %dma_wait3A_296 = arith.constant 4 : i32
    %dma_wait3A_297 = arith.constant 4 : i32
    %dma_wait3A_298 = arith.constant 0 : i32
    %dma_wait3A_299 = arith.constant 0 : i32
    %dma_wait3A_300 = tpu.memref_slice %arg8[%dma_wait3A_296, %dma_wait3A_298, %dma_wait3A_299] : memref<8x128x16xf32, #tpu.memory_space<vmem>> -> memref<1x128x16xf32, #tpu.memory_space<vmem>>
    %dma_wait3A_301 = tpu.memref_squeeze %dma_wait3A_300 : memref<1x128x16xf32, #tpu.memory_space<vmem>> -> memref<128x16xf32, #tpu.memory_space<vmem>>
    %dma_wait3A_302 = arith.constant 0 : i32
    %dma_wait3A_303 = tpu.memref_slice %arg6[%dma_wait3A_295, %dma_wait3A_302] : memref<80x128xi32, #tpu.memory_space<vmem>> -> memref<1x128xi32, #tpu.memory_space<vmem>>
    %dma_wait3A_304 = tpu.memref_squeeze %dma_wait3A_303 : memref<1x128xi32, #tpu.memory_space<vmem>> -> memref<128xi32, #tpu.memory_space<vmem>>
    %dma_wait3A_305 = arith.constant 0 : i32
    %dma_wait3A_306 = arith.constant 0 : i32
    %dma_wait3A_307 = tpu.memref_slice %arg11[%dma_wait3A_305, %dma_wait3A_306] : memref<10240x16xf32, #tpu.memory_space<vmem_shared>> -> memref<10240x16xf32, #tpu.memory_space<vmem_shared>>
    %dma_wait3A_308 = tpu.memref_slice %arg12[%dma_wait3A_297] : memref<8x!tpu.dma_semaphore, #tpu.memory_space<semaphore_mem>> -> memref<1x!tpu.dma_semaphore, #tpu.memory_space<semaphore_mem>>
    %dma_wait3A_309 = tpu.memref_squeeze %dma_wait3A_308 : memref<1x!tpu.dma_semaphore, #tpu.memory_space<semaphore_mem>> -> memref<!tpu.dma_semaphore, #tpu.memory_space<semaphore_mem>>
    tpu.wait_indirect_dma semaphore(%dma_wait3A_309 : memref<!tpu.dma_semaphore, #tpu.memory_space<semaphore_mem>>) src(%dma_wait3A_307 : memref<10240x16xf32, #tpu.memory_space<vmem_shared>>) dst(%dma_wait3A_301 : memref<128x16xf32, #tpu.memory_space<vmem>>)
    %dma_start3A_310 = arith.constant 4 : i32
    %dma_start3A_311 = arith.constant 76 : i32
    %dma_start3A_312 = arith.constant 4 : i32
    %dma_start3A_313 = arith.constant 0 : i32
    %dma_start3A_314 = arith.constant 0 : i32
    %dma_start3A_315 = tpu.memref_slice %arg8[%dma_start3A_310, %dma_start3A_313, %dma_start3A_314] : memref<8x128x16xf32, #tpu.memory_space<vmem>> -> memref<1x128x16xf32, #tpu.memory_space<vmem>>
    %dma_start3A_316 = tpu.memref_squeeze %dma_start3A_315 : memref<1x128x16xf32, #tpu.memory_space<vmem>> -> memref<128x16xf32, #tpu.memory_space<vmem>>
    %dma_start3A_317 = arith.constant 0 : i32
    %dma_start3A_318 = tpu.memref_slice %arg7[%dma_start3A_311, %dma_start3A_317] : memref<80x128xi32, #tpu.memory_space<vmem>> -> memref<1x128xi32, #tpu.memory_space<vmem>>
    %dma_start3A_319 = tpu.memref_squeeze %dma_start3A_318 : memref<1x128xi32, #tpu.memory_space<vmem>> -> memref<128xi32, #tpu.memory_space<vmem>>
    %dma_start3A_320 = arith.constant 0 : i32
    %dma_start3A_321 = arith.constant 0 : i32
    %dma_start3A_322 = tpu.memref_slice %arg10[%dma_start3A_320, %dma_start3A_321] : memref<10240x16xf32, #tpu.memory_space<vmem_shared>> -> memref<10240x16xf32, #tpu.memory_space<vmem_shared>>
    %dma_start3A_323 = tpu.memref_slice %arg13[%dma_start3A_312] : memref<8x!tpu.dma_semaphore, #tpu.memory_space<semaphore_mem>> -> memref<1x!tpu.dma_semaphore, #tpu.memory_space<semaphore_mem>>
    %dma_start3A_324 = tpu.memref_squeeze %dma_start3A_323 : memref<1x!tpu.dma_semaphore, #tpu.memory_space<semaphore_mem>> -> memref<!tpu.dma_semaphore, #tpu.memory_space<semaphore_mem>>
    tpu.enqueue_indirect_dma source(%dma_start3A_316 : memref<128x16xf32, #tpu.memory_space<vmem>>) target(%dma_start3A_322 : memref<10240x16xf32, #tpu.memory_space<vmem_shared>>) offsets(%dma_start3A_319 : memref<128xi32, #tpu.memory_space<vmem>>) semaphore(%dma_start3A_324 : memref<!tpu.dma_semaphore, #tpu.memory_space<semaphore_mem>>) {add = true}
    %dma_wait3A_325 = arith.constant 77 : i32
    %dma_wait3A_326 = arith.constant 5 : i32
    %dma_wait3A_327 = arith.constant 5 : i32
    %dma_wait3A_328 = arith.constant 0 : i32
    %dma_wait3A_329 = arith.constant 0 : i32
    %dma_wait3A_330 = tpu.memref_slice %arg8[%dma_wait3A_326, %dma_wait3A_328, %dma_wait3A_329] : memref<8x128x16xf32, #tpu.memory_space<vmem>> -> memref<1x128x16xf32, #tpu.memory_space<vmem>>
    %dma_wait3A_331 = tpu.memref_squeeze %dma_wait3A_330 : memref<1x128x16xf32, #tpu.memory_space<vmem>> -> memref<128x16xf32, #tpu.memory_space<vmem>>
    %dma_wait3A_332 = arith.constant 0 : i32
    %dma_wait3A_333 = tpu.memref_slice %arg6[%dma_wait3A_325, %dma_wait3A_332] : memref<80x128xi32, #tpu.memory_space<vmem>> -> memref<1x128xi32, #tpu.memory_space<vmem>>
    %dma_wait3A_334 = tpu.memref_squeeze %dma_wait3A_333 : memref<1x128xi32, #tpu.memory_space<vmem>> -> memref<128xi32, #tpu.memory_space<vmem>>
    %dma_wait3A_335 = arith.constant 0 : i32
    %dma_wait3A_336 = arith.constant 0 : i32
    %dma_wait3A_337 = tpu.memref_slice %arg11[%dma_wait3A_335, %dma_wait3A_336] : memref<10240x16xf32, #tpu.memory_space<vmem_shared>> -> memref<10240x16xf32, #tpu.memory_space<vmem_shared>>
    %dma_wait3A_338 = tpu.memref_slice %arg12[%dma_wait3A_327] : memref<8x!tpu.dma_semaphore, #tpu.memory_space<semaphore_mem>> -> memref<1x!tpu.dma_semaphore, #tpu.memory_space<semaphore_mem>>
    %dma_wait3A_339 = tpu.memref_squeeze %dma_wait3A_338 : memref<1x!tpu.dma_semaphore, #tpu.memory_space<semaphore_mem>> -> memref<!tpu.dma_semaphore, #tpu.memory_space<semaphore_mem>>
    tpu.wait_indirect_dma semaphore(%dma_wait3A_339 : memref<!tpu.dma_semaphore, #tpu.memory_space<semaphore_mem>>) src(%dma_wait3A_337 : memref<10240x16xf32, #tpu.memory_space<vmem_shared>>) dst(%dma_wait3A_331 : memref<128x16xf32, #tpu.memory_space<vmem>>)
    %dma_start3A_340 = arith.constant 5 : i32
    %dma_start3A_341 = arith.constant 77 : i32
    %dma_start3A_342 = arith.constant 5 : i32
    %dma_start3A_343 = arith.constant 0 : i32
    %dma_start3A_344 = arith.constant 0 : i32
    %dma_start3A_345 = tpu.memref_slice %arg8[%dma_start3A_340, %dma_start3A_343, %dma_start3A_344] : memref<8x128x16xf32, #tpu.memory_space<vmem>> -> memref<1x128x16xf32, #tpu.memory_space<vmem>>
    %dma_start3A_346 = tpu.memref_squeeze %dma_start3A_345 : memref<1x128x16xf32, #tpu.memory_space<vmem>> -> memref<128x16xf32, #tpu.memory_space<vmem>>
    %dma_start3A_347 = arith.constant 0 : i32
    %dma_start3A_348 = tpu.memref_slice %arg7[%dma_start3A_341, %dma_start3A_347] : memref<80x128xi32, #tpu.memory_space<vmem>> -> memref<1x128xi32, #tpu.memory_space<vmem>>
    %dma_start3A_349 = tpu.memref_squeeze %dma_start3A_348 : memref<1x128xi32, #tpu.memory_space<vmem>> -> memref<128xi32, #tpu.memory_space<vmem>>
    %dma_start3A_350 = arith.constant 0 : i32
    %dma_start3A_351 = arith.constant 0 : i32
    %dma_start3A_352 = tpu.memref_slice %arg10[%dma_start3A_350, %dma_start3A_351] : memref<10240x16xf32, #tpu.memory_space<vmem_shared>> -> memref<10240x16xf32, #tpu.memory_space<vmem_shared>>
    %dma_start3A_353 = tpu.memref_slice %arg13[%dma_start3A_342] : memref<8x!tpu.dma_semaphore, #tpu.memory_space<semaphore_mem>> -> memref<1x!tpu.dma_semaphore, #tpu.memory_space<semaphore_mem>>
    %dma_start3A_354 = tpu.memref_squeeze %dma_start3A_353 : memref<1x!tpu.dma_semaphore, #tpu.memory_space<semaphore_mem>> -> memref<!tpu.dma_semaphore, #tpu.memory_space<semaphore_mem>>
    tpu.enqueue_indirect_dma source(%dma_start3A_346 : memref<128x16xf32, #tpu.memory_space<vmem>>) target(%dma_start3A_352 : memref<10240x16xf32, #tpu.memory_space<vmem_shared>>) offsets(%dma_start3A_349 : memref<128xi32, #tpu.memory_space<vmem>>) semaphore(%dma_start3A_354 : memref<!tpu.dma_semaphore, #tpu.memory_space<semaphore_mem>>) {add = true}
    %dma_wait3A_355 = arith.constant 78 : i32
    %dma_wait3A_356 = arith.constant 6 : i32
    %dma_wait3A_357 = arith.constant 6 : i32
    %dma_wait3A_358 = arith.constant 0 : i32
    %dma_wait3A_359 = arith.constant 0 : i32
    %dma_wait3A_360 = tpu.memref_slice %arg8[%dma_wait3A_356, %dma_wait3A_358, %dma_wait3A_359] : memref<8x128x16xf32, #tpu.memory_space<vmem>> -> memref<1x128x16xf32, #tpu.memory_space<vmem>>
    %dma_wait3A_361 = tpu.memref_squeeze %dma_wait3A_360 : memref<1x128x16xf32, #tpu.memory_space<vmem>> -> memref<128x16xf32, #tpu.memory_space<vmem>>
    %dma_wait3A_362 = arith.constant 0 : i32
    %dma_wait3A_363 = tpu.memref_slice %arg6[%dma_wait3A_355, %dma_wait3A_362] : memref<80x128xi32, #tpu.memory_space<vmem>> -> memref<1x128xi32, #tpu.memory_space<vmem>>
    %dma_wait3A_364 = tpu.memref_squeeze %dma_wait3A_363 : memref<1x128xi32, #tpu.memory_space<vmem>> -> memref<128xi32, #tpu.memory_space<vmem>>
    %dma_wait3A_365 = arith.constant 0 : i32
    %dma_wait3A_366 = arith.constant 0 : i32
    %dma_wait3A_367 = tpu.memref_slice %arg11[%dma_wait3A_365, %dma_wait3A_366] : memref<10240x16xf32, #tpu.memory_space<vmem_shared>> -> memref<10240x16xf32, #tpu.memory_space<vmem_shared>>
    %dma_wait3A_368 = tpu.memref_slice %arg12[%dma_wait3A_357] : memref<8x!tpu.dma_semaphore, #tpu.memory_space<semaphore_mem>> -> memref<1x!tpu.dma_semaphore, #tpu.memory_space<semaphore_mem>>
    %dma_wait3A_369 = tpu.memref_squeeze %dma_wait3A_368 : memref<1x!tpu.dma_semaphore, #tpu.memory_space<semaphore_mem>> -> memref<!tpu.dma_semaphore, #tpu.memory_space<semaphore_mem>>
    tpu.wait_indirect_dma semaphore(%dma_wait3A_369 : memref<!tpu.dma_semaphore, #tpu.memory_space<semaphore_mem>>) src(%dma_wait3A_367 : memref<10240x16xf32, #tpu.memory_space<vmem_shared>>) dst(%dma_wait3A_361 : memref<128x16xf32, #tpu.memory_space<vmem>>)
    %dma_start3A_370 = arith.constant 6 : i32
    %dma_start3A_371 = arith.constant 78 : i32
    %dma_start3A_372 = arith.constant 6 : i32
    %dma_start3A_373 = arith.constant 0 : i32
    %dma_start3A_374 = arith.constant 0 : i32
    %dma_start3A_375 = tpu.memref_slice %arg8[%dma_start3A_370, %dma_start3A_373, %dma_start3A_374] : memref<8x128x16xf32, #tpu.memory_space<vmem>> -> memref<1x128x16xf32, #tpu.memory_space<vmem>>
    %dma_start3A_376 = tpu.memref_squeeze %dma_start3A_375 : memref<1x128x16xf32, #tpu.memory_space<vmem>> -> memref<128x16xf32, #tpu.memory_space<vmem>>
    %dma_start3A_377 = arith.constant 0 : i32
    %dma_start3A_378 = tpu.memref_slice %arg7[%dma_start3A_371, %dma_start3A_377] : memref<80x128xi32, #tpu.memory_space<vmem>> -> memref<1x128xi32, #tpu.memory_space<vmem>>
    %dma_start3A_379 = tpu.memref_squeeze %dma_start3A_378 : memref<1x128xi32, #tpu.memory_space<vmem>> -> memref<128xi32, #tpu.memory_space<vmem>>
    %dma_start3A_380 = arith.constant 0 : i32
    %dma_start3A_381 = arith.constant 0 : i32
    %dma_start3A_382 = tpu.memref_slice %arg10[%dma_start3A_380, %dma_start3A_381] : memref<10240x16xf32, #tpu.memory_space<vmem_shared>> -> memref<10240x16xf32, #tpu.memory_space<vmem_shared>>
    %dma_start3A_383 = tpu.memref_slice %arg13[%dma_start3A_372] : memref<8x!tpu.dma_semaphore, #tpu.memory_space<semaphore_mem>> -> memref<1x!tpu.dma_semaphore, #tpu.memory_space<semaphore_mem>>
    %dma_start3A_384 = tpu.memref_squeeze %dma_start3A_383 : memref<1x!tpu.dma_semaphore, #tpu.memory_space<semaphore_mem>> -> memref<!tpu.dma_semaphore, #tpu.memory_space<semaphore_mem>>
    tpu.enqueue_indirect_dma source(%dma_start3A_376 : memref<128x16xf32, #tpu.memory_space<vmem>>) target(%dma_start3A_382 : memref<10240x16xf32, #tpu.memory_space<vmem_shared>>) offsets(%dma_start3A_379 : memref<128xi32, #tpu.memory_space<vmem>>) semaphore(%dma_start3A_384 : memref<!tpu.dma_semaphore, #tpu.memory_space<semaphore_mem>>) {add = true}
    %dma_wait3A_385 = arith.constant 79 : i32
    %dma_wait3A_386 = arith.constant 7 : i32
    %dma_wait3A_387 = arith.constant 7 : i32
    %dma_wait3A_388 = arith.constant 0 : i32
    %dma_wait3A_389 = arith.constant 0 : i32
    %dma_wait3A_390 = tpu.memref_slice %arg8[%dma_wait3A_386, %dma_wait3A_388, %dma_wait3A_389] : memref<8x128x16xf32, #tpu.memory_space<vmem>> -> memref<1x128x16xf32, #tpu.memory_space<vmem>>
    %dma_wait3A_391 = tpu.memref_squeeze %dma_wait3A_390 : memref<1x128x16xf32, #tpu.memory_space<vmem>> -> memref<128x16xf32, #tpu.memory_space<vmem>>
    %dma_wait3A_392 = arith.constant 0 : i32
    %dma_wait3A_393 = tpu.memref_slice %arg6[%dma_wait3A_385, %dma_wait3A_392] : memref<80x128xi32, #tpu.memory_space<vmem>> -> memref<1x128xi32, #tpu.memory_space<vmem>>
    %dma_wait3A_394 = tpu.memref_squeeze %dma_wait3A_393 : memref<1x128xi32, #tpu.memory_space<vmem>> -> memref<128xi32, #tpu.memory_space<vmem>>
    %dma_wait3A_395 = arith.constant 0 : i32
    %dma_wait3A_396 = arith.constant 0 : i32
    %dma_wait3A_397 = tpu.memref_slice %arg11[%dma_wait3A_395, %dma_wait3A_396] : memref<10240x16xf32, #tpu.memory_space<vmem_shared>> -> memref<10240x16xf32, #tpu.memory_space<vmem_shared>>
    %dma_wait3A_398 = tpu.memref_slice %arg12[%dma_wait3A_387] : memref<8x!tpu.dma_semaphore, #tpu.memory_space<semaphore_mem>> -> memref<1x!tpu.dma_semaphore, #tpu.memory_space<semaphore_mem>>
    %dma_wait3A_399 = tpu.memref_squeeze %dma_wait3A_398 : memref<1x!tpu.dma_semaphore, #tpu.memory_space<semaphore_mem>> -> memref<!tpu.dma_semaphore, #tpu.memory_space<semaphore_mem>>
    tpu.wait_indirect_dma semaphore(%dma_wait3A_399 : memref<!tpu.dma_semaphore, #tpu.memory_space<semaphore_mem>>) src(%dma_wait3A_397 : memref<10240x16xf32, #tpu.memory_space<vmem_shared>>) dst(%dma_wait3A_391 : memref<128x16xf32, #tpu.memory_space<vmem>>)
    %dma_start3A_400 = arith.constant 7 : i32
    %dma_start3A_401 = arith.constant 79 : i32
    %dma_start3A_402 = arith.constant 7 : i32
    %dma_start3A_403 = arith.constant 0 : i32
    %dma_start3A_404 = arith.constant 0 : i32
    %dma_start3A_405 = tpu.memref_slice %arg8[%dma_start3A_400, %dma_start3A_403, %dma_start3A_404] : memref<8x128x16xf32, #tpu.memory_space<vmem>> -> memref<1x128x16xf32, #tpu.memory_space<vmem>>
    %dma_start3A_406 = tpu.memref_squeeze %dma_start3A_405 : memref<1x128x16xf32, #tpu.memory_space<vmem>> -> memref<128x16xf32, #tpu.memory_space<vmem>>
    %dma_start3A_407 = arith.constant 0 : i32
    %dma_start3A_408 = tpu.memref_slice %arg7[%dma_start3A_401, %dma_start3A_407] : memref<80x128xi32, #tpu.memory_space<vmem>> -> memref<1x128xi32, #tpu.memory_space<vmem>>
    %dma_start3A_409 = tpu.memref_squeeze %dma_start3A_408 : memref<1x128xi32, #tpu.memory_space<vmem>> -> memref<128xi32, #tpu.memory_space<vmem>>
    %dma_start3A_410 = arith.constant 0 : i32
    %dma_start3A_411 = arith.constant 0 : i32
    %dma_start3A_412 = tpu.memref_slice %arg10[%dma_start3A_410, %dma_start3A_411] : memref<10240x16xf32, #tpu.memory_space<vmem_shared>> -> memref<10240x16xf32, #tpu.memory_space<vmem_shared>>
    %dma_start3A_413 = tpu.memref_slice %arg13[%dma_start3A_402] : memref<8x!tpu.dma_semaphore, #tpu.memory_space<semaphore_mem>> -> memref<1x!tpu.dma_semaphore, #tpu.memory_space<semaphore_mem>>
    %dma_start3A_414 = tpu.memref_squeeze %dma_start3A_413 : memref<1x!tpu.dma_semaphore, #tpu.memory_space<semaphore_mem>> -> memref<!tpu.dma_semaphore, #tpu.memory_space<semaphore_mem>>
    tpu.enqueue_indirect_dma source(%dma_start3A_406 : memref<128x16xf32, #tpu.memory_space<vmem>>) target(%dma_start3A_412 : memref<10240x16xf32, #tpu.memory_space<vmem_shared>>) offsets(%dma_start3A_409 : memref<128xi32, #tpu.memory_space<vmem>>) semaphore(%dma_start3A_414 : memref<!tpu.dma_semaphore, #tpu.memory_space<semaphore_mem>>) {add = true}
    %dma_wait3A_415 = arith.constant 0 : i32
    %dma_wait3A_416 = arith.constant 72 : i32
    %dma_wait3A_417 = arith.constant 0 : i32
    %dma_wait3A_418 = arith.constant 0 : i32
    %dma_wait3A_419 = arith.constant 0 : i32
    %dma_wait3A_420 = tpu.memref_slice %arg8[%dma_wait3A_415, %dma_wait3A_418, %dma_wait3A_419] : memref<8x128x16xf32, #tpu.memory_space<vmem>> -> memref<1x128x16xf32, #tpu.memory_space<vmem>>
    %dma_wait3A_421 = tpu.memref_squeeze %dma_wait3A_420 : memref<1x128x16xf32, #tpu.memory_space<vmem>> -> memref<128x16xf32, #tpu.memory_space<vmem>>
    %dma_wait3A_422 = arith.constant 0 : i32
    %dma_wait3A_423 = tpu.memref_slice %arg7[%dma_wait3A_416, %dma_wait3A_422] : memref<80x128xi32, #tpu.memory_space<vmem>> -> memref<1x128xi32, #tpu.memory_space<vmem>>
    %dma_wait3A_424 = tpu.memref_squeeze %dma_wait3A_423 : memref<1x128xi32, #tpu.memory_space<vmem>> -> memref<128xi32, #tpu.memory_space<vmem>>
    %dma_wait3A_425 = arith.constant 0 : i32
    %dma_wait3A_426 = arith.constant 0 : i32
    %dma_wait3A_427 = tpu.memref_slice %arg10[%dma_wait3A_425, %dma_wait3A_426] : memref<10240x16xf32, #tpu.memory_space<vmem_shared>> -> memref<10240x16xf32, #tpu.memory_space<vmem_shared>>
    %dma_wait3A_428 = tpu.memref_slice %arg13[%dma_wait3A_417] : memref<8x!tpu.dma_semaphore, #tpu.memory_space<semaphore_mem>> -> memref<1x!tpu.dma_semaphore, #tpu.memory_space<semaphore_mem>>
    %dma_wait3A_429 = tpu.memref_squeeze %dma_wait3A_428 : memref<1x!tpu.dma_semaphore, #tpu.memory_space<semaphore_mem>> -> memref<!tpu.dma_semaphore, #tpu.memory_space<semaphore_mem>>
    tpu.wait_indirect_dma semaphore(%dma_wait3A_429 : memref<!tpu.dma_semaphore, #tpu.memory_space<semaphore_mem>>) src(%dma_wait3A_421 : memref<128x16xf32, #tpu.memory_space<vmem>>) dst(%dma_wait3A_427 : memref<10240x16xf32, #tpu.memory_space<vmem_shared>>)
    %dma_wait3A_430 = arith.constant 1 : i32
    %dma_wait3A_431 = arith.constant 73 : i32
    %dma_wait3A_432 = arith.constant 1 : i32
    %dma_wait3A_433 = arith.constant 0 : i32
    %dma_wait3A_434 = arith.constant 0 : i32
    %dma_wait3A_435 = tpu.memref_slice %arg8[%dma_wait3A_430, %dma_wait3A_433, %dma_wait3A_434] : memref<8x128x16xf32, #tpu.memory_space<vmem>> -> memref<1x128x16xf32, #tpu.memory_space<vmem>>
    %dma_wait3A_436 = tpu.memref_squeeze %dma_wait3A_435 : memref<1x128x16xf32, #tpu.memory_space<vmem>> -> memref<128x16xf32, #tpu.memory_space<vmem>>
    %dma_wait3A_437 = arith.constant 0 : i32
    %dma_wait3A_438 = tpu.memref_slice %arg7[%dma_wait3A_431, %dma_wait3A_437] : memref<80x128xi32, #tpu.memory_space<vmem>> -> memref<1x128xi32, #tpu.memory_space<vmem>>
    %dma_wait3A_439 = tpu.memref_squeeze %dma_wait3A_438 : memref<1x128xi32, #tpu.memory_space<vmem>> -> memref<128xi32, #tpu.memory_space<vmem>>
    %dma_wait3A_440 = arith.constant 0 : i32
    %dma_wait3A_441 = arith.constant 0 : i32
    %dma_wait3A_442 = tpu.memref_slice %arg10[%dma_wait3A_440, %dma_wait3A_441] : memref<10240x16xf32, #tpu.memory_space<vmem_shared>> -> memref<10240x16xf32, #tpu.memory_space<vmem_shared>>
    %dma_wait3A_443 = tpu.memref_slice %arg13[%dma_wait3A_432] : memref<8x!tpu.dma_semaphore, #tpu.memory_space<semaphore_mem>> -> memref<1x!tpu.dma_semaphore, #tpu.memory_space<semaphore_mem>>
    %dma_wait3A_444 = tpu.memref_squeeze %dma_wait3A_443 : memref<1x!tpu.dma_semaphore, #tpu.memory_space<semaphore_mem>> -> memref<!tpu.dma_semaphore, #tpu.memory_space<semaphore_mem>>
    tpu.wait_indirect_dma semaphore(%dma_wait3A_444 : memref<!tpu.dma_semaphore, #tpu.memory_space<semaphore_mem>>) src(%dma_wait3A_436 : memref<128x16xf32, #tpu.memory_space<vmem>>) dst(%dma_wait3A_442 : memref<10240x16xf32, #tpu.memory_space<vmem_shared>>)
    %dma_wait3A_445 = arith.constant 2 : i32
    %dma_wait3A_446 = arith.constant 74 : i32
    %dma_wait3A_447 = arith.constant 2 : i32
    %dma_wait3A_448 = arith.constant 0 : i32
    %dma_wait3A_449 = arith.constant 0 : i32
    %dma_wait3A_450 = tpu.memref_slice %arg8[%dma_wait3A_445, %dma_wait3A_448, %dma_wait3A_449] : memref<8x128x16xf32, #tpu.memory_space<vmem>> -> memref<1x128x16xf32, #tpu.memory_space<vmem>>
    %dma_wait3A_451 = tpu.memref_squeeze %dma_wait3A_450 : memref<1x128x16xf32, #tpu.memory_space<vmem>> -> memref<128x16xf32, #tpu.memory_space<vmem>>
    %dma_wait3A_452 = arith.constant 0 : i32
    %dma_wait3A_453 = tpu.memref_slice %arg7[%dma_wait3A_446, %dma_wait3A_452] : memref<80x128xi32, #tpu.memory_space<vmem>> -> memref<1x128xi32, #tpu.memory_space<vmem>>
    %dma_wait3A_454 = tpu.memref_squeeze %dma_wait3A_453 : memref<1x128xi32, #tpu.memory_space<vmem>> -> memref<128xi32, #tpu.memory_space<vmem>>
    %dma_wait3A_455 = arith.constant 0 : i32
    %dma_wait3A_456 = arith.constant 0 : i32
    %dma_wait3A_457 = tpu.memref_slice %arg10[%dma_wait3A_455, %dma_wait3A_456] : memref<10240x16xf32, #tpu.memory_space<vmem_shared>> -> memref<10240x16xf32, #tpu.memory_space<vmem_shared>>
    %dma_wait3A_458 = tpu.memref_slice %arg13[%dma_wait3A_447] : memref<8x!tpu.dma_semaphore, #tpu.memory_space<semaphore_mem>> -> memref<1x!tpu.dma_semaphore, #tpu.memory_space<semaphore_mem>>
    %dma_wait3A_459 = tpu.memref_squeeze %dma_wait3A_458 : memref<1x!tpu.dma_semaphore, #tpu.memory_space<semaphore_mem>> -> memref<!tpu.dma_semaphore, #tpu.memory_space<semaphore_mem>>
    tpu.wait_indirect_dma semaphore(%dma_wait3A_459 : memref<!tpu.dma_semaphore, #tpu.memory_space<semaphore_mem>>) src(%dma_wait3A_451 : memref<128x16xf32, #tpu.memory_space<vmem>>) dst(%dma_wait3A_457 : memref<10240x16xf32, #tpu.memory_space<vmem_shared>>)
    %dma_wait3A_460 = arith.constant 3 : i32
    %dma_wait3A_461 = arith.constant 75 : i32
    %dma_wait3A_462 = arith.constant 3 : i32
    %dma_wait3A_463 = arith.constant 0 : i32
    %dma_wait3A_464 = arith.constant 0 : i32
    %dma_wait3A_465 = tpu.memref_slice %arg8[%dma_wait3A_460, %dma_wait3A_463, %dma_wait3A_464] : memref<8x128x16xf32, #tpu.memory_space<vmem>> -> memref<1x128x16xf32, #tpu.memory_space<vmem>>
    %dma_wait3A_466 = tpu.memref_squeeze %dma_wait3A_465 : memref<1x128x16xf32, #tpu.memory_space<vmem>> -> memref<128x16xf32, #tpu.memory_space<vmem>>
    %dma_wait3A_467 = arith.constant 0 : i32
    %dma_wait3A_468 = tpu.memref_slice %arg7[%dma_wait3A_461, %dma_wait3A_467] : memref<80x128xi32, #tpu.memory_space<vmem>> -> memref<1x128xi32, #tpu.memory_space<vmem>>
    %dma_wait3A_469 = tpu.memref_squeeze %dma_wait3A_468 : memref<1x128xi32, #tpu.memory_space<vmem>> -> memref<128xi32, #tpu.memory_space<vmem>>
    %dma_wait3A_470 = arith.constant 0 : i32
    %dma_wait3A_471 = arith.constant 0 : i32
    %dma_wait3A_472 = tpu.memref_slice %arg10[%dma_wait3A_470, %dma_wait3A_471] : memref<10240x16xf32, #tpu.memory_space<vmem_shared>> -> memref<10240x16xf32, #tpu.memory_space<vmem_shared>>
    %dma_wait3A_473 = tpu.memref_slice %arg13[%dma_wait3A_462] : memref<8x!tpu.dma_semaphore, #tpu.memory_space<semaphore_mem>> -> memref<1x!tpu.dma_semaphore, #tpu.memory_space<semaphore_mem>>
    %dma_wait3A_474 = tpu.memref_squeeze %dma_wait3A_473 : memref<1x!tpu.dma_semaphore, #tpu.memory_space<semaphore_mem>> -> memref<!tpu.dma_semaphore, #tpu.memory_space<semaphore_mem>>
    tpu.wait_indirect_dma semaphore(%dma_wait3A_474 : memref<!tpu.dma_semaphore, #tpu.memory_space<semaphore_mem>>) src(%dma_wait3A_466 : memref<128x16xf32, #tpu.memory_space<vmem>>) dst(%dma_wait3A_472 : memref<10240x16xf32, #tpu.memory_space<vmem_shared>>)
    %dma_wait3A_475 = arith.constant 4 : i32
    %dma_wait3A_476 = arith.constant 76 : i32
    %dma_wait3A_477 = arith.constant 4 : i32
    %dma_wait3A_478 = arith.constant 0 : i32
    %dma_wait3A_479 = arith.constant 0 : i32
    %dma_wait3A_480 = tpu.memref_slice %arg8[%dma_wait3A_475, %dma_wait3A_478, %dma_wait3A_479] : memref<8x128x16xf32, #tpu.memory_space<vmem>> -> memref<1x128x16xf32, #tpu.memory_space<vmem>>
    %dma_wait3A_481 = tpu.memref_squeeze %dma_wait3A_480 : memref<1x128x16xf32, #tpu.memory_space<vmem>> -> memref<128x16xf32, #tpu.memory_space<vmem>>
    %dma_wait3A_482 = arith.constant 0 : i32
    %dma_wait3A_483 = tpu.memref_slice %arg7[%dma_wait3A_476, %dma_wait3A_482] : memref<80x128xi32, #tpu.memory_space<vmem>> -> memref<1x128xi32, #tpu.memory_space<vmem>>
    %dma_wait3A_484 = tpu.memref_squeeze %dma_wait3A_483 : memref<1x128xi32, #tpu.memory_space<vmem>> -> memref<128xi32, #tpu.memory_space<vmem>>
    %dma_wait3A_485 = arith.constant 0 : i32
    %dma_wait3A_486 = arith.constant 0 : i32
    %dma_wait3A_487 = tpu.memref_slice %arg10[%dma_wait3A_485, %dma_wait3A_486] : memref<10240x16xf32, #tpu.memory_space<vmem_shared>> -> memref<10240x16xf32, #tpu.memory_space<vmem_shared>>
    %dma_wait3A_488 = tpu.memref_slice %arg13[%dma_wait3A_477] : memref<8x!tpu.dma_semaphore, #tpu.memory_space<semaphore_mem>> -> memref<1x!tpu.dma_semaphore, #tpu.memory_space<semaphore_mem>>
    %dma_wait3A_489 = tpu.memref_squeeze %dma_wait3A_488 : memref<1x!tpu.dma_semaphore, #tpu.memory_space<semaphore_mem>> -> memref<!tpu.dma_semaphore, #tpu.memory_space<semaphore_mem>>
    tpu.wait_indirect_dma semaphore(%dma_wait3A_489 : memref<!tpu.dma_semaphore, #tpu.memory_space<semaphore_mem>>) src(%dma_wait3A_481 : memref<128x16xf32, #tpu.memory_space<vmem>>) dst(%dma_wait3A_487 : memref<10240x16xf32, #tpu.memory_space<vmem_shared>>)
    %dma_wait3A_490 = arith.constant 5 : i32
    %dma_wait3A_491 = arith.constant 77 : i32
    %dma_wait3A_492 = arith.constant 5 : i32
    %dma_wait3A_493 = arith.constant 0 : i32
    %dma_wait3A_494 = arith.constant 0 : i32
    %dma_wait3A_495 = tpu.memref_slice %arg8[%dma_wait3A_490, %dma_wait3A_493, %dma_wait3A_494] : memref<8x128x16xf32, #tpu.memory_space<vmem>> -> memref<1x128x16xf32, #tpu.memory_space<vmem>>
    %dma_wait3A_496 = tpu.memref_squeeze %dma_wait3A_495 : memref<1x128x16xf32, #tpu.memory_space<vmem>> -> memref<128x16xf32, #tpu.memory_space<vmem>>
    %dma_wait3A_497 = arith.constant 0 : i32
    %dma_wait3A_498 = tpu.memref_slice %arg7[%dma_wait3A_491, %dma_wait3A_497] : memref<80x128xi32, #tpu.memory_space<vmem>> -> memref<1x128xi32, #tpu.memory_space<vmem>>
    %dma_wait3A_499 = tpu.memref_squeeze %dma_wait3A_498 : memref<1x128xi32, #tpu.memory_space<vmem>> -> memref<128xi32, #tpu.memory_space<vmem>>
    %dma_wait3A_500 = arith.constant 0 : i32
    %dma_wait3A_501 = arith.constant 0 : i32
    %dma_wait3A_502 = tpu.memref_slice %arg10[%dma_wait3A_500, %dma_wait3A_501] : memref<10240x16xf32, #tpu.memory_space<vmem_shared>> -> memref<10240x16xf32, #tpu.memory_space<vmem_shared>>
    %dma_wait3A_503 = tpu.memref_slice %arg13[%dma_wait3A_492] : memref<8x!tpu.dma_semaphore, #tpu.memory_space<semaphore_mem>> -> memref<1x!tpu.dma_semaphore, #tpu.memory_space<semaphore_mem>>
    %dma_wait3A_504 = tpu.memref_squeeze %dma_wait3A_503 : memref<1x!tpu.dma_semaphore, #tpu.memory_space<semaphore_mem>> -> memref<!tpu.dma_semaphore, #tpu.memory_space<semaphore_mem>>
    tpu.wait_indirect_dma semaphore(%dma_wait3A_504 : memref<!tpu.dma_semaphore, #tpu.memory_space<semaphore_mem>>) src(%dma_wait3A_496 : memref<128x16xf32, #tpu.memory_space<vmem>>) dst(%dma_wait3A_502 : memref<10240x16xf32, #tpu.memory_space<vmem_shared>>)
    %dma_wait3A_505 = arith.constant 6 : i32
    %dma_wait3A_506 = arith.constant 78 : i32
    %dma_wait3A_507 = arith.constant 6 : i32
    %dma_wait3A_508 = arith.constant 0 : i32
    %dma_wait3A_509 = arith.constant 0 : i32
    %dma_wait3A_510 = tpu.memref_slice %arg8[%dma_wait3A_505, %dma_wait3A_508, %dma_wait3A_509] : memref<8x128x16xf32, #tpu.memory_space<vmem>> -> memref<1x128x16xf32, #tpu.memory_space<vmem>>
    %dma_wait3A_511 = tpu.memref_squeeze %dma_wait3A_510 : memref<1x128x16xf32, #tpu.memory_space<vmem>> -> memref<128x16xf32, #tpu.memory_space<vmem>>
    %dma_wait3A_512 = arith.constant 0 : i32
    %dma_wait3A_513 = tpu.memref_slice %arg7[%dma_wait3A_506, %dma_wait3A_512] : memref<80x128xi32, #tpu.memory_space<vmem>> -> memref<1x128xi32, #tpu.memory_space<vmem>>
    %dma_wait3A_514 = tpu.memref_squeeze %dma_wait3A_513 : memref<1x128xi32, #tpu.memory_space<vmem>> -> memref<128xi32, #tpu.memory_space<vmem>>
    %dma_wait3A_515 = arith.constant 0 : i32
    %dma_wait3A_516 = arith.constant 0 : i32
    %dma_wait3A_517 = tpu.memref_slice %arg10[%dma_wait3A_515, %dma_wait3A_516] : memref<10240x16xf32, #tpu.memory_space<vmem_shared>> -> memref<10240x16xf32, #tpu.memory_space<vmem_shared>>
    %dma_wait3A_518 = tpu.memref_slice %arg13[%dma_wait3A_507] : memref<8x!tpu.dma_semaphore, #tpu.memory_space<semaphore_mem>> -> memref<1x!tpu.dma_semaphore, #tpu.memory_space<semaphore_mem>>
    %dma_wait3A_519 = tpu.memref_squeeze %dma_wait3A_518 : memref<1x!tpu.dma_semaphore, #tpu.memory_space<semaphore_mem>> -> memref<!tpu.dma_semaphore, #tpu.memory_space<semaphore_mem>>
    tpu.wait_indirect_dma semaphore(%dma_wait3A_519 : memref<!tpu.dma_semaphore, #tpu.memory_space<semaphore_mem>>) src(%dma_wait3A_511 : memref<128x16xf32, #tpu.memory_space<vmem>>) dst(%dma_wait3A_517 : memref<10240x16xf32, #tpu.memory_space<vmem_shared>>)
    %dma_wait3A_520 = arith.constant 7 : i32
    %dma_wait3A_521 = arith.constant 79 : i32
    %dma_wait3A_522 = arith.constant 7 : i32
    %dma_wait3A_523 = arith.constant 0 : i32
    %dma_wait3A_524 = arith.constant 0 : i32
    %dma_wait3A_525 = tpu.memref_slice %arg8[%dma_wait3A_520, %dma_wait3A_523, %dma_wait3A_524] : memref<8x128x16xf32, #tpu.memory_space<vmem>> -> memref<1x128x16xf32, #tpu.memory_space<vmem>>
    %dma_wait3A_526 = tpu.memref_squeeze %dma_wait3A_525 : memref<1x128x16xf32, #tpu.memory_space<vmem>> -> memref<128x16xf32, #tpu.memory_space<vmem>>
    %dma_wait3A_527 = arith.constant 0 : i32
    %dma_wait3A_528 = tpu.memref_slice %arg7[%dma_wait3A_521, %dma_wait3A_527] : memref<80x128xi32, #tpu.memory_space<vmem>> -> memref<1x128xi32, #tpu.memory_space<vmem>>
    %dma_wait3A_529 = tpu.memref_squeeze %dma_wait3A_528 : memref<1x128xi32, #tpu.memory_space<vmem>> -> memref<128xi32, #tpu.memory_space<vmem>>
    %dma_wait3A_530 = arith.constant 0 : i32
    %dma_wait3A_531 = arith.constant 0 : i32
    %dma_wait3A_532 = tpu.memref_slice %arg10[%dma_wait3A_530, %dma_wait3A_531] : memref<10240x16xf32, #tpu.memory_space<vmem_shared>> -> memref<10240x16xf32, #tpu.memory_space<vmem_shared>>
    %dma_wait3A_533 = tpu.memref_slice %arg13[%dma_wait3A_522] : memref<8x!tpu.dma_semaphore, #tpu.memory_space<semaphore_mem>> -> memref<1x!tpu.dma_semaphore, #tpu.memory_space<semaphore_mem>>
    %dma_wait3A_534 = tpu.memref_squeeze %dma_wait3A_533 : memref<1x!tpu.dma_semaphore, #tpu.memory_space<semaphore_mem>> -> memref<!tpu.dma_semaphore, #tpu.memory_space<semaphore_mem>>
    tpu.wait_indirect_dma semaphore(%dma_wait3A_534 : memref<!tpu.dma_semaphore, #tpu.memory_space<semaphore_mem>>) src(%dma_wait3A_526 : memref<128x16xf32, #tpu.memory_space<vmem>>) dst(%dma_wait3A_532 : memref<10240x16xf32, #tpu.memory_space<vmem_shared>>)
    %barrier3A_535 = arith.constant 0 : index
    tpu.barrier barrier_id(%barrier3A_535)
    %mul3A_536 = arith.constant 640 : i32
    %mul3A_537 = arith.muli %arg1, %mul3A_536 : i32
    %mul3A_538 = arith.constant 640 : i32
    %mul3A_539 = arith.muli %arg1, %mul3A_538 : i32
    "tpu.region"() ({
      %run_scoped3A = tpu.sem_alloc : memref<!tpu.dma_semaphore, #tpu.memory_space<semaphore_mem>>
      %dma_start3A_540 = arith.constant 0 : i32
      %dma_start3A_541 = tpu.memref_slice %arg5[%arg0, %mul3A_539, %dma_start3A_540] : memref<2x10240x16xf32, #tpu.memory_space<hbm>> -> memref<1x640x16xf32, #tpu.memory_space<hbm>>
      %dma_start3A_542 = tpu.memref_squeeze %dma_start3A_541 : memref<1x640x16xf32, #tpu.memory_space<hbm>> -> memref<640x16xf32, #tpu.memory_space<hbm>>
      %dma_start3A_543 = arith.constant 0 : i32
      %dma_start3A_544 = tpu.memref_slice %arg10[%mul3A_537, %dma_start3A_543] : memref<10240x16xf32, #tpu.memory_space<vmem_shared>> -> memref<640x16xf32, #tpu.memory_space<vmem_shared>>
      tpu.enqueue_dma source(%dma_start3A_544 : memref<640x16xf32, #tpu.memory_space<vmem_shared>>) target(%dma_start3A_542 : memref<640x16xf32, #tpu.memory_space<hbm>>) target_semaphore(%run_scoped3A : memref<!tpu.dma_semaphore, #tpu.memory_space<semaphore_mem>>)
      %dma_wait3A_545 = arith.constant 0 : i32
      %dma_wait3A_546 = tpu.memref_slice %arg5[%arg0, %mul3A_539, %dma_wait3A_545] : memref<2x10240x16xf32, #tpu.memory_space<hbm>> -> memref<1x640x16xf32, #tpu.memory_space<hbm>>
      %dma_wait3A_547 = tpu.memref_squeeze %dma_wait3A_546 : memref<1x640x16xf32, #tpu.memory_space<hbm>> -> memref<640x16xf32, #tpu.memory_space<hbm>>
      %dma_wait3A_548 = arith.constant 0 : i32
      %dma_wait3A_549 = tpu.memref_slice %arg10[%mul3A_537, %dma_wait3A_548] : memref<10240x16xf32, #tpu.memory_space<vmem_shared>> -> memref<640x16xf32, #tpu.memory_space<vmem_shared>>
      tpu.wait_dma2 semaphore(%run_scoped3A : memref<!tpu.dma_semaphore, #tpu.memory_space<semaphore_mem>>) src(%dma_wait3A_549 : memref<640x16xf32, #tpu.memory_space<vmem_shared>>) dst(%dma_wait3A_547 : memref<640x16xf32, #tpu.memory_space<hbm>>)
      tpu.yield
    }) : () -> ()
    return
  }
}

#map = affine_map<(d0, d1) -> (0, 0)>
#map1 = affine_map<(d0, d1) -> (0, 0, 0)>
module attributes {stable_mosaic.version = 14 : i64} {
  func.func @_agg_body(%arg0: i32, %arg1: i32, %arg2: memref<10240x16xf32, #tpu.memory_space<hbm>>, %arg3: memref<32x80x128xi32, #tpu.memory_space<hbm>>, %arg4: memref<32x80x128xi32, #tpu.memory_space<hbm>>, %arg5: memref<2x10240x16xf32, #tpu.memory_space<hbm>>, %arg6: memref<80x128xi32, #tpu.memory_space<vmem>>, %arg7: memref<80x128xi32, #tpu.memory_space<vmem>>, %arg8: memref<8x128x16xf32, #tpu.memory_space<vmem>>, %arg9: memref<640x16xf32, #tpu.memory_space<vmem>>, %arg10: memref<10240x16xf32, #tpu.memory_space<vmem_shared>>, %arg11: memref<10240x16xf32, #tpu.memory_space<vmem_shared>>, %arg12: memref<8x!tpu.dma_semaphore, #tpu.memory_space<semaphore_mem>>, %arg13: memref<8x!tpu.dma_semaphore, #tpu.memory_space<semaphore_mem>>, %arg14: memref<!tpu.dma_semaphore, #tpu.memory_space<semaphore_mem>>, %arg15: memref<!tpu.dma_semaphore, #tpu.memory_space<semaphore_mem>>) attributes {dimension_semantics = [#tpu.dimension_semantics<core_parallel>, #tpu.dimension_semantics<subcore_parallel>], iteration_bounds = array<i64: 2, 16>, scalar_prefetch = 0 : i64, scratch_operands = 10 : i64, tpu.core_type = #tpu.core_type<sc_vector_subcore>, window_params = [{transform_indices = #map}, {transform_indices = #map1}, {transform_indices = #map1}, {transform_indices = #map1}]} {
    %mul3A = arith.constant 16 : i32
    %mul3A_0 = arith.muli %arg0, %mul3A : i32
    %add3A = arith.addi %mul3A_0, %arg1 : i32
    %mul3A_1 = arith.constant 640 : i32
    %mul3A_2 = arith.muli %arg1, %mul3A_1 : i32
    %dma_start3A = arith.constant 0 : i32
    %dma_start3A_3 = tpu.memref_slice %arg11[%mul3A_2, %dma_start3A] : memref<10240x16xf32, #tpu.memory_space<vmem_shared>> -> memref<640x16xf32, #tpu.memory_space<vmem_shared>>
    %dma_start3A_4 = arith.constant 0 : i32
    %dma_start3A_5 = tpu.memref_slice %arg2[%mul3A_2, %dma_start3A_4] : memref<10240x16xf32, #tpu.memory_space<hbm>> -> memref<640x16xf32, #tpu.memory_space<hbm>>
    tpu.enqueue_dma source(%dma_start3A_5 : memref<640x16xf32, #tpu.memory_space<hbm>>) target(%dma_start3A_3 : memref<640x16xf32, #tpu.memory_space<vmem_shared>>) target_semaphore(%arg15 : memref<!tpu.dma_semaphore, #tpu.memory_space<semaphore_mem>>)
    %dma_start3A_6 = arith.constant 0 : i32
    %dma_start3A_7 = arith.constant 0 : i32
    %dma_start3A_8 = tpu.memref_slice %arg3[%add3A, %dma_start3A_6, %dma_start3A_7] : memref<32x80x128xi32, #tpu.memory_space<hbm>> -> memref<1x80x128xi32, #tpu.memory_space<hbm>>
    %dma_start3A_9 = tpu.memref_squeeze %dma_start3A_8 : memref<1x80x128xi32, #tpu.memory_space<hbm>> -> memref<80x128xi32, #tpu.memory_space<hbm>>
    %dma_start3A_10 = arith.constant 0 : i32
    %dma_start3A_11 = arith.constant 0 : i32
    %dma_start3A_12 = tpu.memref_slice %arg3[%add3A, %dma_start3A_10, %dma_start3A_11] : memref<32x80x128xi32, #tpu.memory_space<hbm>> -> memref<1x80x128xi32, #tpu.memory_space<hbm>>
    %dma_start3A_13 = tpu.memref_squeeze %dma_start3A_12 : memref<1x80x128xi32, #tpu.memory_space<hbm>> -> memref<80x128xi32, #tpu.memory_space<hbm>>
    tpu.enqueue_dma source(%dma_start3A_13 : memref<80x128xi32, #tpu.memory_space<hbm>>) target(%arg6 : memref<80x128xi32, #tpu.memory_space<vmem>>) target_semaphore(%arg14 : memref<!tpu.dma_semaphore, #tpu.memory_space<semaphore_mem>>)
    %dma_wait3A = arith.constant 0 : i32
    %dma_wait3A_14 = arith.constant 0 : i32
    %dma_wait3A_15 = tpu.memref_slice %arg3[%add3A, %dma_wait3A, %dma_wait3A_14] : memref<32x80x128xi32, #tpu.memory_space<hbm>> -> memref<1x80x128xi32, #tpu.memory_space<hbm>>
    %dma_wait3A_16 = tpu.memref_squeeze %dma_wait3A_15 : memref<1x80x128xi32, #tpu.memory_space<hbm>> -> memref<80x128xi32, #tpu.memory_space<hbm>>
    %dma_wait3A_17 = arith.constant 0 : i32
    %dma_wait3A_18 = arith.constant 0 : i32
    %dma_wait3A_19 = tpu.memref_slice %arg3[%add3A, %dma_wait3A_17, %dma_wait3A_18] : memref<32x80x128xi32, #tpu.memory_space<hbm>> -> memref<1x80x128xi32, #tpu.memory_space<hbm>>
    %dma_wait3A_20 = tpu.memref_squeeze %dma_wait3A_19 : memref<1x80x128xi32, #tpu.memory_space<hbm>> -> memref<80x128xi32, #tpu.memory_space<hbm>>
    tpu.wait_dma2 semaphore(%arg14 : memref<!tpu.dma_semaphore, #tpu.memory_space<semaphore_mem>>) src(%dma_wait3A_20 : memref<80x128xi32, #tpu.memory_space<hbm>>) dst(%arg6 : memref<80x128xi32, #tpu.memory_space<vmem>>)
    %dma_start3A_21 = arith.constant 0 : i32
    %dma_start3A_22 = arith.constant 0 : i32
    %dma_start3A_23 = tpu.memref_slice %arg4[%add3A, %dma_start3A_21, %dma_start3A_22] : memref<32x80x128xi32, #tpu.memory_space<hbm>> -> memref<1x80x128xi32, #tpu.memory_space<hbm>>
    %dma_start3A_24 = tpu.memref_squeeze %dma_start3A_23 : memref<1x80x128xi32, #tpu.memory_space<hbm>> -> memref<80x128xi32, #tpu.memory_space<hbm>>
    %dma_start3A_25 = arith.constant 0 : i32
    %dma_start3A_26 = arith.constant 0 : i32
    %dma_start3A_27 = tpu.memref_slice %arg4[%add3A, %dma_start3A_25, %dma_start3A_26] : memref<32x80x128xi32, #tpu.memory_space<hbm>> -> memref<1x80x128xi32, #tpu.memory_space<hbm>>
    %dma_start3A_28 = tpu.memref_squeeze %dma_start3A_27 : memref<1x80x128xi32, #tpu.memory_space<hbm>> -> memref<80x128xi32, #tpu.memory_space<hbm>>
    tpu.enqueue_dma source(%dma_start3A_28 : memref<80x128xi32, #tpu.memory_space<hbm>>) target(%arg7 : memref<80x128xi32, #tpu.memory_space<vmem>>) target_semaphore(%arg14 : memref<!tpu.dma_semaphore, #tpu.memory_space<semaphore_mem>>)
    %dma_wait3A_29 = arith.constant 0 : i32
    %dma_wait3A_30 = arith.constant 0 : i32
    %dma_wait3A_31 = tpu.memref_slice %arg4[%add3A, %dma_wait3A_29, %dma_wait3A_30] : memref<32x80x128xi32, #tpu.memory_space<hbm>> -> memref<1x80x128xi32, #tpu.memory_space<hbm>>
    %dma_wait3A_32 = tpu.memref_squeeze %dma_wait3A_31 : memref<1x80x128xi32, #tpu.memory_space<hbm>> -> memref<80x128xi32, #tpu.memory_space<hbm>>
    %dma_wait3A_33 = arith.constant 0 : i32
    %dma_wait3A_34 = arith.constant 0 : i32
    %dma_wait3A_35 = tpu.memref_slice %arg4[%add3A, %dma_wait3A_33, %dma_wait3A_34] : memref<32x80x128xi32, #tpu.memory_space<hbm>> -> memref<1x80x128xi32, #tpu.memory_space<hbm>>
    %dma_wait3A_36 = tpu.memref_squeeze %dma_wait3A_35 : memref<1x80x128xi32, #tpu.memory_space<hbm>> -> memref<80x128xi32, #tpu.memory_space<hbm>>
    tpu.wait_dma2 semaphore(%arg14 : memref<!tpu.dma_semaphore, #tpu.memory_space<semaphore_mem>>) src(%dma_wait3A_36 : memref<80x128xi32, #tpu.memory_space<hbm>>) dst(%arg7 : memref<80x128xi32, #tpu.memory_space<vmem>>)
    %broadcast_in_dim3A = arith.constant 0.000000e+00 : f32
    %broadcast_in_dim3A_37 = vector.broadcast %broadcast_in_dim3A : f32 to vector<16xf32>
    %scan3A = arith.constant 0 : i32
    %scan3A_38 = arith.constant 0 : i32
    %scan3A_39 = arith.constant 80 : i32
    %scan3A_40 = arith.addi %scan3A_38, %scan3A_39 : i32
    %scan3A_41 = arith.constant 1 : i32
    scf.for %scan3A_540 = %scan3A_38 to %scan3A_40 step %scan3A_41  : i32 {
      %mul3A_541 = arith.constant 8 : i32
      %mul3A_542 = arith.muli %scan3A_540, %mul3A_541 : i32
      %add3A_543 = arith.constant 0 : i32
      %add3A_544 = arith.addi %mul3A_542, %add3A_543 : i32
      %swap3A = arith.index_cast %add3A_544 : i32 to index
      %swap3A_545 = arith.constant 0 : index
      %swap3A_546 = tpu.vector_load %arg9[%swap3A, %swap3A_545] {strides = array<i32>} : memref<640x16xf32, #tpu.memory_space<vmem>>, vector<16xf32>,
      tpu.vector_store %arg9[%swap3A, %swap3A_545], %broadcast_in_dim3A_37 {strides = array<i32>} : memref<640x16xf32, #tpu.memory_space<vmem>>, vector<16xf32>,
      %mul3A_547 = arith.constant 8 : i32
      %mul3A_548 = arith.muli %scan3A_540, %mul3A_547 : i32
      %add3A_549 = arith.constant 1 : i32
      %add3A_550 = arith.addi %mul3A_548, %add3A_549 : i32
      %swap3A_551 = arith.index_cast %add3A_550 : i32 to index
      %swap3A_552 = arith.constant 0 : index
      %swap3A_553 = tpu.vector_load %arg9[%swap3A_551, %swap3A_552] {strides = array<i32>} : memref<640x16xf32, #tpu.memory_space<vmem>>, vector<16xf32>,
      tpu.vector_store %arg9[%swap3A_551, %swap3A_552], %broadcast_in_dim3A_37 {strides = array<i32>} : memref<640x16xf32, #tpu.memory_space<vmem>>, vector<16xf32>,
      %mul3A_554 = arith.constant 8 : i32
      %mul3A_555 = arith.muli %scan3A_540, %mul3A_554 : i32
      %add3A_556 = arith.constant 2 : i32
      %add3A_557 = arith.addi %mul3A_555, %add3A_556 : i32
      %swap3A_558 = arith.index_cast %add3A_557 : i32 to index
      %swap3A_559 = arith.constant 0 : index
      %swap3A_560 = tpu.vector_load %arg9[%swap3A_558, %swap3A_559] {strides = array<i32>} : memref<640x16xf32, #tpu.memory_space<vmem>>, vector<16xf32>,
      tpu.vector_store %arg9[%swap3A_558, %swap3A_559], %broadcast_in_dim3A_37 {strides = array<i32>} : memref<640x16xf32, #tpu.memory_space<vmem>>, vector<16xf32>,
      %mul3A_561 = arith.constant 8 : i32
      %mul3A_562 = arith.muli %scan3A_540, %mul3A_561 : i32
      %add3A_563 = arith.constant 3 : i32
      %add3A_564 = arith.addi %mul3A_562, %add3A_563 : i32
      %swap3A_565 = arith.index_cast %add3A_564 : i32 to index
      %swap3A_566 = arith.constant 0 : index
      %swap3A_567 = tpu.vector_load %arg9[%swap3A_565, %swap3A_566] {strides = array<i32>} : memref<640x16xf32, #tpu.memory_space<vmem>>, vector<16xf32>,
      tpu.vector_store %arg9[%swap3A_565, %swap3A_566], %broadcast_in_dim3A_37 {strides = array<i32>} : memref<640x16xf32, #tpu.memory_space<vmem>>, vector<16xf32>,
      %mul3A_568 = arith.constant 8 : i32
      %mul3A_569 = arith.muli %scan3A_540, %mul3A_568 : i32
      %add3A_570 = arith.constant 4 : i32
      %add3A_571 = arith.addi %mul3A_569, %add3A_570 : i32
      %swap3A_572 = arith.index_cast %add3A_571 : i32 to index
      %swap3A_573 = arith.constant 0 : index
      %swap3A_574 = tpu.vector_load %arg9[%swap3A_572, %swap3A_573] {strides = array<i32>} : memref<640x16xf32, #tpu.memory_space<vmem>>, vector<16xf32>,
      tpu.vector_store %arg9[%swap3A_572, %swap3A_573], %broadcast_in_dim3A_37 {strides = array<i32>} : memref<640x16xf32, #tpu.memory_space<vmem>>, vector<16xf32>,
      %mul3A_575 = arith.constant 8 : i32
      %mul3A_576 = arith.muli %scan3A_540, %mul3A_575 : i32
      %add3A_577 = arith.constant 5 : i32
      %add3A_578 = arith.addi %mul3A_576, %add3A_577 : i32
      %swap3A_579 = arith.index_cast %add3A_578 : i32 to index
      %swap3A_580 = arith.constant 0 : index
      %swap3A_581 = tpu.vector_load %arg9[%swap3A_579, %swap3A_580] {strides = array<i32>} : memref<640x16xf32, #tpu.memory_space<vmem>>, vector<16xf32>,
      tpu.vector_store %arg9[%swap3A_579, %swap3A_580], %broadcast_in_dim3A_37 {strides = array<i32>} : memref<640x16xf32, #tpu.memory_space<vmem>>, vector<16xf32>,
      %mul3A_582 = arith.constant 8 : i32
      %mul3A_583 = arith.muli %scan3A_540, %mul3A_582 : i32
      %add3A_584 = arith.constant 6 : i32
      %add3A_585 = arith.addi %mul3A_583, %add3A_584 : i32
      %swap3A_586 = arith.index_cast %add3A_585 : i32 to index
      %swap3A_587 = arith.constant 0 : index
      %swap3A_588 = tpu.vector_load %arg9[%swap3A_586, %swap3A_587] {strides = array<i32>} : memref<640x16xf32, #tpu.memory_space<vmem>>, vector<16xf32>,
      tpu.vector_store %arg9[%swap3A_586, %swap3A_587], %broadcast_in_dim3A_37 {strides = array<i32>} : memref<640x16xf32, #tpu.memory_space<vmem>>, vector<16xf32>,
      %mul3A_589 = arith.constant 8 : i32
      %mul3A_590 = arith.muli %scan3A_540, %mul3A_589 : i32
      %add3A_591 = arith.constant 7 : i32
      %add3A_592 = arith.addi %mul3A_590, %add3A_591 : i32
      %swap3A_593 = arith.index_cast %add3A_592 : i32 to index
      %swap3A_594 = arith.constant 0 : index
      %swap3A_595 = tpu.vector_load %arg9[%swap3A_593, %swap3A_594] {strides = array<i32>} : memref<640x16xf32, #tpu.memory_space<vmem>>, vector<16xf32>,
      tpu.vector_store %arg9[%swap3A_593, %swap3A_594], %broadcast_in_dim3A_37 {strides = array<i32>} : memref<640x16xf32, #tpu.memory_space<vmem>>, vector<16xf32>,
    }
    %scan3A_42 = arith.constant 80 : i32
    %mul3A_43 = arith.constant 640 : i32
    %mul3A_44 = arith.muli %arg1, %mul3A_43 : i32
    "tpu.region"() ({
      %run_scoped3A = tpu.sem_alloc : memref<!tpu.dma_semaphore, #tpu.memory_space<semaphore_mem>>
      %dma_start3A_540 = arith.constant 0 : i32
      %dma_start3A_541 = tpu.memref_slice %arg10[%mul3A_44, %dma_start3A_540] : memref<10240x16xf32, #tpu.memory_space<vmem_shared>> -> memref<640x16xf32, #tpu.memory_space<vmem_shared>>
      %dma_start3A_542 = arith.constant 0 : i32
      %dma_start3A_543 = tpu.memref_slice %arg10[%mul3A_44, %dma_start3A_542] : memref<10240x16xf32, #tpu.memory_space<vmem_shared>> -> memref<640x16xf32, #tpu.memory_space<vmem_shared>>
      tpu.enqueue_dma source(%arg9 : memref<640x16xf32, #tpu.memory_space<vmem>>) target(%dma_start3A_543 : memref<640x16xf32, #tpu.memory_space<vmem_shared>>) target_semaphore(%run_scoped3A : memref<!tpu.dma_semaphore, #tpu.memory_space<semaphore_mem>>)
      %dma_wait3A_544 = arith.constant 0 : i32
      %dma_wait3A_545 = tpu.memref_slice %arg10[%mul3A_44, %dma_wait3A_544] : memref<10240x16xf32, #tpu.memory_space<vmem_shared>> -> memref<640x16xf32, #tpu.memory_space<vmem_shared>>
      %dma_wait3A_546 = arith.constant 0 : i32
      %dma_wait3A_547 = tpu.memref_slice %arg10[%mul3A_44, %dma_wait3A_546] : memref<10240x16xf32, #tpu.memory_space<vmem_shared>> -> memref<640x16xf32, #tpu.memory_space<vmem_shared>>
      tpu.wait_dma2 semaphore(%run_scoped3A : memref<!tpu.dma_semaphore, #tpu.memory_space<semaphore_mem>>) src(%arg9 : memref<640x16xf32, #tpu.memory_space<vmem>>) dst(%dma_wait3A_547 : memref<640x16xf32, #tpu.memory_space<vmem_shared>>)
      tpu.yield
    }) : () -> ()
    %dma_wait3A_45 = arith.constant 0 : i32
    %dma_wait3A_46 = tpu.memref_slice %arg11[%mul3A_2, %dma_wait3A_45] : memref<10240x16xf32, #tpu.memory_space<vmem_shared>> -> memref<640x16xf32, #tpu.memory_space<vmem_shared>>
    %dma_wait3A_47 = arith.constant 0 : i32
    %dma_wait3A_48 = tpu.memref_slice %arg2[%mul3A_2, %dma_wait3A_47] : memref<10240x16xf32, #tpu.memory_space<hbm>> -> memref<640x16xf32, #tpu.memory_space<hbm>>
    tpu.wait_dma2 semaphore(%arg15 : memref<!tpu.dma_semaphore, #tpu.memory_space<semaphore_mem>>) src(%dma_wait3A_48 : memref<640x16xf32, #tpu.memory_space<hbm>>) dst(%dma_wait3A_46 : memref<640x16xf32, #tpu.memory_space<vmem_shared>>)
    %barrier3A = arith.constant 0 : index
    tpu.barrier barrier_id(%barrier3A)
    %dma_start3A_49 = arith.constant 0 : i32
    %dma_start3A_50 = arith.constant 0 : i32
    %dma_start3A_51 = arith.constant 0 : i32
    %dma_start3A_52 = arith.constant 0 : i32
    %dma_start3A_53 = arith.constant 0 : i32
    %dma_start3A_54 = tpu.memref_slice %arg8[%dma_start3A_50, %dma_start3A_52, %dma_start3A_53] : memref<8x128x16xf32, #tpu.memory_space<vmem>> -> memref<1x128x16xf32, #tpu.memory_space<vmem>>
    %dma_start3A_55 = tpu.memref_squeeze %dma_start3A_54 : memref<1x128x16xf32, #tpu.memory_space<vmem>> -> memref<128x16xf32, #tpu.memory_space<vmem>>
    %dma_start3A_56 = arith.constant 0 : i32
    %dma_start3A_57 = tpu.memref_slice %arg6[%dma_start3A_49, %dma_start3A_56] : memref<80x128xi32, #tpu.memory_space<vmem>> -> memref<1x128xi32, #tpu.memory_space<vmem>>
    %dma_start3A_58 = tpu.memref_squeeze %dma_start3A_57 : memref<1x128xi32, #tpu.memory_space<vmem>> -> memref<128xi32, #tpu.memory_space<vmem>>
    %dma_start3A_59 = arith.constant 0 : i32
    %dma_start3A_60 = arith.constant 0 : i32
    %dma_start3A_61 = tpu.memref_slice %arg11[%dma_start3A_59, %dma_start3A_60] : memref<10240x16xf32, #tpu.memory_space<vmem_shared>> -> memref<10240x16xf32, #tpu.memory_space<vmem_shared>>
    %dma_start3A_62 = tpu.memref_slice %arg12[%dma_start3A_51] : memref<8x!tpu.dma_semaphore, #tpu.memory_space<semaphore_mem>> -> memref<1x!tpu.dma_semaphore, #tpu.memory_space<semaphore_mem>>
    %dma_start3A_63 = tpu.memref_squeeze %dma_start3A_62 : memref<1x!tpu.dma_semaphore, #tpu.memory_space<semaphore_mem>> -> memref<!tpu.dma_semaphore, #tpu.memory_space<semaphore_mem>>
    tpu.enqueue_indirect_dma source(%dma_start3A_61 : memref<10240x16xf32, #tpu.memory_space<vmem_shared>>) target(%dma_start3A_55 : memref<128x16xf32, #tpu.memory_space<vmem>>) offsets(%dma_start3A_58 : memref<128xi32, #tpu.memory_space<vmem>>) semaphore(%dma_start3A_63 : memref<!tpu.dma_semaphore, #tpu.memory_space<semaphore_mem>>)
    %dma_start3A_64 = arith.constant 1 : i32
    %dma_start3A_65 = arith.constant 1 : i32
    %dma_start3A_66 = arith.constant 1 : i32
    %dma_start3A_67 = arith.constant 0 : i32
    %dma_start3A_68 = arith.constant 0 : i32
    %dma_start3A_69 = tpu.memref_slice %arg8[%dma_start3A_65, %dma_start3A_67, %dma_start3A_68] : memref<8x128x16xf32, #tpu.memory_space<vmem>> -> memref<1x128x16xf32, #tpu.memory_space<vmem>>
    %dma_start3A_70 = tpu.memref_squeeze %dma_start3A_69 : memref<1x128x16xf32, #tpu.memory_space<vmem>> -> memref<128x16xf32, #tpu.memory_space<vmem>>
    %dma_start3A_71 = arith.constant 0 : i32
    %dma_start3A_72 = tpu.memref_slice %arg6[%dma_start3A_64, %dma_start3A_71] : memref<80x128xi32, #tpu.memory_space<vmem>> -> memref<1x128xi32, #tpu.memory_space<vmem>>
    %dma_start3A_73 = tpu.memref_squeeze %dma_start3A_72 : memref<1x128xi32, #tpu.memory_space<vmem>> -> memref<128xi32, #tpu.memory_space<vmem>>
    %dma_start3A_74 = arith.constant 0 : i32
    %dma_start3A_75 = arith.constant 0 : i32
    %dma_start3A_76 = tpu.memref_slice %arg11[%dma_start3A_74, %dma_start3A_75] : memref<10240x16xf32, #tpu.memory_space<vmem_shared>> -> memref<10240x16xf32, #tpu.memory_space<vmem_shared>>
    %dma_start3A_77 = tpu.memref_slice %arg12[%dma_start3A_66] : memref<8x!tpu.dma_semaphore, #tpu.memory_space<semaphore_mem>> -> memref<1x!tpu.dma_semaphore, #tpu.memory_space<semaphore_mem>>
    %dma_start3A_78 = tpu.memref_squeeze %dma_start3A_77 : memref<1x!tpu.dma_semaphore, #tpu.memory_space<semaphore_mem>> -> memref<!tpu.dma_semaphore, #tpu.memory_space<semaphore_mem>>
    tpu.enqueue_indirect_dma source(%dma_start3A_76 : memref<10240x16xf32, #tpu.memory_space<vmem_shared>>) target(%dma_start3A_70 : memref<128x16xf32, #tpu.memory_space<vmem>>) offsets(%dma_start3A_73 : memref<128xi32, #tpu.memory_space<vmem>>) semaphore(%dma_start3A_78 : memref<!tpu.dma_semaphore, #tpu.memory_space<semaphore_mem>>)
    %dma_start3A_79 = arith.constant 2 : i32
    %dma_start3A_80 = arith.constant 2 : i32
    %dma_start3A_81 = arith.constant 2 : i32
    %dma_start3A_82 = arith.constant 0 : i32
    %dma_start3A_83 = arith.constant 0 : i32
    %dma_start3A_84 = tpu.memref_slice %arg8[%dma_start3A_80, %dma_start3A_82, %dma_start3A_83] : memref<8x128x16xf32, #tpu.memory_space<vmem>> -> memref<1x128x16xf32, #tpu.memory_space<vmem>>
    %dma_start3A_85 = tpu.memref_squeeze %dma_start3A_84 : memref<1x128x16xf32, #tpu.memory_space<vmem>> -> memref<128x16xf32, #tpu.memory_space<vmem>>
    %dma_start3A_86 = arith.constant 0 : i32
    %dma_start3A_87 = tpu.memref_slice %arg6[%dma_start3A_79, %dma_start3A_86] : memref<80x128xi32, #tpu.memory_space<vmem>> -> memref<1x128xi32, #tpu.memory_space<vmem>>
    %dma_start3A_88 = tpu.memref_squeeze %dma_start3A_87 : memref<1x128xi32, #tpu.memory_space<vmem>> -> memref<128xi32, #tpu.memory_space<vmem>>
    %dma_start3A_89 = arith.constant 0 : i32
    %dma_start3A_90 = arith.constant 0 : i32
    %dma_start3A_91 = tpu.memref_slice %arg11[%dma_start3A_89, %dma_start3A_90] : memref<10240x16xf32, #tpu.memory_space<vmem_shared>> -> memref<10240x16xf32, #tpu.memory_space<vmem_shared>>
    %dma_start3A_92 = tpu.memref_slice %arg12[%dma_start3A_81] : memref<8x!tpu.dma_semaphore, #tpu.memory_space<semaphore_mem>> -> memref<1x!tpu.dma_semaphore, #tpu.memory_space<semaphore_mem>>
    %dma_start3A_93 = tpu.memref_squeeze %dma_start3A_92 : memref<1x!tpu.dma_semaphore, #tpu.memory_space<semaphore_mem>> -> memref<!tpu.dma_semaphore, #tpu.memory_space<semaphore_mem>>
    tpu.enqueue_indirect_dma source(%dma_start3A_91 : memref<10240x16xf32, #tpu.memory_space<vmem_shared>>) target(%dma_start3A_85 : memref<128x16xf32, #tpu.memory_space<vmem>>) offsets(%dma_start3A_88 : memref<128xi32, #tpu.memory_space<vmem>>) semaphore(%dma_start3A_93 : memref<!tpu.dma_semaphore, #tpu.memory_space<semaphore_mem>>)
    %dma_start3A_94 = arith.constant 3 : i32
    %dma_start3A_95 = arith.constant 3 : i32
    %dma_start3A_96 = arith.constant 3 : i32
    %dma_start3A_97 = arith.constant 0 : i32
    %dma_start3A_98 = arith.constant 0 : i32
    %dma_start3A_99 = tpu.memref_slice %arg8[%dma_start3A_95, %dma_start3A_97, %dma_start3A_98] : memref<8x128x16xf32, #tpu.memory_space<vmem>> -> memref<1x128x16xf32, #tpu.memory_space<vmem>>
    %dma_start3A_100 = tpu.memref_squeeze %dma_start3A_99 : memref<1x128x16xf32, #tpu.memory_space<vmem>> -> memref<128x16xf32, #tpu.memory_space<vmem>>
    %dma_start3A_101 = arith.constant 0 : i32
    %dma_start3A_102 = tpu.memref_slice %arg6[%dma_start3A_94, %dma_start3A_101] : memref<80x128xi32, #tpu.memory_space<vmem>> -> memref<1x128xi32, #tpu.memory_space<vmem>>
    %dma_start3A_103 = tpu.memref_squeeze %dma_start3A_102 : memref<1x128xi32, #tpu.memory_space<vmem>> -> memref<128xi32, #tpu.memory_space<vmem>>
    %dma_start3A_104 = arith.constant 0 : i32
    %dma_start3A_105 = arith.constant 0 : i32
    %dma_start3A_106 = tpu.memref_slice %arg11[%dma_start3A_104, %dma_start3A_105] : memref<10240x16xf32, #tpu.memory_space<vmem_shared>> -> memref<10240x16xf32, #tpu.memory_space<vmem_shared>>
    %dma_start3A_107 = tpu.memref_slice %arg12[%dma_start3A_96] : memref<8x!tpu.dma_semaphore, #tpu.memory_space<semaphore_mem>> -> memref<1x!tpu.dma_semaphore, #tpu.memory_space<semaphore_mem>>
    %dma_start3A_108 = tpu.memref_squeeze %dma_start3A_107 : memref<1x!tpu.dma_semaphore, #tpu.memory_space<semaphore_mem>> -> memref<!tpu.dma_semaphore, #tpu.memory_space<semaphore_mem>>
    tpu.enqueue_indirect_dma source(%dma_start3A_106 : memref<10240x16xf32, #tpu.memory_space<vmem_shared>>) target(%dma_start3A_100 : memref<128x16xf32, #tpu.memory_space<vmem>>) offsets(%dma_start3A_103 : memref<128xi32, #tpu.memory_space<vmem>>) semaphore(%dma_start3A_108 : memref<!tpu.dma_semaphore, #tpu.memory_space<semaphore_mem>>)
    %dma_start3A_109 = arith.constant 4 : i32
    %dma_start3A_110 = arith.constant 4 : i32
    %dma_start3A_111 = arith.constant 4 : i32
    %dma_start3A_112 = arith.constant 0 : i32
    %dma_start3A_113 = arith.constant 0 : i32
    %dma_start3A_114 = tpu.memref_slice %arg8[%dma_start3A_110, %dma_start3A_112, %dma_start3A_113] : memref<8x128x16xf32, #tpu.memory_space<vmem>> -> memref<1x128x16xf32, #tpu.memory_space<vmem>>
    %dma_start3A_115 = tpu.memref_squeeze %dma_start3A_114 : memref<1x128x16xf32, #tpu.memory_space<vmem>> -> memref<128x16xf32, #tpu.memory_space<vmem>>
    %dma_start3A_116 = arith.constant 0 : i32
    %dma_start3A_117 = tpu.memref_slice %arg6[%dma_start3A_109, %dma_start3A_116] : memref<80x128xi32, #tpu.memory_space<vmem>> -> memref<1x128xi32, #tpu.memory_space<vmem>>
    %dma_start3A_118 = tpu.memref_squeeze %dma_start3A_117 : memref<1x128xi32, #tpu.memory_space<vmem>> -> memref<128xi32, #tpu.memory_space<vmem>>
    %dma_start3A_119 = arith.constant 0 : i32
    %dma_start3A_120 = arith.constant 0 : i32
    %dma_start3A_121 = tpu.memref_slice %arg11[%dma_start3A_119, %dma_start3A_120] : memref<10240x16xf32, #tpu.memory_space<vmem_shared>> -> memref<10240x16xf32, #tpu.memory_space<vmem_shared>>
    %dma_start3A_122 = tpu.memref_slice %arg12[%dma_start3A_111] : memref<8x!tpu.dma_semaphore, #tpu.memory_space<semaphore_mem>> -> memref<1x!tpu.dma_semaphore, #tpu.memory_space<semaphore_mem>>
    %dma_start3A_123 = tpu.memref_squeeze %dma_start3A_122 : memref<1x!tpu.dma_semaphore, #tpu.memory_space<semaphore_mem>> -> memref<!tpu.dma_semaphore, #tpu.memory_space<semaphore_mem>>
    tpu.enqueue_indirect_dma source(%dma_start3A_121 : memref<10240x16xf32, #tpu.memory_space<vmem_shared>>) target(%dma_start3A_115 : memref<128x16xf32, #tpu.memory_space<vmem>>) offsets(%dma_start3A_118 : memref<128xi32, #tpu.memory_space<vmem>>) semaphore(%dma_start3A_123 : memref<!tpu.dma_semaphore, #tpu.memory_space<semaphore_mem>>)
    %dma_start3A_124 = arith.constant 5 : i32
    %dma_start3A_125 = arith.constant 5 : i32
    %dma_start3A_126 = arith.constant 5 : i32
    %dma_start3A_127 = arith.constant 0 : i32
    %dma_start3A_128 = arith.constant 0 : i32
    %dma_start3A_129 = tpu.memref_slice %arg8[%dma_start3A_125, %dma_start3A_127, %dma_start3A_128] : memref<8x128x16xf32, #tpu.memory_space<vmem>> -> memref<1x128x16xf32, #tpu.memory_space<vmem>>
    %dma_start3A_130 = tpu.memref_squeeze %dma_start3A_129 : memref<1x128x16xf32, #tpu.memory_space<vmem>> -> memref<128x16xf32, #tpu.memory_space<vmem>>
    %dma_start3A_131 = arith.constant 0 : i32
    %dma_start3A_132 = tpu.memref_slice %arg6[%dma_start3A_124, %dma_start3A_131] : memref<80x128xi32, #tpu.memory_space<vmem>> -> memref<1x128xi32, #tpu.memory_space<vmem>>
    %dma_start3A_133 = tpu.memref_squeeze %dma_start3A_132 : memref<1x128xi32, #tpu.memory_space<vmem>> -> memref<128xi32, #tpu.memory_space<vmem>>
    %dma_start3A_134 = arith.constant 0 : i32
    %dma_start3A_135 = arith.constant 0 : i32
    %dma_start3A_136 = tpu.memref_slice %arg11[%dma_start3A_134, %dma_start3A_135] : memref<10240x16xf32, #tpu.memory_space<vmem_shared>> -> memref<10240x16xf32, #tpu.memory_space<vmem_shared>>
    %dma_start3A_137 = tpu.memref_slice %arg12[%dma_start3A_126] : memref<8x!tpu.dma_semaphore, #tpu.memory_space<semaphore_mem>> -> memref<1x!tpu.dma_semaphore, #tpu.memory_space<semaphore_mem>>
    %dma_start3A_138 = tpu.memref_squeeze %dma_start3A_137 : memref<1x!tpu.dma_semaphore, #tpu.memory_space<semaphore_mem>> -> memref<!tpu.dma_semaphore, #tpu.memory_space<semaphore_mem>>
    tpu.enqueue_indirect_dma source(%dma_start3A_136 : memref<10240x16xf32, #tpu.memory_space<vmem_shared>>) target(%dma_start3A_130 : memref<128x16xf32, #tpu.memory_space<vmem>>) offsets(%dma_start3A_133 : memref<128xi32, #tpu.memory_space<vmem>>) semaphore(%dma_start3A_138 : memref<!tpu.dma_semaphore, #tpu.memory_space<semaphore_mem>>)
    %dma_start3A_139 = arith.constant 6 : i32
    %dma_start3A_140 = arith.constant 6 : i32
    %dma_start3A_141 = arith.constant 6 : i32
    %dma_start3A_142 = arith.constant 0 : i32
    %dma_start3A_143 = arith.constant 0 : i32
    %dma_start3A_144 = tpu.memref_slice %arg8[%dma_start3A_140, %dma_start3A_142, %dma_start3A_143] : memref<8x128x16xf32, #tpu.memory_space<vmem>> -> memref<1x128x16xf32, #tpu.memory_space<vmem>>
    %dma_start3A_145 = tpu.memref_squeeze %dma_start3A_144 : memref<1x128x16xf32, #tpu.memory_space<vmem>> -> memref<128x16xf32, #tpu.memory_space<vmem>>
    %dma_start3A_146 = arith.constant 0 : i32
    %dma_start3A_147 = tpu.memref_slice %arg6[%dma_start3A_139, %dma_start3A_146] : memref<80x128xi32, #tpu.memory_space<vmem>> -> memref<1x128xi32, #tpu.memory_space<vmem>>
    %dma_start3A_148 = tpu.memref_squeeze %dma_start3A_147 : memref<1x128xi32, #tpu.memory_space<vmem>> -> memref<128xi32, #tpu.memory_space<vmem>>
    %dma_start3A_149 = arith.constant 0 : i32
    %dma_start3A_150 = arith.constant 0 : i32
    %dma_start3A_151 = tpu.memref_slice %arg11[%dma_start3A_149, %dma_start3A_150] : memref<10240x16xf32, #tpu.memory_space<vmem_shared>> -> memref<10240x16xf32, #tpu.memory_space<vmem_shared>>
    %dma_start3A_152 = tpu.memref_slice %arg12[%dma_start3A_141] : memref<8x!tpu.dma_semaphore, #tpu.memory_space<semaphore_mem>> -> memref<1x!tpu.dma_semaphore, #tpu.memory_space<semaphore_mem>>
    %dma_start3A_153 = tpu.memref_squeeze %dma_start3A_152 : memref<1x!tpu.dma_semaphore, #tpu.memory_space<semaphore_mem>> -> memref<!tpu.dma_semaphore, #tpu.memory_space<semaphore_mem>>
    tpu.enqueue_indirect_dma source(%dma_start3A_151 : memref<10240x16xf32, #tpu.memory_space<vmem_shared>>) target(%dma_start3A_145 : memref<128x16xf32, #tpu.memory_space<vmem>>) offsets(%dma_start3A_148 : memref<128xi32, #tpu.memory_space<vmem>>) semaphore(%dma_start3A_153 : memref<!tpu.dma_semaphore, #tpu.memory_space<semaphore_mem>>)
    %dma_start3A_154 = arith.constant 7 : i32
    %dma_start3A_155 = arith.constant 7 : i32
    %dma_start3A_156 = arith.constant 7 : i32
    %dma_start3A_157 = arith.constant 0 : i32
    %dma_start3A_158 = arith.constant 0 : i32
    %dma_start3A_159 = tpu.memref_slice %arg8[%dma_start3A_155, %dma_start3A_157, %dma_start3A_158] : memref<8x128x16xf32, #tpu.memory_space<vmem>> -> memref<1x128x16xf32, #tpu.memory_space<vmem>>
    %dma_start3A_160 = tpu.memref_squeeze %dma_start3A_159 : memref<1x128x16xf32, #tpu.memory_space<vmem>> -> memref<128x16xf32, #tpu.memory_space<vmem>>
    %dma_start3A_161 = arith.constant 0 : i32
    %dma_start3A_162 = tpu.memref_slice %arg6[%dma_start3A_154, %dma_start3A_161] : memref<80x128xi32, #tpu.memory_space<vmem>> -> memref<1x128xi32, #tpu.memory_space<vmem>>
    %dma_start3A_163 = tpu.memref_squeeze %dma_start3A_162 : memref<1x128xi32, #tpu.memory_space<vmem>> -> memref<128xi32, #tpu.memory_space<vmem>>
    %dma_start3A_164 = arith.constant 0 : i32
    %dma_start3A_165 = arith.constant 0 : i32
    %dma_start3A_166 = tpu.memref_slice %arg11[%dma_start3A_164, %dma_start3A_165] : memref<10240x16xf32, #tpu.memory_space<vmem_shared>> -> memref<10240x16xf32, #tpu.memory_space<vmem_shared>>
    %dma_start3A_167 = tpu.memref_slice %arg12[%dma_start3A_156] : memref<8x!tpu.dma_semaphore, #tpu.memory_space<semaphore_mem>> -> memref<1x!tpu.dma_semaphore, #tpu.memory_space<semaphore_mem>>
    %dma_start3A_168 = tpu.memref_squeeze %dma_start3A_167 : memref<1x!tpu.dma_semaphore, #tpu.memory_space<semaphore_mem>> -> memref<!tpu.dma_semaphore, #tpu.memory_space<semaphore_mem>>
    tpu.enqueue_indirect_dma source(%dma_start3A_166 : memref<10240x16xf32, #tpu.memory_space<vmem_shared>>) target(%dma_start3A_160 : memref<128x16xf32, #tpu.memory_space<vmem>>) offsets(%dma_start3A_163 : memref<128xi32, #tpu.memory_space<vmem>>) semaphore(%dma_start3A_168 : memref<!tpu.dma_semaphore, #tpu.memory_space<semaphore_mem>>)
    %scan3A_169 = arith.constant 0 : i32
    %scan3A_170 = arith.constant 0 : i32
    %scan3A_171 = arith.constant 9 : i32
    %scan3A_172 = arith.addi %scan3A_170, %scan3A_171 : i32
    %scan3A_173 = arith.constant 1 : i32
    scf.for %scan3A_540 = %scan3A_170 to %scan3A_172 step %scan3A_173  : i32 {
      %mul3A_541 = arith.constant 8 : i32
      %mul3A_542 = arith.muli %scan3A_540, %mul3A_541 : i32
      %add3A_543 = arith.constant 0 : i32
      %add3A_544 = arith.addi %mul3A_542, %add3A_543 : i32
      %dma_wait3A_545 = arith.constant 0 : i32
      %dma_wait3A_546 = arith.constant 0 : i32
      %dma_wait3A_547 = arith.constant 0 : i32
      %dma_wait3A_548 = arith.constant 0 : i32
      %dma_wait3A_549 = tpu.memref_slice %arg8[%dma_wait3A_545, %dma_wait3A_547, %dma_wait3A_548] : memref<8x128x16xf32, #tpu.memory_space<vmem>> -> memref<1x128x16xf32, #tpu.memory_space<vmem>>
      %dma_wait3A_550 = tpu.memref_squeeze %dma_wait3A_549 : memref<1x128x16xf32, #tpu.memory_space<vmem>> -> memref<128x16xf32, #tpu.memory_space<vmem>>
      %dma_wait3A_551 = arith.constant 0 : i32
      %dma_wait3A_552 = tpu.memref_slice %arg6[%add3A_544, %dma_wait3A_551] : memref<80x128xi32, #tpu.memory_space<vmem>> -> memref<1x128xi32, #tpu.memory_space<vmem>>
      %dma_wait3A_553 = tpu.memref_squeeze %dma_wait3A_552 : memref<1x128xi32, #tpu.memory_space<vmem>> -> memref<128xi32, #tpu.memory_space<vmem>>
      %dma_wait3A_554 = arith.constant 0 : i32
      %dma_wait3A_555 = arith.constant 0 : i32
      %dma_wait3A_556 = tpu.memref_slice %arg11[%dma_wait3A_554, %dma_wait3A_555] : memref<10240x16xf32, #tpu.memory_space<vmem_shared>> -> memref<10240x16xf32, #tpu.memory_space<vmem_shared>>
      %dma_wait3A_557 = tpu.memref_slice %arg12[%dma_wait3A_546] : memref<8x!tpu.dma_semaphore, #tpu.memory_space<semaphore_mem>> -> memref<1x!tpu.dma_semaphore, #tpu.memory_space<semaphore_mem>>
      %dma_wait3A_558 = tpu.memref_squeeze %dma_wait3A_557 : memref<1x!tpu.dma_semaphore, #tpu.memory_space<semaphore_mem>> -> memref<!tpu.dma_semaphore, #tpu.memory_space<semaphore_mem>>
      tpu.wait_indirect_dma semaphore(%dma_wait3A_558 : memref<!tpu.dma_semaphore, #tpu.memory_space<semaphore_mem>>) src(%dma_wait3A_556 : memref<10240x16xf32, #tpu.memory_space<vmem_shared>>) dst(%dma_wait3A_550 : memref<128x16xf32, #tpu.memory_space<vmem>>)
      %add3A_559 = arith.constant 0 : i32
      %add3A_560 = arith.addi %mul3A_542, %add3A_559 : i32
      %dma_start3A_561 = arith.constant 0 : i32
      %dma_start3A_562 = arith.constant 0 : i32
      %dma_start3A_563 = arith.constant 0 : i32
      %dma_start3A_564 = arith.constant 0 : i32
      %dma_start3A_565 = tpu.memref_slice %arg8[%dma_start3A_561, %dma_start3A_563, %dma_start3A_564] : memref<8x128x16xf32, #tpu.memory_space<vmem>> -> memref<1x128x16xf32, #tpu.memory_space<vmem>>
      %dma_start3A_566 = tpu.memref_squeeze %dma_start3A_565 : memref<1x128x16xf32, #tpu.memory_space<vmem>> -> memref<128x16xf32, #tpu.memory_space<vmem>>
      %dma_start3A_567 = arith.constant 0 : i32
      %dma_start3A_568 = tpu.memref_slice %arg7[%add3A_560, %dma_start3A_567] : memref<80x128xi32, #tpu.memory_space<vmem>> -> memref<1x128xi32, #tpu.memory_space<vmem>>
      %dma_start3A_569 = tpu.memref_squeeze %dma_start3A_568 : memref<1x128xi32, #tpu.memory_space<vmem>> -> memref<128xi32, #tpu.memory_space<vmem>>
      %dma_start3A_570 = arith.constant 0 : i32
      %dma_start3A_571 = arith.constant 0 : i32
      %dma_start3A_572 = tpu.memref_slice %arg10[%dma_start3A_570, %dma_start3A_571] : memref<10240x16xf32, #tpu.memory_space<vmem_shared>> -> memref<10240x16xf32, #tpu.memory_space<vmem_shared>>
      %dma_start3A_573 = tpu.memref_slice %arg13[%dma_start3A_562] : memref<8x!tpu.dma_semaphore, #tpu.memory_space<semaphore_mem>> -> memref<1x!tpu.dma_semaphore, #tpu.memory_space<semaphore_mem>>
      %dma_start3A_574 = tpu.memref_squeeze %dma_start3A_573 : memref<1x!tpu.dma_semaphore, #tpu.memory_space<semaphore_mem>> -> memref<!tpu.dma_semaphore, #tpu.memory_space<semaphore_mem>>
      tpu.enqueue_indirect_dma source(%dma_start3A_566 : memref<128x16xf32, #tpu.memory_space<vmem>>) target(%dma_start3A_572 : memref<10240x16xf32, #tpu.memory_space<vmem_shared>>) offsets(%dma_start3A_569 : memref<128xi32, #tpu.memory_space<vmem>>) semaphore(%dma_start3A_574 : memref<!tpu.dma_semaphore, #tpu.memory_space<semaphore_mem>>) {add = true}
      %add3A_575 = arith.constant 1 : i32
      %add3A_576 = arith.addi %mul3A_542, %add3A_575 : i32
      %dma_wait3A_577 = arith.constant 1 : i32
      %dma_wait3A_578 = arith.constant 1 : i32
      %dma_wait3A_579 = arith.constant 0 : i32
      %dma_wait3A_580 = arith.constant 0 : i32
      %dma_wait3A_581 = tpu.memref_slice %arg8[%dma_wait3A_577, %dma_wait3A_579, %dma_wait3A_580] : memref<8x128x16xf32, #tpu.memory_space<vmem>> -> memref<1x128x16xf32, #tpu.memory_space<vmem>>
      %dma_wait3A_582 = tpu.memref_squeeze %dma_wait3A_581 : memref<1x128x16xf32, #tpu.memory_space<vmem>> -> memref<128x16xf32, #tpu.memory_space<vmem>>
      %dma_wait3A_583 = arith.constant 0 : i32
      %dma_wait3A_584 = tpu.memref_slice %arg6[%add3A_576, %dma_wait3A_583] : memref<80x128xi32, #tpu.memory_space<vmem>> -> memref<1x128xi32, #tpu.memory_space<vmem>>
      %dma_wait3A_585 = tpu.memref_squeeze %dma_wait3A_584 : memref<1x128xi32, #tpu.memory_space<vmem>> -> memref<128xi32, #tpu.memory_space<vmem>>
      %dma_wait3A_586 = arith.constant 0 : i32
      %dma_wait3A_587 = arith.constant 0 : i32
      %dma_wait3A_588 = tpu.memref_slice %arg11[%dma_wait3A_586, %dma_wait3A_587] : memref<10240x16xf32, #tpu.memory_space<vmem_shared>> -> memref<10240x16xf32, #tpu.memory_space<vmem_shared>>
      %dma_wait3A_589 = tpu.memref_slice %arg12[%dma_wait3A_578] : memref<8x!tpu.dma_semaphore, #tpu.memory_space<semaphore_mem>> -> memref<1x!tpu.dma_semaphore, #tpu.memory_space<semaphore_mem>>
      %dma_wait3A_590 = tpu.memref_squeeze %dma_wait3A_589 : memref<1x!tpu.dma_semaphore, #tpu.memory_space<semaphore_mem>> -> memref<!tpu.dma_semaphore, #tpu.memory_space<semaphore_mem>>
      tpu.wait_indirect_dma semaphore(%dma_wait3A_590 : memref<!tpu.dma_semaphore, #tpu.memory_space<semaphore_mem>>) src(%dma_wait3A_588 : memref<10240x16xf32, #tpu.memory_space<vmem_shared>>) dst(%dma_wait3A_582 : memref<128x16xf32, #tpu.memory_space<vmem>>)
      %add3A_591 = arith.constant 1 : i32
      %add3A_592 = arith.addi %mul3A_542, %add3A_591 : i32
      %dma_start3A_593 = arith.constant 1 : i32
      %dma_start3A_594 = arith.constant 1 : i32
      %dma_start3A_595 = arith.constant 0 : i32
      %dma_start3A_596 = arith.constant 0 : i32
      %dma_start3A_597 = tpu.memref_slice %arg8[%dma_start3A_593, %dma_start3A_595, %dma_start3A_596] : memref<8x128x16xf32, #tpu.memory_space<vmem>> -> memref<1x128x16xf32, #tpu.memory_space<vmem>>
      %dma_start3A_598 = tpu.memref_squeeze %dma_start3A_597 : memref<1x128x16xf32, #tpu.memory_space<vmem>> -> memref<128x16xf32, #tpu.memory_space<vmem>>
      %dma_start3A_599 = arith.constant 0 : i32
      %dma_start3A_600 = tpu.memref_slice %arg7[%add3A_592, %dma_start3A_599] : memref<80x128xi32, #tpu.memory_space<vmem>> -> memref<1x128xi32, #tpu.memory_space<vmem>>
      %dma_start3A_601 = tpu.memref_squeeze %dma_start3A_600 : memref<1x128xi32, #tpu.memory_space<vmem>> -> memref<128xi32, #tpu.memory_space<vmem>>
      %dma_start3A_602 = arith.constant 0 : i32
      %dma_start3A_603 = arith.constant 0 : i32
      %dma_start3A_604 = tpu.memref_slice %arg10[%dma_start3A_602, %dma_start3A_603] : memref<10240x16xf32, #tpu.memory_space<vmem_shared>> -> memref<10240x16xf32, #tpu.memory_space<vmem_shared>>
      %dma_start3A_605 = tpu.memref_slice %arg13[%dma_start3A_594] : memref<8x!tpu.dma_semaphore, #tpu.memory_space<semaphore_mem>> -> memref<1x!tpu.dma_semaphore, #tpu.memory_space<semaphore_mem>>
      %dma_start3A_606 = tpu.memref_squeeze %dma_start3A_605 : memref<1x!tpu.dma_semaphore, #tpu.memory_space<semaphore_mem>> -> memref<!tpu.dma_semaphore, #tpu.memory_space<semaphore_mem>>
      tpu.enqueue_indirect_dma source(%dma_start3A_598 : memref<128x16xf32, #tpu.memory_space<vmem>>) target(%dma_start3A_604 : memref<10240x16xf32, #tpu.memory_space<vmem_shared>>) offsets(%dma_start3A_601 : memref<128xi32, #tpu.memory_space<vmem>>) semaphore(%dma_start3A_606 : memref<!tpu.dma_semaphore, #tpu.memory_space<semaphore_mem>>) {add = true}
      %add3A_607 = arith.constant 2 : i32
      %add3A_608 = arith.addi %mul3A_542, %add3A_607 : i32
      %dma_wait3A_609 = arith.constant 2 : i32
      %dma_wait3A_610 = arith.constant 2 : i32
      %dma_wait3A_611 = arith.constant 0 : i32
      %dma_wait3A_612 = arith.constant 0 : i32
      %dma_wait3A_613 = tpu.memref_slice %arg8[%dma_wait3A_609, %dma_wait3A_611, %dma_wait3A_612] : memref<8x128x16xf32, #tpu.memory_space<vmem>> -> memref<1x128x16xf32, #tpu.memory_space<vmem>>
      %dma_wait3A_614 = tpu.memref_squeeze %dma_wait3A_613 : memref<1x128x16xf32, #tpu.memory_space<vmem>> -> memref<128x16xf32, #tpu.memory_space<vmem>>
      %dma_wait3A_615 = arith.constant 0 : i32
      %dma_wait3A_616 = tpu.memref_slice %arg6[%add3A_608, %dma_wait3A_615] : memref<80x128xi32, #tpu.memory_space<vmem>> -> memref<1x128xi32, #tpu.memory_space<vmem>>
      %dma_wait3A_617 = tpu.memref_squeeze %dma_wait3A_616 : memref<1x128xi32, #tpu.memory_space<vmem>> -> memref<128xi32, #tpu.memory_space<vmem>>
      %dma_wait3A_618 = arith.constant 0 : i32
      %dma_wait3A_619 = arith.constant 0 : i32
      %dma_wait3A_620 = tpu.memref_slice %arg11[%dma_wait3A_618, %dma_wait3A_619] : memref<10240x16xf32, #tpu.memory_space<vmem_shared>> -> memref<10240x16xf32, #tpu.memory_space<vmem_shared>>
      %dma_wait3A_621 = tpu.memref_slice %arg12[%dma_wait3A_610] : memref<8x!tpu.dma_semaphore, #tpu.memory_space<semaphore_mem>> -> memref<1x!tpu.dma_semaphore, #tpu.memory_space<semaphore_mem>>
      %dma_wait3A_622 = tpu.memref_squeeze %dma_wait3A_621 : memref<1x!tpu.dma_semaphore, #tpu.memory_space<semaphore_mem>> -> memref<!tpu.dma_semaphore, #tpu.memory_space<semaphore_mem>>
      tpu.wait_indirect_dma semaphore(%dma_wait3A_622 : memref<!tpu.dma_semaphore, #tpu.memory_space<semaphore_mem>>) src(%dma_wait3A_620 : memref<10240x16xf32, #tpu.memory_space<vmem_shared>>) dst(%dma_wait3A_614 : memref<128x16xf32, #tpu.memory_space<vmem>>)
      %add3A_623 = arith.constant 2 : i32
      %add3A_624 = arith.addi %mul3A_542, %add3A_623 : i32
      %dma_start3A_625 = arith.constant 2 : i32
      %dma_start3A_626 = arith.constant 2 : i32
      %dma_start3A_627 = arith.constant 0 : i32
      %dma_start3A_628 = arith.constant 0 : i32
      %dma_start3A_629 = tpu.memref_slice %arg8[%dma_start3A_625, %dma_start3A_627, %dma_start3A_628] : memref<8x128x16xf32, #tpu.memory_space<vmem>> -> memref<1x128x16xf32, #tpu.memory_space<vmem>>
      %dma_start3A_630 = tpu.memref_squeeze %dma_start3A_629 : memref<1x128x16xf32, #tpu.memory_space<vmem>> -> memref<128x16xf32, #tpu.memory_space<vmem>>
      %dma_start3A_631 = arith.constant 0 : i32
      %dma_start3A_632 = tpu.memref_slice %arg7[%add3A_624, %dma_start3A_631] : memref<80x128xi32, #tpu.memory_space<vmem>> -> memref<1x128xi32, #tpu.memory_space<vmem>>
      %dma_start3A_633 = tpu.memref_squeeze %dma_start3A_632 : memref<1x128xi32, #tpu.memory_space<vmem>> -> memref<128xi32, #tpu.memory_space<vmem>>
      %dma_start3A_634 = arith.constant 0 : i32
      %dma_start3A_635 = arith.constant 0 : i32
      %dma_start3A_636 = tpu.memref_slice %arg10[%dma_start3A_634, %dma_start3A_635] : memref<10240x16xf32, #tpu.memory_space<vmem_shared>> -> memref<10240x16xf32, #tpu.memory_space<vmem_shared>>
      %dma_start3A_637 = tpu.memref_slice %arg13[%dma_start3A_626] : memref<8x!tpu.dma_semaphore, #tpu.memory_space<semaphore_mem>> -> memref<1x!tpu.dma_semaphore, #tpu.memory_space<semaphore_mem>>
      %dma_start3A_638 = tpu.memref_squeeze %dma_start3A_637 : memref<1x!tpu.dma_semaphore, #tpu.memory_space<semaphore_mem>> -> memref<!tpu.dma_semaphore, #tpu.memory_space<semaphore_mem>>
      tpu.enqueue_indirect_dma source(%dma_start3A_630 : memref<128x16xf32, #tpu.memory_space<vmem>>) target(%dma_start3A_636 : memref<10240x16xf32, #tpu.memory_space<vmem_shared>>) offsets(%dma_start3A_633 : memref<128xi32, #tpu.memory_space<vmem>>) semaphore(%dma_start3A_638 : memref<!tpu.dma_semaphore, #tpu.memory_space<semaphore_mem>>) {add = true}
      %add3A_639 = arith.constant 3 : i32
      %add3A_640 = arith.addi %mul3A_542, %add3A_639 : i32
      %dma_wait3A_641 = arith.constant 3 : i32
      %dma_wait3A_642 = arith.constant 3 : i32
      %dma_wait3A_643 = arith.constant 0 : i32
      %dma_wait3A_644 = arith.constant 0 : i32
      %dma_wait3A_645 = tpu.memref_slice %arg8[%dma_wait3A_641, %dma_wait3A_643, %dma_wait3A_644] : memref<8x128x16xf32, #tpu.memory_space<vmem>> -> memref<1x128x16xf32, #tpu.memory_space<vmem>>
      %dma_wait3A_646 = tpu.memref_squeeze %dma_wait3A_645 : memref<1x128x16xf32, #tpu.memory_space<vmem>> -> memref<128x16xf32, #tpu.memory_space<vmem>>
      %dma_wait3A_647 = arith.constant 0 : i32
      %dma_wait3A_648 = tpu.memref_slice %arg6[%add3A_640, %dma_wait3A_647] : memref<80x128xi32, #tpu.memory_space<vmem>> -> memref<1x128xi32, #tpu.memory_space<vmem>>
      %dma_wait3A_649 = tpu.memref_squeeze %dma_wait3A_648 : memref<1x128xi32, #tpu.memory_space<vmem>> -> memref<128xi32, #tpu.memory_space<vmem>>
      %dma_wait3A_650 = arith.constant 0 : i32
      %dma_wait3A_651 = arith.constant 0 : i32
      %dma_wait3A_652 = tpu.memref_slice %arg11[%dma_wait3A_650, %dma_wait3A_651] : memref<10240x16xf32, #tpu.memory_space<vmem_shared>> -> memref<10240x16xf32, #tpu.memory_space<vmem_shared>>
      %dma_wait3A_653 = tpu.memref_slice %arg12[%dma_wait3A_642] : memref<8x!tpu.dma_semaphore, #tpu.memory_space<semaphore_mem>> -> memref<1x!tpu.dma_semaphore, #tpu.memory_space<semaphore_mem>>
      %dma_wait3A_654 = tpu.memref_squeeze %dma_wait3A_653 : memref<1x!tpu.dma_semaphore, #tpu.memory_space<semaphore_mem>> -> memref<!tpu.dma_semaphore, #tpu.memory_space<semaphore_mem>>
      tpu.wait_indirect_dma semaphore(%dma_wait3A_654 : memref<!tpu.dma_semaphore, #tpu.memory_space<semaphore_mem>>) src(%dma_wait3A_652 : memref<10240x16xf32, #tpu.memory_space<vmem_shared>>) dst(%dma_wait3A_646 : memref<128x16xf32, #tpu.memory_space<vmem>>)
      %add3A_655 = arith.constant 3 : i32
      %add3A_656 = arith.addi %mul3A_542, %add3A_655 : i32
      %dma_start3A_657 = arith.constant 3 : i32
      %dma_start3A_658 = arith.constant 3 : i32
      %dma_start3A_659 = arith.constant 0 : i32
      %dma_start3A_660 = arith.constant 0 : i32
      %dma_start3A_661 = tpu.memref_slice %arg8[%dma_start3A_657, %dma_start3A_659, %dma_start3A_660] : memref<8x128x16xf32, #tpu.memory_space<vmem>> -> memref<1x128x16xf32, #tpu.memory_space<vmem>>
      %dma_start3A_662 = tpu.memref_squeeze %dma_start3A_661 : memref<1x128x16xf32, #tpu.memory_space<vmem>> -> memref<128x16xf32, #tpu.memory_space<vmem>>
      %dma_start3A_663 = arith.constant 0 : i32
      %dma_start3A_664 = tpu.memref_slice %arg7[%add3A_656, %dma_start3A_663] : memref<80x128xi32, #tpu.memory_space<vmem>> -> memref<1x128xi32, #tpu.memory_space<vmem>>
      %dma_start3A_665 = tpu.memref_squeeze %dma_start3A_664 : memref<1x128xi32, #tpu.memory_space<vmem>> -> memref<128xi32, #tpu.memory_space<vmem>>
      %dma_start3A_666 = arith.constant 0 : i32
      %dma_start3A_667 = arith.constant 0 : i32
      %dma_start3A_668 = tpu.memref_slice %arg10[%dma_start3A_666, %dma_start3A_667] : memref<10240x16xf32, #tpu.memory_space<vmem_shared>> -> memref<10240x16xf32, #tpu.memory_space<vmem_shared>>
      %dma_start3A_669 = tpu.memref_slice %arg13[%dma_start3A_658] : memref<8x!tpu.dma_semaphore, #tpu.memory_space<semaphore_mem>> -> memref<1x!tpu.dma_semaphore, #tpu.memory_space<semaphore_mem>>
      %dma_start3A_670 = tpu.memref_squeeze %dma_start3A_669 : memref<1x!tpu.dma_semaphore, #tpu.memory_space<semaphore_mem>> -> memref<!tpu.dma_semaphore, #tpu.memory_space<semaphore_mem>>
      tpu.enqueue_indirect_dma source(%dma_start3A_662 : memref<128x16xf32, #tpu.memory_space<vmem>>) target(%dma_start3A_668 : memref<10240x16xf32, #tpu.memory_space<vmem_shared>>) offsets(%dma_start3A_665 : memref<128xi32, #tpu.memory_space<vmem>>) semaphore(%dma_start3A_670 : memref<!tpu.dma_semaphore, #tpu.memory_space<semaphore_mem>>) {add = true}
      %add3A_671 = arith.constant 4 : i32
      %add3A_672 = arith.addi %mul3A_542, %add3A_671 : i32
      %dma_wait3A_673 = arith.constant 4 : i32
      %dma_wait3A_674 = arith.constant 4 : i32
      %dma_wait3A_675 = arith.constant 0 : i32
      %dma_wait3A_676 = arith.constant 0 : i32
      %dma_wait3A_677 = tpu.memref_slice %arg8[%dma_wait3A_673, %dma_wait3A_675, %dma_wait3A_676] : memref<8x128x16xf32, #tpu.memory_space<vmem>> -> memref<1x128x16xf32, #tpu.memory_space<vmem>>
      %dma_wait3A_678 = tpu.memref_squeeze %dma_wait3A_677 : memref<1x128x16xf32, #tpu.memory_space<vmem>> -> memref<128x16xf32, #tpu.memory_space<vmem>>
      %dma_wait3A_679 = arith.constant 0 : i32
      %dma_wait3A_680 = tpu.memref_slice %arg6[%add3A_672, %dma_wait3A_679] : memref<80x128xi32, #tpu.memory_space<vmem>> -> memref<1x128xi32, #tpu.memory_space<vmem>>
      %dma_wait3A_681 = tpu.memref_squeeze %dma_wait3A_680 : memref<1x128xi32, #tpu.memory_space<vmem>> -> memref<128xi32, #tpu.memory_space<vmem>>
      %dma_wait3A_682 = arith.constant 0 : i32
      %dma_wait3A_683 = arith.constant 0 : i32
      %dma_wait3A_684 = tpu.memref_slice %arg11[%dma_wait3A_682, %dma_wait3A_683] : memref<10240x16xf32, #tpu.memory_space<vmem_shared>> -> memref<10240x16xf32, #tpu.memory_space<vmem_shared>>
      %dma_wait3A_685 = tpu.memref_slice %arg12[%dma_wait3A_674] : memref<8x!tpu.dma_semaphore, #tpu.memory_space<semaphore_mem>> -> memref<1x!tpu.dma_semaphore, #tpu.memory_space<semaphore_mem>>
      %dma_wait3A_686 = tpu.memref_squeeze %dma_wait3A_685 : memref<1x!tpu.dma_semaphore, #tpu.memory_space<semaphore_mem>> -> memref<!tpu.dma_semaphore, #tpu.memory_space<semaphore_mem>>
      tpu.wait_indirect_dma semaphore(%dma_wait3A_686 : memref<!tpu.dma_semaphore, #tpu.memory_space<semaphore_mem>>) src(%dma_wait3A_684 : memref<10240x16xf32, #tpu.memory_space<vmem_shared>>) dst(%dma_wait3A_678 : memref<128x16xf32, #tpu.memory_space<vmem>>)
      %add3A_687 = arith.constant 4 : i32
      %add3A_688 = arith.addi %mul3A_542, %add3A_687 : i32
      %dma_start3A_689 = arith.constant 4 : i32
      %dma_start3A_690 = arith.constant 4 : i32
      %dma_start3A_691 = arith.constant 0 : i32
      %dma_start3A_692 = arith.constant 0 : i32
      %dma_start3A_693 = tpu.memref_slice %arg8[%dma_start3A_689, %dma_start3A_691, %dma_start3A_692] : memref<8x128x16xf32, #tpu.memory_space<vmem>> -> memref<1x128x16xf32, #tpu.memory_space<vmem>>
      %dma_start3A_694 = tpu.memref_squeeze %dma_start3A_693 : memref<1x128x16xf32, #tpu.memory_space<vmem>> -> memref<128x16xf32, #tpu.memory_space<vmem>>
      %dma_start3A_695 = arith.constant 0 : i32
      %dma_start3A_696 = tpu.memref_slice %arg7[%add3A_688, %dma_start3A_695] : memref<80x128xi32, #tpu.memory_space<vmem>> -> memref<1x128xi32, #tpu.memory_space<vmem>>
      %dma_start3A_697 = tpu.memref_squeeze %dma_start3A_696 : memref<1x128xi32, #tpu.memory_space<vmem>> -> memref<128xi32, #tpu.memory_space<vmem>>
      %dma_start3A_698 = arith.constant 0 : i32
      %dma_start3A_699 = arith.constant 0 : i32
      %dma_start3A_700 = tpu.memref_slice %arg10[%dma_start3A_698, %dma_start3A_699] : memref<10240x16xf32, #tpu.memory_space<vmem_shared>> -> memref<10240x16xf32, #tpu.memory_space<vmem_shared>>
      %dma_start3A_701 = tpu.memref_slice %arg13[%dma_start3A_690] : memref<8x!tpu.dma_semaphore, #tpu.memory_space<semaphore_mem>> -> memref<1x!tpu.dma_semaphore, #tpu.memory_space<semaphore_mem>>
      %dma_start3A_702 = tpu.memref_squeeze %dma_start3A_701 : memref<1x!tpu.dma_semaphore, #tpu.memory_space<semaphore_mem>> -> memref<!tpu.dma_semaphore, #tpu.memory_space<semaphore_mem>>
      tpu.enqueue_indirect_dma source(%dma_start3A_694 : memref<128x16xf32, #tpu.memory_space<vmem>>) target(%dma_start3A_700 : memref<10240x16xf32, #tpu.memory_space<vmem_shared>>) offsets(%dma_start3A_697 : memref<128xi32, #tpu.memory_space<vmem>>) semaphore(%dma_start3A_702 : memref<!tpu.dma_semaphore, #tpu.memory_space<semaphore_mem>>) {add = true}
      %add3A_703 = arith.constant 5 : i32
      %add3A_704 = arith.addi %mul3A_542, %add3A_703 : i32
      %dma_wait3A_705 = arith.constant 5 : i32
      %dma_wait3A_706 = arith.constant 5 : i32
      %dma_wait3A_707 = arith.constant 0 : i32
      %dma_wait3A_708 = arith.constant 0 : i32
      %dma_wait3A_709 = tpu.memref_slice %arg8[%dma_wait3A_705, %dma_wait3A_707, %dma_wait3A_708] : memref<8x128x16xf32, #tpu.memory_space<vmem>> -> memref<1x128x16xf32, #tpu.memory_space<vmem>>
      %dma_wait3A_710 = tpu.memref_squeeze %dma_wait3A_709 : memref<1x128x16xf32, #tpu.memory_space<vmem>> -> memref<128x16xf32, #tpu.memory_space<vmem>>
      %dma_wait3A_711 = arith.constant 0 : i32
      %dma_wait3A_712 = tpu.memref_slice %arg6[%add3A_704, %dma_wait3A_711] : memref<80x128xi32, #tpu.memory_space<vmem>> -> memref<1x128xi32, #tpu.memory_space<vmem>>
      %dma_wait3A_713 = tpu.memref_squeeze %dma_wait3A_712 : memref<1x128xi32, #tpu.memory_space<vmem>> -> memref<128xi32, #tpu.memory_space<vmem>>
      %dma_wait3A_714 = arith.constant 0 : i32
      %dma_wait3A_715 = arith.constant 0 : i32
      %dma_wait3A_716 = tpu.memref_slice %arg11[%dma_wait3A_714, %dma_wait3A_715] : memref<10240x16xf32, #tpu.memory_space<vmem_shared>> -> memref<10240x16xf32, #tpu.memory_space<vmem_shared>>
      %dma_wait3A_717 = tpu.memref_slice %arg12[%dma_wait3A_706] : memref<8x!tpu.dma_semaphore, #tpu.memory_space<semaphore_mem>> -> memref<1x!tpu.dma_semaphore, #tpu.memory_space<semaphore_mem>>
      %dma_wait3A_718 = tpu.memref_squeeze %dma_wait3A_717 : memref<1x!tpu.dma_semaphore, #tpu.memory_space<semaphore_mem>> -> memref<!tpu.dma_semaphore, #tpu.memory_space<semaphore_mem>>
      tpu.wait_indirect_dma semaphore(%dma_wait3A_718 : memref<!tpu.dma_semaphore, #tpu.memory_space<semaphore_mem>>) src(%dma_wait3A_716 : memref<10240x16xf32, #tpu.memory_space<vmem_shared>>) dst(%dma_wait3A_710 : memref<128x16xf32, #tpu.memory_space<vmem>>)
      %add3A_719 = arith.constant 5 : i32
      %add3A_720 = arith.addi %mul3A_542, %add3A_719 : i32
      %dma_start3A_721 = arith.constant 5 : i32
      %dma_start3A_722 = arith.constant 5 : i32
      %dma_start3A_723 = arith.constant 0 : i32
      %dma_start3A_724 = arith.constant 0 : i32
      %dma_start3A_725 = tpu.memref_slice %arg8[%dma_start3A_721, %dma_start3A_723, %dma_start3A_724] : memref<8x128x16xf32, #tpu.memory_space<vmem>> -> memref<1x128x16xf32, #tpu.memory_space<vmem>>
      %dma_start3A_726 = tpu.memref_squeeze %dma_start3A_725 : memref<1x128x16xf32, #tpu.memory_space<vmem>> -> memref<128x16xf32, #tpu.memory_space<vmem>>
      %dma_start3A_727 = arith.constant 0 : i32
      %dma_start3A_728 = tpu.memref_slice %arg7[%add3A_720, %dma_start3A_727] : memref<80x128xi32, #tpu.memory_space<vmem>> -> memref<1x128xi32, #tpu.memory_space<vmem>>
      %dma_start3A_729 = tpu.memref_squeeze %dma_start3A_728 : memref<1x128xi32, #tpu.memory_space<vmem>> -> memref<128xi32, #tpu.memory_space<vmem>>
      %dma_start3A_730 = arith.constant 0 : i32
      %dma_start3A_731 = arith.constant 0 : i32
      %dma_start3A_732 = tpu.memref_slice %arg10[%dma_start3A_730, %dma_start3A_731] : memref<10240x16xf32, #tpu.memory_space<vmem_shared>> -> memref<10240x16xf32, #tpu.memory_space<vmem_shared>>
      %dma_start3A_733 = tpu.memref_slice %arg13[%dma_start3A_722] : memref<8x!tpu.dma_semaphore, #tpu.memory_space<semaphore_mem>> -> memref<1x!tpu.dma_semaphore, #tpu.memory_space<semaphore_mem>>
      %dma_start3A_734 = tpu.memref_squeeze %dma_start3A_733 : memref<1x!tpu.dma_semaphore, #tpu.memory_space<semaphore_mem>> -> memref<!tpu.dma_semaphore, #tpu.memory_space<semaphore_mem>>
      tpu.enqueue_indirect_dma source(%dma_start3A_726 : memref<128x16xf32, #tpu.memory_space<vmem>>) target(%dma_start3A_732 : memref<10240x16xf32, #tpu.memory_space<vmem_shared>>) offsets(%dma_start3A_729 : memref<128xi32, #tpu.memory_space<vmem>>) semaphore(%dma_start3A_734 : memref<!tpu.dma_semaphore, #tpu.memory_space<semaphore_mem>>) {add = true}
      %add3A_735 = arith.constant 6 : i32
      %add3A_736 = arith.addi %mul3A_542, %add3A_735 : i32
      %dma_wait3A_737 = arith.constant 6 : i32
      %dma_wait3A_738 = arith.constant 6 : i32
      %dma_wait3A_739 = arith.constant 0 : i32
      %dma_wait3A_740 = arith.constant 0 : i32
      %dma_wait3A_741 = tpu.memref_slice %arg8[%dma_wait3A_737, %dma_wait3A_739, %dma_wait3A_740] : memref<8x128x16xf32, #tpu.memory_space<vmem>> -> memref<1x128x16xf32, #tpu.memory_space<vmem>>
      %dma_wait3A_742 = tpu.memref_squeeze %dma_wait3A_741 : memref<1x128x16xf32, #tpu.memory_space<vmem>> -> memref<128x16xf32, #tpu.memory_space<vmem>>
      %dma_wait3A_743 = arith.constant 0 : i32
      %dma_wait3A_744 = tpu.memref_slice %arg6[%add3A_736, %dma_wait3A_743] : memref<80x128xi32, #tpu.memory_space<vmem>> -> memref<1x128xi32, #tpu.memory_space<vmem>>
      %dma_wait3A_745 = tpu.memref_squeeze %dma_wait3A_744 : memref<1x128xi32, #tpu.memory_space<vmem>> -> memref<128xi32, #tpu.memory_space<vmem>>
      %dma_wait3A_746 = arith.constant 0 : i32
      %dma_wait3A_747 = arith.constant 0 : i32
      %dma_wait3A_748 = tpu.memref_slice %arg11[%dma_wait3A_746, %dma_wait3A_747] : memref<10240x16xf32, #tpu.memory_space<vmem_shared>> -> memref<10240x16xf32, #tpu.memory_space<vmem_shared>>
      %dma_wait3A_749 = tpu.memref_slice %arg12[%dma_wait3A_738] : memref<8x!tpu.dma_semaphore, #tpu.memory_space<semaphore_mem>> -> memref<1x!tpu.dma_semaphore, #tpu.memory_space<semaphore_mem>>
      %dma_wait3A_750 = tpu.memref_squeeze %dma_wait3A_749 : memref<1x!tpu.dma_semaphore, #tpu.memory_space<semaphore_mem>> -> memref<!tpu.dma_semaphore, #tpu.memory_space<semaphore_mem>>
      tpu.wait_indirect_dma semaphore(%dma_wait3A_750 : memref<!tpu.dma_semaphore, #tpu.memory_space<semaphore_mem>>) src(%dma_wait3A_748 : memref<10240x16xf32, #tpu.memory_space<vmem_shared>>) dst(%dma_wait3A_742 : memref<128x16xf32, #tpu.memory_space<vmem>>)
      %add3A_751 = arith.constant 6 : i32
      %add3A_752 = arith.addi %mul3A_542, %add3A_751 : i32
      %dma_start3A_753 = arith.constant 6 : i32
      %dma_start3A_754 = arith.constant 6 : i32
      %dma_start3A_755 = arith.constant 0 : i32
      %dma_start3A_756 = arith.constant 0 : i32
      %dma_start3A_757 = tpu.memref_slice %arg8[%dma_start3A_753, %dma_start3A_755, %dma_start3A_756] : memref<8x128x16xf32, #tpu.memory_space<vmem>> -> memref<1x128x16xf32, #tpu.memory_space<vmem>>
      %dma_start3A_758 = tpu.memref_squeeze %dma_start3A_757 : memref<1x128x16xf32, #tpu.memory_space<vmem>> -> memref<128x16xf32, #tpu.memory_space<vmem>>
      %dma_start3A_759 = arith.constant 0 : i32
      %dma_start3A_760 = tpu.memref_slice %arg7[%add3A_752, %dma_start3A_759] : memref<80x128xi32, #tpu.memory_space<vmem>> -> memref<1x128xi32, #tpu.memory_space<vmem>>
      %dma_start3A_761 = tpu.memref_squeeze %dma_start3A_760 : memref<1x128xi32, #tpu.memory_space<vmem>> -> memref<128xi32, #tpu.memory_space<vmem>>
      %dma_start3A_762 = arith.constant 0 : i32
      %dma_start3A_763 = arith.constant 0 : i32
      %dma_start3A_764 = tpu.memref_slice %arg10[%dma_start3A_762, %dma_start3A_763] : memref<10240x16xf32, #tpu.memory_space<vmem_shared>> -> memref<10240x16xf32, #tpu.memory_space<vmem_shared>>
      %dma_start3A_765 = tpu.memref_slice %arg13[%dma_start3A_754] : memref<8x!tpu.dma_semaphore, #tpu.memory_space<semaphore_mem>> -> memref<1x!tpu.dma_semaphore, #tpu.memory_space<semaphore_mem>>
      %dma_start3A_766 = tpu.memref_squeeze %dma_start3A_765 : memref<1x!tpu.dma_semaphore, #tpu.memory_space<semaphore_mem>> -> memref<!tpu.dma_semaphore, #tpu.memory_space<semaphore_mem>>
      tpu.enqueue_indirect_dma source(%dma_start3A_758 : memref<128x16xf32, #tpu.memory_space<vmem>>) target(%dma_start3A_764 : memref<10240x16xf32, #tpu.memory_space<vmem_shared>>) offsets(%dma_start3A_761 : memref<128xi32, #tpu.memory_space<vmem>>) semaphore(%dma_start3A_766 : memref<!tpu.dma_semaphore, #tpu.memory_space<semaphore_mem>>) {add = true}
      %add3A_767 = arith.constant 7 : i32
      %add3A_768 = arith.addi %mul3A_542, %add3A_767 : i32
      %dma_wait3A_769 = arith.constant 7 : i32
      %dma_wait3A_770 = arith.constant 7 : i32
      %dma_wait3A_771 = arith.constant 0 : i32
      %dma_wait3A_772 = arith.constant 0 : i32
      %dma_wait3A_773 = tpu.memref_slice %arg8[%dma_wait3A_769, %dma_wait3A_771, %dma_wait3A_772] : memref<8x128x16xf32, #tpu.memory_space<vmem>> -> memref<1x128x16xf32, #tpu.memory_space<vmem>>
      %dma_wait3A_774 = tpu.memref_squeeze %dma_wait3A_773 : memref<1x128x16xf32, #tpu.memory_space<vmem>> -> memref<128x16xf32, #tpu.memory_space<vmem>>
      %dma_wait3A_775 = arith.constant 0 : i32
      %dma_wait3A_776 = tpu.memref_slice %arg6[%add3A_768, %dma_wait3A_775] : memref<80x128xi32, #tpu.memory_space<vmem>> -> memref<1x128xi32, #tpu.memory_space<vmem>>
      %dma_wait3A_777 = tpu.memref_squeeze %dma_wait3A_776 : memref<1x128xi32, #tpu.memory_space<vmem>> -> memref<128xi32, #tpu.memory_space<vmem>>
      %dma_wait3A_778 = arith.constant 0 : i32
      %dma_wait3A_779 = arith.constant 0 : i32
      %dma_wait3A_780 = tpu.memref_slice %arg11[%dma_wait3A_778, %dma_wait3A_779] : memref<10240x16xf32, #tpu.memory_space<vmem_shared>> -> memref<10240x16xf32, #tpu.memory_space<vmem_shared>>
      %dma_wait3A_781 = tpu.memref_slice %arg12[%dma_wait3A_770] : memref<8x!tpu.dma_semaphore, #tpu.memory_space<semaphore_mem>> -> memref<1x!tpu.dma_semaphore, #tpu.memory_space<semaphore_mem>>
      %dma_wait3A_782 = tpu.memref_squeeze %dma_wait3A_781 : memref<1x!tpu.dma_semaphore, #tpu.memory_space<semaphore_mem>> -> memref<!tpu.dma_semaphore, #tpu.memory_space<semaphore_mem>>
      tpu.wait_indirect_dma semaphore(%dma_wait3A_782 : memref<!tpu.dma_semaphore, #tpu.memory_space<semaphore_mem>>) src(%dma_wait3A_780 : memref<10240x16xf32, #tpu.memory_space<vmem_shared>>) dst(%dma_wait3A_774 : memref<128x16xf32, #tpu.memory_space<vmem>>)
      %add3A_783 = arith.constant 7 : i32
      %add3A_784 = arith.addi %mul3A_542, %add3A_783 : i32
      %dma_start3A_785 = arith.constant 7 : i32
      %dma_start3A_786 = arith.constant 7 : i32
      %dma_start3A_787 = arith.constant 0 : i32
      %dma_start3A_788 = arith.constant 0 : i32
      %dma_start3A_789 = tpu.memref_slice %arg8[%dma_start3A_785, %dma_start3A_787, %dma_start3A_788] : memref<8x128x16xf32, #tpu.memory_space<vmem>> -> memref<1x128x16xf32, #tpu.memory_space<vmem>>
      %dma_start3A_790 = tpu.memref_squeeze %dma_start3A_789 : memref<1x128x16xf32, #tpu.memory_space<vmem>> -> memref<128x16xf32, #tpu.memory_space<vmem>>
      %dma_start3A_791 = arith.constant 0 : i32
      %dma_start3A_792 = tpu.memref_slice %arg7[%add3A_784, %dma_start3A_791] : memref<80x128xi32, #tpu.memory_space<vmem>> -> memref<1x128xi32, #tpu.memory_space<vmem>>
      %dma_start3A_793 = tpu.memref_squeeze %dma_start3A_792 : memref<1x128xi32, #tpu.memory_space<vmem>> -> memref<128xi32, #tpu.memory_space<vmem>>
      %dma_start3A_794 = arith.constant 0 : i32
      %dma_start3A_795 = arith.constant 0 : i32
      %dma_start3A_796 = tpu.memref_slice %arg10[%dma_start3A_794, %dma_start3A_795] : memref<10240x16xf32, #tpu.memory_space<vmem_shared>> -> memref<10240x16xf32, #tpu.memory_space<vmem_shared>>
      %dma_start3A_797 = tpu.memref_slice %arg13[%dma_start3A_786] : memref<8x!tpu.dma_semaphore, #tpu.memory_space<semaphore_mem>> -> memref<1x!tpu.dma_semaphore, #tpu.memory_space<semaphore_mem>>
      %dma_start3A_798 = tpu.memref_squeeze %dma_start3A_797 : memref<1x!tpu.dma_semaphore, #tpu.memory_space<semaphore_mem>> -> memref<!tpu.dma_semaphore, #tpu.memory_space<semaphore_mem>>
      tpu.enqueue_indirect_dma source(%dma_start3A_790 : memref<128x16xf32, #tpu.memory_space<vmem>>) target(%dma_start3A_796 : memref<10240x16xf32, #tpu.memory_space<vmem_shared>>) offsets(%dma_start3A_793 : memref<128xi32, #tpu.memory_space<vmem>>) semaphore(%dma_start3A_798 : memref<!tpu.dma_semaphore, #tpu.memory_space<semaphore_mem>>) {add = true}
      %add3A_799 = arith.constant 0 : i32
      %add3A_800 = arith.addi %mul3A_542, %add3A_799 : i32
      %dma_wait3A_801 = arith.constant 0 : i32
      %dma_wait3A_802 = arith.constant 0 : i32
      %dma_wait3A_803 = arith.constant 0 : i32
      %dma_wait3A_804 = arith.constant 0 : i32
      %dma_wait3A_805 = tpu.memref_slice %arg8[%dma_wait3A_801, %dma_wait3A_803, %dma_wait3A_804] : memref<8x128x16xf32, #tpu.memory_space<vmem>> -> memref<1x128x16xf32, #tpu.memory_space<vmem>>
      %dma_wait3A_806 = tpu.memref_squeeze %dma_wait3A_805 : memref<1x128x16xf32, #tpu.memory_space<vmem>> -> memref<128x16xf32, #tpu.memory_space<vmem>>
      %dma_wait3A_807 = arith.constant 0 : i32
      %dma_wait3A_808 = tpu.memref_slice %arg7[%add3A_800, %dma_wait3A_807] : memref<80x128xi32, #tpu.memory_space<vmem>> -> memref<1x128xi32, #tpu.memory_space<vmem>>
      %dma_wait3A_809 = tpu.memref_squeeze %dma_wait3A_808 : memref<1x128xi32, #tpu.memory_space<vmem>> -> memref<128xi32, #tpu.memory_space<vmem>>
      %dma_wait3A_810 = arith.constant 0 : i32
      %dma_wait3A_811 = arith.constant 0 : i32
      %dma_wait3A_812 = tpu.memref_slice %arg10[%dma_wait3A_810, %dma_wait3A_811] : memref<10240x16xf32, #tpu.memory_space<vmem_shared>> -> memref<10240x16xf32, #tpu.memory_space<vmem_shared>>
      %dma_wait3A_813 = tpu.memref_slice %arg13[%dma_wait3A_802] : memref<8x!tpu.dma_semaphore, #tpu.memory_space<semaphore_mem>> -> memref<1x!tpu.dma_semaphore, #tpu.memory_space<semaphore_mem>>
      %dma_wait3A_814 = tpu.memref_squeeze %dma_wait3A_813 : memref<1x!tpu.dma_semaphore, #tpu.memory_space<semaphore_mem>> -> memref<!tpu.dma_semaphore, #tpu.memory_space<semaphore_mem>>
      tpu.wait_indirect_dma semaphore(%dma_wait3A_814 : memref<!tpu.dma_semaphore, #tpu.memory_space<semaphore_mem>>) src(%dma_wait3A_806 : memref<128x16xf32, #tpu.memory_space<vmem>>) dst(%dma_wait3A_812 : memref<10240x16xf32, #tpu.memory_space<vmem_shared>>)
      %add3A_815 = arith.constant 8 : i32
      %add3A_816 = arith.addi %mul3A_542, %add3A_815 : i32
      %add3A_817 = arith.constant 0 : i32
      %add3A_818 = arith.addi %add3A_816, %add3A_817 : i32
      %dma_start3A_819 = arith.constant 0 : i32
      %dma_start3A_820 = arith.constant 0 : i32
      %dma_start3A_821 = arith.constant 0 : i32
      %dma_start3A_822 = arith.constant 0 : i32
      %dma_start3A_823 = tpu.memref_slice %arg8[%dma_start3A_819, %dma_start3A_821, %dma_start3A_822] : memref<8x128x16xf32, #tpu.memory_space<vmem>> -> memref<1x128x16xf32, #tpu.memory_space<vmem>>
      %dma_start3A_824 = tpu.memref_squeeze %dma_start3A_823 : memref<1x128x16xf32, #tpu.memory_space<vmem>> -> memref<128x16xf32, #tpu.memory_space<vmem>>
      %dma_start3A_825 = arith.constant 0 : i32
      %dma_start3A_826 = tpu.memref_slice %arg6[%add3A_818, %dma_start3A_825] : memref<80x128xi32, #tpu.memory_space<vmem>> -> memref<1x128xi32, #tpu.memory_space<vmem>>
      %dma_start3A_827 = tpu.memref_squeeze %dma_start3A_826 : memref<1x128xi32, #tpu.memory_space<vmem>> -> memref<128xi32, #tpu.memory_space<vmem>>
      %dma_start3A_828 = arith.constant 0 : i32
      %dma_start3A_829 = arith.constant 0 : i32
      %dma_start3A_830 = tpu.memref_slice %arg11[%dma_start3A_828, %dma_start3A_829] : memref<10240x16xf32, #tpu.memory_space<vmem_shared>> -> memref<10240x16xf32, #tpu.memory_space<vmem_shared>>
      %dma_start3A_831 = tpu.memref_slice %arg12[%dma_start3A_820] : memref<8x!tpu.dma_semaphore, #tpu.memory_space<semaphore_mem>> -> memref<1x!tpu.dma_semaphore, #tpu.memory_space<semaphore_mem>>
      %dma_start3A_832 = tpu.memref_squeeze %dma_start3A_831 : memref<1x!tpu.dma_semaphore, #tpu.memory_space<semaphore_mem>> -> memref<!tpu.dma_semaphore, #tpu.memory_space<semaphore_mem>>
      tpu.enqueue_indirect_dma source(%dma_start3A_830 : memref<10240x16xf32, #tpu.memory_space<vmem_shared>>) target(%dma_start3A_824 : memref<128x16xf32, #tpu.memory_space<vmem>>) offsets(%dma_start3A_827 : memref<128xi32, #tpu.memory_space<vmem>>) semaphore(%dma_start3A_832 : memref<!tpu.dma_semaphore, #tpu.memory_space<semaphore_mem>>)
      %add3A_833 = arith.constant 1 : i32
      %add3A_834 = arith.addi %mul3A_542, %add3A_833 : i32
      %dma_wait3A_835 = arith.constant 1 : i32
      %dma_wait3A_836 = arith.constant 1 : i32
      %dma_wait3A_837 = arith.constant 0 : i32
      %dma_wait3A_838 = arith.constant 0 : i32
      %dma_wait3A_839 = tpu.memref_slice %arg8[%dma_wait3A_835, %dma_wait3A_837, %dma_wait3A_838] : memref<8x128x16xf32, #tpu.memory_space<vmem>> -> memref<1x128x16xf32, #tpu.memory_space<vmem>>
      %dma_wait3A_840 = tpu.memref_squeeze %dma_wait3A_839 : memref<1x128x16xf32, #tpu.memory_space<vmem>> -> memref<128x16xf32, #tpu.memory_space<vmem>>
      %dma_wait3A_841 = arith.constant 0 : i32
      %dma_wait3A_842 = tpu.memref_slice %arg7[%add3A_834, %dma_wait3A_841] : memref<80x128xi32, #tpu.memory_space<vmem>> -> memref<1x128xi32, #tpu.memory_space<vmem>>
      %dma_wait3A_843 = tpu.memref_squeeze %dma_wait3A_842 : memref<1x128xi32, #tpu.memory_space<vmem>> -> memref<128xi32, #tpu.memory_space<vmem>>
      %dma_wait3A_844 = arith.constant 0 : i32
      %dma_wait3A_845 = arith.constant 0 : i32
      %dma_wait3A_846 = tpu.memref_slice %arg10[%dma_wait3A_844, %dma_wait3A_845] : memref<10240x16xf32, #tpu.memory_space<vmem_shared>> -> memref<10240x16xf32, #tpu.memory_space<vmem_shared>>
      %dma_wait3A_847 = tpu.memref_slice %arg13[%dma_wait3A_836] : memref<8x!tpu.dma_semaphore, #tpu.memory_space<semaphore_mem>> -> memref<1x!tpu.dma_semaphore, #tpu.memory_space<semaphore_mem>>
      %dma_wait3A_848 = tpu.memref_squeeze %dma_wait3A_847 : memref<1x!tpu.dma_semaphore, #tpu.memory_space<semaphore_mem>> -> memref<!tpu.dma_semaphore, #tpu.memory_space<semaphore_mem>>
      tpu.wait_indirect_dma semaphore(%dma_wait3A_848 : memref<!tpu.dma_semaphore, #tpu.memory_space<semaphore_mem>>) src(%dma_wait3A_840 : memref<128x16xf32, #tpu.memory_space<vmem>>) dst(%dma_wait3A_846 : memref<10240x16xf32, #tpu.memory_space<vmem_shared>>)
      %add3A_849 = arith.constant 8 : i32
      %add3A_850 = arith.addi %mul3A_542, %add3A_849 : i32
      %add3A_851 = arith.constant 1 : i32
      %add3A_852 = arith.addi %add3A_850, %add3A_851 : i32
      %dma_start3A_853 = arith.constant 1 : i32
      %dma_start3A_854 = arith.constant 1 : i32
      %dma_start3A_855 = arith.constant 0 : i32
      %dma_start3A_856 = arith.constant 0 : i32
      %dma_start3A_857 = tpu.memref_slice %arg8[%dma_start3A_853, %dma_start3A_855, %dma_start3A_856] : memref<8x128x16xf32, #tpu.memory_space<vmem>> -> memref<1x128x16xf32, #tpu.memory_space<vmem>>
      %dma_start3A_858 = tpu.memref_squeeze %dma_start3A_857 : memref<1x128x16xf32, #tpu.memory_space<vmem>> -> memref<128x16xf32, #tpu.memory_space<vmem>>
      %dma_start3A_859 = arith.constant 0 : i32
      %dma_start3A_860 = tpu.memref_slice %arg6[%add3A_852, %dma_start3A_859] : memref<80x128xi32, #tpu.memory_space<vmem>> -> memref<1x128xi32, #tpu.memory_space<vmem>>
      %dma_start3A_861 = tpu.memref_squeeze %dma_start3A_860 : memref<1x128xi32, #tpu.memory_space<vmem>> -> memref<128xi32, #tpu.memory_space<vmem>>
      %dma_start3A_862 = arith.constant 0 : i32
      %dma_start3A_863 = arith.constant 0 : i32
      %dma_start3A_864 = tpu.memref_slice %arg11[%dma_start3A_862, %dma_start3A_863] : memref<10240x16xf32, #tpu.memory_space<vmem_shared>> -> memref<10240x16xf32, #tpu.memory_space<vmem_shared>>
      %dma_start3A_865 = tpu.memref_slice %arg12[%dma_start3A_854] : memref<8x!tpu.dma_semaphore, #tpu.memory_space<semaphore_mem>> -> memref<1x!tpu.dma_semaphore, #tpu.memory_space<semaphore_mem>>
      %dma_start3A_866 = tpu.memref_squeeze %dma_start3A_865 : memref<1x!tpu.dma_semaphore, #tpu.memory_space<semaphore_mem>> -> memref<!tpu.dma_semaphore, #tpu.memory_space<semaphore_mem>>
      tpu.enqueue_indirect_dma source(%dma_start3A_864 : memref<10240x16xf32, #tpu.memory_space<vmem_shared>>) target(%dma_start3A_858 : memref<128x16xf32, #tpu.memory_space<vmem>>) offsets(%dma_start3A_861 : memref<128xi32, #tpu.memory_space<vmem>>) semaphore(%dma_start3A_866 : memref<!tpu.dma_semaphore, #tpu.memory_space<semaphore_mem>>)
      %add3A_867 = arith.constant 2 : i32
      %add3A_868 = arith.addi %mul3A_542, %add3A_867 : i32
      %dma_wait3A_869 = arith.constant 2 : i32
      %dma_wait3A_870 = arith.constant 2 : i32
      %dma_wait3A_871 = arith.constant 0 : i32
      %dma_wait3A_872 = arith.constant 0 : i32
      %dma_wait3A_873 = tpu.memref_slice %arg8[%dma_wait3A_869, %dma_wait3A_871, %dma_wait3A_872] : memref<8x128x16xf32, #tpu.memory_space<vmem>> -> memref<1x128x16xf32, #tpu.memory_space<vmem>>
      %dma_wait3A_874 = tpu.memref_squeeze %dma_wait3A_873 : memref<1x128x16xf32, #tpu.memory_space<vmem>> -> memref<128x16xf32, #tpu.memory_space<vmem>>
      %dma_wait3A_875 = arith.constant 0 : i32
      %dma_wait3A_876 = tpu.memref_slice %arg7[%add3A_868, %dma_wait3A_875] : memref<80x128xi32, #tpu.memory_space<vmem>> -> memref<1x128xi32, #tpu.memory_space<vmem>>
      %dma_wait3A_877 = tpu.memref_squeeze %dma_wait3A_876 : memref<1x128xi32, #tpu.memory_space<vmem>> -> memref<128xi32, #tpu.memory_space<vmem>>
      %dma_wait3A_878 = arith.constant 0 : i32
      %dma_wait3A_879 = arith.constant 0 : i32
      %dma_wait3A_880 = tpu.memref_slice %arg10[%dma_wait3A_878, %dma_wait3A_879] : memref<10240x16xf32, #tpu.memory_space<vmem_shared>> -> memref<10240x16xf32, #tpu.memory_space<vmem_shared>>
      %dma_wait3A_881 = tpu.memref_slice %arg13[%dma_wait3A_870] : memref<8x!tpu.dma_semaphore, #tpu.memory_space<semaphore_mem>> -> memref<1x!tpu.dma_semaphore, #tpu.memory_space<semaphore_mem>>
      %dma_wait3A_882 = tpu.memref_squeeze %dma_wait3A_881 : memref<1x!tpu.dma_semaphore, #tpu.memory_space<semaphore_mem>> -> memref<!tpu.dma_semaphore, #tpu.memory_space<semaphore_mem>>
      tpu.wait_indirect_dma semaphore(%dma_wait3A_882 : memref<!tpu.dma_semaphore, #tpu.memory_space<semaphore_mem>>) src(%dma_wait3A_874 : memref<128x16xf32, #tpu.memory_space<vmem>>) dst(%dma_wait3A_880 : memref<10240x16xf32, #tpu.memory_space<vmem_shared>>)
      %add3A_883 = arith.constant 8 : i32
      %add3A_884 = arith.addi %mul3A_542, %add3A_883 : i32
      %add3A_885 = arith.constant 2 : i32
      %add3A_886 = arith.addi %add3A_884, %add3A_885 : i32
      %dma_start3A_887 = arith.constant 2 : i32
      %dma_start3A_888 = arith.constant 2 : i32
      %dma_start3A_889 = arith.constant 0 : i32
      %dma_start3A_890 = arith.constant 0 : i32
      %dma_start3A_891 = tpu.memref_slice %arg8[%dma_start3A_887, %dma_start3A_889, %dma_start3A_890] : memref<8x128x16xf32, #tpu.memory_space<vmem>> -> memref<1x128x16xf32, #tpu.memory_space<vmem>>
      %dma_start3A_892 = tpu.memref_squeeze %dma_start3A_891 : memref<1x128x16xf32, #tpu.memory_space<vmem>> -> memref<128x16xf32, #tpu.memory_space<vmem>>
      %dma_start3A_893 = arith.constant 0 : i32
      %dma_start3A_894 = tpu.memref_slice %arg6[%add3A_886, %dma_start3A_893] : memref<80x128xi32, #tpu.memory_space<vmem>> -> memref<1x128xi32, #tpu.memory_space<vmem>>
      %dma_start3A_895 = tpu.memref_squeeze %dma_start3A_894 : memref<1x128xi32, #tpu.memory_space<vmem>> -> memref<128xi32, #tpu.memory_space<vmem>>
      %dma_start3A_896 = arith.constant 0 : i32
      %dma_start3A_897 = arith.constant 0 : i32
      %dma_start3A_898 = tpu.memref_slice %arg11[%dma_start3A_896, %dma_start3A_897] : memref<10240x16xf32, #tpu.memory_space<vmem_shared>> -> memref<10240x16xf32, #tpu.memory_space<vmem_shared>>
      %dma_start3A_899 = tpu.memref_slice %arg12[%dma_start3A_888] : memref<8x!tpu.dma_semaphore, #tpu.memory_space<semaphore_mem>> -> memref<1x!tpu.dma_semaphore, #tpu.memory_space<semaphore_mem>>
      %dma_start3A_900 = tpu.memref_squeeze %dma_start3A_899 : memref<1x!tpu.dma_semaphore, #tpu.memory_space<semaphore_mem>> -> memref<!tpu.dma_semaphore, #tpu.memory_space<semaphore_mem>>
      tpu.enqueue_indirect_dma source(%dma_start3A_898 : memref<10240x16xf32, #tpu.memory_space<vmem_shared>>) target(%dma_start3A_892 : memref<128x16xf32, #tpu.memory_space<vmem>>) offsets(%dma_start3A_895 : memref<128xi32, #tpu.memory_space<vmem>>) semaphore(%dma_start3A_900 : memref<!tpu.dma_semaphore, #tpu.memory_space<semaphore_mem>>)
      %add3A_901 = arith.constant 3 : i32
      %add3A_902 = arith.addi %mul3A_542, %add3A_901 : i32
      %dma_wait3A_903 = arith.constant 3 : i32
      %dma_wait3A_904 = arith.constant 3 : i32
      %dma_wait3A_905 = arith.constant 0 : i32
      %dma_wait3A_906 = arith.constant 0 : i32
      %dma_wait3A_907 = tpu.memref_slice %arg8[%dma_wait3A_903, %dma_wait3A_905, %dma_wait3A_906] : memref<8x128x16xf32, #tpu.memory_space<vmem>> -> memref<1x128x16xf32, #tpu.memory_space<vmem>>
      %dma_wait3A_908 = tpu.memref_squeeze %dma_wait3A_907 : memref<1x128x16xf32, #tpu.memory_space<vmem>> -> memref<128x16xf32, #tpu.memory_space<vmem>>
      %dma_wait3A_909 = arith.constant 0 : i32
      %dma_wait3A_910 = tpu.memref_slice %arg7[%add3A_902, %dma_wait3A_909] : memref<80x128xi32, #tpu.memory_space<vmem>> -> memref<1x128xi32, #tpu.memory_space<vmem>>
      %dma_wait3A_911 = tpu.memref_squeeze %dma_wait3A_910 : memref<1x128xi32, #tpu.memory_space<vmem>> -> memref<128xi32, #tpu.memory_space<vmem>>
      %dma_wait3A_912 = arith.constant 0 : i32
      %dma_wait3A_913 = arith.constant 0 : i32
      %dma_wait3A_914 = tpu.memref_slice %arg10[%dma_wait3A_912, %dma_wait3A_913] : memref<10240x16xf32, #tpu.memory_space<vmem_shared>> -> memref<10240x16xf32, #tpu.memory_space<vmem_shared>>
      %dma_wait3A_915 = tpu.memref_slice %arg13[%dma_wait3A_904] : memref<8x!tpu.dma_semaphore, #tpu.memory_space<semaphore_mem>> -> memref<1x!tpu.dma_semaphore, #tpu.memory_space<semaphore_mem>>
      %dma_wait3A_916 = tpu.memref_squeeze %dma_wait3A_915 : memref<1x!tpu.dma_semaphore, #tpu.memory_space<semaphore_mem>> -> memref<!tpu.dma_semaphore, #tpu.memory_space<semaphore_mem>>
      tpu.wait_indirect_dma semaphore(%dma_wait3A_916 : memref<!tpu.dma_semaphore, #tpu.memory_space<semaphore_mem>>) src(%dma_wait3A_908 : memref<128x16xf32, #tpu.memory_space<vmem>>) dst(%dma_wait3A_914 : memref<10240x16xf32, #tpu.memory_space<vmem_shared>>)
      %add3A_917 = arith.constant 8 : i32
      %add3A_918 = arith.addi %mul3A_542, %add3A_917 : i32
      %add3A_919 = arith.constant 3 : i32
      %add3A_920 = arith.addi %add3A_918, %add3A_919 : i32
      %dma_start3A_921 = arith.constant 3 : i32
      %dma_start3A_922 = arith.constant 3 : i32
      %dma_start3A_923 = arith.constant 0 : i32
      %dma_start3A_924 = arith.constant 0 : i32
      %dma_start3A_925 = tpu.memref_slice %arg8[%dma_start3A_921, %dma_start3A_923, %dma_start3A_924] : memref<8x128x16xf32, #tpu.memory_space<vmem>> -> memref<1x128x16xf32, #tpu.memory_space<vmem>>
      %dma_start3A_926 = tpu.memref_squeeze %dma_start3A_925 : memref<1x128x16xf32, #tpu.memory_space<vmem>> -> memref<128x16xf32, #tpu.memory_space<vmem>>
      %dma_start3A_927 = arith.constant 0 : i32
      %dma_start3A_928 = tpu.memref_slice %arg6[%add3A_920, %dma_start3A_927] : memref<80x128xi32, #tpu.memory_space<vmem>> -> memref<1x128xi32, #tpu.memory_space<vmem>>
      %dma_start3A_929 = tpu.memref_squeeze %dma_start3A_928 : memref<1x128xi32, #tpu.memory_space<vmem>> -> memref<128xi32, #tpu.memory_space<vmem>>
      %dma_start3A_930 = arith.constant 0 : i32
      %dma_start3A_931 = arith.constant 0 : i32
      %dma_start3A_932 = tpu.memref_slice %arg11[%dma_start3A_930, %dma_start3A_931] : memref<10240x16xf32, #tpu.memory_space<vmem_shared>> -> memref<10240x16xf32, #tpu.memory_space<vmem_shared>>
      %dma_start3A_933 = tpu.memref_slice %arg12[%dma_start3A_922] : memref<8x!tpu.dma_semaphore, #tpu.memory_space<semaphore_mem>> -> memref<1x!tpu.dma_semaphore, #tpu.memory_space<semaphore_mem>>
      %dma_start3A_934 = tpu.memref_squeeze %dma_start3A_933 : memref<1x!tpu.dma_semaphore, #tpu.memory_space<semaphore_mem>> -> memref<!tpu.dma_semaphore, #tpu.memory_space<semaphore_mem>>
      tpu.enqueue_indirect_dma source(%dma_start3A_932 : memref<10240x16xf32, #tpu.memory_space<vmem_shared>>) target(%dma_start3A_926 : memref<128x16xf32, #tpu.memory_space<vmem>>) offsets(%dma_start3A_929 : memref<128xi32, #tpu.memory_space<vmem>>) semaphore(%dma_start3A_934 : memref<!tpu.dma_semaphore, #tpu.memory_space<semaphore_mem>>)
      %add3A_935 = arith.constant 4 : i32
      %add3A_936 = arith.addi %mul3A_542, %add3A_935 : i32
      %dma_wait3A_937 = arith.constant 4 : i32
      %dma_wait3A_938 = arith.constant 4 : i32
      %dma_wait3A_939 = arith.constant 0 : i32
      %dma_wait3A_940 = arith.constant 0 : i32
      %dma_wait3A_941 = tpu.memref_slice %arg8[%dma_wait3A_937, %dma_wait3A_939, %dma_wait3A_940] : memref<8x128x16xf32, #tpu.memory_space<vmem>> -> memref<1x128x16xf32, #tpu.memory_space<vmem>>
      %dma_wait3A_942 = tpu.memref_squeeze %dma_wait3A_941 : memref<1x128x16xf32, #tpu.memory_space<vmem>> -> memref<128x16xf32, #tpu.memory_space<vmem>>
      %dma_wait3A_943 = arith.constant 0 : i32
      %dma_wait3A_944 = tpu.memref_slice %arg7[%add3A_936, %dma_wait3A_943] : memref<80x128xi32, #tpu.memory_space<vmem>> -> memref<1x128xi32, #tpu.memory_space<vmem>>
      %dma_wait3A_945 = tpu.memref_squeeze %dma_wait3A_944 : memref<1x128xi32, #tpu.memory_space<vmem>> -> memref<128xi32, #tpu.memory_space<vmem>>
      %dma_wait3A_946 = arith.constant 0 : i32
      %dma_wait3A_947 = arith.constant 0 : i32
      %dma_wait3A_948 = tpu.memref_slice %arg10[%dma_wait3A_946, %dma_wait3A_947] : memref<10240x16xf32, #tpu.memory_space<vmem_shared>> -> memref<10240x16xf32, #tpu.memory_space<vmem_shared>>
      %dma_wait3A_949 = tpu.memref_slice %arg13[%dma_wait3A_938] : memref<8x!tpu.dma_semaphore, #tpu.memory_space<semaphore_mem>> -> memref<1x!tpu.dma_semaphore, #tpu.memory_space<semaphore_mem>>
      %dma_wait3A_950 = tpu.memref_squeeze %dma_wait3A_949 : memref<1x!tpu.dma_semaphore, #tpu.memory_space<semaphore_mem>> -> memref<!tpu.dma_semaphore, #tpu.memory_space<semaphore_mem>>
      tpu.wait_indirect_dma semaphore(%dma_wait3A_950 : memref<!tpu.dma_semaphore, #tpu.memory_space<semaphore_mem>>) src(%dma_wait3A_942 : memref<128x16xf32, #tpu.memory_space<vmem>>) dst(%dma_wait3A_948 : memref<10240x16xf32, #tpu.memory_space<vmem_shared>>)
      %add3A_951 = arith.constant 8 : i32
      %add3A_952 = arith.addi %mul3A_542, %add3A_951 : i32
      %add3A_953 = arith.constant 4 : i32
      %add3A_954 = arith.addi %add3A_952, %add3A_953 : i32
      %dma_start3A_955 = arith.constant 4 : i32
      %dma_start3A_956 = arith.constant 4 : i32
      %dma_start3A_957 = arith.constant 0 : i32
      %dma_start3A_958 = arith.constant 0 : i32
      %dma_start3A_959 = tpu.memref_slice %arg8[%dma_start3A_955, %dma_start3A_957, %dma_start3A_958] : memref<8x128x16xf32, #tpu.memory_space<vmem>> -> memref<1x128x16xf32, #tpu.memory_space<vmem>>
      %dma_start3A_960 = tpu.memref_squeeze %dma_start3A_959 : memref<1x128x16xf32, #tpu.memory_space<vmem>> -> memref<128x16xf32, #tpu.memory_space<vmem>>
      %dma_start3A_961 = arith.constant 0 : i32
      %dma_start3A_962 = tpu.memref_slice %arg6[%add3A_954, %dma_start3A_961] : memref<80x128xi32, #tpu.memory_space<vmem>> -> memref<1x128xi32, #tpu.memory_space<vmem>>
      %dma_start3A_963 = tpu.memref_squeeze %dma_start3A_962 : memref<1x128xi32, #tpu.memory_space<vmem>> -> memref<128xi32, #tpu.memory_space<vmem>>
      %dma_start3A_964 = arith.constant 0 : i32
      %dma_start3A_965 = arith.constant 0 : i32
      %dma_start3A_966 = tpu.memref_slice %arg11[%dma_start3A_964, %dma_start3A_965] : memref<10240x16xf32, #tpu.memory_space<vmem_shared>> -> memref<10240x16xf32, #tpu.memory_space<vmem_shared>>
      %dma_start3A_967 = tpu.memref_slice %arg12[%dma_start3A_956] : memref<8x!tpu.dma_semaphore, #tpu.memory_space<semaphore_mem>> -> memref<1x!tpu.dma_semaphore, #tpu.memory_space<semaphore_mem>>
      %dma_start3A_968 = tpu.memref_squeeze %dma_start3A_967 : memref<1x!tpu.dma_semaphore, #tpu.memory_space<semaphore_mem>> -> memref<!tpu.dma_semaphore, #tpu.memory_space<semaphore_mem>>
      tpu.enqueue_indirect_dma source(%dma_start3A_966 : memref<10240x16xf32, #tpu.memory_space<vmem_shared>>) target(%dma_start3A_960 : memref<128x16xf32, #tpu.memory_space<vmem>>) offsets(%dma_start3A_963 : memref<128xi32, #tpu.memory_space<vmem>>) semaphore(%dma_start3A_968 : memref<!tpu.dma_semaphore, #tpu.memory_space<semaphore_mem>>)
      %add3A_969 = arith.constant 5 : i32
      %add3A_970 = arith.addi %mul3A_542, %add3A_969 : i32
      %dma_wait3A_971 = arith.constant 5 : i32
      %dma_wait3A_972 = arith.constant 5 : i32
      %dma_wait3A_973 = arith.constant 0 : i32
      %dma_wait3A_974 = arith.constant 0 : i32
      %dma_wait3A_975 = tpu.memref_slice %arg8[%dma_wait3A_971, %dma_wait3A_973, %dma_wait3A_974] : memref<8x128x16xf32, #tpu.memory_space<vmem>> -> memref<1x128x16xf32, #tpu.memory_space<vmem>>
      %dma_wait3A_976 = tpu.memref_squeeze %dma_wait3A_975 : memref<1x128x16xf32, #tpu.memory_space<vmem>> -> memref<128x16xf32, #tpu.memory_space<vmem>>
      %dma_wait3A_977 = arith.constant 0 : i32
      %dma_wait3A_978 = tpu.memref_slice %arg7[%add3A_970, %dma_wait3A_977] : memref<80x128xi32, #tpu.memory_space<vmem>> -> memref<1x128xi32, #tpu.memory_space<vmem>>
      %dma_wait3A_979 = tpu.memref_squeeze %dma_wait3A_978 : memref<1x128xi32, #tpu.memory_space<vmem>> -> memref<128xi32, #tpu.memory_space<vmem>>
      %dma_wait3A_980 = arith.constant 0 : i32
      %dma_wait3A_981 = arith.constant 0 : i32
      %dma_wait3A_982 = tpu.memref_slice %arg10[%dma_wait3A_980, %dma_wait3A_981] : memref<10240x16xf32, #tpu.memory_space<vmem_shared>> -> memref<10240x16xf32, #tpu.memory_space<vmem_shared>>
      %dma_wait3A_983 = tpu.memref_slice %arg13[%dma_wait3A_972] : memref<8x!tpu.dma_semaphore, #tpu.memory_space<semaphore_mem>> -> memref<1x!tpu.dma_semaphore, #tpu.memory_space<semaphore_mem>>
      %dma_wait3A_984 = tpu.memref_squeeze %dma_wait3A_983 : memref<1x!tpu.dma_semaphore, #tpu.memory_space<semaphore_mem>> -> memref<!tpu.dma_semaphore, #tpu.memory_space<semaphore_mem>>
      tpu.wait_indirect_dma semaphore(%dma_wait3A_984 : memref<!tpu.dma_semaphore, #tpu.memory_space<semaphore_mem>>) src(%dma_wait3A_976 : memref<128x16xf32, #tpu.memory_space<vmem>>) dst(%dma_wait3A_982 : memref<10240x16xf32, #tpu.memory_space<vmem_shared>>)
      %add3A_985 = arith.constant 8 : i32
      %add3A_986 = arith.addi %mul3A_542, %add3A_985 : i32
      %add3A_987 = arith.constant 5 : i32
      %add3A_988 = arith.addi %add3A_986, %add3A_987 : i32
      %dma_start3A_989 = arith.constant 5 : i32
      %dma_start3A_990 = arith.constant 5 : i32
      %dma_start3A_991 = arith.constant 0 : i32
      %dma_start3A_992 = arith.constant 0 : i32
      %dma_start3A_993 = tpu.memref_slice %arg8[%dma_start3A_989, %dma_start3A_991, %dma_start3A_992] : memref<8x128x16xf32, #tpu.memory_space<vmem>> -> memref<1x128x16xf32, #tpu.memory_space<vmem>>
      %dma_start3A_994 = tpu.memref_squeeze %dma_start3A_993 : memref<1x128x16xf32, #tpu.memory_space<vmem>> -> memref<128x16xf32, #tpu.memory_space<vmem>>
      %dma_start3A_995 = arith.constant 0 : i32
      %dma_start3A_996 = tpu.memref_slice %arg6[%add3A_988, %dma_start3A_995] : memref<80x128xi32, #tpu.memory_space<vmem>> -> memref<1x128xi32, #tpu.memory_space<vmem>>
      %dma_start3A_997 = tpu.memref_squeeze %dma_start3A_996 : memref<1x128xi32, #tpu.memory_space<vmem>> -> memref<128xi32, #tpu.memory_space<vmem>>
      %dma_start3A_998 = arith.constant 0 : i32
      %dma_start3A_999 = arith.constant 0 : i32
      %dma_start3A_1000 = tpu.memref_slice %arg11[%dma_start3A_998, %dma_start3A_999] : memref<10240x16xf32, #tpu.memory_space<vmem_shared>> -> memref<10240x16xf32, #tpu.memory_space<vmem_shared>>
      %dma_start3A_1001 = tpu.memref_slice %arg12[%dma_start3A_990] : memref<8x!tpu.dma_semaphore, #tpu.memory_space<semaphore_mem>> -> memref<1x!tpu.dma_semaphore, #tpu.memory_space<semaphore_mem>>
      %dma_start3A_1002 = tpu.memref_squeeze %dma_start3A_1001 : memref<1x!tpu.dma_semaphore, #tpu.memory_space<semaphore_mem>> -> memref<!tpu.dma_semaphore, #tpu.memory_space<semaphore_mem>>
      tpu.enqueue_indirect_dma source(%dma_start3A_1000 : memref<10240x16xf32, #tpu.memory_space<vmem_shared>>) target(%dma_start3A_994 : memref<128x16xf32, #tpu.memory_space<vmem>>) offsets(%dma_start3A_997 : memref<128xi32, #tpu.memory_space<vmem>>) semaphore(%dma_start3A_1002 : memref<!tpu.dma_semaphore, #tpu.memory_space<semaphore_mem>>)
      %add3A_1003 = arith.constant 6 : i32
      %add3A_1004 = arith.addi %mul3A_542, %add3A_1003 : i32
      %dma_wait3A_1005 = arith.constant 6 : i32
      %dma_wait3A_1006 = arith.constant 6 : i32
      %dma_wait3A_1007 = arith.constant 0 : i32
      %dma_wait3A_1008 = arith.constant 0 : i32
      %dma_wait3A_1009 = tpu.memref_slice %arg8[%dma_wait3A_1005, %dma_wait3A_1007, %dma_wait3A_1008] : memref<8x128x16xf32, #tpu.memory_space<vmem>> -> memref<1x128x16xf32, #tpu.memory_space<vmem>>
      %dma_wait3A_1010 = tpu.memref_squeeze %dma_wait3A_1009 : memref<1x128x16xf32, #tpu.memory_space<vmem>> -> memref<128x16xf32, #tpu.memory_space<vmem>>
      %dma_wait3A_1011 = arith.constant 0 : i32
      %dma_wait3A_1012 = tpu.memref_slice %arg7[%add3A_1004, %dma_wait3A_1011] : memref<80x128xi32, #tpu.memory_space<vmem>> -> memref<1x128xi32, #tpu.memory_space<vmem>>
      %dma_wait3A_1013 = tpu.memref_squeeze %dma_wait3A_1012 : memref<1x128xi32, #tpu.memory_space<vmem>> -> memref<128xi32, #tpu.memory_space<vmem>>
      %dma_wait3A_1014 = arith.constant 0 : i32
      %dma_wait3A_1015 = arith.constant 0 : i32
      %dma_wait3A_1016 = tpu.memref_slice %arg10[%dma_wait3A_1014, %dma_wait3A_1015] : memref<10240x16xf32, #tpu.memory_space<vmem_shared>> -> memref<10240x16xf32, #tpu.memory_space<vmem_shared>>
      %dma_wait3A_1017 = tpu.memref_slice %arg13[%dma_wait3A_1006] : memref<8x!tpu.dma_semaphore, #tpu.memory_space<semaphore_mem>> -> memref<1x!tpu.dma_semaphore, #tpu.memory_space<semaphore_mem>>
      %dma_wait3A_1018 = tpu.memref_squeeze %dma_wait3A_1017 : memref<1x!tpu.dma_semaphore, #tpu.memory_space<semaphore_mem>> -> memref<!tpu.dma_semaphore, #tpu.memory_space<semaphore_mem>>
      tpu.wait_indirect_dma semaphore(%dma_wait3A_1018 : memref<!tpu.dma_semaphore, #tpu.memory_space<semaphore_mem>>) src(%dma_wait3A_1010 : memref<128x16xf32, #tpu.memory_space<vmem>>) dst(%dma_wait3A_1016 : memref<10240x16xf32, #tpu.memory_space<vmem_shared>>)
      %add3A_1019 = arith.constant 8 : i32
      %add3A_1020 = arith.addi %mul3A_542, %add3A_1019 : i32
      %add3A_1021 = arith.constant 6 : i32
      %add3A_1022 = arith.addi %add3A_1020, %add3A_1021 : i32
      %dma_start3A_1023 = arith.constant 6 : i32
      %dma_start3A_1024 = arith.constant 6 : i32
      %dma_start3A_1025 = arith.constant 0 : i32
      %dma_start3A_1026 = arith.constant 0 : i32
      %dma_start3A_1027 = tpu.memref_slice %arg8[%dma_start3A_1023, %dma_start3A_1025, %dma_start3A_1026] : memref<8x128x16xf32, #tpu.memory_space<vmem>> -> memref<1x128x16xf32, #tpu.memory_space<vmem>>
      %dma_start3A_1028 = tpu.memref_squeeze %dma_start3A_1027 : memref<1x128x16xf32, #tpu.memory_space<vmem>> -> memref<128x16xf32, #tpu.memory_space<vmem>>
      %dma_start3A_1029 = arith.constant 0 : i32
      %dma_start3A_1030 = tpu.memref_slice %arg6[%add3A_1022, %dma_start3A_1029] : memref<80x128xi32, #tpu.memory_space<vmem>> -> memref<1x128xi32, #tpu.memory_space<vmem>>
      %dma_start3A_1031 = tpu.memref_squeeze %dma_start3A_1030 : memref<1x128xi32, #tpu.memory_space<vmem>> -> memref<128xi32, #tpu.memory_space<vmem>>
      %dma_start3A_1032 = arith.constant 0 : i32
      %dma_start3A_1033 = arith.constant 0 : i32
      %dma_start3A_1034 = tpu.memref_slice %arg11[%dma_start3A_1032, %dma_start3A_1033] : memref<10240x16xf32, #tpu.memory_space<vmem_shared>> -> memref<10240x16xf32, #tpu.memory_space<vmem_shared>>
      %dma_start3A_1035 = tpu.memref_slice %arg12[%dma_start3A_1024] : memref<8x!tpu.dma_semaphore, #tpu.memory_space<semaphore_mem>> -> memref<1x!tpu.dma_semaphore, #tpu.memory_space<semaphore_mem>>
      %dma_start3A_1036 = tpu.memref_squeeze %dma_start3A_1035 : memref<1x!tpu.dma_semaphore, #tpu.memory_space<semaphore_mem>> -> memref<!tpu.dma_semaphore, #tpu.memory_space<semaphore_mem>>
      tpu.enqueue_indirect_dma source(%dma_start3A_1034 : memref<10240x16xf32, #tpu.memory_space<vmem_shared>>) target(%dma_start3A_1028 : memref<128x16xf32, #tpu.memory_space<vmem>>) offsets(%dma_start3A_1031 : memref<128xi32, #tpu.memory_space<vmem>>) semaphore(%dma_start3A_1036 : memref<!tpu.dma_semaphore, #tpu.memory_space<semaphore_mem>>)
      %add3A_1037 = arith.constant 7 : i32
      %add3A_1038 = arith.addi %mul3A_542, %add3A_1037 : i32
      %dma_wait3A_1039 = arith.constant 7 : i32
      %dma_wait3A_1040 = arith.constant 7 : i32
      %dma_wait3A_1041 = arith.constant 0 : i32
      %dma_wait3A_1042 = arith.constant 0 : i32
      %dma_wait3A_1043 = tpu.memref_slice %arg8[%dma_wait3A_1039, %dma_wait3A_1041, %dma_wait3A_1042] : memref<8x128x16xf32, #tpu.memory_space<vmem>> -> memref<1x128x16xf32, #tpu.memory_space<vmem>>
      %dma_wait3A_1044 = tpu.memref_squeeze %dma_wait3A_1043 : memref<1x128x16xf32, #tpu.memory_space<vmem>> -> memref<128x16xf32, #tpu.memory_space<vmem>>
      %dma_wait3A_1045 = arith.constant 0 : i32
      %dma_wait3A_1046 = tpu.memref_slice %arg7[%add3A_1038, %dma_wait3A_1045] : memref<80x128xi32, #tpu.memory_space<vmem>> -> memref<1x128xi32, #tpu.memory_space<vmem>>
      %dma_wait3A_1047 = tpu.memref_squeeze %dma_wait3A_1046 : memref<1x128xi32, #tpu.memory_space<vmem>> -> memref<128xi32, #tpu.memory_space<vmem>>
      %dma_wait3A_1048 = arith.constant 0 : i32
      %dma_wait3A_1049 = arith.constant 0 : i32
      %dma_wait3A_1050 = tpu.memref_slice %arg10[%dma_wait3A_1048, %dma_wait3A_1049] : memref<10240x16xf32, #tpu.memory_space<vmem_shared>> -> memref<10240x16xf32, #tpu.memory_space<vmem_shared>>
      %dma_wait3A_1051 = tpu.memref_slice %arg13[%dma_wait3A_1040] : memref<8x!tpu.dma_semaphore, #tpu.memory_space<semaphore_mem>> -> memref<1x!tpu.dma_semaphore, #tpu.memory_space<semaphore_mem>>
      %dma_wait3A_1052 = tpu.memref_squeeze %dma_wait3A_1051 : memref<1x!tpu.dma_semaphore, #tpu.memory_space<semaphore_mem>> -> memref<!tpu.dma_semaphore, #tpu.memory_space<semaphore_mem>>
      tpu.wait_indirect_dma semaphore(%dma_wait3A_1052 : memref<!tpu.dma_semaphore, #tpu.memory_space<semaphore_mem>>) src(%dma_wait3A_1044 : memref<128x16xf32, #tpu.memory_space<vmem>>) dst(%dma_wait3A_1050 : memref<10240x16xf32, #tpu.memory_space<vmem_shared>>)
      %add3A_1053 = arith.constant 8 : i32
      %add3A_1054 = arith.addi %mul3A_542, %add3A_1053 : i32
      %add3A_1055 = arith.constant 7 : i32
      %add3A_1056 = arith.addi %add3A_1054, %add3A_1055 : i32
      %dma_start3A_1057 = arith.constant 7 : i32
      %dma_start3A_1058 = arith.constant 7 : i32
      %dma_start3A_1059 = arith.constant 0 : i32
      %dma_start3A_1060 = arith.constant 0 : i32
      %dma_start3A_1061 = tpu.memref_slice %arg8[%dma_start3A_1057, %dma_start3A_1059, %dma_start3A_1060] : memref<8x128x16xf32, #tpu.memory_space<vmem>> -> memref<1x128x16xf32, #tpu.memory_space<vmem>>
      %dma_start3A_1062 = tpu.memref_squeeze %dma_start3A_1061 : memref<1x128x16xf32, #tpu.memory_space<vmem>> -> memref<128x16xf32, #tpu.memory_space<vmem>>
      %dma_start3A_1063 = arith.constant 0 : i32
      %dma_start3A_1064 = tpu.memref_slice %arg6[%add3A_1056, %dma_start3A_1063] : memref<80x128xi32, #tpu.memory_space<vmem>> -> memref<1x128xi32, #tpu.memory_space<vmem>>
      %dma_start3A_1065 = tpu.memref_squeeze %dma_start3A_1064 : memref<1x128xi32, #tpu.memory_space<vmem>> -> memref<128xi32, #tpu.memory_space<vmem>>
      %dma_start3A_1066 = arith.constant 0 : i32
      %dma_start3A_1067 = arith.constant 0 : i32
      %dma_start3A_1068 = tpu.memref_slice %arg11[%dma_start3A_1066, %dma_start3A_1067] : memref<10240x16xf32, #tpu.memory_space<vmem_shared>> -> memref<10240x16xf32, #tpu.memory_space<vmem_shared>>
      %dma_start3A_1069 = tpu.memref_slice %arg12[%dma_start3A_1058] : memref<8x!tpu.dma_semaphore, #tpu.memory_space<semaphore_mem>> -> memref<1x!tpu.dma_semaphore, #tpu.memory_space<semaphore_mem>>
      %dma_start3A_1070 = tpu.memref_squeeze %dma_start3A_1069 : memref<1x!tpu.dma_semaphore, #tpu.memory_space<semaphore_mem>> -> memref<!tpu.dma_semaphore, #tpu.memory_space<semaphore_mem>>
      tpu.enqueue_indirect_dma source(%dma_start3A_1068 : memref<10240x16xf32, #tpu.memory_space<vmem_shared>>) target(%dma_start3A_1062 : memref<128x16xf32, #tpu.memory_space<vmem>>) offsets(%dma_start3A_1065 : memref<128xi32, #tpu.memory_space<vmem>>) semaphore(%dma_start3A_1070 : memref<!tpu.dma_semaphore, #tpu.memory_space<semaphore_mem>>)
    }
    %scan3A_174 = arith.constant 9 : i32
    %dma_wait3A_175 = arith.constant 72 : i32
    %dma_wait3A_176 = arith.constant 0 : i32
    %dma_wait3A_177 = arith.constant 0 : i32
    %dma_wait3A_178 = arith.constant 0 : i32
    %dma_wait3A_179 = arith.constant 0 : i32
    %dma_wait3A_180 = tpu.memref_slice %arg8[%dma_wait3A_176, %dma_wait3A_178, %dma_wait3A_179] : memref<8x128x16xf32, #tpu.memory_space<vmem>> -> memref<1x128x16xf32, #tpu.memory_space<vmem>>
    %dma_wait3A_181 = tpu.memref_squeeze %dma_wait3A_180 : memref<1x128x16xf32, #tpu.memory_space<vmem>> -> memref<128x16xf32, #tpu.memory_space<vmem>>
    %dma_wait3A_182 = arith.constant 0 : i32
    %dma_wait3A_183 = tpu.memref_slice %arg6[%dma_wait3A_175, %dma_wait3A_182] : memref<80x128xi32, #tpu.memory_space<vmem>> -> memref<1x128xi32, #tpu.memory_space<vmem>>
    %dma_wait3A_184 = tpu.memref_squeeze %dma_wait3A_183 : memref<1x128xi32, #tpu.memory_space<vmem>> -> memref<128xi32, #tpu.memory_space<vmem>>
    %dma_wait3A_185 = arith.constant 0 : i32
    %dma_wait3A_186 = arith.constant 0 : i32
    %dma_wait3A_187 = tpu.memref_slice %arg11[%dma_wait3A_185, %dma_wait3A_186] : memref<10240x16xf32, #tpu.memory_space<vmem_shared>> -> memref<10240x16xf32, #tpu.memory_space<vmem_shared>>
    %dma_wait3A_188 = tpu.memref_slice %arg12[%dma_wait3A_177] : memref<8x!tpu.dma_semaphore, #tpu.memory_space<semaphore_mem>> -> memref<1x!tpu.dma_semaphore, #tpu.memory_space<semaphore_mem>>
    %dma_wait3A_189 = tpu.memref_squeeze %dma_wait3A_188 : memref<1x!tpu.dma_semaphore, #tpu.memory_space<semaphore_mem>> -> memref<!tpu.dma_semaphore, #tpu.memory_space<semaphore_mem>>
    tpu.wait_indirect_dma semaphore(%dma_wait3A_189 : memref<!tpu.dma_semaphore, #tpu.memory_space<semaphore_mem>>) src(%dma_wait3A_187 : memref<10240x16xf32, #tpu.memory_space<vmem_shared>>) dst(%dma_wait3A_181 : memref<128x16xf32, #tpu.memory_space<vmem>>)
    %dma_start3A_190 = arith.constant 0 : i32
    %dma_start3A_191 = arith.constant 72 : i32
    %dma_start3A_192 = arith.constant 0 : i32
    %dma_start3A_193 = arith.constant 0 : i32
    %dma_start3A_194 = arith.constant 0 : i32
    %dma_start3A_195 = tpu.memref_slice %arg8[%dma_start3A_190, %dma_start3A_193, %dma_start3A_194] : memref<8x128x16xf32, #tpu.memory_space<vmem>> -> memref<1x128x16xf32, #tpu.memory_space<vmem>>
    %dma_start3A_196 = tpu.memref_squeeze %dma_start3A_195 : memref<1x128x16xf32, #tpu.memory_space<vmem>> -> memref<128x16xf32, #tpu.memory_space<vmem>>
    %dma_start3A_197 = arith.constant 0 : i32
    %dma_start3A_198 = tpu.memref_slice %arg7[%dma_start3A_191, %dma_start3A_197] : memref<80x128xi32, #tpu.memory_space<vmem>> -> memref<1x128xi32, #tpu.memory_space<vmem>>
    %dma_start3A_199 = tpu.memref_squeeze %dma_start3A_198 : memref<1x128xi32, #tpu.memory_space<vmem>> -> memref<128xi32, #tpu.memory_space<vmem>>
    %dma_start3A_200 = arith.constant 0 : i32
    %dma_start3A_201 = arith.constant 0 : i32
    %dma_start3A_202 = tpu.memref_slice %arg10[%dma_start3A_200, %dma_start3A_201] : memref<10240x16xf32, #tpu.memory_space<vmem_shared>> -> memref<10240x16xf32, #tpu.memory_space<vmem_shared>>
    %dma_start3A_203 = tpu.memref_slice %arg13[%dma_start3A_192] : memref<8x!tpu.dma_semaphore, #tpu.memory_space<semaphore_mem>> -> memref<1x!tpu.dma_semaphore, #tpu.memory_space<semaphore_mem>>
    %dma_start3A_204 = tpu.memref_squeeze %dma_start3A_203 : memref<1x!tpu.dma_semaphore, #tpu.memory_space<semaphore_mem>> -> memref<!tpu.dma_semaphore, #tpu.memory_space<semaphore_mem>>
    tpu.enqueue_indirect_dma source(%dma_start3A_196 : memref<128x16xf32, #tpu.memory_space<vmem>>) target(%dma_start3A_202 : memref<10240x16xf32, #tpu.memory_space<vmem_shared>>) offsets(%dma_start3A_199 : memref<128xi32, #tpu.memory_space<vmem>>) semaphore(%dma_start3A_204 : memref<!tpu.dma_semaphore, #tpu.memory_space<semaphore_mem>>) {add = true}
    %dma_wait3A_205 = arith.constant 73 : i32
    %dma_wait3A_206 = arith.constant 1 : i32
    %dma_wait3A_207 = arith.constant 1 : i32
    %dma_wait3A_208 = arith.constant 0 : i32
    %dma_wait3A_209 = arith.constant 0 : i32
    %dma_wait3A_210 = tpu.memref_slice %arg8[%dma_wait3A_206, %dma_wait3A_208, %dma_wait3A_209] : memref<8x128x16xf32, #tpu.memory_space<vmem>> -> memref<1x128x16xf32, #tpu.memory_space<vmem>>
    %dma_wait3A_211 = tpu.memref_squeeze %dma_wait3A_210 : memref<1x128x16xf32, #tpu.memory_space<vmem>> -> memref<128x16xf32, #tpu.memory_space<vmem>>
    %dma_wait3A_212 = arith.constant 0 : i32
    %dma_wait3A_213 = tpu.memref_slice %arg6[%dma_wait3A_205, %dma_wait3A_212] : memref<80x128xi32, #tpu.memory_space<vmem>> -> memref<1x128xi32, #tpu.memory_space<vmem>>
    %dma_wait3A_214 = tpu.memref_squeeze %dma_wait3A_213 : memref<1x128xi32, #tpu.memory_space<vmem>> -> memref<128xi32, #tpu.memory_space<vmem>>
    %dma_wait3A_215 = arith.constant 0 : i32
    %dma_wait3A_216 = arith.constant 0 : i32
    %dma_wait3A_217 = tpu.memref_slice %arg11[%dma_wait3A_215, %dma_wait3A_216] : memref<10240x16xf32, #tpu.memory_space<vmem_shared>> -> memref<10240x16xf32, #tpu.memory_space<vmem_shared>>
    %dma_wait3A_218 = tpu.memref_slice %arg12[%dma_wait3A_207] : memref<8x!tpu.dma_semaphore, #tpu.memory_space<semaphore_mem>> -> memref<1x!tpu.dma_semaphore, #tpu.memory_space<semaphore_mem>>
    %dma_wait3A_219 = tpu.memref_squeeze %dma_wait3A_218 : memref<1x!tpu.dma_semaphore, #tpu.memory_space<semaphore_mem>> -> memref<!tpu.dma_semaphore, #tpu.memory_space<semaphore_mem>>
    tpu.wait_indirect_dma semaphore(%dma_wait3A_219 : memref<!tpu.dma_semaphore, #tpu.memory_space<semaphore_mem>>) src(%dma_wait3A_217 : memref<10240x16xf32, #tpu.memory_space<vmem_shared>>) dst(%dma_wait3A_211 : memref<128x16xf32, #tpu.memory_space<vmem>>)
    %dma_start3A_220 = arith.constant 1 : i32
    %dma_start3A_221 = arith.constant 73 : i32
    %dma_start3A_222 = arith.constant 1 : i32
    %dma_start3A_223 = arith.constant 0 : i32
    %dma_start3A_224 = arith.constant 0 : i32
    %dma_start3A_225 = tpu.memref_slice %arg8[%dma_start3A_220, %dma_start3A_223, %dma_start3A_224] : memref<8x128x16xf32, #tpu.memory_space<vmem>> -> memref<1x128x16xf32, #tpu.memory_space<vmem>>
    %dma_start3A_226 = tpu.memref_squeeze %dma_start3A_225 : memref<1x128x16xf32, #tpu.memory_space<vmem>> -> memref<128x16xf32, #tpu.memory_space<vmem>>
    %dma_start3A_227 = arith.constant 0 : i32
    %dma_start3A_228 = tpu.memref_slice %arg7[%dma_start3A_221, %dma_start3A_227] : memref<80x128xi32, #tpu.memory_space<vmem>> -> memref<1x128xi32, #tpu.memory_space<vmem>>
    %dma_start3A_229 = tpu.memref_squeeze %dma_start3A_228 : memref<1x128xi32, #tpu.memory_space<vmem>> -> memref<128xi32, #tpu.memory_space<vmem>>
    %dma_start3A_230 = arith.constant 0 : i32
    %dma_start3A_231 = arith.constant 0 : i32
    %dma_start3A_232 = tpu.memref_slice %arg10[%dma_start3A_230, %dma_start3A_231] : memref<10240x16xf32, #tpu.memory_space<vmem_shared>> -> memref<10240x16xf32, #tpu.memory_space<vmem_shared>>
    %dma_start3A_233 = tpu.memref_slice %arg13[%dma_start3A_222] : memref<8x!tpu.dma_semaphore, #tpu.memory_space<semaphore_mem>> -> memref<1x!tpu.dma_semaphore, #tpu.memory_space<semaphore_mem>>
    %dma_start3A_234 = tpu.memref_squeeze %dma_start3A_233 : memref<1x!tpu.dma_semaphore, #tpu.memory_space<semaphore_mem>> -> memref<!tpu.dma_semaphore, #tpu.memory_space<semaphore_mem>>
    tpu.enqueue_indirect_dma source(%dma_start3A_226 : memref<128x16xf32, #tpu.memory_space<vmem>>) target(%dma_start3A_232 : memref<10240x16xf32, #tpu.memory_space<vmem_shared>>) offsets(%dma_start3A_229 : memref<128xi32, #tpu.memory_space<vmem>>) semaphore(%dma_start3A_234 : memref<!tpu.dma_semaphore, #tpu.memory_space<semaphore_mem>>) {add = true}
    %dma_wait3A_235 = arith.constant 74 : i32
    %dma_wait3A_236 = arith.constant 2 : i32
    %dma_wait3A_237 = arith.constant 2 : i32
    %dma_wait3A_238 = arith.constant 0 : i32
    %dma_wait3A_239 = arith.constant 0 : i32
    %dma_wait3A_240 = tpu.memref_slice %arg8[%dma_wait3A_236, %dma_wait3A_238, %dma_wait3A_239] : memref<8x128x16xf32, #tpu.memory_space<vmem>> -> memref<1x128x16xf32, #tpu.memory_space<vmem>>
    %dma_wait3A_241 = tpu.memref_squeeze %dma_wait3A_240 : memref<1x128x16xf32, #tpu.memory_space<vmem>> -> memref<128x16xf32, #tpu.memory_space<vmem>>
    %dma_wait3A_242 = arith.constant 0 : i32
    %dma_wait3A_243 = tpu.memref_slice %arg6[%dma_wait3A_235, %dma_wait3A_242] : memref<80x128xi32, #tpu.memory_space<vmem>> -> memref<1x128xi32, #tpu.memory_space<vmem>>
    %dma_wait3A_244 = tpu.memref_squeeze %dma_wait3A_243 : memref<1x128xi32, #tpu.memory_space<vmem>> -> memref<128xi32, #tpu.memory_space<vmem>>
    %dma_wait3A_245 = arith.constant 0 : i32
    %dma_wait3A_246 = arith.constant 0 : i32
    %dma_wait3A_247 = tpu.memref_slice %arg11[%dma_wait3A_245, %dma_wait3A_246] : memref<10240x16xf32, #tpu.memory_space<vmem_shared>> -> memref<10240x16xf32, #tpu.memory_space<vmem_shared>>
    %dma_wait3A_248 = tpu.memref_slice %arg12[%dma_wait3A_237] : memref<8x!tpu.dma_semaphore, #tpu.memory_space<semaphore_mem>> -> memref<1x!tpu.dma_semaphore, #tpu.memory_space<semaphore_mem>>
    %dma_wait3A_249 = tpu.memref_squeeze %dma_wait3A_248 : memref<1x!tpu.dma_semaphore, #tpu.memory_space<semaphore_mem>> -> memref<!tpu.dma_semaphore, #tpu.memory_space<semaphore_mem>>
    tpu.wait_indirect_dma semaphore(%dma_wait3A_249 : memref<!tpu.dma_semaphore, #tpu.memory_space<semaphore_mem>>) src(%dma_wait3A_247 : memref<10240x16xf32, #tpu.memory_space<vmem_shared>>) dst(%dma_wait3A_241 : memref<128x16xf32, #tpu.memory_space<vmem>>)
    %dma_start3A_250 = arith.constant 2 : i32
    %dma_start3A_251 = arith.constant 74 : i32
    %dma_start3A_252 = arith.constant 2 : i32
    %dma_start3A_253 = arith.constant 0 : i32
    %dma_start3A_254 = arith.constant 0 : i32
    %dma_start3A_255 = tpu.memref_slice %arg8[%dma_start3A_250, %dma_start3A_253, %dma_start3A_254] : memref<8x128x16xf32, #tpu.memory_space<vmem>> -> memref<1x128x16xf32, #tpu.memory_space<vmem>>
    %dma_start3A_256 = tpu.memref_squeeze %dma_start3A_255 : memref<1x128x16xf32, #tpu.memory_space<vmem>> -> memref<128x16xf32, #tpu.memory_space<vmem>>
    %dma_start3A_257 = arith.constant 0 : i32
    %dma_start3A_258 = tpu.memref_slice %arg7[%dma_start3A_251, %dma_start3A_257] : memref<80x128xi32, #tpu.memory_space<vmem>> -> memref<1x128xi32, #tpu.memory_space<vmem>>
    %dma_start3A_259 = tpu.memref_squeeze %dma_start3A_258 : memref<1x128xi32, #tpu.memory_space<vmem>> -> memref<128xi32, #tpu.memory_space<vmem>>
    %dma_start3A_260 = arith.constant 0 : i32
    %dma_start3A_261 = arith.constant 0 : i32
    %dma_start3A_262 = tpu.memref_slice %arg10[%dma_start3A_260, %dma_start3A_261] : memref<10240x16xf32, #tpu.memory_space<vmem_shared>> -> memref<10240x16xf32, #tpu.memory_space<vmem_shared>>
    %dma_start3A_263 = tpu.memref_slice %arg13[%dma_start3A_252] : memref<8x!tpu.dma_semaphore, #tpu.memory_space<semaphore_mem>> -> memref<1x!tpu.dma_semaphore, #tpu.memory_space<semaphore_mem>>
    %dma_start3A_264 = tpu.memref_squeeze %dma_start3A_263 : memref<1x!tpu.dma_semaphore, #tpu.memory_space<semaphore_mem>> -> memref<!tpu.dma_semaphore, #tpu.memory_space<semaphore_mem>>
    tpu.enqueue_indirect_dma source(%dma_start3A_256 : memref<128x16xf32, #tpu.memory_space<vmem>>) target(%dma_start3A_262 : memref<10240x16xf32, #tpu.memory_space<vmem_shared>>) offsets(%dma_start3A_259 : memref<128xi32, #tpu.memory_space<vmem>>) semaphore(%dma_start3A_264 : memref<!tpu.dma_semaphore, #tpu.memory_space<semaphore_mem>>) {add = true}
    %dma_wait3A_265 = arith.constant 75 : i32
    %dma_wait3A_266 = arith.constant 3 : i32
    %dma_wait3A_267 = arith.constant 3 : i32
    %dma_wait3A_268 = arith.constant 0 : i32
    %dma_wait3A_269 = arith.constant 0 : i32
    %dma_wait3A_270 = tpu.memref_slice %arg8[%dma_wait3A_266, %dma_wait3A_268, %dma_wait3A_269] : memref<8x128x16xf32, #tpu.memory_space<vmem>> -> memref<1x128x16xf32, #tpu.memory_space<vmem>>
    %dma_wait3A_271 = tpu.memref_squeeze %dma_wait3A_270 : memref<1x128x16xf32, #tpu.memory_space<vmem>> -> memref<128x16xf32, #tpu.memory_space<vmem>>
    %dma_wait3A_272 = arith.constant 0 : i32
    %dma_wait3A_273 = tpu.memref_slice %arg6[%dma_wait3A_265, %dma_wait3A_272] : memref<80x128xi32, #tpu.memory_space<vmem>> -> memref<1x128xi32, #tpu.memory_space<vmem>>
    %dma_wait3A_274 = tpu.memref_squeeze %dma_wait3A_273 : memref<1x128xi32, #tpu.memory_space<vmem>> -> memref<128xi32, #tpu.memory_space<vmem>>
    %dma_wait3A_275 = arith.constant 0 : i32
    %dma_wait3A_276 = arith.constant 0 : i32
    %dma_wait3A_277 = tpu.memref_slice %arg11[%dma_wait3A_275, %dma_wait3A_276] : memref<10240x16xf32, #tpu.memory_space<vmem_shared>> -> memref<10240x16xf32, #tpu.memory_space<vmem_shared>>
    %dma_wait3A_278 = tpu.memref_slice %arg12[%dma_wait3A_267] : memref<8x!tpu.dma_semaphore, #tpu.memory_space<semaphore_mem>> -> memref<1x!tpu.dma_semaphore, #tpu.memory_space<semaphore_mem>>
    %dma_wait3A_279 = tpu.memref_squeeze %dma_wait3A_278 : memref<1x!tpu.dma_semaphore, #tpu.memory_space<semaphore_mem>> -> memref<!tpu.dma_semaphore, #tpu.memory_space<semaphore_mem>>
    tpu.wait_indirect_dma semaphore(%dma_wait3A_279 : memref<!tpu.dma_semaphore, #tpu.memory_space<semaphore_mem>>) src(%dma_wait3A_277 : memref<10240x16xf32, #tpu.memory_space<vmem_shared>>) dst(%dma_wait3A_271 : memref<128x16xf32, #tpu.memory_space<vmem>>)
    %dma_start3A_280 = arith.constant 3 : i32
    %dma_start3A_281 = arith.constant 75 : i32
    %dma_start3A_282 = arith.constant 3 : i32
    %dma_start3A_283 = arith.constant 0 : i32
    %dma_start3A_284 = arith.constant 0 : i32
    %dma_start3A_285 = tpu.memref_slice %arg8[%dma_start3A_280, %dma_start3A_283, %dma_start3A_284] : memref<8x128x16xf32, #tpu.memory_space<vmem>> -> memref<1x128x16xf32, #tpu.memory_space<vmem>>
    %dma_start3A_286 = tpu.memref_squeeze %dma_start3A_285 : memref<1x128x16xf32, #tpu.memory_space<vmem>> -> memref<128x16xf32, #tpu.memory_space<vmem>>
    %dma_start3A_287 = arith.constant 0 : i32
    %dma_start3A_288 = tpu.memref_slice %arg7[%dma_start3A_281, %dma_start3A_287] : memref<80x128xi32, #tpu.memory_space<vmem>> -> memref<1x128xi32, #tpu.memory_space<vmem>>
    %dma_start3A_289 = tpu.memref_squeeze %dma_start3A_288 : memref<1x128xi32, #tpu.memory_space<vmem>> -> memref<128xi32, #tpu.memory_space<vmem>>
    %dma_start3A_290 = arith.constant 0 : i32
    %dma_start3A_291 = arith.constant 0 : i32
    %dma_start3A_292 = tpu.memref_slice %arg10[%dma_start3A_290, %dma_start3A_291] : memref<10240x16xf32, #tpu.memory_space<vmem_shared>> -> memref<10240x16xf32, #tpu.memory_space<vmem_shared>>
    %dma_start3A_293 = tpu.memref_slice %arg13[%dma_start3A_282] : memref<8x!tpu.dma_semaphore, #tpu.memory_space<semaphore_mem>> -> memref<1x!tpu.dma_semaphore, #tpu.memory_space<semaphore_mem>>
    %dma_start3A_294 = tpu.memref_squeeze %dma_start3A_293 : memref<1x!tpu.dma_semaphore, #tpu.memory_space<semaphore_mem>> -> memref<!tpu.dma_semaphore, #tpu.memory_space<semaphore_mem>>
    tpu.enqueue_indirect_dma source(%dma_start3A_286 : memref<128x16xf32, #tpu.memory_space<vmem>>) target(%dma_start3A_292 : memref<10240x16xf32, #tpu.memory_space<vmem_shared>>) offsets(%dma_start3A_289 : memref<128xi32, #tpu.memory_space<vmem>>) semaphore(%dma_start3A_294 : memref<!tpu.dma_semaphore, #tpu.memory_space<semaphore_mem>>) {add = true}
    %dma_wait3A_295 = arith.constant 76 : i32
    %dma_wait3A_296 = arith.constant 4 : i32
    %dma_wait3A_297 = arith.constant 4 : i32
    %dma_wait3A_298 = arith.constant 0 : i32
    %dma_wait3A_299 = arith.constant 0 : i32
    %dma_wait3A_300 = tpu.memref_slice %arg8[%dma_wait3A_296, %dma_wait3A_298, %dma_wait3A_299] : memref<8x128x16xf32, #tpu.memory_space<vmem>> -> memref<1x128x16xf32, #tpu.memory_space<vmem>>
    %dma_wait3A_301 = tpu.memref_squeeze %dma_wait3A_300 : memref<1x128x16xf32, #tpu.memory_space<vmem>> -> memref<128x16xf32, #tpu.memory_space<vmem>>
    %dma_wait3A_302 = arith.constant 0 : i32
    %dma_wait3A_303 = tpu.memref_slice %arg6[%dma_wait3A_295, %dma_wait3A_302] : memref<80x128xi32, #tpu.memory_space<vmem>> -> memref<1x128xi32, #tpu.memory_space<vmem>>
    %dma_wait3A_304 = tpu.memref_squeeze %dma_wait3A_303 : memref<1x128xi32, #tpu.memory_space<vmem>> -> memref<128xi32, #tpu.memory_space<vmem>>
    %dma_wait3A_305 = arith.constant 0 : i32
    %dma_wait3A_306 = arith.constant 0 : i32
    %dma_wait3A_307 = tpu.memref_slice %arg11[%dma_wait3A_305, %dma_wait3A_306] : memref<10240x16xf32, #tpu.memory_space<vmem_shared>> -> memref<10240x16xf32, #tpu.memory_space<vmem_shared>>
    %dma_wait3A_308 = tpu.memref_slice %arg12[%dma_wait3A_297] : memref<8x!tpu.dma_semaphore, #tpu.memory_space<semaphore_mem>> -> memref<1x!tpu.dma_semaphore, #tpu.memory_space<semaphore_mem>>
    %dma_wait3A_309 = tpu.memref_squeeze %dma_wait3A_308 : memref<1x!tpu.dma_semaphore, #tpu.memory_space<semaphore_mem>> -> memref<!tpu.dma_semaphore, #tpu.memory_space<semaphore_mem>>
    tpu.wait_indirect_dma semaphore(%dma_wait3A_309 : memref<!tpu.dma_semaphore, #tpu.memory_space<semaphore_mem>>) src(%dma_wait3A_307 : memref<10240x16xf32, #tpu.memory_space<vmem_shared>>) dst(%dma_wait3A_301 : memref<128x16xf32, #tpu.memory_space<vmem>>)
    %dma_start3A_310 = arith.constant 4 : i32
    %dma_start3A_311 = arith.constant 76 : i32
    %dma_start3A_312 = arith.constant 4 : i32
    %dma_start3A_313 = arith.constant 0 : i32
    %dma_start3A_314 = arith.constant 0 : i32
    %dma_start3A_315 = tpu.memref_slice %arg8[%dma_start3A_310, %dma_start3A_313, %dma_start3A_314] : memref<8x128x16xf32, #tpu.memory_space<vmem>> -> memref<1x128x16xf32, #tpu.memory_space<vmem>>
    %dma_start3A_316 = tpu.memref_squeeze %dma_start3A_315 : memref<1x128x16xf32, #tpu.memory_space<vmem>> -> memref<128x16xf32, #tpu.memory_space<vmem>>
    %dma_start3A_317 = arith.constant 0 : i32
    %dma_start3A_318 = tpu.memref_slice %arg7[%dma_start3A_311, %dma_start3A_317] : memref<80x128xi32, #tpu.memory_space<vmem>> -> memref<1x128xi32, #tpu.memory_space<vmem>>
    %dma_start3A_319 = tpu.memref_squeeze %dma_start3A_318 : memref<1x128xi32, #tpu.memory_space<vmem>> -> memref<128xi32, #tpu.memory_space<vmem>>
    %dma_start3A_320 = arith.constant 0 : i32
    %dma_start3A_321 = arith.constant 0 : i32
    %dma_start3A_322 = tpu.memref_slice %arg10[%dma_start3A_320, %dma_start3A_321] : memref<10240x16xf32, #tpu.memory_space<vmem_shared>> -> memref<10240x16xf32, #tpu.memory_space<vmem_shared>>
    %dma_start3A_323 = tpu.memref_slice %arg13[%dma_start3A_312] : memref<8x!tpu.dma_semaphore, #tpu.memory_space<semaphore_mem>> -> memref<1x!tpu.dma_semaphore, #tpu.memory_space<semaphore_mem>>
    %dma_start3A_324 = tpu.memref_squeeze %dma_start3A_323 : memref<1x!tpu.dma_semaphore, #tpu.memory_space<semaphore_mem>> -> memref<!tpu.dma_semaphore, #tpu.memory_space<semaphore_mem>>
    tpu.enqueue_indirect_dma source(%dma_start3A_316 : memref<128x16xf32, #tpu.memory_space<vmem>>) target(%dma_start3A_322 : memref<10240x16xf32, #tpu.memory_space<vmem_shared>>) offsets(%dma_start3A_319 : memref<128xi32, #tpu.memory_space<vmem>>) semaphore(%dma_start3A_324 : memref<!tpu.dma_semaphore, #tpu.memory_space<semaphore_mem>>) {add = true}
    %dma_wait3A_325 = arith.constant 77 : i32
    %dma_wait3A_326 = arith.constant 5 : i32
    %dma_wait3A_327 = arith.constant 5 : i32
    %dma_wait3A_328 = arith.constant 0 : i32
    %dma_wait3A_329 = arith.constant 0 : i32
    %dma_wait3A_330 = tpu.memref_slice %arg8[%dma_wait3A_326, %dma_wait3A_328, %dma_wait3A_329] : memref<8x128x16xf32, #tpu.memory_space<vmem>> -> memref<1x128x16xf32, #tpu.memory_space<vmem>>
    %dma_wait3A_331 = tpu.memref_squeeze %dma_wait3A_330 : memref<1x128x16xf32, #tpu.memory_space<vmem>> -> memref<128x16xf32, #tpu.memory_space<vmem>>
    %dma_wait3A_332 = arith.constant 0 : i32
    %dma_wait3A_333 = tpu.memref_slice %arg6[%dma_wait3A_325, %dma_wait3A_332] : memref<80x128xi32, #tpu.memory_space<vmem>> -> memref<1x128xi32, #tpu.memory_space<vmem>>
    %dma_wait3A_334 = tpu.memref_squeeze %dma_wait3A_333 : memref<1x128xi32, #tpu.memory_space<vmem>> -> memref<128xi32, #tpu.memory_space<vmem>>
    %dma_wait3A_335 = arith.constant 0 : i32
    %dma_wait3A_336 = arith.constant 0 : i32
    %dma_wait3A_337 = tpu.memref_slice %arg11[%dma_wait3A_335, %dma_wait3A_336] : memref<10240x16xf32, #tpu.memory_space<vmem_shared>> -> memref<10240x16xf32, #tpu.memory_space<vmem_shared>>
    %dma_wait3A_338 = tpu.memref_slice %arg12[%dma_wait3A_327] : memref<8x!tpu.dma_semaphore, #tpu.memory_space<semaphore_mem>> -> memref<1x!tpu.dma_semaphore, #tpu.memory_space<semaphore_mem>>
    %dma_wait3A_339 = tpu.memref_squeeze %dma_wait3A_338 : memref<1x!tpu.dma_semaphore, #tpu.memory_space<semaphore_mem>> -> memref<!tpu.dma_semaphore, #tpu.memory_space<semaphore_mem>>
    tpu.wait_indirect_dma semaphore(%dma_wait3A_339 : memref<!tpu.dma_semaphore, #tpu.memory_space<semaphore_mem>>) src(%dma_wait3A_337 : memref<10240x16xf32, #tpu.memory_space<vmem_shared>>) dst(%dma_wait3A_331 : memref<128x16xf32, #tpu.memory_space<vmem>>)
    %dma_start3A_340 = arith.constant 5 : i32
    %dma_start3A_341 = arith.constant 77 : i32
    %dma_start3A_342 = arith.constant 5 : i32
    %dma_start3A_343 = arith.constant 0 : i32
    %dma_start3A_344 = arith.constant 0 : i32
    %dma_start3A_345 = tpu.memref_slice %arg8[%dma_start3A_340, %dma_start3A_343, %dma_start3A_344] : memref<8x128x16xf32, #tpu.memory_space<vmem>> -> memref<1x128x16xf32, #tpu.memory_space<vmem>>
    %dma_start3A_346 = tpu.memref_squeeze %dma_start3A_345 : memref<1x128x16xf32, #tpu.memory_space<vmem>> -> memref<128x16xf32, #tpu.memory_space<vmem>>
    %dma_start3A_347 = arith.constant 0 : i32
    %dma_start3A_348 = tpu.memref_slice %arg7[%dma_start3A_341, %dma_start3A_347] : memref<80x128xi32, #tpu.memory_space<vmem>> -> memref<1x128xi32, #tpu.memory_space<vmem>>
    %dma_start3A_349 = tpu.memref_squeeze %dma_start3A_348 : memref<1x128xi32, #tpu.memory_space<vmem>> -> memref<128xi32, #tpu.memory_space<vmem>>
    %dma_start3A_350 = arith.constant 0 : i32
    %dma_start3A_351 = arith.constant 0 : i32
    %dma_start3A_352 = tpu.memref_slice %arg10[%dma_start3A_350, %dma_start3A_351] : memref<10240x16xf32, #tpu.memory_space<vmem_shared>> -> memref<10240x16xf32, #tpu.memory_space<vmem_shared>>
    %dma_start3A_353 = tpu.memref_slice %arg13[%dma_start3A_342] : memref<8x!tpu.dma_semaphore, #tpu.memory_space<semaphore_mem>> -> memref<1x!tpu.dma_semaphore, #tpu.memory_space<semaphore_mem>>
    %dma_start3A_354 = tpu.memref_squeeze %dma_start3A_353 : memref<1x!tpu.dma_semaphore, #tpu.memory_space<semaphore_mem>> -> memref<!tpu.dma_semaphore, #tpu.memory_space<semaphore_mem>>
    tpu.enqueue_indirect_dma source(%dma_start3A_346 : memref<128x16xf32, #tpu.memory_space<vmem>>) target(%dma_start3A_352 : memref<10240x16xf32, #tpu.memory_space<vmem_shared>>) offsets(%dma_start3A_349 : memref<128xi32, #tpu.memory_space<vmem>>) semaphore(%dma_start3A_354 : memref<!tpu.dma_semaphore, #tpu.memory_space<semaphore_mem>>) {add = true}
    %dma_wait3A_355 = arith.constant 78 : i32
    %dma_wait3A_356 = arith.constant 6 : i32
    %dma_wait3A_357 = arith.constant 6 : i32
    %dma_wait3A_358 = arith.constant 0 : i32
    %dma_wait3A_359 = arith.constant 0 : i32
    %dma_wait3A_360 = tpu.memref_slice %arg8[%dma_wait3A_356, %dma_wait3A_358, %dma_wait3A_359] : memref<8x128x16xf32, #tpu.memory_space<vmem>> -> memref<1x128x16xf32, #tpu.memory_space<vmem>>
    %dma_wait3A_361 = tpu.memref_squeeze %dma_wait3A_360 : memref<1x128x16xf32, #tpu.memory_space<vmem>> -> memref<128x16xf32, #tpu.memory_space<vmem>>
    %dma_wait3A_362 = arith.constant 0 : i32
    %dma_wait3A_363 = tpu.memref_slice %arg6[%dma_wait3A_355, %dma_wait3A_362] : memref<80x128xi32, #tpu.memory_space<vmem>> -> memref<1x128xi32, #tpu.memory_space<vmem>>
    %dma_wait3A_364 = tpu.memref_squeeze %dma_wait3A_363 : memref<1x128xi32, #tpu.memory_space<vmem>> -> memref<128xi32, #tpu.memory_space<vmem>>
    %dma_wait3A_365 = arith.constant 0 : i32
    %dma_wait3A_366 = arith.constant 0 : i32
    %dma_wait3A_367 = tpu.memref_slice %arg11[%dma_wait3A_365, %dma_wait3A_366] : memref<10240x16xf32, #tpu.memory_space<vmem_shared>> -> memref<10240x16xf32, #tpu.memory_space<vmem_shared>>
    %dma_wait3A_368 = tpu.memref_slice %arg12[%dma_wait3A_357] : memref<8x!tpu.dma_semaphore, #tpu.memory_space<semaphore_mem>> -> memref<1x!tpu.dma_semaphore, #tpu.memory_space<semaphore_mem>>
    %dma_wait3A_369 = tpu.memref_squeeze %dma_wait3A_368 : memref<1x!tpu.dma_semaphore, #tpu.memory_space<semaphore_mem>> -> memref<!tpu.dma_semaphore, #tpu.memory_space<semaphore_mem>>
    tpu.wait_indirect_dma semaphore(%dma_wait3A_369 : memref<!tpu.dma_semaphore, #tpu.memory_space<semaphore_mem>>) src(%dma_wait3A_367 : memref<10240x16xf32, #tpu.memory_space<vmem_shared>>) dst(%dma_wait3A_361 : memref<128x16xf32, #tpu.memory_space<vmem>>)
    %dma_start3A_370 = arith.constant 6 : i32
    %dma_start3A_371 = arith.constant 78 : i32
    %dma_start3A_372 = arith.constant 6 : i32
    %dma_start3A_373 = arith.constant 0 : i32
    %dma_start3A_374 = arith.constant 0 : i32
    %dma_start3A_375 = tpu.memref_slice %arg8[%dma_start3A_370, %dma_start3A_373, %dma_start3A_374] : memref<8x128x16xf32, #tpu.memory_space<vmem>> -> memref<1x128x16xf32, #tpu.memory_space<vmem>>
    %dma_start3A_376 = tpu.memref_squeeze %dma_start3A_375 : memref<1x128x16xf32, #tpu.memory_space<vmem>> -> memref<128x16xf32, #tpu.memory_space<vmem>>
    %dma_start3A_377 = arith.constant 0 : i32
    %dma_start3A_378 = tpu.memref_slice %arg7[%dma_start3A_371, %dma_start3A_377] : memref<80x128xi32, #tpu.memory_space<vmem>> -> memref<1x128xi32, #tpu.memory_space<vmem>>
    %dma_start3A_379 = tpu.memref_squeeze %dma_start3A_378 : memref<1x128xi32, #tpu.memory_space<vmem>> -> memref<128xi32, #tpu.memory_space<vmem>>
    %dma_start3A_380 = arith.constant 0 : i32
    %dma_start3A_381 = arith.constant 0 : i32
    %dma_start3A_382 = tpu.memref_slice %arg10[%dma_start3A_380, %dma_start3A_381] : memref<10240x16xf32, #tpu.memory_space<vmem_shared>> -> memref<10240x16xf32, #tpu.memory_space<vmem_shared>>
    %dma_start3A_383 = tpu.memref_slice %arg13[%dma_start3A_372] : memref<8x!tpu.dma_semaphore, #tpu.memory_space<semaphore_mem>> -> memref<1x!tpu.dma_semaphore, #tpu.memory_space<semaphore_mem>>
    %dma_start3A_384 = tpu.memref_squeeze %dma_start3A_383 : memref<1x!tpu.dma_semaphore, #tpu.memory_space<semaphore_mem>> -> memref<!tpu.dma_semaphore, #tpu.memory_space<semaphore_mem>>
    tpu.enqueue_indirect_dma source(%dma_start3A_376 : memref<128x16xf32, #tpu.memory_space<vmem>>) target(%dma_start3A_382 : memref<10240x16xf32, #tpu.memory_space<vmem_shared>>) offsets(%dma_start3A_379 : memref<128xi32, #tpu.memory_space<vmem>>) semaphore(%dma_start3A_384 : memref<!tpu.dma_semaphore, #tpu.memory_space<semaphore_mem>>) {add = true}
    %dma_wait3A_385 = arith.constant 79 : i32
    %dma_wait3A_386 = arith.constant 7 : i32
    %dma_wait3A_387 = arith.constant 7 : i32
    %dma_wait3A_388 = arith.constant 0 : i32
    %dma_wait3A_389 = arith.constant 0 : i32
    %dma_wait3A_390 = tpu.memref_slice %arg8[%dma_wait3A_386, %dma_wait3A_388, %dma_wait3A_389] : memref<8x128x16xf32, #tpu.memory_space<vmem>> -> memref<1x128x16xf32, #tpu.memory_space<vmem>>
    %dma_wait3A_391 = tpu.memref_squeeze %dma_wait3A_390 : memref<1x128x16xf32, #tpu.memory_space<vmem>> -> memref<128x16xf32, #tpu.memory_space<vmem>>
    %dma_wait3A_392 = arith.constant 0 : i32
    %dma_wait3A_393 = tpu.memref_slice %arg6[%dma_wait3A_385, %dma_wait3A_392] : memref<80x128xi32, #tpu.memory_space<vmem>> -> memref<1x128xi32, #tpu.memory_space<vmem>>
    %dma_wait3A_394 = tpu.memref_squeeze %dma_wait3A_393 : memref<1x128xi32, #tpu.memory_space<vmem>> -> memref<128xi32, #tpu.memory_space<vmem>>
    %dma_wait3A_395 = arith.constant 0 : i32
    %dma_wait3A_396 = arith.constant 0 : i32
    %dma_wait3A_397 = tpu.memref_slice %arg11[%dma_wait3A_395, %dma_wait3A_396] : memref<10240x16xf32, #tpu.memory_space<vmem_shared>> -> memref<10240x16xf32, #tpu.memory_space<vmem_shared>>
    %dma_wait3A_398 = tpu.memref_slice %arg12[%dma_wait3A_387] : memref<8x!tpu.dma_semaphore, #tpu.memory_space<semaphore_mem>> -> memref<1x!tpu.dma_semaphore, #tpu.memory_space<semaphore_mem>>
    %dma_wait3A_399 = tpu.memref_squeeze %dma_wait3A_398 : memref<1x!tpu.dma_semaphore, #tpu.memory_space<semaphore_mem>> -> memref<!tpu.dma_semaphore, #tpu.memory_space<semaphore_mem>>
    tpu.wait_indirect_dma semaphore(%dma_wait3A_399 : memref<!tpu.dma_semaphore, #tpu.memory_space<semaphore_mem>>) src(%dma_wait3A_397 : memref<10240x16xf32, #tpu.memory_space<vmem_shared>>) dst(%dma_wait3A_391 : memref<128x16xf32, #tpu.memory_space<vmem>>)
    %dma_start3A_400 = arith.constant 7 : i32
    %dma_start3A_401 = arith.constant 79 : i32
    %dma_start3A_402 = arith.constant 7 : i32
    %dma_start3A_403 = arith.constant 0 : i32
    %dma_start3A_404 = arith.constant 0 : i32
    %dma_start3A_405 = tpu.memref_slice %arg8[%dma_start3A_400, %dma_start3A_403, %dma_start3A_404] : memref<8x128x16xf32, #tpu.memory_space<vmem>> -> memref<1x128x16xf32, #tpu.memory_space<vmem>>
    %dma_start3A_406 = tpu.memref_squeeze %dma_start3A_405 : memref<1x128x16xf32, #tpu.memory_space<vmem>> -> memref<128x16xf32, #tpu.memory_space<vmem>>
    %dma_start3A_407 = arith.constant 0 : i32
    %dma_start3A_408 = tpu.memref_slice %arg7[%dma_start3A_401, %dma_start3A_407] : memref<80x128xi32, #tpu.memory_space<vmem>> -> memref<1x128xi32, #tpu.memory_space<vmem>>
    %dma_start3A_409 = tpu.memref_squeeze %dma_start3A_408 : memref<1x128xi32, #tpu.memory_space<vmem>> -> memref<128xi32, #tpu.memory_space<vmem>>
    %dma_start3A_410 = arith.constant 0 : i32
    %dma_start3A_411 = arith.constant 0 : i32
    %dma_start3A_412 = tpu.memref_slice %arg10[%dma_start3A_410, %dma_start3A_411] : memref<10240x16xf32, #tpu.memory_space<vmem_shared>> -> memref<10240x16xf32, #tpu.memory_space<vmem_shared>>
    %dma_start3A_413 = tpu.memref_slice %arg13[%dma_start3A_402] : memref<8x!tpu.dma_semaphore, #tpu.memory_space<semaphore_mem>> -> memref<1x!tpu.dma_semaphore, #tpu.memory_space<semaphore_mem>>
    %dma_start3A_414 = tpu.memref_squeeze %dma_start3A_413 : memref<1x!tpu.dma_semaphore, #tpu.memory_space<semaphore_mem>> -> memref<!tpu.dma_semaphore, #tpu.memory_space<semaphore_mem>>
    tpu.enqueue_indirect_dma source(%dma_start3A_406 : memref<128x16xf32, #tpu.memory_space<vmem>>) target(%dma_start3A_412 : memref<10240x16xf32, #tpu.memory_space<vmem_shared>>) offsets(%dma_start3A_409 : memref<128xi32, #tpu.memory_space<vmem>>) semaphore(%dma_start3A_414 : memref<!tpu.dma_semaphore, #tpu.memory_space<semaphore_mem>>) {add = true}
    %dma_wait3A_415 = arith.constant 0 : i32
    %dma_wait3A_416 = arith.constant 72 : i32
    %dma_wait3A_417 = arith.constant 0 : i32
    %dma_wait3A_418 = arith.constant 0 : i32
    %dma_wait3A_419 = arith.constant 0 : i32
    %dma_wait3A_420 = tpu.memref_slice %arg8[%dma_wait3A_415, %dma_wait3A_418, %dma_wait3A_419] : memref<8x128x16xf32, #tpu.memory_space<vmem>> -> memref<1x128x16xf32, #tpu.memory_space<vmem>>
    %dma_wait3A_421 = tpu.memref_squeeze %dma_wait3A_420 : memref<1x128x16xf32, #tpu.memory_space<vmem>> -> memref<128x16xf32, #tpu.memory_space<vmem>>
    %dma_wait3A_422 = arith.constant 0 : i32
    %dma_wait3A_423 = tpu.memref_slice %arg7[%dma_wait3A_416, %dma_wait3A_422] : memref<80x128xi32, #tpu.memory_space<vmem>> -> memref<1x128xi32, #tpu.memory_space<vmem>>
    %dma_wait3A_424 = tpu.memref_squeeze %dma_wait3A_423 : memref<1x128xi32, #tpu.memory_space<vmem>> -> memref<128xi32, #tpu.memory_space<vmem>>
    %dma_wait3A_425 = arith.constant 0 : i32
    %dma_wait3A_426 = arith.constant 0 : i32
    %dma_wait3A_427 = tpu.memref_slice %arg10[%dma_wait3A_425, %dma_wait3A_426] : memref<10240x16xf32, #tpu.memory_space<vmem_shared>> -> memref<10240x16xf32, #tpu.memory_space<vmem_shared>>
    %dma_wait3A_428 = tpu.memref_slice %arg13[%dma_wait3A_417] : memref<8x!tpu.dma_semaphore, #tpu.memory_space<semaphore_mem>> -> memref<1x!tpu.dma_semaphore, #tpu.memory_space<semaphore_mem>>
    %dma_wait3A_429 = tpu.memref_squeeze %dma_wait3A_428 : memref<1x!tpu.dma_semaphore, #tpu.memory_space<semaphore_mem>> -> memref<!tpu.dma_semaphore, #tpu.memory_space<semaphore_mem>>
    tpu.wait_indirect_dma semaphore(%dma_wait3A_429 : memref<!tpu.dma_semaphore, #tpu.memory_space<semaphore_mem>>) src(%dma_wait3A_421 : memref<128x16xf32, #tpu.memory_space<vmem>>) dst(%dma_wait3A_427 : memref<10240x16xf32, #tpu.memory_space<vmem_shared>>)
    %dma_wait3A_430 = arith.constant 1 : i32
    %dma_wait3A_431 = arith.constant 73 : i32
    %dma_wait3A_432 = arith.constant 1 : i32
    %dma_wait3A_433 = arith.constant 0 : i32
    %dma_wait3A_434 = arith.constant 0 : i32
    %dma_wait3A_435 = tpu.memref_slice %arg8[%dma_wait3A_430, %dma_wait3A_433, %dma_wait3A_434] : memref<8x128x16xf32, #tpu.memory_space<vmem>> -> memref<1x128x16xf32, #tpu.memory_space<vmem>>
    %dma_wait3A_436 = tpu.memref_squeeze %dma_wait3A_435 : memref<1x128x16xf32, #tpu.memory_space<vmem>> -> memref<128x16xf32, #tpu.memory_space<vmem>>
    %dma_wait3A_437 = arith.constant 0 : i32
    %dma_wait3A_438 = tpu.memref_slice %arg7[%dma_wait3A_431, %dma_wait3A_437] : memref<80x128xi32, #tpu.memory_space<vmem>> -> memref<1x128xi32, #tpu.memory_space<vmem>>
    %dma_wait3A_439 = tpu.memref_squeeze %dma_wait3A_438 : memref<1x128xi32, #tpu.memory_space<vmem>> -> memref<128xi32, #tpu.memory_space<vmem>>
    %dma_wait3A_440 = arith.constant 0 : i32
    %dma_wait3A_441 = arith.constant 0 : i32
    %dma_wait3A_442 = tpu.memref_slice %arg10[%dma_wait3A_440, %dma_wait3A_441] : memref<10240x16xf32, #tpu.memory_space<vmem_shared>> -> memref<10240x16xf32, #tpu.memory_space<vmem_shared>>
    %dma_wait3A_443 = tpu.memref_slice %arg13[%dma_wait3A_432] : memref<8x!tpu.dma_semaphore, #tpu.memory_space<semaphore_mem>> -> memref<1x!tpu.dma_semaphore, #tpu.memory_space<semaphore_mem>>
    %dma_wait3A_444 = tpu.memref_squeeze %dma_wait3A_443 : memref<1x!tpu.dma_semaphore, #tpu.memory_space<semaphore_mem>> -> memref<!tpu.dma_semaphore, #tpu.memory_space<semaphore_mem>>
    tpu.wait_indirect_dma semaphore(%dma_wait3A_444 : memref<!tpu.dma_semaphore, #tpu.memory_space<semaphore_mem>>) src(%dma_wait3A_436 : memref<128x16xf32, #tpu.memory_space<vmem>>) dst(%dma_wait3A_442 : memref<10240x16xf32, #tpu.memory_space<vmem_shared>>)
    %dma_wait3A_445 = arith.constant 2 : i32
    %dma_wait3A_446 = arith.constant 74 : i32
    %dma_wait3A_447 = arith.constant 2 : i32
    %dma_wait3A_448 = arith.constant 0 : i32
    %dma_wait3A_449 = arith.constant 0 : i32
    %dma_wait3A_450 = tpu.memref_slice %arg8[%dma_wait3A_445, %dma_wait3A_448, %dma_wait3A_449] : memref<8x128x16xf32, #tpu.memory_space<vmem>> -> memref<1x128x16xf32, #tpu.memory_space<vmem>>
    %dma_wait3A_451 = tpu.memref_squeeze %dma_wait3A_450 : memref<1x128x16xf32, #tpu.memory_space<vmem>> -> memref<128x16xf32, #tpu.memory_space<vmem>>
    %dma_wait3A_452 = arith.constant 0 : i32
    %dma_wait3A_453 = tpu.memref_slice %arg7[%dma_wait3A_446, %dma_wait3A_452] : memref<80x128xi32, #tpu.memory_space<vmem>> -> memref<1x128xi32, #tpu.memory_space<vmem>>
    %dma_wait3A_454 = tpu.memref_squeeze %dma_wait3A_453 : memref<1x128xi32, #tpu.memory_space<vmem>> -> memref<128xi32, #tpu.memory_space<vmem>>
    %dma_wait3A_455 = arith.constant 0 : i32
    %dma_wait3A_456 = arith.constant 0 : i32
    %dma_wait3A_457 = tpu.memref_slice %arg10[%dma_wait3A_455, %dma_wait3A_456] : memref<10240x16xf32, #tpu.memory_space<vmem_shared>> -> memref<10240x16xf32, #tpu.memory_space<vmem_shared>>
    %dma_wait3A_458 = tpu.memref_slice %arg13[%dma_wait3A_447] : memref<8x!tpu.dma_semaphore, #tpu.memory_space<semaphore_mem>> -> memref<1x!tpu.dma_semaphore, #tpu.memory_space<semaphore_mem>>
    %dma_wait3A_459 = tpu.memref_squeeze %dma_wait3A_458 : memref<1x!tpu.dma_semaphore, #tpu.memory_space<semaphore_mem>> -> memref<!tpu.dma_semaphore, #tpu.memory_space<semaphore_mem>>
    tpu.wait_indirect_dma semaphore(%dma_wait3A_459 : memref<!tpu.dma_semaphore, #tpu.memory_space<semaphore_mem>>) src(%dma_wait3A_451 : memref<128x16xf32, #tpu.memory_space<vmem>>) dst(%dma_wait3A_457 : memref<10240x16xf32, #tpu.memory_space<vmem_shared>>)
    %dma_wait3A_460 = arith.constant 3 : i32
    %dma_wait3A_461 = arith.constant 75 : i32
    %dma_wait3A_462 = arith.constant 3 : i32
    %dma_wait3A_463 = arith.constant 0 : i32
    %dma_wait3A_464 = arith.constant 0 : i32
    %dma_wait3A_465 = tpu.memref_slice %arg8[%dma_wait3A_460, %dma_wait3A_463, %dma_wait3A_464] : memref<8x128x16xf32, #tpu.memory_space<vmem>> -> memref<1x128x16xf32, #tpu.memory_space<vmem>>
    %dma_wait3A_466 = tpu.memref_squeeze %dma_wait3A_465 : memref<1x128x16xf32, #tpu.memory_space<vmem>> -> memref<128x16xf32, #tpu.memory_space<vmem>>
    %dma_wait3A_467 = arith.constant 0 : i32
    %dma_wait3A_468 = tpu.memref_slice %arg7[%dma_wait3A_461, %dma_wait3A_467] : memref<80x128xi32, #tpu.memory_space<vmem>> -> memref<1x128xi32, #tpu.memory_space<vmem>>
    %dma_wait3A_469 = tpu.memref_squeeze %dma_wait3A_468 : memref<1x128xi32, #tpu.memory_space<vmem>> -> memref<128xi32, #tpu.memory_space<vmem>>
    %dma_wait3A_470 = arith.constant 0 : i32
    %dma_wait3A_471 = arith.constant 0 : i32
    %dma_wait3A_472 = tpu.memref_slice %arg10[%dma_wait3A_470, %dma_wait3A_471] : memref<10240x16xf32, #tpu.memory_space<vmem_shared>> -> memref<10240x16xf32, #tpu.memory_space<vmem_shared>>
    %dma_wait3A_473 = tpu.memref_slice %arg13[%dma_wait3A_462] : memref<8x!tpu.dma_semaphore, #tpu.memory_space<semaphore_mem>> -> memref<1x!tpu.dma_semaphore, #tpu.memory_space<semaphore_mem>>
    %dma_wait3A_474 = tpu.memref_squeeze %dma_wait3A_473 : memref<1x!tpu.dma_semaphore, #tpu.memory_space<semaphore_mem>> -> memref<!tpu.dma_semaphore, #tpu.memory_space<semaphore_mem>>
    tpu.wait_indirect_dma semaphore(%dma_wait3A_474 : memref<!tpu.dma_semaphore, #tpu.memory_space<semaphore_mem>>) src(%dma_wait3A_466 : memref<128x16xf32, #tpu.memory_space<vmem>>) dst(%dma_wait3A_472 : memref<10240x16xf32, #tpu.memory_space<vmem_shared>>)
    %dma_wait3A_475 = arith.constant 4 : i32
    %dma_wait3A_476 = arith.constant 76 : i32
    %dma_wait3A_477 = arith.constant 4 : i32
    %dma_wait3A_478 = arith.constant 0 : i32
    %dma_wait3A_479 = arith.constant 0 : i32
    %dma_wait3A_480 = tpu.memref_slice %arg8[%dma_wait3A_475, %dma_wait3A_478, %dma_wait3A_479] : memref<8x128x16xf32, #tpu.memory_space<vmem>> -> memref<1x128x16xf32, #tpu.memory_space<vmem>>
    %dma_wait3A_481 = tpu.memref_squeeze %dma_wait3A_480 : memref<1x128x16xf32, #tpu.memory_space<vmem>> -> memref<128x16xf32, #tpu.memory_space<vmem>>
    %dma_wait3A_482 = arith.constant 0 : i32
    %dma_wait3A_483 = tpu.memref_slice %arg7[%dma_wait3A_476, %dma_wait3A_482] : memref<80x128xi32, #tpu.memory_space<vmem>> -> memref<1x128xi32, #tpu.memory_space<vmem>>
    %dma_wait3A_484 = tpu.memref_squeeze %dma_wait3A_483 : memref<1x128xi32, #tpu.memory_space<vmem>> -> memref<128xi32, #tpu.memory_space<vmem>>
    %dma_wait3A_485 = arith.constant 0 : i32
    %dma_wait3A_486 = arith.constant 0 : i32
    %dma_wait3A_487 = tpu.memref_slice %arg10[%dma_wait3A_485, %dma_wait3A_486] : memref<10240x16xf32, #tpu.memory_space<vmem_shared>> -> memref<10240x16xf32, #tpu.memory_space<vmem_shared>>
    %dma_wait3A_488 = tpu.memref_slice %arg13[%dma_wait3A_477] : memref<8x!tpu.dma_semaphore, #tpu.memory_space<semaphore_mem>> -> memref<1x!tpu.dma_semaphore, #tpu.memory_space<semaphore_mem>>
    %dma_wait3A_489 = tpu.memref_squeeze %dma_wait3A_488 : memref<1x!tpu.dma_semaphore, #tpu.memory_space<semaphore_mem>> -> memref<!tpu.dma_semaphore, #tpu.memory_space<semaphore_mem>>
    tpu.wait_indirect_dma semaphore(%dma_wait3A_489 : memref<!tpu.dma_semaphore, #tpu.memory_space<semaphore_mem>>) src(%dma_wait3A_481 : memref<128x16xf32, #tpu.memory_space<vmem>>) dst(%dma_wait3A_487 : memref<10240x16xf32, #tpu.memory_space<vmem_shared>>)
    %dma_wait3A_490 = arith.constant 5 : i32
    %dma_wait3A_491 = arith.constant 77 : i32
    %dma_wait3A_492 = arith.constant 5 : i32
    %dma_wait3A_493 = arith.constant 0 : i32
    %dma_wait3A_494 = arith.constant 0 : i32
    %dma_wait3A_495 = tpu.memref_slice %arg8[%dma_wait3A_490, %dma_wait3A_493, %dma_wait3A_494] : memref<8x128x16xf32, #tpu.memory_space<vmem>> -> memref<1x128x16xf32, #tpu.memory_space<vmem>>
    %dma_wait3A_496 = tpu.memref_squeeze %dma_wait3A_495 : memref<1x128x16xf32, #tpu.memory_space<vmem>> -> memref<128x16xf32, #tpu.memory_space<vmem>>
    %dma_wait3A_497 = arith.constant 0 : i32
    %dma_wait3A_498 = tpu.memref_slice %arg7[%dma_wait3A_491, %dma_wait3A_497] : memref<80x128xi32, #tpu.memory_space<vmem>> -> memref<1x128xi32, #tpu.memory_space<vmem>>
    %dma_wait3A_499 = tpu.memref_squeeze %dma_wait3A_498 : memref<1x128xi32, #tpu.memory_space<vmem>> -> memref<128xi32, #tpu.memory_space<vmem>>
    %dma_wait3A_500 = arith.constant 0 : i32
    %dma_wait3A_501 = arith.constant 0 : i32
    %dma_wait3A_502 = tpu.memref_slice %arg10[%dma_wait3A_500, %dma_wait3A_501] : memref<10240x16xf32, #tpu.memory_space<vmem_shared>> -> memref<10240x16xf32, #tpu.memory_space<vmem_shared>>
    %dma_wait3A_503 = tpu.memref_slice %arg13[%dma_wait3A_492] : memref<8x!tpu.dma_semaphore, #tpu.memory_space<semaphore_mem>> -> memref<1x!tpu.dma_semaphore, #tpu.memory_space<semaphore_mem>>
    %dma_wait3A_504 = tpu.memref_squeeze %dma_wait3A_503 : memref<1x!tpu.dma_semaphore, #tpu.memory_space<semaphore_mem>> -> memref<!tpu.dma_semaphore, #tpu.memory_space<semaphore_mem>>
    tpu.wait_indirect_dma semaphore(%dma_wait3A_504 : memref<!tpu.dma_semaphore, #tpu.memory_space<semaphore_mem>>) src(%dma_wait3A_496 : memref<128x16xf32, #tpu.memory_space<vmem>>) dst(%dma_wait3A_502 : memref<10240x16xf32, #tpu.memory_space<vmem_shared>>)
    %dma_wait3A_505 = arith.constant 6 : i32
    %dma_wait3A_506 = arith.constant 78 : i32
    %dma_wait3A_507 = arith.constant 6 : i32
    %dma_wait3A_508 = arith.constant 0 : i32
    %dma_wait3A_509 = arith.constant 0 : i32
    %dma_wait3A_510 = tpu.memref_slice %arg8[%dma_wait3A_505, %dma_wait3A_508, %dma_wait3A_509] : memref<8x128x16xf32, #tpu.memory_space<vmem>> -> memref<1x128x16xf32, #tpu.memory_space<vmem>>
    %dma_wait3A_511 = tpu.memref_squeeze %dma_wait3A_510 : memref<1x128x16xf32, #tpu.memory_space<vmem>> -> memref<128x16xf32, #tpu.memory_space<vmem>>
    %dma_wait3A_512 = arith.constant 0 : i32
    %dma_wait3A_513 = tpu.memref_slice %arg7[%dma_wait3A_506, %dma_wait3A_512] : memref<80x128xi32, #tpu.memory_space<vmem>> -> memref<1x128xi32, #tpu.memory_space<vmem>>
    %dma_wait3A_514 = tpu.memref_squeeze %dma_wait3A_513 : memref<1x128xi32, #tpu.memory_space<vmem>> -> memref<128xi32, #tpu.memory_space<vmem>>
    %dma_wait3A_515 = arith.constant 0 : i32
    %dma_wait3A_516 = arith.constant 0 : i32
    %dma_wait3A_517 = tpu.memref_slice %arg10[%dma_wait3A_515, %dma_wait3A_516] : memref<10240x16xf32, #tpu.memory_space<vmem_shared>> -> memref<10240x16xf32, #tpu.memory_space<vmem_shared>>
    %dma_wait3A_518 = tpu.memref_slice %arg13[%dma_wait3A_507] : memref<8x!tpu.dma_semaphore, #tpu.memory_space<semaphore_mem>> -> memref<1x!tpu.dma_semaphore, #tpu.memory_space<semaphore_mem>>
    %dma_wait3A_519 = tpu.memref_squeeze %dma_wait3A_518 : memref<1x!tpu.dma_semaphore, #tpu.memory_space<semaphore_mem>> -> memref<!tpu.dma_semaphore, #tpu.memory_space<semaphore_mem>>
    tpu.wait_indirect_dma semaphore(%dma_wait3A_519 : memref<!tpu.dma_semaphore, #tpu.memory_space<semaphore_mem>>) src(%dma_wait3A_511 : memref<128x16xf32, #tpu.memory_space<vmem>>) dst(%dma_wait3A_517 : memref<10240x16xf32, #tpu.memory_space<vmem_shared>>)
    %dma_wait3A_520 = arith.constant 7 : i32
    %dma_wait3A_521 = arith.constant 79 : i32
    %dma_wait3A_522 = arith.constant 7 : i32
    %dma_wait3A_523 = arith.constant 0 : i32
    %dma_wait3A_524 = arith.constant 0 : i32
    %dma_wait3A_525 = tpu.memref_slice %arg8[%dma_wait3A_520, %dma_wait3A_523, %dma_wait3A_524] : memref<8x128x16xf32, #tpu.memory_space<vmem>> -> memref<1x128x16xf32, #tpu.memory_space<vmem>>
    %dma_wait3A_526 = tpu.memref_squeeze %dma_wait3A_525 : memref<1x128x16xf32, #tpu.memory_space<vmem>> -> memref<128x16xf32, #tpu.memory_space<vmem>>
    %dma_wait3A_527 = arith.constant 0 : i32
    %dma_wait3A_528 = tpu.memref_slice %arg7[%dma_wait3A_521, %dma_wait3A_527] : memref<80x128xi32, #tpu.memory_space<vmem>> -> memref<1x128xi32, #tpu.memory_space<vmem>>
    %dma_wait3A_529 = tpu.memref_squeeze %dma_wait3A_528 : memref<1x128xi32, #tpu.memory_space<vmem>> -> memref<128xi32, #tpu.memory_space<vmem>>
    %dma_wait3A_530 = arith.constant 0 : i32
    %dma_wait3A_531 = arith.constant 0 : i32
    %dma_wait3A_532 = tpu.memref_slice %arg10[%dma_wait3A_530, %dma_wait3A_531] : memref<10240x16xf32, #tpu.memory_space<vmem_shared>> -> memref<10240x16xf32, #tpu.memory_space<vmem_shared>>
    %dma_wait3A_533 = tpu.memref_slice %arg13[%dma_wait3A_522] : memref<8x!tpu.dma_semaphore, #tpu.memory_space<semaphore_mem>> -> memref<1x!tpu.dma_semaphore, #tpu.memory_space<semaphore_mem>>
    %dma_wait3A_534 = tpu.memref_squeeze %dma_wait3A_533 : memref<1x!tpu.dma_semaphore, #tpu.memory_space<semaphore_mem>> -> memref<!tpu.dma_semaphore, #tpu.memory_space<semaphore_mem>>
    tpu.wait_indirect_dma semaphore(%dma_wait3A_534 : memref<!tpu.dma_semaphore, #tpu.memory_space<semaphore_mem>>) src(%dma_wait3A_526 : memref<128x16xf32, #tpu.memory_space<vmem>>) dst(%dma_wait3A_532 : memref<10240x16xf32, #tpu.memory_space<vmem_shared>>)
    %barrier3A_535 = arith.constant 0 : index
    tpu.barrier barrier_id(%barrier3A_535)
    %mul3A_536 = arith.constant 640 : i32
    %mul3A_537 = arith.muli %arg1, %mul3A_536 : i32
    %mul3A_538 = arith.constant 640 : i32
    %mul3A_539 = arith.muli %arg1, %mul3A_538 : i32
    "tpu.region"() ({
      %run_scoped3A = tpu.sem_alloc : memref<!tpu.dma_semaphore, #tpu.memory_space<semaphore_mem>>
      %dma_start3A_540 = arith.constant 0 : i32
      %dma_start3A_541 = tpu.memref_slice %arg5[%arg0, %mul3A_539, %dma_start3A_540] : memref<2x10240x16xf32, #tpu.memory_space<hbm>> -> memref<1x640x16xf32, #tpu.memory_space<hbm>>
      %dma_start3A_542 = tpu.memref_squeeze %dma_start3A_541 : memref<1x640x16xf32, #tpu.memory_space<hbm>> -> memref<640x16xf32, #tpu.memory_space<hbm>>
      %dma_start3A_543 = arith.constant 0 : i32
      %dma_start3A_544 = tpu.memref_slice %arg10[%mul3A_537, %dma_start3A_543] : memref<10240x16xf32, #tpu.memory_space<vmem_shared>> -> memref<640x16xf32, #tpu.memory_space<vmem_shared>>
      tpu.enqueue_dma source(%dma_start3A_544 : memref<640x16xf32, #tpu.memory_space<vmem_shared>>) target(%dma_start3A_542 : memref<640x16xf32, #tpu.memory_space<hbm>>) target_semaphore(%run_scoped3A : memref<!tpu.dma_semaphore, #tpu.memory_space<semaphore_mem>>)
      %dma_wait3A_545 = arith.constant 0 : i32
      %dma_wait3A_546 = tpu.memref_slice %arg5[%arg0, %mul3A_539, %dma_wait3A_545] : memref<2x10240x16xf32, #tpu.memory_space<hbm>> -> memref<1x640x16xf32, #tpu.memory_space<hbm>>
      %dma_wait3A_547 = tpu.memref_squeeze %dma_wait3A_546 : memref<1x640x16xf32, #tpu.memory_space<hbm>> -> memref<640x16xf32, #tpu.memory_space<hbm>>
      %dma_wait3A_548 = arith.constant 0 : i32
      %dma_wait3A_549 = tpu.memref_slice %arg10[%mul3A_537, %dma_wait3A_548] : memref<10240x16xf32, #tpu.memory_space<vmem_shared>> -> memref<640x16xf32, #tpu.memory_space<vmem_shared>>
      tpu.wait_dma2 semaphore(%run_scoped3A : memref<!tpu.dma_semaphore, #tpu.memory_space<semaphore_mem>>) src(%dma_wait3A_549 : memref<640x16xf32, #tpu.memory_space<vmem_shared>>) dst(%dma_wait3A_547 : memref<640x16xf32, #tpu.memory_space<hbm>>)
      tpu.yield
    }) : () -> ()
    return
  }
}

module attributes {stable_mosaic.version = 14 : i64} {
  func.func @_mm1_body(%arg0: i32, %arg1: memref<2048x128xf32, #tpu.memory_space<vmem>>, %arg2: memref<128x16xf32, #tpu.memory_space<vmem>>, %arg3: memref<32x2048xf32, #tpu.memory_space<vmem>>, %arg4: memref<2048x16xf32, #tpu.memory_space<vmem>>) attributes {dimension_semantics = [#tpu.dimension_semantics<arbitrary>], iteration_bounds = array<i64: 5>, scalar_prefetch = 0 : i64, scratch_operands = 0 : i64, tpu.core_type = #tpu.core_type<tc>, window_params = [{transform_indices = @transform_0, window_bounds = array<i64: 2048, 128>}, {pipeline_mode = #tpu.pipeline_mode<synchronous>, transform_indices = @transform_1, window_bounds = array<i64: 128, 16>}, {transform_indices = @transform_2, window_bounds = array<i64: 32, 2048>}, {transform_indices = @transform_3, window_bounds = array<i64: 2048, 16>}]} {
    %get3A = arith.constant 0 : index
    %get3A_0 = arith.constant 0 : index
    %get3A_1 = vector.load %arg3[%get3A, %get3A_0] : memref<32x2048xf32, #tpu.memory_space<vmem>>, vector<32x2048xf32>
    %reduce_sum3A = arith.constant dense<0.000000e+00> : vector<2048xf32>
    %reduce_sum3A_2 = vector.multi_reduction <add>, %get3A_1, %reduce_sum3A [0] : vector<32x2048xf32> to vector<2048xf32>
    %add3A = arith.constant 1.000000e+00 : f32
    %add3A_3 = vector.broadcast %add3A : f32 to vector<2048xf32>
    %add3A_4 = arith.addf %reduce_sum3A_2, %add3A_3 : vector<2048xf32>
    %rsqrt3A = math.rsqrt %add3A_4 : vector<2048xf32>
    %broadcast_in_dim3A = vector.shape_cast %rsqrt3A : vector<2048xf32> to vector<2048x1xf32>
    %get3A_5 = arith.constant 0 : index
    %get3A_6 = arith.constant 0 : index
    %get3A_7 = vector.load %arg1[%get3A_5, %get3A_6] : memref<2048x128xf32, #tpu.memory_space<vmem>>, vector<2048x128xf32>
    %get3A_8 = arith.constant 0 : index
    %get3A_9 = arith.constant 0 : index
    %get3A_10 = vector.load %arg2[%get3A_8, %get3A_9] : memref<128x16xf32, #tpu.memory_space<vmem>>, vector<128x16xf32>
    %dot_general3A = arith.constant dense<0.000000e+00> : vector<2048x16xf32>
    %dot_general3A_11 = tpu.matmul %get3A_7, %get3A_10, %dot_general3A {dimension_numbers = #tpu.dot_dimension_numbers<[1], [0], [0], [1], [0, 0, 1, 1], [], []>, transpose_lhs_hint = false} : vector<2048x128xf32>, vector<128x16xf32>, vector<2048x16xf32> -> vector<2048x16xf32>
    %mul3A = vector.broadcast %broadcast_in_dim3A : vector<2048x1xf32> to vector<2048x16xf32>
    %mul3A_12 = arith.mulf %dot_general3A_11, %mul3A : vector<2048x16xf32>
    %swap3A = arith.constant 0 : index
    %swap3A_13 = arith.constant 0 : index
    %swap3A_14 = vector.load %arg4[%swap3A, %swap3A_13] : memref<2048x16xf32, #tpu.memory_space<vmem>>, vector<2048x16xf32>
    tpu.vector_store %arg4[%swap3A, %swap3A_13], %mul3A_12 {strides = array<i32>} : memref<2048x16xf32, #tpu.memory_space<vmem>>, vector<2048x16xf32>,
    return
  }
  func.func @transform_0(%arg0: i32) -> (i32, i32) {
    %c0_i32 = arith.constant 0 : i32
    %c0_i32_0 = arith.constant 0 : i32
    return %arg0, %c0_i32 : i32, i32
  }
  func.func @transform_1(%arg0: i32) -> (i32, i32) {
    %c0_i32 = arith.constant 0 : i32
    %c0_i32_0 = arith.constant 0 : i32
    %c0_i32_1 = arith.constant 0 : i32
    return %c0_i32, %c0_i32_0 : i32, i32
  }
  func.func @transform_2(%arg0: i32) -> (i32, i32) {
    %c0_i32 = arith.constant 0 : i32
    %c0_i32_0 = arith.constant 0 : i32
    return %c0_i32, %arg0 : i32, i32
  }
  func.func @transform_3(%arg0: i32) -> (i32, i32) {
    %c0_i32 = arith.constant 0 : i32
    %c0_i32_0 = arith.constant 0 : i32
    return %arg0, %c0_i32 : i32, i32
  }
}

module attributes {stable_mosaic.version = 14 : i64} {
  func.func @_mm2_body(%arg0: i32, %arg1: memref<2x2048x16xf32, #tpu.memory_space<vmem>>, %arg2: memref<2048x16xf32, #tpu.memory_space<vmem>>, %arg3: memref<1x16xf32, #tpu.memory_space<vmem>>, %arg4: memref<16x16xf32, #tpu.memory_space<vmem>>, %arg5: memref<32x2048xf32, #tpu.memory_space<vmem>>, %arg6: memref<2048x16xf32, #tpu.memory_space<vmem>>) attributes {dimension_semantics = [#tpu.dimension_semantics<arbitrary>], iteration_bounds = array<i64: 5>, scalar_prefetch = 0 : i64, scratch_operands = 0 : i64, tpu.core_type = #tpu.core_type<tc>, window_params = [{transform_indices = @transform_0, window_bounds = array<i64: 2, 2048, 16>}, {transform_indices = @transform_1, window_bounds = array<i64: 2048, 16>}, {pipeline_mode = #tpu.pipeline_mode<synchronous>, transform_indices = @transform_2, window_bounds = array<i64: 1, 16>}, {pipeline_mode = #tpu.pipeline_mode<synchronous>, transform_indices = @transform_3, window_bounds = array<i64: 16, 16>}, {transform_indices = @transform_4, window_bounds = array<i64: 32, 2048>}, {transform_indices = @transform_5, window_bounds = array<i64: 2048, 16>}]} {
    %get3A = arith.constant 0 : index
    %get3A_0 = arith.constant 0 : index
    %get3A_1 = vector.load %arg5[%get3A, %get3A_0] : memref<32x2048xf32, #tpu.memory_space<vmem>>, vector<32x2048xf32>
    %reduce_sum3A = arith.constant dense<0.000000e+00> : vector<2048xf32>
    %reduce_sum3A_2 = vector.multi_reduction <add>, %get3A_1, %reduce_sum3A [0] : vector<32x2048xf32> to vector<2048xf32>
    %add3A = arith.constant 1.000000e+00 : f32
    %add3A_3 = vector.broadcast %add3A : f32 to vector<2048xf32>
    %add3A_4 = arith.addf %reduce_sum3A_2, %add3A_3 : vector<2048xf32>
    %rsqrt3A = math.rsqrt %add3A_4 : vector<2048xf32>
    %broadcast_in_dim3A = vector.shape_cast %rsqrt3A : vector<2048xf32> to vector<2048x1xf32>
    %get3A_5 = arith.constant 0 : index
    %get3A_6 = arith.constant 0 : index
    %get3A_7 = arith.constant 0 : index
    %get3A_8 = vector.load %arg1[%get3A_5, %get3A_6, %get3A_7] : memref<2x2048x16xf32, #tpu.memory_space<vmem>>, vector<1x2048x16xf32>
    %get3A_9 = vector.shape_cast %get3A_8 : vector<1x2048x16xf32> to vector<2048x16xf32>
    %get3A_10 = arith.constant 1 : index
    %get3A_11 = arith.constant 0 : index
    %get3A_12 = arith.constant 0 : index
    %get3A_13 = vector.load %arg1[%get3A_10, %get3A_11, %get3A_12] : memref<2x2048x16xf32, #tpu.memory_space<vmem>>, vector<1x2048x16xf32>
    %get3A_14 = vector.shape_cast %get3A_13 : vector<1x2048x16xf32> to vector<2048x16xf32>
    %add3A_15 = arith.addf %get3A_9, %get3A_14 : vector<2048x16xf32>
    %get3A_16 = arith.constant 0 : index
    %get3A_17 = arith.constant 0 : index
    %get3A_18 = vector.load %arg2[%get3A_16, %get3A_17] : memref<2048x16xf32, #tpu.memory_space<vmem>>, vector<2048x16xf32>
    %add3A_19 = arith.addf %add3A_15, %get3A_18 : vector<2048x16xf32>
    %mul3A = vector.broadcast %broadcast_in_dim3A : vector<2048x1xf32> to vector<2048x16xf32>
    %mul3A_20 = arith.mulf %add3A_19, %mul3A : vector<2048x16xf32>
    %get3A_21 = arith.constant 0 : index
    %get3A_22 = arith.constant 0 : index
    %get3A_23 = vector.load %arg3[%get3A_21, %get3A_22] : memref<1x16xf32, #tpu.memory_space<vmem>>, vector<1x16xf32>
    %add3A_24 = vector.broadcast %get3A_23 : vector<1x16xf32> to vector<2048x16xf32>
    %add3A_25 = arith.addf %mul3A_20, %add3A_24 : vector<2048x16xf32>
    %max3A = arith.constant 0.000000e+00 : f32
    %max3A_26 = vector.broadcast %max3A : f32 to vector<2048x16xf32>
    %max3A_27 = arith.maximumf %add3A_25, %max3A_26 : vector<2048x16xf32>
    %get3A_28 = arith.constant 0 : index
    %get3A_29 = arith.constant 0 : index
    %get3A_30 = vector.load %arg4[%get3A_28, %get3A_29] : memref<16x16xf32, #tpu.memory_space<vmem>>, vector<16x16xf32>
    %dot_general3A = arith.constant dense<0.000000e+00> : vector<2048x16xf32>
    %dot_general3A_31 = tpu.matmul %max3A_27, %get3A_30, %dot_general3A {dimension_numbers = #tpu.dot_dimension_numbers<[1], [0], [0], [1], [0, 0, 1, 1], [], []>, transpose_lhs_hint = false} : vector<2048x16xf32>, vector<16x16xf32>, vector<2048x16xf32> -> vector<2048x16xf32>
    %mul3A_32 = vector.broadcast %broadcast_in_dim3A : vector<2048x1xf32> to vector<2048x16xf32>
    %mul3A_33 = arith.mulf %dot_general3A_31, %mul3A_32 : vector<2048x16xf32>
    %swap3A = arith.constant 0 : index
    %swap3A_34 = arith.constant 0 : index
    %swap3A_35 = vector.load %arg6[%swap3A, %swap3A_34] : memref<2048x16xf32, #tpu.memory_space<vmem>>, vector<2048x16xf32>
    tpu.vector_store %arg6[%swap3A, %swap3A_34], %mul3A_33 {strides = array<i32>} : memref<2048x16xf32, #tpu.memory_space<vmem>>, vector<2048x16xf32>,
    return
  }
  func.func @transform_0(%arg0: i32) -> (i32, i32, i32) {
    %c0_i32 = arith.constant 0 : i32
    %c0_i32_0 = arith.constant 0 : i32
    %c0_i32_1 = arith.constant 0 : i32
    return %c0_i32, %arg0, %c0_i32_0 : i32, i32, i32
  }
  func.func @transform_1(%arg0: i32) -> (i32, i32) {
    %c0_i32 = arith.constant 0 : i32
    %c0_i32_0 = arith.constant 0 : i32
    return %arg0, %c0_i32 : i32, i32
  }
  func.func @transform_2(%arg0: i32) -> (i32, i32) {
    %c0_i32 = arith.constant 0 : i32
    %c0_i32_0 = arith.constant 0 : i32
    %c0_i32_1 = arith.constant 0 : i32
    return %c0_i32, %c0_i32_0 : i32, i32
  }
  func.func @transform_3(%arg0: i32) -> (i32, i32) {
    %c0_i32 = arith.constant 0 : i32
    %c0_i32_0 = arith.constant 0 : i32
    %c0_i32_1 = arith.constant 0 : i32
    return %c0_i32, %c0_i32_0 : i32, i32
  }
  func.func @transform_4(%arg0: i32) -> (i32, i32) {
    %c0_i32 = arith.constant 0 : i32
    %c0_i32_0 = arith.constant 0 : i32
    return %c0_i32, %arg0 : i32, i32
  }
  func.func @transform_5(%arg0: i32) -> (i32, i32) {
    %c0_i32 = arith.constant 0 : i32
    %c0_i32_0 = arith.constant 0 : i32
    return %arg0, %c0_i32 : i32, i32
  }
}

module attributes {stable_mosaic.version = 14 : i64} {
  func.func @_out_body(%arg0: i32, %arg1: memref<2x2048x16xf32, #tpu.memory_space<vmem>>, %arg2: memref<2048x16xf32, #tpu.memory_space<vmem>>, %arg3: memref<1x16xf32, #tpu.memory_space<vmem>>, %arg4: memref<32x2048xf32, #tpu.memory_space<vmem>>, %arg5: memref<2048x7xf32, #tpu.memory_space<vmem>>) attributes {dimension_semantics = [#tpu.dimension_semantics<arbitrary>], iteration_bounds = array<i64: 5>, scalar_prefetch = 0 : i64, scratch_operands = 0 : i64, tpu.core_type = #tpu.core_type<tc>, window_params = [{transform_indices = @transform_0, window_bounds = array<i64: 2, 2048, 16>}, {transform_indices = @transform_1, window_bounds = array<i64: 2048, 16>}, {pipeline_mode = #tpu.pipeline_mode<synchronous>, transform_indices = @transform_2, window_bounds = array<i64: 1, 16>}, {transform_indices = @transform_3, window_bounds = array<i64: 32, 2048>}, {transform_indices = @transform_4, window_bounds = array<i64: 2048, 7>}]} {
    %get3A = arith.constant 0 : index
    %get3A_0 = arith.constant 0 : index
    %get3A_1 = vector.load %arg4[%get3A, %get3A_0] : memref<32x2048xf32, #tpu.memory_space<vmem>>, vector<32x2048xf32>
    %reduce_sum3A = arith.constant dense<0.000000e+00> : vector<2048xf32>
    %reduce_sum3A_2 = vector.multi_reduction <add>, %get3A_1, %reduce_sum3A [0] : vector<32x2048xf32> to vector<2048xf32>
    %add3A = arith.constant 1.000000e+00 : f32
    %add3A_3 = vector.broadcast %add3A : f32 to vector<2048xf32>
    %add3A_4 = arith.addf %reduce_sum3A_2, %add3A_3 : vector<2048xf32>
    %rsqrt3A = math.rsqrt %add3A_4 : vector<2048xf32>
    %broadcast_in_dim3A = vector.shape_cast %rsqrt3A : vector<2048xf32> to vector<2048x1xf32>
    %get3A_5 = arith.constant 0 : index
    %get3A_6 = arith.constant 0 : index
    %get3A_7 = arith.constant 0 : index
    %get3A_8 = vector.load %arg1[%get3A_5, %get3A_6, %get3A_7] : memref<2x2048x16xf32, #tpu.memory_space<vmem>>, vector<1x2048x16xf32>
    %get3A_9 = vector.shape_cast %get3A_8 : vector<1x2048x16xf32> to vector<2048x16xf32>
    %get3A_10 = arith.constant 1 : index
    %get3A_11 = arith.constant 0 : index
    %get3A_12 = arith.constant 0 : index
    %get3A_13 = vector.load %arg1[%get3A_10, %get3A_11, %get3A_12] : memref<2x2048x16xf32, #tpu.memory_space<vmem>>, vector<1x2048x16xf32>
    %get3A_14 = vector.shape_cast %get3A_13 : vector<1x2048x16xf32> to vector<2048x16xf32>
    %add3A_15 = arith.addf %get3A_9, %get3A_14 : vector<2048x16xf32>
    %get3A_16 = arith.constant 0 : index
    %get3A_17 = arith.constant 0 : index
    %get3A_18 = vector.load %arg2[%get3A_16, %get3A_17] : memref<2048x16xf32, #tpu.memory_space<vmem>>, vector<2048x16xf32>
    %add3A_19 = arith.addf %add3A_15, %get3A_18 : vector<2048x16xf32>
    %mul3A = vector.broadcast %broadcast_in_dim3A : vector<2048x1xf32> to vector<2048x16xf32>
    %mul3A_20 = arith.mulf %add3A_19, %mul3A : vector<2048x16xf32>
    %get3A_21 = arith.constant 0 : index
    %get3A_22 = arith.constant 0 : index
    %get3A_23 = vector.load %arg3[%get3A_21, %get3A_22] : memref<1x16xf32, #tpu.memory_space<vmem>>, vector<1x16xf32>
    %add3A_24 = vector.broadcast %get3A_23 : vector<1x16xf32> to vector<2048x16xf32>
    %add3A_25 = arith.addf %mul3A_20, %add3A_24 : vector<2048x16xf32>
    %iota3A = tpu.iota {dimensions = array<i32: 1>} : vector<2048x16xi32>
    %lt3A = arith.constant 7 : i32
    %lt3A_26 = vector.broadcast %lt3A : i32 to vector<2048x16xi32>
    %lt3A_27 = arith.cmpi slt, %iota3A, %lt3A_26 : vector<2048x16xi32>
    %jit3A = arith.constant -1.000000e+30 : f32
    %broadcast_in_dim3A_28 = vector.broadcast %jit3A : f32 to vector<2048x16xf32>
    %select_n3A = arith.select %lt3A_27, %add3A_25, %broadcast_in_dim3A_28 : vector<2048x16xi1>, vector<2048x16xf32>
    %reduce_max3A = arith.constant dense<0xFF800000> : vector<2048xf32>
    %reduce_max3A_29 = vector.multi_reduction <maximumf>, %select_n3A, %reduce_max3A [1] : vector<2048x16xf32> to vector<2048xf32>
    %broadcast_in_dim3A_30 = vector.shape_cast %reduce_max3A_29 : vector<2048xf32> to vector<2048x1xf32>
    %sub3A = vector.broadcast %broadcast_in_dim3A_30 : vector<2048x1xf32> to vector<2048x16xf32>
    %sub3A_31 = arith.subf %select_n3A, %sub3A : vector<2048x16xf32>
    %exp3A = math.exp %sub3A_31 : vector<2048x16xf32>
    %reduce_sum3A_32 = arith.constant dense<0.000000e+00> : vector<2048xf32>
    %reduce_sum3A_33 = vector.multi_reduction <add>, %exp3A, %reduce_sum3A_32 [1] : vector<2048x16xf32> to vector<2048xf32>
    %broadcast_in_dim3A_34 = vector.shape_cast %reduce_sum3A_33 : vector<2048xf32> to vector<2048x1xf32>
    %sub3A_35 = vector.broadcast %broadcast_in_dim3A_30 : vector<2048x1xf32> to vector<2048x16xf32>
    %sub3A_36 = arith.subf %select_n3A, %sub3A_35 : vector<2048x16xf32>
    %log3A = math.log %broadcast_in_dim3A_34 : vector<2048x1xf32>
    %sub3A_37 = vector.broadcast %log3A : vector<2048x1xf32> to vector<2048x16xf32>
    %sub3A_38 = arith.subf %sub3A_36, %sub3A_37 : vector<2048x16xf32>
    %slice3A = vector.extract_strided_slice %sub3A_38 {offsets = [0, 0], sizes = [2048, 7], strides = [1, 1]} : vector<2048x16xf32> to vector<2048x7xf32>
    %swap3A = arith.constant 0 : index
    %swap3A_39 = arith.constant 0 : index
    %swap3A_40 = vector.load %arg5[%swap3A, %swap3A_39] : memref<2048x7xf32, #tpu.memory_space<vmem>>, vector<2048x7xf32>
    tpu.vector_store %arg5[%swap3A, %swap3A_39], %slice3A {strides = array<i32>} : memref<2048x7xf32, #tpu.memory_space<vmem>>, vector<2048x7xf32>,
    return
  }
  func.func @transform_0(%arg0: i32) -> (i32, i32, i32) {
    %c0_i32 = arith.constant 0 : i32
    %c0_i32_0 = arith.constant 0 : i32
    %c0_i32_1 = arith.constant 0 : i32
    return %c0_i32, %arg0, %c0_i32_0 : i32, i32, i32
  }
  func.func @transform_1(%arg0: i32) -> (i32, i32) {
    %c0_i32 = arith.constant 0 : i32
    %c0_i32_0 = arith.constant 0 : i32
    return %arg0, %c0_i32 : i32, i32
  }
  func.func @transform_2(%arg0: i32) -> (i32, i32) {
    %c0_i32 = arith.constant 0 : i32
    %c0_i32_0 = arith.constant 0 : i32
    %c0_i32_1 = arith.constant 0 : i32
    return %c0_i32, %c0_i32_0 : i32, i32
  }
  func.func @transform_3(%arg0: i32) -> (i32, i32) {
    %c0_i32 = arith.constant 0 : i32
    %c0_i32_0 = arith.constant 0 : i32
    return %c0_i32, %arg0 : i32, i32
  }
  func.func @transform_4(%arg0: i32) -> (i32, i32) {
    %c0_i32 = arith.constant 0 : i32
    %c0_i32_0 = arith.constant 0 : i32
    return %arg0, %c0_i32 : i32, i32
  }
}

</mosaic_0001>

<sc_bundles>
// kernel: kernel.11.cloned.1.call-start
scs
__scs_entry_jumppad:
0x0: {  	(pc) =	sbr.rel $0x88, $3  }
0x1: {  	(tag) =	ssettag $0x0;
	lr =	simm.s32 $0x1  }
0x2: {  	[smem:$0x3F9B] =	sst lr;
	_ =	strace $0xD0000000  }
0x3: {  	_ = 	snop  }
0x4: {  	_ = 	snop  }
0x5: {  	_ = 	snop  }
0x6: {  	_ = 	snop  }
0x7: {  	_ = 	snop  }
__scs_overlays_trampoline_lowered:
0x8: {  	[smem:$0x3FAA] =	sst s0  }
0x9: {  	[smem:$0x3FAB] =	sst s1  }
0xa: {  	[smem:$0x3FAC] =	sst s2  }
0xb: {  	[smem:$0x3FAD] =	sst s3  }
0xc: {  	[smem:$0x3FAE] =	sst s4  }
0xd: {  	[smem:$0x3FAF] =	sst s5  }
0xe: {  	[smem:$0x3FB0] =	sst s6  }
0xf: {  	[smem:$0x3FB1] =	sst s7  }
0x10: {  	[smem:$0x3FB2] =	sst s8  }
0x11: {  	[smem:$0x3FB3] =	sst s9;
	s0 =	simm.s32 @!p0 $0x0  }
0x12: {  	s1 =	sld [smem:$0x3F99];
	s0 =	simm.s32 @p0 $0x1  }
0x13: {  	[smem:$0x3FB4] =	sst s0;
	s0 =	simm.s32 @!p1 $0x0  }
0x14: {  	s2 =	sld [smem:$0x3F98];
	s0 =	simm.s32 @p1 $0x1  }
0x15: {  	[smem:$0x3FB5] =	sst s0;
	s0 =	simm.s32 @!p2 $0x0  }
0x16: {  	s3 =	sld [smem:$0x3FDB];
	s0 =	simm.s32 @p2 $0x1  }
0x17: {  	s4 =	simm.s32 $0x1BF5;
	[smem:$0x3FB7] =	sst s0  }
0x18: {  	s0 =	sld [smem:$0x3F9A];
	_ =	swait.ge [sflag:s4], $0x0  }
0x19: {  	s7 =	sld [smem:$0x3F9B]  }
0x1a: {  	s8 =	sadd.s32 $0xFFFFE003, lr  }
0x1b: {  	s9 =	sadd.s32 $0xFFFFFEF7, lr;
	s5 =	simm.s32 $0xFFFFFFFF;
	p2 =	slt.u32 s8, $0xFFFFF086  }
0x1c: {  	p1 =	slt.u32 s9, $0xF7A;
	s5 =	simm.s32 @!p2 $0x0  }
0x1d: {  	s5 =	simm.s32 @p1 $0x1;
	p0 =	seq.s32 s7, s2  }
0x1e: {  	s7 =	smul.u32 @!p0 $0xF7A, s2;
	p2 =	seq.s32 @!p0 s5, $0x0  }
0x1f: {  	s9 =	smul.u32 $0xF7A, s1;
	s8 =	simm.s32 @!p0 $0x1BF5;
	p2 =	por !p2, p0  }
0x20: {  	[sflag:s8] =	ssyncset.s32 @!p0 $0xFFFFF086;
	s6 =	sadd.s32 @!p0 s3, s7;
	s7 =	simm.s32 @!p0 $0x108  }
0x21: {  	s3 =	sadd.s32 s3, s9;
	s6 =	sadd.s32 @!p0 $0x88, s6;
	s7 =	simm.s32 @p2 $0x1082  }
0x22: {  	[simem:s7], [sflag:s8] =	dma.local @!p0 [hbm:s6], $0xF7A  }
0x23: {  	s9 =	sor.u32 $0xD0000000, s2;
	s6 =	simm.s32 $0x108;
	_ =	swait.ge @!p0 [sflag:s8], $0x0  }
0x24: {  	s3 =	sadd.s32 $0x88, s3;
	s6 =	simm.s32 @!p1 $0x1082;
	[sflag:s4] =	ssyncset.s32 $0xFFFFF086  }
0x25: {  	[simem:s6], [sflag:s4] =	dma.local [hbm:s3], $0xF7A  }
0x26: {  	[smem:$0x3F9B] =	sst s1;
	(tag) =	ssettag s2;
	_ =	strace s9  }
0x27: {  	s1 =	sld [smem:$0x3FAB]  }
0x28: {  	s2 =	sld [smem:$0x3FAC]  }
0x29: {  	s4 =	sld [smem:$0x3FAE]  }
0x2a: {  	p0 =	seq.s32 s5, $0x0;
	s5 =	sld [smem:$0x3FAF]  }
0x2b: {  	s6 =	sld [smem:$0x3FB0]  }
0x2c: {  	s7 =	sld [smem:$0x3FB1]  }
0x2d: {  	s3 =	simm.s32 $0x108;
	s8 =	sld [smem:$0x3FB2]  }
0x2e: {  	s3 =	simm.s32 @!p0 $0x1082;
	s9 =	sld [smem:$0x3FB3]  }
0x2f: {  	lr =	sadd.s32 s0, s3;
	s0 =	sld [smem:$0x3FAA]  }
0x30: {  	s3 =	sld [smem:$0x3FAD]  }
0x31: {  	[smem:$0x3FB6] =	sst s10  }
0x32: {  	s10 =	sld [smem:$0x3FB4];
	_ =	sdelay $0x3  }
0x33: {  	p0 =	seq.s32 s10, $0x1;
	s10 =	sld [smem:$0x3FB6];
	_ =	sdelay $0x3  }
0x34: {  	[smem:$0x3FB6] =	sst s10  }
0x35: {  	s10 =	sld [smem:$0x3FB5];
	_ =	sdelay $0x3  }
0x36: {  	p1 =	seq.s32 s10, $0x1;
	s10 =	sld [smem:$0x3FB6];
	_ =	sdelay $0x3  }
0x37: {  	[smem:$0x3FB6] =	sst s10  }
0x38: {  	s10 =	sld [smem:$0x3FB7]  }
0x39: {  	_ = 	snop;
	(pc) =	sbr.ind lr, $3  }
0x3a: {  	_ = 	snop  }
0x3b: {  	_ = 	snop  }
0x3c: {  	p2 =	seq.s32 s10, $0x1;
	s10 =	sld [smem:$0x3FB6]  }
0x3d: {  	_ =	shalt  }
0x3e: {  	_ =	shalt  }
0x3f: {  	_ =	shalt  }
0x40: {  	_ =	shalt  }
0x41: {  	_ =	shalt  }
0x42: {  	_ =	shalt  }
0x43: {  	_ =	shalt  }
0x44: {  	_ =	shalt  }
0x45: {  	_ =	shalt  }
0x46: {  	_ =	shalt  }
0x47: {  	_ =	shalt  }
0x48: {  	_ =	shalt  }
0x49: {  	_ =	shalt  }
0x4a: {  	_ =	shalt  }
0x4b: {  	_ =	shalt  }
0x4c: {  	_ =	shalt  }
0x4d: {  	_ =	shalt  }
0x4e: {  	_ =	shalt  }
0x4f: {  	_ =	shalt  }
0x50: {  	_ =	shalt  }
0x51: {  	_ =	shalt  }
0x52: {  	_ =	shalt  }
0x53: {  	_ =	shalt  }
0x54: {  	_ =	shalt  }
0x55: {  	_ =	shalt  }
0x56: {  	_ =	shalt  }
0x57: {  	_ =	shalt  }
0x58: {  	_ =	shalt  }
0x59: {  	_ =	shalt  }
0x5a: {  	_ =	shalt  }
0x5b: {  	_ =	shalt  }
0x5c: {  	_ =	shalt  }
0x5d: {  	_ =	shalt  }
0x5e: {  	_ =	shalt  }
0x5f: {  	_ =	shalt  }
0x60: {  	_ =	shalt  }
0x61: {  	_ =	shalt  }
0x62: {  	_ =	shalt  }
0x63: {  	_ =	shalt  }
0x64: {  	_ =	shalt  }
0x65: {  	_ =	shalt  }
0x66: {  	_ =	shalt  }
0x67: {  	_ =	shalt  }
0x68: {  	_ =	shalt  }
0x69: {  	_ =	shalt  }
0x6a: {  	_ =	shalt  }
0x6b: {  	_ =	shalt  }
0x6c: {  	_ =	shalt  }
0x6d: {  	_ =	shalt  }
0x6e: {  	_ =	shalt  }
0x6f: {  	_ =	shalt  }
0x70: {  	_ =	shalt  }
0x71: {  	_ =	shalt  }
0x72: {  	_ =	shalt  }
0x73: {  	_ =	shalt  }
0x74: {  	_ =	shalt  }
0x75: {  	_ =	shalt  }
0x76: {  	_ =	shalt  }
0x77: {  	_ =	shalt  }
0x78: {  	_ =	shalt  }
0x79: {  	_ =	shalt  }
0x7a: {  	_ =	shalt  }
0x7b: {  	_ =	shalt  }
0x7c: {  	_ =	shalt  }
0x7d: {  	_ =	shalt  }
0x7e: {  	_ =	shalt  }
0x7f: {  	_ =	shalt  }
0x80: {  	_ =	shalt  }
0x81: {  	_ =	shalt  }
0x82: {  	_ =	shalt  }
0x83: {  	_ =	shalt  }
0x84: {  	_ =	shalt  }
0x85: {  	_ =	shalt  }
0x86: {  	_ =	shalt  }
0x87: {  	_ =	shalt  }
.Lfunc_end0:
.L_simem_size_0:
called_computation.1_lowered:
.L_overlay_start_0:
0x88: {  	s2 =	sld [smem:$0x3FD9]  }
0x89: {  	s3 =	sld [smem:$0x3FFE];
	_ =	sdelay $0x1  }
0x8a: {  	s1 =	srdreg.scid  }
0x8b: {  	s0 =	sand.u32 $0x1, s1  }
0x8c: {  	s16 =	sshll.u32 s0, $0xA;
	s2 =	sadd.s32 s3, s2  }
0x8d: {  	s2 =	sadd.s32 s2, s16  }
0x8e: {  	[smem:$0x3FC2] =	sst s2  }
0x8f: {  	_ = 	snop  }
0x90: {  	(tm) =	ssettm $0x1  }
0x91: {  	s17 =	sld [smem:$0x3FFB];
	_ =	sdelay $0x3  }
0x92: {  	_ =	strace s17  }
0x93: {  	s2 =	sld [smem:$0x3FFC];
	_ =	sdelay $0x3  }
0x94: {  	_ =	strace s2  }
0x95: {  	s2 =	sld [smem:$0x3FFD];
	_ =	sdelay $0x3  }
0x96: {  	_ =	strace s2  }
0x97: {  	_ =	strace $0x8FFFFFFF  }
0x98: {  	s18 =	sld [smem:$0x3FDB];
	_ =	sdelay $0x1  }
0x99: {  	s19 =	simm.s32 $_scs_section_size  }
0x9a: {  	s4 =	simm.s32 $_size__tile_overlayer_lowered;
	s5 =	simm.s32 $_tile_overlayer_lowered  }
0x9b: {  	s22 =	simm.s32 $0x1BFF;
	s21 =	sshll.u32 s5, $0x1;
	s2 =	sadd.s32 s19, s18  }
0x9c: {  	s6 =	simm.s32 $0x0;
	s20 =	sshll.u32 s4, $0x1;
	s4 =	sadd.s32 s21, s2  }
0x9d: {  	[timem:s6], [sflag:s22] =	dma.local [hbm:s4], s20  }
0x9e: {  	_ =	swait.ge [sflag:s22], s20  }
0x9f: {  	s3 =	ssub.s32 $0x0, s20;
	[sflag:s22] =	ssyncset.done $0x0  }
0xa0: {  	[sflag:s22] =	ssyncadd.s32 s3;
	_ =	sdelay $0x1  }
0xa1: {  	s23 =	simm.s32 $0x1B8B  }
0xa2: {  	_ =	swait.ge [sflag:s23], $0x1  }
0xa3: {  	[sflag:s23] =	ssyncset.done $0x0  }
0xa4: {  	s25 =	simm.s32 $0x1B8E;
	s24 =	sld [smem:$0x3FFE];
	[sflag:s23] =	ssyncadd.s32 $0xFFFFFFFF  }
0xa5: {  	s26 =	simm.s32 $execute0_lowered;
	[smem:$0x3FD2] =	sst s25  }
0xa6: {  	s4 =	sshll.u32 s26, $0x1;
	_ =	strace $0x80000049;
	[dreg:$0x1] =	wrdreg $0xFFFFFFFF  }
0xa7: {  	s28 =	simm.s32 $_size_execute0_lowered;
	s2 =	sadd.s32 s2, s4;
	[dreg:$0x0] =	wrdreg $0x0  }
0xa8: {  	s4 =	sshll.u32 s28, $0x1;
	[dreg:$0x2] =	wrdreg s2  }
0xa9: {  	[dreg:$0x3] =	wrdreg s4  }
0xaa: {  	[dreg:$0x4] =	wrdreg $0xC0  }
0xab: {  	_ =	task [dreg:s6], $0x5FFFF  }
0xac: {  	[dreg:$0x1] =	wrdreg $0xFFFFFFFF  }
0xad: {  	[dreg:$0x0] =	wrdreg $0x60  }
0xae: {  	[dreg:$0x2] =	wrdreg s24  }
0xaf: {  	[dreg:$0x3] =	wrdreg $0xE0000  }
0xb0: {  	[dreg:$0x4] =	wrdreg $0xB8000  }
0xb1: {  	[dreg:$0x5] =	wrdreg $0x9  }
0xb2: {  	_ =	task.clear_ibuf [dreg:s6], $0x6FFFF;
	_ =	strace $0x90000049  }
0xb3: {  	s29 =	simm.s32 $0x9;
	_ =	strace $0x8000004B  }
0xb4: {  	_ =	swait.ge [sflag:s29], $0x1  }
0xb5: {  	[sflag:s29] =	ssyncadd.s32 $0xFFFFFFFF  }
0xb6: {  	_ =	strace $0x9000004B  }
0xb7: {  	_ =	sfence  }
0xb8: {  	s30 =	sld [smem:$0x0];
	_ =	sdelay $0x2  }
0xb9: {  	s31 =	sshll.u32 s1, $0xD;
	s1 =	sshrl.u32 s1, $0x2  }
0xba: {  	s3 =	sand.u32 $0x4000, s31;
	s1 =	sadd.s32 s1, s30  }
0xbb: {  	s0 =	sor.u32 s3, s0;
	s1 =	sshll.u32 s1, $0x11  }
0xbc: {  	s0 =	sor.u32 s1, s0  }
0xbd: {  	s0 =	sadd.s32 $0x8F2B, s0  }
0xbe: {  	[sflag:s0] =	ssyncadd.remote.s32 $0x1  }
0xbf: {  	_ =	sfence.sel $0xFFFF  }
0xc0: {  	[dreg:$0x0] =	wrdreg $0xFFFFFFFF;
	(pc) =	sbr.abs _section_cstart, $3  }
0xc1: {  	[dreg:$0x1] =	wrdreg $0xFFFFFFFF  }
0xc2: {  	_ =	task.clear_ibuf [dreg:s6], $0x2FFFF;
	_ =	strace $0x9FFFFFFF  }
0xc3: {  	(tm) =	ssettm $0x7FFFFFFF  }
tec
execute0_lowered:
.L_overlay_start_1:
0x0: {  	(tag) =	ssettag $0x1  }
0x1: {  	s0 =	rddreg [dreg:$0x0]  }
0x2: {  	s2 =	rddreg [dreg:$0x1]  }
0x3: {  	s3 =	rddreg [dreg:$0x2]  }
0x4: {  	s1 =	srdreg.scid;
	s9 =	stileid.u32  }
0x5: {  	s6 =	simm.s32 $0x0;
	s19 =	simm.s32 $0x80;
	s28 =	simm.s32 $0x7000  }
0x6: {  	s30 =	simm.s32 $0x7800;
	s15 =	simm.s32 $0x8800;
	s16 =	simm.s32 $0x1  }
0x7: {  	s29 =	simm.s32 $0x5;
	s31 =	simm.s32 $0x6;
	s11 =	simm.s32 $0xD  }
0x8: {  	s12 =	simm.s32 $0xE;
	s13 =	simm.s32 $0xF;
	s17 =	simm.s32 $0x0  }
0x9: {  	s1 =	sand.u32 $0x1, s1;
	s4 =	smul.u32 $0x2800, s9;
	[smem:$0x7FF] =	sst s6  }
0xa: {  	s21 =	sshll.u32 s9, $0x6;
	s5 =	sshll.u32 s1, $0x4;
	s20 =	smul.u32 $0x28000, s1  }
0xb: {  	_ =	strace $0x8000004A;
	s1 =	ssub.s32 $0x2, s1;
	[dreg:$0x4] =	wrdreg s21  }
0xc: {  	s23 =	sor.u32 $0x1C12, s21;
	s21 =	simm.s32 $0x5800;
	s5 =	sor.u32 s9, s5  }
0xd: {  	s7 =	sshrl.u32 s4, $0x3;
	s8 =	sshrl.u32 s1, $0x1;
	s22 =	sadd.s32 s4, s2  }
0xe: {  	[dreg:$0x6] =	wrdreg s23;
	s23 =	simm.s32 $0x6000;
	s9 =	simm.s32 $0xC  }
0xf: {  	s5 =	smul.u32 $0x500, s5;
	s7 =	sadd.s32 s7, s0;
	s6 =	sadd.s32 s4, s20  }
0x10: {  	s1 =	ssub.s32 s1, s8;
	s4 =	sadd.s32 s4, s3;
	s26 =	sshrl.u32 s22, $0x3  }
0x11: {  	s20 =	simm.s32 $0x5000;
	s22 =	simm.s32 $0x2;
	s8 =	simm.s32 $0xB  }
0x12: {  	s6 =	sshrl.u32 s6, $0x3;
	s7 =	sadd.s32 $0x1600, s7;
	[dreg:$0x9] =	wrdreg s4  }
0x13: {  	s25 =	smax.u32 s1, $0x1;
	[dreg:$0xc] =	wrdreg s26;
	s26 =	simm.s32 $0x4  }
0x14: {  	s1 =	simm.s32 $0x7;
	s5 =	sadd.s32 s5, s0;
	[dreg:$0x5] =	wrdreg s7  }
0x15: {  	s4 =	simm.s32 $0x8;
	[dreg:$0xb] =	wrdreg s25;
	s24 =	sadd.s32 $0x29000, s5  }
0x16: {  	s0 =	sadd.s32 s6, s0;
	s5 =	sadd.s32 $0x1F000, s5;
	[dreg:$0x7] =	wrdreg s24  }
0x17: {  	s25 =	simm.s32 $0x6800;
	s0 =	sadd.s32 $0x6600, s0;
	[dreg:$0x8] =	wrdreg s5  }
0x18: {  	s6 =	simm.s32 $0x9;
	s7 =	simm.s32 $0xA;
	[dreg:$0xa] =	wrdreg s0  }
0x19: {  	v0 =	vimm.f32 $0.0e+00;
	s0 =	simm.s32 $0x8000;
	s24 =	simm.s32 $0x3;
	s5 =	simm.s32 $0x10  }
.LBB2_1:
0x1a: {  	[dreg:$0xd] =	wrdreg s17  }
0x1b: {  	s10 =	rddreg [dreg:$0x5]  }
0x1c: {  	s14 =	rddreg [dreg:$0x6]  }
0x1d: {  	s18 =	rddreg [dreg:$0xc]  }
0x1e: {  	[spmem:s18], [sflag:s14] =	dma.local [hbm:s10], $0x500  }
0x1f: {  	s10 =	simm.s32 $0x0;
	s18 =	simm.s32 $0x11;
	s14 =	rddreg [dreg:$0x7]  }
0x20: {  	[tilespmem:s10], [sflag:$0x11] =	stream.linear.gather [hbm4b:s14+s10], $0x2800, $0x38;
	[tilespmem:$0x10800] =	vst v63  }
0x21: {  	_ =	swait.ge [sflag:s18], $0x2800  }
0x22: {  	[sflag:s18] =	ssyncset.done $0x0  }
0x23: {  	s17 =	simm.s32 $0x2800;
	s14 =	rddreg [dreg:$0x8];
	[sflag:s18] =	ssyncadd.s32 $0xFFFFD800  }
0x24: {  	[tilespmem:s17], [sflag:$0x11] =	stream.linear.gather [hbm4b:s14+s10], $0x2800, $0x38;
	[tilespmem:$0x10800] =	vst v63  }
0x25: {  	_ =	swait.ge [sflag:s18], $0x2800  }
0x26: {  	[sflag:s18] =	ssyncset.done $0x0  }
0x27: {  	s10 =	simm.s32 $0x0;
	s14 =	simm.s32 $0x200;
	[sflag:s18] =	ssyncadd.s32 $0xFFFFD800  }
.LBB2_2:
0x28: {  	p0 =	sne.s32 s14, $0x9E00;
	[tilespmem:s10+$0x9070] =	vst v0  }
0x29: {  	[tilespmem:s10+$0x9000] =	vst v0  }
0x2a: {  	[tilespmem:s10+$0x9010] =	vst v0  }
.Ltmp0:
0x2b: {  	[tilespmem:s10+$0x9020] =	vst v0;
	(pc) =	sbr.rel @p0 .LBB2_2-.Ltmp0, $4  }
0x2c: {  	[tilespmem:s10+$0x9030] =	vst v0  }
0x2d: {  	[tilespmem:s10+$0x9040] =	vst v0  }
0x2e: {  	[tilespmem:s10+$0x9050] =	vst v0  }
0x2f: {  	[tilespmem:s10+$0x9060] =	vst v0;
	s10 =	sshra.s32 s14, $0x2;
	s14 =	sadd.s32 $0x200, s14  }
0x30: {  	[tilespmem:s10+$0x9070] =	vst v0  }
0x31: {  	[tilespmem:s10+$0x9000] =	vst v0  }
0x32: {  	[tilespmem:s10+$0x9010] =	vst v0  }
0x33: {  	[tilespmem:s10+$0x9020] =	vst v0  }
0x34: {  	[tilespmem:s10+$0x9030] =	vst v0  }
0x35: {  	[tilespmem:s10+$0x9040] =	vst v0  }
0x36: {  	[tilespmem:s10+$0x9050] =	vst v0  }
0x37: {  	[tilespmem:s10+$0x9060] =	vst v0;
	s14 =	rddreg [dreg:$0x9];
	s18 =	simm.s32 $0x9000  }
0x38: {  	[spmem:s14] =	stream.linear.scatter [tilespmem:s18], [sflag:$0x13], $0x2800, $0x38;
	[tilespmem:$0x10800] =	vst v63  }
0x39: {  	s14 =	simm.s32 $0x13  }
0x3a: {  	_ =	swait.ge [sflag:s14], $0x2800  }
0x3b: {  	[sflag:s14] =	ssyncset.done $0x0  }
0x3c: {  	s17 =	simm.s32 $0x12;
	[sflag:s14] =	ssyncadd.s32 $0xFFFFD800  }
0x3d: {  	_ =	swait.ge [sflag:s17], $0x500  }
0x3e: {  	[sflag:s17] =	ssyncset.done $0x0  }
0x3f: {  	[sflag:s17] =	ssyncadd.s32 $0xFFFFFB00  }
0x40: {  	s18 =	simm.s32 $0x0;
	[bflag:$0x0] =	sbarrier.arrive $0xFFFF  }
0x41: {  	[tilespmem:s20], [sflag:$0x1] =	stream.indirect.gather [spmem:s2], $0x10, s18, s19, $0xb8;
	[tilespmem:$0x10800] =	vst v63  }
0x42: {  	_ = 	snop  }
0x43: {  	[tilespmem:s21], [sflag:$0x2] =	stream.indirect.gather [spmem:s2], $0x10, s19, s19, $0xb8;
	[tilespmem:$0x10800] =	vst v63  }
0x44: {  	s14 =	simm.s32 $0x100  }
0x45: {  	[tilespmem:s23], [sflag:$0x3] =	stream.indirect.gather [spmem:s2], $0x10, s14, s19, $0xb8;
	[tilespmem:$0x10800] =	vst v63  }
0x46: {  	s17 =	simm.s32 $0x180  }
0x47: {  	[tilespmem:s25], [sflag:$0x4] =	stream.indirect.gather [spmem:s2], $0x10, s17, s19, $0xb8;
	[tilespmem:$0x10800] =	vst v63  }
0x48: {  	s18 =	simm.s32 $0x200  }
0x49: {  	[tilespmem:s28], [sflag:$0x5] =	stream.indirect.gather [spmem:s2], $0x10, s18, s19, $0xb8;
	[tilespmem:$0x10800] =	vst v63  }
0x4a: {  	s14 =	simm.s32 $0x280  }
0x4b: {  	[tilespmem:s30], [sflag:$0x6] =	stream.indirect.gather [spmem:s2], $0x10, s14, s19, $0xb8;
	[tilespmem:$0x10800] =	vst v63  }
0x4c: {  	s17 =	simm.s32 $0x300  }
0x4d: {  	[tilespmem:s0], [sflag:$0x7] =	stream.indirect.gather [spmem:s2], $0x10, s17, s19, $0xb8;
	[tilespmem:$0x10800] =	vst v63  }
0x4e: {  	s18 =	simm.s32 $0x380  }
0x4f: {  	[tilespmem:s15], [sflag:$0x8] =	stream.indirect.gather [spmem:s2], $0x10, s18, s19, $0xb8;
	[tilespmem:$0x10800] =	vst v63  }
0x50: {  	_ =	swait.ge [sflag:s16], $0x800  }
0x51: {  	[sflag:s16] =	ssyncset.done $0x0  }
0x52: {  	s14 =	simm.s32 $0x2800;
	[sflag:s16] =	ssyncadd.s32 $0xFFFFF800  }
0x53: {  	[spmem:s3] =	stream.indirect.scatter.add.f32 [tilespmem:s20], [sflag:$0x9], $0x10, s14, s19, $0xb8;
	[tilespmem:$0x10800] =	vst v63  }
0x54: {  	_ =	swait.ge [sflag:s22], $0x800  }
0x55: {  	[sflag:s22] =	ssyncset.done $0x0  }
0x56: {  	s17 =	simm.s32 $0x2880;
	[sflag:s22] =	ssyncadd.s32 $0xFFFFF800  }
0x57: {  	[spmem:s3] =	stream.indirect.scatter.add.f32 [tilespmem:s21], [sflag:$0xA], $0x10, s17, s19, $0xb8;
	[tilespmem:$0x10800] =	vst v63  }
0x58: {  	_ =	swait.ge [sflag:s24], $0x800  }
0x59: {  	[sflag:s24] =	ssyncset.done $0x0  }
0x5a: {  	s18 =	simm.s32 $0x2900;
	[sflag:s24] =	ssyncadd.s32 $0xFFFFF800  }
0x5b: {  	[spmem:s3] =	stream.indirect.scatter.add.f32 [tilespmem:s23], [sflag:$0xB], $0x10, s18, s19, $0xb8;
	[tilespmem:$0x10800] =	vst v63  }
0x5c: {  	_ =	swait.ge [sflag:s26], $0x800  }
0x5d: {  	[sflag:s26] =	ssyncset.done $0x0  }
0x5e: {  	s14 =	simm.s32 $0x2980;
	[sflag:s26] =	ssyncadd.s32 $0xFFFFF800  }
0x5f: {  	[spmem:s3] =	stream.indirect.scatter.add.f32 [tilespmem:s25], [sflag:$0xC], $0x10, s14, s19, $0xb8;
	[tilespmem:$0x10800] =	vst v63  }
0x60: {  	_ =	swait.ge [sflag:s29], $0x800  }
0x61: {  	[sflag:s29] =	ssyncset.done $0x0  }
0x62: {  	s17 =	simm.s32 $0x2A00;
	[sflag:s29] =	ssyncadd.s32 $0xFFFFF800  }
0x63: {  	[spmem:s3] =	stream.indirect.scatter.add.f32 [tilespmem:s28], [sflag:$0xD], $0x10, s17, s19, $0xb8;
	[tilespmem:$0x10800] =	vst v63  }
0x64: {  	_ =	swait.ge [sflag:s31], $0x800  }
0x65: {  	[sflag:s31] =	ssyncset.done $0x0  }
0x66: {  	s18 =	simm.s32 $0x2A80;
	[sflag:s31] =	ssyncadd.s32 $0xFFFFF800  }
0x67: {  	[spmem:s3] =	stream.indirect.scatter.add.f32 [tilespmem:s30], [sflag:$0xE], $0x10, s18, s19, $0xb8;
	[tilespmem:$0x10800] =	vst v63  }
0x68: {  	_ =	swait.ge [sflag:s1], $0x800  }
0x69: {  	[sflag:s1] =	ssyncset.done $0x0  }
0x6a: {  	s14 =	simm.s32 $0x2B00;
	[sflag:s1] =	ssyncadd.s32 $0xFFFFF800  }
0x6b: {  	[spmem:s3] =	stream.indirect.scatter.add.f32 [tilespmem:s0], [sflag:$0xF], $0x10, s14, s19, $0xb8;
	[tilespmem:$0x10800] =	vst v63  }
0x6c: {  	_ =	swait.ge [sflag:s4], $0x800  }
0x6d: {  	[sflag:s4] =	ssyncset.done $0x0  }
0x6e: {  	s17 =	simm.s32 $0x2B80;
	[sflag:s4] =	ssyncadd.s32 $0xFFFFF800  }
0x6f: {  	[spmem:s3] =	stream.indirect.scatter.add.f32 [tilespmem:s15], [sflag:$0x10], $0x10, s17, s19, $0xb8;
	[tilespmem:$0x10800] =	vst v63  }
0x70: {  	_ =	swait.ge [sflag:s6], $0x800  }
0x71: {  	[sflag:s6] =	ssyncset.done $0x0  }
0x72: {  	s18 =	simm.s32 $0x400;
	[sflag:s6] =	ssyncadd.s32 $0xFFFFF800  }
0x73: {  	[tilespmem:s20], [sflag:$0x1] =	stream.indirect.gather [spmem:s2], $0x10, s18, s19, $0xb8;
	[tilespmem:$0x10800] =	vst v63  }
0x74: {  	_ =	swait.ge [sflag:s7], $0x800  }
0x75: {  	[sflag:s7] =	ssyncset.done $0x0  }
0x76: {  	s14 =	simm.s32 $0x480;
	[sflag:s7] =	ssyncadd.s32 $0xFFFFF800  }
0x77: {  	[tilespmem:s21], [sflag:$0x2] =	stream.indirect.gather [spmem:s2], $0x10, s14, s19, $0xb8;
	[tilespmem:$0x10800] =	vst v63  }
0x78: {  	_ =	swait.ge [sflag:s8], $0x800  }
0x79: {  	[sflag:s8] =	ssyncset.done $0x0  }
0x7a: {  	s17 =	simm.s32 $0x500;
	[sflag:s8] =	ssyncadd.s32 $0xFFFFF800  }
0x7b: {  	[tilespmem:s23], [sflag:$0x3] =	stream.indirect.gather [spmem:s2], $0x10, s17, s19, $0xb8;
	[tilespmem:$0x10800] =	vst v63  }
0x7c: {  	_ =	swait.ge [sflag:s9], $0x800  }
0x7d: {  	[sflag:s9] =	ssyncset.done $0x0  }
0x7e: {  	s18 =	simm.s32 $0x580;
	[sflag:s9] =	ssyncadd.s32 $0xFFFFF800  }
0x7f: {  	[tilespmem:s25], [sflag:$0x4] =	stream.indirect.gather [spmem:s2], $0x10, s18, s19, $0xb8;
	[tilespmem:$0x10800] =	vst v63  }
0x80: {  	_ =	swait.ge [sflag:s11], $0x800  }
0x81: {  	[sflag:s11] =	ssyncset.done $0x0  }
0x82: {  	s14 =	simm.s32 $0x600;
	[sflag:s11] =	ssyncadd.s32 $0xFFFFF800  }
0x83: {  	[tilespmem:s28], [sflag:$0x5] =	stream.indirect.gather [spmem:s2], $0x10, s14, s19, $0xb8;
	[tilespmem:$0x10800] =	vst v63  }
0x84: {  	_ =	swait.ge [sflag:s12], $0x800  }
0x85: {  	[sflag:s12] =	ssyncset.done $0x0  }
0x86: {  	s17 =	simm.s32 $0x680;
	[sflag:s12] =	ssyncadd.s32 $0xFFFFF800  }
0x87: {  	[tilespmem:s30], [sflag:$0x6] =	stream.indirect.gather [spmem:s2], $0x10, s17, s19, $0xb8;
	[tilespmem:$0x10800] =	vst v63  }
0x88: {  	_ =	swait.ge [sflag:s13], $0x800  }
0x89: {  	[sflag:s13] =	ssyncset.done $0x0  }
0x8a: {  	s18 =	simm.s32 $0x700;
	[sflag:s13] =	ssyncadd.s32 $0xFFFFF800  }
0x8b: {  	[tilespmem:s0], [sflag:$0x7] =	stream.indirect.gather [spmem:s2], $0x10, s18, s19, $0xb8;
	[tilespmem:$0x10800] =	vst v63  }
0x8c: {  	_ =	swait.ge [sflag:s5], $0x800  }
0x8d: {  	[sflag:s5] =	ssyncset.done $0x0  }
0x8e: {  	s10 =	simm.s32 $0x1000;
	s14 =	simm.s32 $0x780;
	[sflag:s5] =	ssyncadd.s32 $0xFFFFF800  }
.LBB2_4:
0x8f: {  	[tilespmem:s15], [sflag:$0x8] =	stream.indirect.gather [spmem:s2], $0x10, s14, s19, $0xb8;
	[tilespmem:$0x10800] =	vst v63  }
0x90: {  	s14 =	smov.u32 s10  }
0x91: {  	p0 =	sne.s32 s10, $0x8000;
	s10 =	sadd.s32 $0x1000, s10;
	_ =	swait.ge [sflag:s16], $0x800  }
0x92: {  	s14 =	sshra.s32 s14, $0x2;
	[sflag:s16] =	ssyncset.done $0x0  }
0x93: {  	s17 =	sadd.s32 $0x2800, s14;
	[sflag:s16] =	ssyncadd.s32 $0xFFFFF800  }
0x94: {  	[spmem:s3] =	stream.indirect.scatter.add.f32 [tilespmem:s20], [sflag:$0x9], $0x10, s17, s19, $0xb8;
	[tilespmem:$0x10800] =	vst v63  }
0x95: {  	_ =	swait.ge [sflag:s22], $0x800  }
0x96: {  	[sflag:s22] =	ssyncset.done $0x0  }
0x97: {  	s17 =	sadd.s32 $0x2880, s14;
	[sflag:s22] =	ssyncadd.s32 $0xFFFFF800  }
0x98: {  	[spmem:s3] =	stream.indirect.scatter.add.f32 [tilespmem:s21], [sflag:$0xA], $0x10, s17, s19, $0xb8;
	[tilespmem:$0x10800] =	vst v63  }
0x99: {  	_ =	swait.ge [sflag:s24], $0x800  }
0x9a: {  	[sflag:s24] =	ssyncset.done $0x0  }
0x9b: {  	s17 =	sadd.s32 $0x2900, s14;
	[sflag:s24] =	ssyncadd.s32 $0xFFFFF800  }
0x9c: {  	[spmem:s3] =	stream.indirect.scatter.add.f32 [tilespmem:s23], [sflag:$0xB], $0x10, s17, s19, $0xb8;
	[tilespmem:$0x10800] =	vst v63  }
0x9d: {  	_ =	swait.ge [sflag:s26], $0x800  }
0x9e: {  	[sflag:s26] =	ssyncset.done $0x0  }
0x9f: {  	s17 =	sadd.s32 $0x2980, s14;
	[sflag:s26] =	ssyncadd.s32 $0xFFFFF800  }
0xa0: {  	[spmem:s3] =	stream.indirect.scatter.add.f32 [tilespmem:s25], [sflag:$0xC], $0x10, s17, s19, $0xb8;
	[tilespmem:$0x10800] =	vst v63  }
0xa1: {  	_ =	swait.ge [sflag:s29], $0x800  }
0xa2: {  	[sflag:s29] =	ssyncset.done $0x0  }
0xa3: {  	s17 =	sadd.s32 $0x2A00, s14;
	[sflag:s29] =	ssyncadd.s32 $0xFFFFF800  }
0xa4: {  	[spmem:s3] =	stream.indirect.scatter.add.f32 [tilespmem:s28], [sflag:$0xD], $0x10, s17, s19, $0xb8;
	[tilespmem:$0x10800] =	vst v63  }
0xa5: {  	_ =	swait.ge [sflag:s31], $0x800  }
0xa6: {  	[sflag:s31] =	ssyncset.done $0x0  }
0xa7: {  	s17 =	sadd.s32 $0x2A80, s14;
	[sflag:s31] =	ssyncadd.s32 $0xFFFFF800  }
0xa8: {  	[spmem:s3] =	stream.indirect.scatter.add.f32 [tilespmem:s30], [sflag:$0xE], $0x10, s17, s19, $0xb8;
	[tilespmem:$0x10800] =	vst v63  }
0xa9: {  	_ =	swait.ge [sflag:s1], $0x800  }
0xaa: {  	[sflag:s1] =	ssyncset.done $0x0  }
0xab: {  	s17 =	sadd.s32 $0x2B00, s14;
	[sflag:s1] =	ssyncadd.s32 $0xFFFFF800  }
0xac: {  	[spmem:s3] =	stream.indirect.scatter.add.f32 [tilespmem:s0], [sflag:$0xF], $0x10, s17, s19, $0xb8;
	[tilespmem:$0x10800] =	vst v63  }
0xad: {  	_ =	swait.ge [sflag:s4], $0x800  }
0xae: {  	[sflag:s4] =	ssyncset.done $0x0  }
0xaf: {  	s17 =	sadd.s32 $0x2B80, s14;
	[sflag:s4] =	ssyncadd.s32 $0xFFFFF800  }
0xb0: {  	[spmem:s3] =	stream.indirect.scatter.add.f32 [tilespmem:s15], [sflag:$0x10], $0x10, s17, s19, $0xb8;
	[tilespmem:$0x10800] =	vst v63  }
0xb1: {  	_ =	swait.ge [sflag:s6], $0x800  }
0xb2: {  	[sflag:s6] =	ssyncset.done $0x0  }
0xb3: {  	s17 =	sadd.s32 $0x400, s14;
	[sflag:s6] =	ssyncadd.s32 $0xFFFFF800  }
0xb4: {  	[tilespmem:s20], [sflag:$0x1] =	stream.indirect.gather [spmem:s2], $0x10, s17, s19, $0xb8;
	[tilespmem:$0x10800] =	vst v63  }
0xb5: {  	_ =	swait.ge [sflag:s7], $0x800  }
0xb6: {  	[sflag:s7] =	ssyncset.done $0x0  }
0xb7: {  	s17 =	sadd.s32 $0x480, s14;
	[sflag:s7] =	ssyncadd.s32 $0xFFFFF800  }
0xb8: {  	[tilespmem:s21], [sflag:$0x2] =	stream.indirect.gather [spmem:s2], $0x10, s17, s19, $0xb8;
	[tilespmem:$0x10800] =	vst v63  }
0xb9: {  	_ =	swait.ge [sflag:s8], $0x800  }
0xba: {  	[sflag:s8] =	ssyncset.done $0x0  }
0xbb: {  	s17 =	sadd.s32 $0x500, s14;
	[sflag:s8] =	ssyncadd.s32 $0xFFFFF800  }
0xbc: {  	[tilespmem:s23], [sflag:$0x3] =	stream.indirect.gather [spmem:s2], $0x10, s17, s19, $0xb8;
	[tilespmem:$0x10800] =	vst v63  }
0xbd: {  	_ =	swait.ge [sflag:s9], $0x800  }
0xbe: {  	[sflag:s9] =	ssyncset.done $0x0  }
0xbf: {  	s17 =	sadd.s32 $0x580, s14;
	[sflag:s9] =	ssyncadd.s32 $0xFFFFF800  }
0xc0: {  	[tilespmem:s25], [sflag:$0x4] =	stream.indirect.gather [spmem:s2], $0x10, s17, s19, $0xb8;
	[tilespmem:$0x10800] =	vst v63  }
0xc1: {  	_ =	swait.ge [sflag:s11], $0x800  }
0xc2: {  	[sflag:s11] =	ssyncset.done $0x0  }
0xc3: {  	s17 =	sadd.s32 $0x600, s14;
	[sflag:s11] =	ssyncadd.s32 $0xFFFFF800  }
0xc4: {  	[tilespmem:s28], [sflag:$0x5] =	stream.indirect.gather [spmem:s2], $0x10, s17, s19, $0xb8;
	[tilespmem:$0x10800] =	vst v63  }
0xc5: {  	_ =	swait.ge [sflag:s12], $0x800  }
0xc6: {  	[sflag:s12] =	ssyncset.done $0x0  }
0xc7: {  	s17 =	sadd.s32 $0x680, s14;
	[sflag:s12] =	ssyncadd.s32 $0xFFFFF800  }
0xc8: {  	[tilespmem:s30], [sflag:$0x6] =	stream.indirect.gather [spmem:s2], $0x10, s17, s19, $0xb8;
	[tilespmem:$0x10800] =	vst v63  }
0xc9: {  	_ =	swait.ge [sflag:s13], $0x800  }
0xca: {  	[sflag:s13] =	ssyncset.done $0x0  }
.Ltmp1:
0xcb: {  	s17 =	sadd.s32 $0x700, s14;
	[sflag:s13] =	ssyncadd.s32 $0xFFFFF800;
	(pc) =	sbr.rel @p0 .LBB2_4-.Ltmp1, $4  }
0xcc: {  	[tilespmem:s0], [sflag:$0x7] =	stream.indirect.gather [spmem:s2], $0x10, s17, s19, $0xb8;
	[tilespmem:$0x10800] =	vst v63  }
0xcd: {  	_ =	swait.ge [sflag:s5], $0x800  }
0xce: {  	[sflag:s5] =	ssyncset.done $0x0  }
0xcf: {  	s14 =	sadd.s32 $0x780, s14;
	[sflag:s5] =	ssyncadd.s32 $0xFFFFF800  }
0xd0: {  	[tilespmem:s15], [sflag:$0x8] =	stream.indirect.gather [spmem:s2], $0x10, s14, s19, $0xb8;
	[tilespmem:$0x10800] =	vst v63  }
0xd1: {  	_ =	swait.ge [sflag:s16], $0x800  }
0xd2: {  	[sflag:s16] =	ssyncset.done $0x0  }
0xd3: {  	s10 =	simm.s32 $0x4C00;
	[sflag:s16] =	ssyncadd.s32 $0xFFFFF800  }
0xd4: {  	[spmem:s3] =	stream.indirect.scatter.add.f32 [tilespmem:s20], [sflag:$0x9], $0x10, s10, s19, $0xb8;
	[tilespmem:$0x10800] =	vst v63  }
0xd5: {  	_ =	swait.ge [sflag:s22], $0x800  }
0xd6: {  	[sflag:s22] =	ssyncset.done $0x0  }
0xd7: {  	s18 =	simm.s32 $0x4C80;
	[sflag:s22] =	ssyncadd.s32 $0xFFFFF800  }
0xd8: {  	[spmem:s3] =	stream.indirect.scatter.add.f32 [tilespmem:s21], [sflag:$0xA], $0x10, s18, s19, $0xb8;
	[tilespmem:$0x10800] =	vst v63  }
0xd9: {  	_ =	swait.ge [sflag:s24], $0x800  }
0xda: {  	[sflag:s24] =	ssyncset.done $0x0  }
0xdb: {  	s14 =	simm.s32 $0x4D00;
	[sflag:s24] =	ssyncadd.s32 $0xFFFFF800  }
0xdc: {  	[spmem:s3] =	stream.indirect.scatter.add.f32 [tilespmem:s23], [sflag:$0xB], $0x10, s14, s19, $0xb8;
	[tilespmem:$0x10800] =	vst v63  }
0xdd: {  	_ =	swait.ge [sflag:s26], $0x800  }
0xde: {  	[sflag:s26] =	ssyncset.done $0x0  }
0xdf: {  	s17 =	simm.s32 $0x4D80;
	[sflag:s26] =	ssyncadd.s32 $0xFFFFF800  }
0xe0: {  	[spmem:s3] =	stream.indirect.scatter.add.f32 [tilespmem:s25], [sflag:$0xC], $0x10, s17, s19, $0xb8;
	[tilespmem:$0x10800] =	vst v63  }
0xe1: {  	_ =	swait.ge [sflag:s29], $0x800  }
0xe2: {  	[sflag:s29] =	ssyncset.done $0x0  }
0xe3: {  	s18 =	simm.s32 $0x4E00;
	[sflag:s29] =	ssyncadd.s32 $0xFFFFF800  }
0xe4: {  	[spmem:s3] =	stream.indirect.scatter.add.f32 [tilespmem:s28], [sflag:$0xD], $0x10, s18, s19, $0xb8;
	[tilespmem:$0x10800] =	vst v63  }
0xe5: {  	_ =	swait.ge [sflag:s31], $0x800  }
0xe6: {  	[sflag:s31] =	ssyncset.done $0x0  }
0xe7: {  	s14 =	simm.s32 $0x4E80;
	[sflag:s31] =	ssyncadd.s32 $0xFFFFF800  }
0xe8: {  	[spmem:s3] =	stream.indirect.scatter.add.f32 [tilespmem:s30], [sflag:$0xE], $0x10, s14, s19, $0xb8;
	[tilespmem:$0x10800] =	vst v63  }
0xe9: {  	_ =	swait.ge [sflag:s1], $0x800  }
0xea: {  	[sflag:s1] =	ssyncset.done $0x0  }
0xeb: {  	s17 =	simm.s32 $0x4F00;
	[sflag:s1] =	ssyncadd.s32 $0xFFFFF800  }
0xec: {  	[spmem:s3] =	stream.indirect.scatter.add.f32 [tilespmem:s0], [sflag:$0xF], $0x10, s17, s19, $0xb8;
	[tilespmem:$0x10800] =	vst v63  }
0xed: {  	_ =	swait.ge [sflag:s4], $0x800  }
0xee: {  	[sflag:s4] =	ssyncset.done $0x0  }
0xef: {  	s18 =	simm.s32 $0x4F80;
	[sflag:s4] =	ssyncadd.s32 $0xFFFFF800  }
0xf0: {  	[spmem:s3] =	stream.indirect.scatter.add.f32 [tilespmem:s15], [sflag:$0x10], $0x10, s18, s19, $0xb8;
	[tilespmem:$0x10800] =	vst v63  }
0xf1: {  	_ =	swait.ge [sflag:s6], $0x800  }
0xf2: {  	[sflag:s6] =	ssyncset.done $0x0  }
0xf3: {  	[sflag:s6] =	ssyncadd.s32 $0xFFFFF800  }
0xf4: {  	_ =	swait.ge [sflag:s7], $0x800  }
0xf5: {  	[sflag:s7] =	ssyncset.done $0x0  }
0xf6: {  	[sflag:s7] =	ssyncadd.s32 $0xFFFFF800  }
0xf7: {  	_ =	swait.ge [sflag:s8], $0x800  }
0xf8: {  	[sflag:s8] =	ssyncset.done $0x0  }
0xf9: {  	[sflag:s8] =	ssyncadd.s32 $0xFFFFF800  }
0xfa: {  	_ =	swait.ge [sflag:s9], $0x800  }
0xfb: {  	[sflag:s9] =	ssyncset.done $0x0  }
0xfc: {  	[sflag:s9] =	ssyncadd.s32 $0xFFFFF800  }
0xfd: {  	_ =	swait.ge [sflag:s11], $0x800  }
0xfe: {  	[sflag:s11] =	ssyncset.done $0x0  }
0xff: {  	[sflag:s11] =	ssyncadd.s32 $0xFFFFF800  }
0x100: {  	_ =	swait.ge [sflag:s12], $0x800  }
0x101: {  	[sflag:s12] =	ssyncset.done $0x0  }
0x102: {  	[sflag:s12] =	ssyncadd.s32 $0xFFFFF800  }
0x103: {  	_ =	swait.ge [sflag:s13], $0x800  }
0x104: {  	[sflag:s13] =	ssyncset.done $0x0  }
0x105: {  	[sflag:s13] =	ssyncadd.s32 $0xFFFFF800  }
0x106: {  	_ =	swait.ge [sflag:s5], $0x800  }
0x107: {  	[sflag:s5] =	ssyncset.done $0x0  }
0x108: {  	[sflag:s5] =	ssyncadd.s32 $0xFFFFF800  }
0x109: {  	[bflag:$0x0] =	sbarrier.arrive $0xFFFF  }
0x10a: {  	s14 =	rddreg [dreg:$0x4]  }
0x10b: {  	s17 =	rddreg [dreg:$0x9]  }
0x10c: {  	s18 =	rddreg [dreg:$0xa];
	s10 =	sor.u32 $0x1C13, s14;
	s14 =	sshrl.u32 s17, $0x3  }
0x10d: {  	[hbm:s18], [sflag:s10] =	dma.local [spmem:s14], $0x500  }
0x10e: {  	s14 =	simm.s32 $0x13  }
0x10f: {  	_ =	swait.ge [sflag:s14], $0x500  }
0x110: {  	s17 =	rddreg [dreg:$0xd]  }
0x111: {  	s18 =	rddreg [dreg:$0xb];
	s17 =	sadd.s32 $0x1, s17  }
0x112: {  	p0 =	sne.s32 s17, s18  }
.Ltmp2:
0x113: {  	_ = 	snop;
	(pc) =	sbr.rel @p0 .LBB2_1-.Ltmp2, $3  }
0x114: {  	_ =	sdelay $0x1  }
0x115: {  	[sflag:s14] =	ssyncset.done $0x0  }
0x116: {  	[sflag:s14] =	ssyncadd.s32 $0xFFFFFB00  }
0x117: {  	_ =	sfence.sel $0x180000  }
0x118: {  	[bflag:$0x0] =	sbarrier.arrive $0xFFFF  }
0x119: {  	_ =	strace $0x9000004A  }
0x11a: {  	s0 =	stileid.u32;
	[bflag:$0x2] =	sbarrier.arrive $0xFFFF  }
0x11b: {  	p0 =	sne.s32 s0, $0x0;
	s0 =	rddreg [dreg:$0x3]  }
0x11c: {  	s0 =	sadd.s32 @!p0 $0x100000, s0  }
0x11d: {  	[sflag:s0] =	ssyncadd.tile.s32 @!p0 $0x1;
	_ =	shalt  }
.Lfunc_end2:
_tile_overlayer_lowered:
.L_overlay_start_2:
0x11e: {  	(tag) =	ssettag $0x2  }
0x11f: {  	s0 =	rddreg [dreg:$0x0];
	s2 =	stileid.u32  }
0x120: {  	s1 =	rddreg [dreg:$0x1];
	p0 =	sne.s32 s2, $0x0  }
0x121: {  	s3 =	rddreg [dreg:$0x2];
	[bflag:$0x3] =	sbarrier.arrive $0xFFFF;
	s2 =	simm.s32 @!p0 $0x1C13  }
0x122: {  	[timem:s3], [sflag:s2] =	dma.local @!p0 [hbm:s0], s1  }
0x123: {  	s0 =	simm.s32 @!p0 $0x13  }
0x124: {  	_ =	swait.ge @!p0 [sflag:s0], s1  }
0x125: {  	s1 =	ssub.s32 @!p0 $0x0, s1;
	[sflag:s0] =	ssyncset.done @!p0 $0x0  }
0x126: {  	[sflag:s0] =	ssyncadd.s32 @!p0 s1  }
0x127: {  	[bflag:$0x3] =	sbarrier.arrive $0xFFFF  }
0x128: {  	_ =	shalt  }

// kernel: kernel.14.cloned.1.call-start
scs
__scs_entry_jumppad:
0x0: {  	(pc) =	sbr.rel $0x88, $3  }
0x1: {  	(tag) =	ssettag $0x0;
	lr =	simm.s32 $0x1  }
0x2: {  	[smem:$0x3F9B] =	sst lr;
	_ =	strace $0xD0000000  }
0x3: {  	_ = 	snop  }
0x4: {  	_ = 	snop  }
0x5: {  	_ = 	snop  }
0x6: {  	_ = 	snop  }
0x7: {  	_ = 	snop  }
__scs_overlays_trampoline_lowered:
0x8: {  	[smem:$0x3FAA] =	sst s0  }
0x9: {  	[smem:$0x3FAB] =	sst s1  }
0xa: {  	[smem:$0x3FAC] =	sst s2  }
0xb: {  	[smem:$0x3FAD] =	sst s3  }
0xc: {  	[smem:$0x3FAE] =	sst s4  }
0xd: {  	[smem:$0x3FAF] =	sst s5  }
0xe: {  	[smem:$0x3FB0] =	sst s6  }
0xf: {  	[smem:$0x3FB1] =	sst s7  }
0x10: {  	[smem:$0x3FB2] =	sst s8  }
0x11: {  	[smem:$0x3FB3] =	sst s9;
	s0 =	simm.s32 @!p0 $0x0  }
0x12: {  	s1 =	sld [smem:$0x3F99];
	s0 =	simm.s32 @p0 $0x1  }
0x13: {  	[smem:$0x3FB4] =	sst s0;
	s0 =	simm.s32 @!p1 $0x0  }
0x14: {  	s2 =	sld [smem:$0x3F98];
	s0 =	simm.s32 @p1 $0x1  }
0x15: {  	[smem:$0x3FB5] =	sst s0;
	s0 =	simm.s32 @!p2 $0x0  }
0x16: {  	s3 =	sld [smem:$0x3FDB];
	s0 =	simm.s32 @p2 $0x1  }
0x17: {  	s4 =	simm.s32 $0x1BF5;
	[smem:$0x3FB7] =	sst s0  }
0x18: {  	s0 =	sld [smem:$0x3F9A];
	_ =	swait.ge [sflag:s4], $0x0  }
0x19: {  	s7 =	sld [smem:$0x3F9B]  }
0x1a: {  	s8 =	sadd.s32 $0xFFFFE003, lr  }
0x1b: {  	s9 =	sadd.s32 $0xFFFFFEF7, lr;
	s5 =	simm.s32 $0xFFFFFFFF;
	p2 =	slt.u32 s8, $0xFFFFF086  }
0x1c: {  	p1 =	slt.u32 s9, $0xF7A;
	s5 =	simm.s32 @!p2 $0x0  }
0x1d: {  	s5 =	simm.s32 @p1 $0x1;
	p0 =	seq.s32 s7, s2  }
0x1e: {  	s7 =	smul.u32 @!p0 $0xF7A, s2;
	p2 =	seq.s32 @!p0 s5, $0x0  }
0x1f: {  	s9 =	smul.u32 $0xF7A, s1;
	s8 =	simm.s32 @!p0 $0x1BF5;
	p2 =	por !p2, p0  }
0x20: {  	[sflag:s8] =	ssyncset.s32 @!p0 $0xFFFFF086;
	s6 =	sadd.s32 @!p0 s3, s7;
	s7 =	simm.s32 @!p0 $0x108  }
0x21: {  	s3 =	sadd.s32 s3, s9;
	s6 =	sadd.s32 @!p0 $0x88, s6;
	s7 =	simm.s32 @p2 $0x1082  }
0x22: {  	[simem:s7], [sflag:s8] =	dma.local @!p0 [hbm:s6], $0xF7A  }
0x23: {  	s9 =	sor.u32 $0xD0000000, s2;
	s6 =	simm.s32 $0x108;
	_ =	swait.ge @!p0 [sflag:s8], $0x0  }
0x24: {  	s3 =	sadd.s32 $0x88, s3;
	s6 =	simm.s32 @!p1 $0x1082;
	[sflag:s4] =	ssyncset.s32 $0xFFFFF086  }
0x25: {  	[simem:s6], [sflag:s4] =	dma.local [hbm:s3], $0xF7A  }
0x26: {  	[smem:$0x3F9B] =	sst s1;
	(tag) =	ssettag s2;
	_ =	strace s9  }
0x27: {  	s1 =	sld [smem:$0x3FAB]  }
0x28: {  	s2 =	sld [smem:$0x3FAC]  }
0x29: {  	s4 =	sld [smem:$0x3FAE]  }
0x2a: {  	p0 =	seq.s32 s5, $0x0;
	s5 =	sld [smem:$0x3FAF]  }
0x2b: {  	s6 =	sld [smem:$0x3FB0]  }
0x2c: {  	s7 =	sld [smem:$0x3FB1]  }
0x2d: {  	s3 =	simm.s32 $0x108;
	s8 =	sld [smem:$0x3FB2]  }
0x2e: {  	s3 =	simm.s32 @!p0 $0x1082;
	s9 =	sld [smem:$0x3FB3]  }
0x2f: {  	lr =	sadd.s32 s0, s3;
	s0 =	sld [smem:$0x3FAA]  }
0x30: {  	s3 =	sld [smem:$0x3FAD]  }
0x31: {  	[smem:$0x3FB6] =	sst s10  }
0x32: {  	s10 =	sld [smem:$0x3FB4];
	_ =	sdelay $0x3  }
0x33: {  	p0 =	seq.s32 s10, $0x1;
	s10 =	sld [smem:$0x3FB6];
	_ =	sdelay $0x3  }
0x34: {  	[smem:$0x3FB6] =	sst s10  }
0x35: {  	s10 =	sld [smem:$0x3FB5];
	_ =	sdelay $0x3  }
0x36: {  	p1 =	seq.s32 s10, $0x1;
	s10 =	sld [smem:$0x3FB6];
	_ =	sdelay $0x3  }
0x37: {  	[smem:$0x3FB6] =	sst s10  }
0x38: {  	s10 =	sld [smem:$0x3FB7]  }
0x39: {  	_ = 	snop;
	(pc) =	sbr.ind lr, $3  }
0x3a: {  	_ = 	snop  }
0x3b: {  	_ = 	snop  }
0x3c: {  	p2 =	seq.s32 s10, $0x1;
	s10 =	sld [smem:$0x3FB6]  }
0x3d: {  	_ =	shalt  }
0x3e: {  	_ =	shalt  }
0x3f: {  	_ =	shalt  }
0x40: {  	_ =	shalt  }
0x41: {  	_ =	shalt  }
0x42: {  	_ =	shalt  }
0x43: {  	_ =	shalt  }
0x44: {  	_ =	shalt  }
0x45: {  	_ =	shalt  }
0x46: {  	_ =	shalt  }
0x47: {  	_ =	shalt  }
0x48: {  	_ =	shalt  }
0x49: {  	_ =	shalt  }
0x4a: {  	_ =	shalt  }
0x4b: {  	_ =	shalt  }
0x4c: {  	_ =	shalt  }
0x4d: {  	_ =	shalt  }
0x4e: {  	_ =	shalt  }
0x4f: {  	_ =	shalt  }
0x50: {  	_ =	shalt  }
0x51: {  	_ =	shalt  }
0x52: {  	_ =	shalt  }
0x53: {  	_ =	shalt  }
0x54: {  	_ =	shalt  }
0x55: {  	_ =	shalt  }
0x56: {  	_ =	shalt  }
0x57: {  	_ =	shalt  }
0x58: {  	_ =	shalt  }
0x59: {  	_ =	shalt  }
0x5a: {  	_ =	shalt  }
0x5b: {  	_ =	shalt  }
0x5c: {  	_ =	shalt  }
0x5d: {  	_ =	shalt  }
0x5e: {  	_ =	shalt  }
0x5f: {  	_ =	shalt  }
0x60: {  	_ =	shalt  }
0x61: {  	_ =	shalt  }
0x62: {  	_ =	shalt  }
0x63: {  	_ =	shalt  }
0x64: {  	_ =	shalt  }
0x65: {  	_ =	shalt  }
0x66: {  	_ =	shalt  }
0x67: {  	_ =	shalt  }
0x68: {  	_ =	shalt  }
0x69: {  	_ =	shalt  }
0x6a: {  	_ =	shalt  }
0x6b: {  	_ =	shalt  }
0x6c: {  	_ =	shalt  }
0x6d: {  	_ =	shalt  }
0x6e: {  	_ =	shalt  }
0x6f: {  	_ =	shalt  }
0x70: {  	_ =	shalt  }
0x71: {  	_ =	shalt  }
0x72: {  	_ =	shalt  }
0x73: {  	_ =	shalt  }
0x74: {  	_ =	shalt  }
0x75: {  	_ =	shalt  }
0x76: {  	_ =	shalt  }
0x77: {  	_ =	shalt  }
0x78: {  	_ =	shalt  }
0x79: {  	_ =	shalt  }
0x7a: {  	_ =	shalt  }
0x7b: {  	_ =	shalt  }
0x7c: {  	_ =	shalt  }
0x7d: {  	_ =	shalt  }
0x7e: {  	_ =	shalt  }
0x7f: {  	_ =	shalt  }
0x80: {  	_ =	shalt  }
0x81: {  	_ =	shalt  }
0x82: {  	_ =	shalt  }
0x83: {  	_ =	shalt  }
0x84: {  	_ =	shalt  }
0x85: {  	_ =	shalt  }
0x86: {  	_ =	shalt  }
0x87: {  	_ =	shalt  }
.Lfunc_end0:
.L_simem_size_0:
called_computation.2_lowered:
.L_overlay_start_0:
0x88: {  	s2 =	sld [smem:$0x3FD9]  }
0x89: {  	s3 =	sld [smem:$0x3FFE];
	_ =	sdelay $0x1  }
0x8a: {  	s1 =	srdreg.scid  }
0x8b: {  	s0 =	sand.u32 $0x1, s1  }
0x8c: {  	s16 =	sshll.u32 s0, $0xA;
	s2 =	sadd.s32 s3, s2  }
0x8d: {  	s2 =	sadd.s32 s2, s16  }
0x8e: {  	[smem:$0x3FC2] =	sst s2  }
0x8f: {  	_ = 	snop  }
0x90: {  	(tm) =	ssettm $0x1  }
0x91: {  	s17 =	sld [smem:$0x3FFB];
	_ =	sdelay $0x3  }
0x92: {  	_ =	strace s17  }
0x93: {  	s2 =	sld [smem:$0x3FFC];
	_ =	sdelay $0x3  }
0x94: {  	_ =	strace s2  }
0x95: {  	s2 =	sld [smem:$0x3FFD];
	_ =	sdelay $0x3  }
0x96: {  	_ =	strace s2  }
0x97: {  	_ =	strace $0x8FFFFFFF  }
0x98: {  	s18 =	sld [smem:$0x3FDB];
	_ =	sdelay $0x1  }
0x99: {  	s19 =	simm.s32 $_scs_section_size  }
0x9a: {  	s4 =	simm.s32 $_size__tile_overlayer_lowered;
	s5 =	simm.s32 $_tile_overlayer_lowered  }
0x9b: {  	s22 =	simm.s32 $0x1BFF;
	s21 =	sshll.u32 s5, $0x1;
	s2 =	sadd.s32 s19, s18  }
0x9c: {  	s6 =	simm.s32 $0x0;
	s20 =	sshll.u32 s4, $0x1;
	s4 =	sadd.s32 s21, s2  }
0x9d: {  	[timem:s6], [sflag:s22] =	dma.local [hbm:s4], s20  }
0x9e: {  	_ =	swait.ge [sflag:s22], s20  }
0x9f: {  	s3 =	ssub.s32 $0x0, s20;
	[sflag:s22] =	ssyncset.done $0x0  }
0xa0: {  	[sflag:s22] =	ssyncadd.s32 s3;
	_ =	sdelay $0x1  }
0xa1: {  	s23 =	simm.s32 $0x1B8B  }
0xa2: {  	_ =	swait.ge [sflag:s23], $0x1  }
0xa3: {  	[sflag:s23] =	ssyncset.done $0x0  }
0xa4: {  	s25 =	simm.s32 $0x1B8E;
	s24 =	sld [smem:$0x3FFE];
	[sflag:s23] =	ssyncadd.s32 $0xFFFFFFFF  }
0xa5: {  	s26 =	simm.s32 $execute0_lowered;
	[smem:$0x3FD2] =	sst s25  }
0xa6: {  	s4 =	sshll.u32 s26, $0x1;
	_ =	strace $0x8000004C;
	[dreg:$0x1] =	wrdreg $0xFFFFFFFF  }
0xa7: {  	s28 =	simm.s32 $_size_execute0_lowered;
	s2 =	sadd.s32 s2, s4;
	[dreg:$0x0] =	wrdreg $0x0  }
0xa8: {  	s4 =	sshll.u32 s28, $0x1;
	[dreg:$0x2] =	wrdreg s2  }
0xa9: {  	[dreg:$0x3] =	wrdreg s4  }
0xaa: {  	[dreg:$0x4] =	wrdreg $0xC0  }
0xab: {  	_ =	task [dreg:s6], $0x5FFFF  }
0xac: {  	[dreg:$0x1] =	wrdreg $0xFFFFFFFF  }
0xad: {  	[dreg:$0x0] =	wrdreg $0x60  }
0xae: {  	[dreg:$0x2] =	wrdreg s24  }
0xaf: {  	[dreg:$0x3] =	wrdreg $0xE0000  }
0xb0: {  	[dreg:$0x4] =	wrdreg $0xB8000  }
0xb1: {  	[dreg:$0x5] =	wrdreg $0x9  }
0xb2: {  	_ =	task.clear_ibuf [dreg:s6], $0x6FFFF;
	_ =	strace $0x9000004C  }
0xb3: {  	s29 =	simm.s32 $0x9;
	_ =	strace $0x8000004E  }
0xb4: {  	_ =	swait.ge [sflag:s29], $0x1  }
0xb5: {  	[sflag:s29] =	ssyncadd.s32 $0xFFFFFFFF  }
0xb6: {  	_ =	strace $0x9000004E  }
0xb7: {  	_ =	sfence  }
0xb8: {  	s30 =	sld [smem:$0x0];
	_ =	sdelay $0x2  }
0xb9: {  	s31 =	sshll.u32 s1, $0xD;
	s1 =	sshrl.u32 s1, $0x2  }
0xba: {  	s3 =	sand.u32 $0x4000, s31;
	s1 =	sadd.s32 s1, s30  }
0xbb: {  	s0 =	sor.u32 s3, s0;
	s1 =	sshll.u32 s1, $0x11  }
0xbc: {  	s0 =	sor.u32 s1, s0  }
0xbd: {  	s0 =	sadd.s32 $0x8F2B, s0  }
0xbe: {  	[sflag:s0] =	ssyncadd.remote.s32 $0x1  }
0xbf: {  	_ =	sfence.sel $0xFFFF  }
0xc0: {  	[dreg:$0x0] =	wrdreg $0xFFFFFFFF;
	(pc) =	sbr.abs _section_cstart, $3  }
0xc1: {  	[dreg:$0x1] =	wrdreg $0xFFFFFFFF  }
0xc2: {  	_ =	task.clear_ibuf [dreg:s6], $0x2FFFF;
	_ =	strace $0x9FFFFFFF  }
0xc3: {  	(tm) =	ssettm $0x7FFFFFFF  }
tec
execute0_lowered:
.L_overlay_start_1:
0x0: {  	(tag) =	ssettag $0x1  }
0x1: {  	s0 =	rddreg [dreg:$0x0]  }
0x2: {  	s2 =	rddreg [dreg:$0x1]  }
0x3: {  	s3 =	rddreg [dreg:$0x2]  }
0x4: {  	s1 =	srdreg.scid;
	s9 =	stileid.u32  }
0x5: {  	s6 =	simm.s32 $0x0;
	s19 =	simm.s32 $0x80;
	s28 =	simm.s32 $0x7000  }
0x6: {  	s30 =	simm.s32 $0x7800;
	s15 =	simm.s32 $0x8800;
	s16 =	simm.s32 $0x1  }
0x7: {  	s29 =	simm.s32 $0x5;
	s31 =	simm.s32 $0x6;
	s11 =	simm.s32 $0xD  }
0x8: {  	s12 =	simm.s32 $0xE;
	s13 =	simm.s32 $0xF;
	s17 =	simm.s32 $0x0  }
0x9: {  	s1 =	sand.u32 $0x1, s1;
	s4 =	smul.u32 $0x2800, s9;
	[smem:$0x7FF] =	sst s6  }
0xa: {  	s21 =	sshll.u32 s9, $0x6;
	s5 =	sshll.u32 s1, $0x4;
	s20 =	smul.u32 $0x28000, s1  }
0xb: {  	_ =	strace $0x8000004D;
	s1 =	ssub.s32 $0x2, s1;
	[dreg:$0x4] =	wrdreg s21  }
0xc: {  	s23 =	sor.u32 $0x1C12, s21;
	s21 =	simm.s32 $0x5800;
	s5 =	sor.u32 s9, s5  }
0xd: {  	s7 =	sshrl.u32 s4, $0x3;
	s8 =	sshrl.u32 s1, $0x1;
	s22 =	sadd.s32 s4, s2  }
0xe: {  	[dreg:$0x6] =	wrdreg s23;
	s23 =	simm.s32 $0x6000;
	s9 =	simm.s32 $0xC  }
0xf: {  	s5 =	smul.u32 $0x500, s5;
	s7 =	sadd.s32 s7, s0;
	s6 =	sadd.s32 s4, s20  }
0x10: {  	s1 =	ssub.s32 s1, s8;
	s4 =	sadd.s32 s4, s3;
	s26 =	sshrl.u32 s22, $0x3  }
0x11: {  	s20 =	simm.s32 $0x5000;
	s22 =	simm.s32 $0x2;
	s8 =	simm.s32 $0xB  }
0x12: {  	s6 =	sshrl.u32 s6, $0x3;
	s7 =	sadd.s32 $0x1600, s7;
	[dreg:$0x9] =	wrdreg s4  }
0x13: {  	s25 =	smax.u32 s1, $0x1;
	[dreg:$0xc] =	wrdreg s26;
	s26 =	simm.s32 $0x4  }
0x14: {  	s1 =	simm.s32 $0x7;
	s5 =	sadd.s32 s5, s0;
	[dreg:$0x5] =	wrdreg s7  }
0x15: {  	s4 =	simm.s32 $0x8;
	[dreg:$0xb] =	wrdreg s25;
	s24 =	sadd.s32 $0x29000, s5  }
0x16: {  	s0 =	sadd.s32 s6, s0;
	s5 =	sadd.s32 $0x1F000, s5;
	[dreg:$0x7] =	wrdreg s24  }
0x17: {  	s25 =	simm.s32 $0x6800;
	s0 =	sadd.s32 $0x6600, s0;
	[dreg:$0x8] =	wrdreg s5  }
0x18: {  	s6 =	simm.s32 $0x9;
	s7 =	simm.s32 $0xA;
	[dreg:$0xa] =	wrdreg s0  }
0x19: {  	v0 =	vimm.f32 $0.0e+00;
	s0 =	simm.s32 $0x8000;
	s24 =	simm.s32 $0x3;
	s5 =	simm.s32 $0x10  }
.LBB2_1:
0x1a: {  	[dreg:$0xd] =	wrdreg s17  }
0x1b: {  	s10 =	rddreg [dreg:$0x5]  }
0x1c: {  	s14 =	rddreg [dreg:$0x6]  }
0x1d: {  	s18 =	rddreg [dreg:$0xc]  }
0x1e: {  	[spmem:s18], [sflag:s14] =	dma.local [hbm:s10], $0x500  }
0x1f: {  	s10 =	simm.s32 $0x0;
	s18 =	simm.s32 $0x11;
	s14 =	rddreg [dreg:$0x7]  }
0x20: {  	[tilespmem:s10], [sflag:$0x11] =	stream.linear.gather [hbm4b:s14+s10], $0x2800, $0x38;
	[tilespmem:$0x10800] =	vst v63  }
0x21: {  	_ =	swait.ge [sflag:s18], $0x2800  }
0x22: {  	[sflag:s18] =	ssyncset.done $0x0  }
0x23: {  	s17 =	simm.s32 $0x2800;
	s14 =	rddreg [dreg:$0x8];
	[sflag:s18] =	ssyncadd.s32 $0xFFFFD800  }
0x24: {  	[tilespmem:s17], [sflag:$0x11] =	stream.linear.gather [hbm4b:s14+s10], $0x2800, $0x38;
	[tilespmem:$0x10800] =	vst v63  }
0x25: {  	_ =	swait.ge [sflag:s18], $0x2800  }
0x26: {  	[sflag:s18] =	ssyncset.done $0x0  }
0x27: {  	s10 =	simm.s32 $0x0;
	s14 =	simm.s32 $0x200;
	[sflag:s18] =	ssyncadd.s32 $0xFFFFD800  }
.LBB2_2:
0x28: {  	p0 =	sne.s32 s14, $0x9E00;
	[tilespmem:s10+$0x9070] =	vst v0  }
0x29: {  	[tilespmem:s10+$0x9000] =	vst v0  }
0x2a: {  	[tilespmem:s10+$0x9010] =	vst v0  }
.Ltmp0:
0x2b: {  	[tilespmem:s10+$0x9020] =	vst v0;
	(pc) =	sbr.rel @p0 .LBB2_2-.Ltmp0, $4  }
0x2c: {  	[tilespmem:s10+$0x9030] =	vst v0  }
0x2d: {  	[tilespmem:s10+$0x9040] =	vst v0  }
0x2e: {  	[tilespmem:s10+$0x9050] =	vst v0  }
0x2f: {  	[tilespmem:s10+$0x9060] =	vst v0;
	s10 =	sshra.s32 s14, $0x2;
	s14 =	sadd.s32 $0x200, s14  }
0x30: {  	[tilespmem:s10+$0x9070] =	vst v0  }
0x31: {  	[tilespmem:s10+$0x9000] =	vst v0  }
0x32: {  	[tilespmem:s10+$0x9010] =	vst v0  }
0x33: {  	[tilespmem:s10+$0x9020] =	vst v0  }
0x34: {  	[tilespmem:s10+$0x9030] =	vst v0  }
0x35: {  	[tilespmem:s10+$0x9040] =	vst v0  }
0x36: {  	[tilespmem:s10+$0x9050] =	vst v0  }
0x37: {  	[tilespmem:s10+$0x9060] =	vst v0;
	s14 =	rddreg [dreg:$0x9];
	s18 =	simm.s32 $0x9000  }
0x38: {  	[spmem:s14] =	stream.linear.scatter [tilespmem:s18], [sflag:$0x13], $0x2800, $0x38;
	[tilespmem:$0x10800] =	vst v63  }
0x39: {  	s14 =	simm.s32 $0x13  }
0x3a: {  	_ =	swait.ge [sflag:s14], $0x2800  }
0x3b: {  	[sflag:s14] =	ssyncset.done $0x0  }
0x3c: {  	s17 =	simm.s32 $0x12;
	[sflag:s14] =	ssyncadd.s32 $0xFFFFD800  }
0x3d: {  	_ =	swait.ge [sflag:s17], $0x500  }
0x3e: {  	[sflag:s17] =	ssyncset.done $0x0  }
0x3f: {  	[sflag:s17] =	ssyncadd.s32 $0xFFFFFB00  }
0x40: {  	s18 =	simm.s32 $0x0;
	[bflag:$0x0] =	sbarrier.arrive $0xFFFF  }
0x41: {  	[tilespmem:s20], [sflag:$0x1] =	stream.indirect.gather [spmem:s2], $0x10, s18, s19, $0xb8;
	[tilespmem:$0x10800] =	vst v63  }
0x42: {  	_ = 	snop  }
0x43: {  	[tilespmem:s21], [sflag:$0x2] =	stream.indirect.gather [spmem:s2], $0x10, s19, s19, $0xb8;
	[tilespmem:$0x10800] =	vst v63  }
0x44: {  	s14 =	simm.s32 $0x100  }
0x45: {  	[tilespmem:s23], [sflag:$0x3] =	stream.indirect.gather [spmem:s2], $0x10, s14, s19, $0xb8;
	[tilespmem:$0x10800] =	vst v63  }
0x46: {  	s17 =	simm.s32 $0x180  }
0x47: {  	[tilespmem:s25], [sflag:$0x4] =	stream.indirect.gather [spmem:s2], $0x10, s17, s19, $0xb8;
	[tilespmem:$0x10800] =	vst v63  }
0x48: {  	s18 =	simm.s32 $0x200  }
0x49: {  	[tilespmem:s28], [sflag:$0x5] =	stream.indirect.gather [spmem:s2], $0x10, s18, s19, $0xb8;
	[tilespmem:$0x10800] =	vst v63  }
0x4a: {  	s14 =	simm.s32 $0x280  }
0x4b: {  	[tilespmem:s30], [sflag:$0x6] =	stream.indirect.gather [spmem:s2], $0x10, s14, s19, $0xb8;
	[tilespmem:$0x10800] =	vst v63  }
0x4c: {  	s17 =	simm.s32 $0x300  }
0x4d: {  	[tilespmem:s0], [sflag:$0x7] =	stream.indirect.gather [spmem:s2], $0x10, s17, s19, $0xb8;
	[tilespmem:$0x10800] =	vst v63  }
0x4e: {  	s18 =	simm.s32 $0x380  }
0x4f: {  	[tilespmem:s15], [sflag:$0x8] =	stream.indirect.gather [spmem:s2], $0x10, s18, s19, $0xb8;
	[tilespmem:$0x10800] =	vst v63  }
0x50: {  	_ =	swait.ge [sflag:s16], $0x800  }
0x51: {  	[sflag:s16] =	ssyncset.done $0x0  }
0x52: {  	s14 =	simm.s32 $0x2800;
	[sflag:s16] =	ssyncadd.s32 $0xFFFFF800  }
0x53: {  	[spmem:s3] =	stream.indirect.scatter.add.f32 [tilespmem:s20], [sflag:$0x9], $0x10, s14, s19, $0xb8;
	[tilespmem:$0x10800] =	vst v63  }
0x54: {  	_ =	swait.ge [sflag:s22], $0x800  }
0x55: {  	[sflag:s22] =	ssyncset.done $0x0  }
0x56: {  	s17 =	simm.s32 $0x2880;
	[sflag:s22] =	ssyncadd.s32 $0xFFFFF800  }
0x57: {  	[spmem:s3] =	stream.indirect.scatter.add.f32 [tilespmem:s21], [sflag:$0xA], $0x10, s17, s19, $0xb8;
	[tilespmem:$0x10800] =	vst v63  }
0x58: {  	_ =	swait.ge [sflag:s24], $0x800  }
0x59: {  	[sflag:s24] =	ssyncset.done $0x0  }
0x5a: {  	s18 =	simm.s32 $0x2900;
	[sflag:s24] =	ssyncadd.s32 $0xFFFFF800  }
0x5b: {  	[spmem:s3] =	stream.indirect.scatter.add.f32 [tilespmem:s23], [sflag:$0xB], $0x10, s18, s19, $0xb8;
	[tilespmem:$0x10800] =	vst v63  }
0x5c: {  	_ =	swait.ge [sflag:s26], $0x800  }
0x5d: {  	[sflag:s26] =	ssyncset.done $0x0  }
0x5e: {  	s14 =	simm.s32 $0x2980;
	[sflag:s26] =	ssyncadd.s32 $0xFFFFF800  }
0x5f: {  	[spmem:s3] =	stream.indirect.scatter.add.f32 [tilespmem:s25], [sflag:$0xC], $0x10, s14, s19, $0xb8;
	[tilespmem:$0x10800] =	vst v63  }
0x60: {  	_ =	swait.ge [sflag:s29], $0x800  }
0x61: {  	[sflag:s29] =	ssyncset.done $0x0  }
0x62: {  	s17 =	simm.s32 $0x2A00;
	[sflag:s29] =	ssyncadd.s32 $0xFFFFF800  }
0x63: {  	[spmem:s3] =	stream.indirect.scatter.add.f32 [tilespmem:s28], [sflag:$0xD], $0x10, s17, s19, $0xb8;
	[tilespmem:$0x10800] =	vst v63  }
0x64: {  	_ =	swait.ge [sflag:s31], $0x800  }
0x65: {  	[sflag:s31] =	ssyncset.done $0x0  }
0x66: {  	s18 =	simm.s32 $0x2A80;
	[sflag:s31] =	ssyncadd.s32 $0xFFFFF800  }
0x67: {  	[spmem:s3] =	stream.indirect.scatter.add.f32 [tilespmem:s30], [sflag:$0xE], $0x10, s18, s19, $0xb8;
	[tilespmem:$0x10800] =	vst v63  }
0x68: {  	_ =	swait.ge [sflag:s1], $0x800  }
0x69: {  	[sflag:s1] =	ssyncset.done $0x0  }
0x6a: {  	s14 =	simm.s32 $0x2B00;
	[sflag:s1] =	ssyncadd.s32 $0xFFFFF800  }
0x6b: {  	[spmem:s3] =	stream.indirect.scatter.add.f32 [tilespmem:s0], [sflag:$0xF], $0x10, s14, s19, $0xb8;
	[tilespmem:$0x10800] =	vst v63  }
0x6c: {  	_ =	swait.ge [sflag:s4], $0x800  }
0x6d: {  	[sflag:s4] =	ssyncset.done $0x0  }
0x6e: {  	s17 =	simm.s32 $0x2B80;
	[sflag:s4] =	ssyncadd.s32 $0xFFFFF800  }
0x6f: {  	[spmem:s3] =	stream.indirect.scatter.add.f32 [tilespmem:s15], [sflag:$0x10], $0x10, s17, s19, $0xb8;
	[tilespmem:$0x10800] =	vst v63  }
0x70: {  	_ =	swait.ge [sflag:s6], $0x800  }
0x71: {  	[sflag:s6] =	ssyncset.done $0x0  }
0x72: {  	s18 =	simm.s32 $0x400;
	[sflag:s6] =	ssyncadd.s32 $0xFFFFF800  }
0x73: {  	[tilespmem:s20], [sflag:$0x1] =	stream.indirect.gather [spmem:s2], $0x10, s18, s19, $0xb8;
	[tilespmem:$0x10800] =	vst v63  }
0x74: {  	_ =	swait.ge [sflag:s7], $0x800  }
0x75: {  	[sflag:s7] =	ssyncset.done $0x0  }
0x76: {  	s14 =	simm.s32 $0x480;
	[sflag:s7] =	ssyncadd.s32 $0xFFFFF800  }
0x77: {  	[tilespmem:s21], [sflag:$0x2] =	stream.indirect.gather [spmem:s2], $0x10, s14, s19, $0xb8;
	[tilespmem:$0x10800] =	vst v63  }
0x78: {  	_ =	swait.ge [sflag:s8], $0x800  }
0x79: {  	[sflag:s8] =	ssyncset.done $0x0  }
0x7a: {  	s17 =	simm.s32 $0x500;
	[sflag:s8] =	ssyncadd.s32 $0xFFFFF800  }
0x7b: {  	[tilespmem:s23], [sflag:$0x3] =	stream.indirect.gather [spmem:s2], $0x10, s17, s19, $0xb8;
	[tilespmem:$0x10800] =	vst v63  }
0x7c: {  	_ =	swait.ge [sflag:s9], $0x800  }
0x7d: {  	[sflag:s9] =	ssyncset.done $0x0  }
0x7e: {  	s18 =	simm.s32 $0x580;
	[sflag:s9] =	ssyncadd.s32 $0xFFFFF800  }
0x7f: {  	[tilespmem:s25], [sflag:$0x4] =	stream.indirect.gather [spmem:s2], $0x10, s18, s19, $0xb8;
	[tilespmem:$0x10800] =	vst v63  }
0x80: {  	_ =	swait.ge [sflag:s11], $0x800  }
0x81: {  	[sflag:s11] =	ssyncset.done $0x0  }
0x82: {  	s14 =	simm.s32 $0x600;
	[sflag:s11] =	ssyncadd.s32 $0xFFFFF800  }
0x83: {  	[tilespmem:s28], [sflag:$0x5] =	stream.indirect.gather [spmem:s2], $0x10, s14, s19, $0xb8;
	[tilespmem:$0x10800] =	vst v63  }
0x84: {  	_ =	swait.ge [sflag:s12], $0x800  }
0x85: {  	[sflag:s12] =	ssyncset.done $0x0  }
0x86: {  	s17 =	simm.s32 $0x680;
	[sflag:s12] =	ssyncadd.s32 $0xFFFFF800  }
0x87: {  	[tilespmem:s30], [sflag:$0x6] =	stream.indirect.gather [spmem:s2], $0x10, s17, s19, $0xb8;
	[tilespmem:$0x10800] =	vst v63  }
0x88: {  	_ =	swait.ge [sflag:s13], $0x800  }
0x89: {  	[sflag:s13] =	ssyncset.done $0x0  }
0x8a: {  	s18 =	simm.s32 $0x700;
	[sflag:s13] =	ssyncadd.s32 $0xFFFFF800  }
0x8b: {  	[tilespmem:s0], [sflag:$0x7] =	stream.indirect.gather [spmem:s2], $0x10, s18, s19, $0xb8;
	[tilespmem:$0x10800] =	vst v63  }
0x8c: {  	_ =	swait.ge [sflag:s5], $0x800  }
0x8d: {  	[sflag:s5] =	ssyncset.done $0x0  }
0x8e: {  	s10 =	simm.s32 $0x1000;
	s14 =	simm.s32 $0x780;
	[sflag:s5] =	ssyncadd.s32 $0xFFFFF800  }
.LBB2_4:
0x8f: {  	[tilespmem:s15], [sflag:$0x8] =	stream.indirect.gather [spmem:s2], $0x10, s14, s19, $0xb8;
	[tilespmem:$0x10800] =	vst v63  }
0x90: {  	s14 =	smov.u32 s10  }
0x91: {  	p0 =	sne.s32 s10, $0x8000;
	s10 =	sadd.s32 $0x1000, s10;
	_ =	swait.ge [sflag:s16], $0x800  }
0x92: {  	s14 =	sshra.s32 s14, $0x2;
	[sflag:s16] =	ssyncset.done $0x0  }
0x93: {  	s17 =	sadd.s32 $0x2800, s14;
	[sflag:s16] =	ssyncadd.s32 $0xFFFFF800  }
0x94: {  	[spmem:s3] =	stream.indirect.scatter.add.f32 [tilespmem:s20], [sflag:$0x9], $0x10, s17, s19, $0xb8;
	[tilespmem:$0x10800] =	vst v63  }
0x95: {  	_ =	swait.ge [sflag:s22], $0x800  }
0x96: {  	[sflag:s22] =	ssyncset.done $0x0  }
0x97: {  	s17 =	sadd.s32 $0x2880, s14;
	[sflag:s22] =	ssyncadd.s32 $0xFFFFF800  }
0x98: {  	[spmem:s3] =	stream.indirect.scatter.add.f32 [tilespmem:s21], [sflag:$0xA], $0x10, s17, s19, $0xb8;
	[tilespmem:$0x10800] =	vst v63  }
0x99: {  	_ =	swait.ge [sflag:s24], $0x800  }
0x9a: {  	[sflag:s24] =	ssyncset.done $0x0  }
0x9b: {  	s17 =	sadd.s32 $0x2900, s14;
	[sflag:s24] =	ssyncadd.s32 $0xFFFFF800  }
0x9c: {  	[spmem:s3] =	stream.indirect.scatter.add.f32 [tilespmem:s23], [sflag:$0xB], $0x10, s17, s19, $0xb8;
	[tilespmem:$0x10800] =	vst v63  }
0x9d: {  	_ =	swait.ge [sflag:s26], $0x800  }
0x9e: {  	[sflag:s26] =	ssyncset.done $0x0  }
0x9f: {  	s17 =	sadd.s32 $0x2980, s14;
	[sflag:s26] =	ssyncadd.s32 $0xFFFFF800  }
0xa0: {  	[spmem:s3] =	stream.indirect.scatter.add.f32 [tilespmem:s25], [sflag:$0xC], $0x10, s17, s19, $0xb8;
	[tilespmem:$0x10800] =	vst v63  }
0xa1: {  	_ =	swait.ge [sflag:s29], $0x800  }
0xa2: {  	[sflag:s29] =	ssyncset.done $0x0  }
0xa3: {  	s17 =	sadd.s32 $0x2A00, s14;
	[sflag:s29] =	ssyncadd.s32 $0xFFFFF800  }
0xa4: {  	[spmem:s3] =	stream.indirect.scatter.add.f32 [tilespmem:s28], [sflag:$0xD], $0x10, s17, s19, $0xb8;
	[tilespmem:$0x10800] =	vst v63  }
0xa5: {  	_ =	swait.ge [sflag:s31], $0x800  }
0xa6: {  	[sflag:s31] =	ssyncset.done $0x0  }
0xa7: {  	s17 =	sadd.s32 $0x2A80, s14;
	[sflag:s31] =	ssyncadd.s32 $0xFFFFF800  }
0xa8: {  	[spmem:s3] =	stream.indirect.scatter.add.f32 [tilespmem:s30], [sflag:$0xE], $0x10, s17, s19, $0xb8;
	[tilespmem:$0x10800] =	vst v63  }
0xa9: {  	_ =	swait.ge [sflag:s1], $0x800  }
0xaa: {  	[sflag:s1] =	ssyncset.done $0x0  }
0xab: {  	s17 =	sadd.s32 $0x2B00, s14;
	[sflag:s1] =	ssyncadd.s32 $0xFFFFF800  }
0xac: {  	[spmem:s3] =	stream.indirect.scatter.add.f32 [tilespmem:s0], [sflag:$0xF], $0x10, s17, s19, $0xb8;
	[tilespmem:$0x10800] =	vst v63  }
0xad: {  	_ =	swait.ge [sflag:s4], $0x800  }
0xae: {  	[sflag:s4] =	ssyncset.done $0x0  }
0xaf: {  	s17 =	sadd.s32 $0x2B80, s14;
	[sflag:s4] =	ssyncadd.s32 $0xFFFFF800  }
0xb0: {  	[spmem:s3] =	stream.indirect.scatter.add.f32 [tilespmem:s15], [sflag:$0x10], $0x10, s17, s19, $0xb8;
	[tilespmem:$0x10800] =	vst v63  }
0xb1: {  	_ =	swait.ge [sflag:s6], $0x800  }
0xb2: {  	[sflag:s6] =	ssyncset.done $0x0  }
0xb3: {  	s17 =	sadd.s32 $0x400, s14;
	[sflag:s6] =	ssyncadd.s32 $0xFFFFF800  }
0xb4: {  	[tilespmem:s20], [sflag:$0x1] =	stream.indirect.gather [spmem:s2], $0x10, s17, s19, $0xb8;
	[tilespmem:$0x10800] =	vst v63  }
0xb5: {  	_ =	swait.ge [sflag:s7], $0x800  }
0xb6: {  	[sflag:s7] =	ssyncset.done $0x0  }
0xb7: {  	s17 =	sadd.s32 $0x480, s14;
	[sflag:s7] =	ssyncadd.s32 $0xFFFFF800  }
0xb8: {  	[tilespmem:s21], [sflag:$0x2] =	stream.indirect.gather [spmem:s2], $0x10, s17, s19, $0xb8;
	[tilespmem:$0x10800] =	vst v63  }
0xb9: {  	_ =	swait.ge [sflag:s8], $0x800  }
0xba: {  	[sflag:s8] =	ssyncset.done $0x0  }
0xbb: {  	s17 =	sadd.s32 $0x500, s14;
	[sflag:s8] =	ssyncadd.s32 $0xFFFFF800  }
0xbc: {  	[tilespmem:s23], [sflag:$0x3] =	stream.indirect.gather [spmem:s2], $0x10, s17, s19, $0xb8;
	[tilespmem:$0x10800] =	vst v63  }
0xbd: {  	_ =	swait.ge [sflag:s9], $0x800  }
0xbe: {  	[sflag:s9] =	ssyncset.done $0x0  }
0xbf: {  	s17 =	sadd.s32 $0x580, s14;
	[sflag:s9] =	ssyncadd.s32 $0xFFFFF800  }
0xc0: {  	[tilespmem:s25], [sflag:$0x4] =	stream.indirect.gather [spmem:s2], $0x10, s17, s19, $0xb8;
	[tilespmem:$0x10800] =	vst v63  }
0xc1: {  	_ =	swait.ge [sflag:s11], $0x800  }
0xc2: {  	[sflag:s11] =	ssyncset.done $0x0  }
0xc3: {  	s17 =	sadd.s32 $0x600, s14;
	[sflag:s11] =	ssyncadd.s32 $0xFFFFF800  }
0xc4: {  	[tilespmem:s28], [sflag:$0x5] =	stream.indirect.gather [spmem:s2], $0x10, s17, s19, $0xb8;
	[tilespmem:$0x10800] =	vst v63  }
0xc5: {  	_ =	swait.ge [sflag:s12], $0x800  }
0xc6: {  	[sflag:s12] =	ssyncset.done $0x0  }
0xc7: {  	s17 =	sadd.s32 $0x680, s14;
	[sflag:s12] =	ssyncadd.s32 $0xFFFFF800  }
0xc8: {  	[tilespmem:s30], [sflag:$0x6] =	stream.indirect.gather [spmem:s2], $0x10, s17, s19, $0xb8;
	[tilespmem:$0x10800] =	vst v63  }
0xc9: {  	_ =	swait.ge [sflag:s13], $0x800  }
0xca: {  	[sflag:s13] =	ssyncset.done $0x0  }
.Ltmp1:
0xcb: {  	s17 =	sadd.s32 $0x700, s14;
	[sflag:s13] =	ssyncadd.s32 $0xFFFFF800;
	(pc) =	sbr.rel @p0 .LBB2_4-.Ltmp1, $4  }
0xcc: {  	[tilespmem:s0], [sflag:$0x7] =	stream.indirect.gather [spmem:s2], $0x10, s17, s19, $0xb8;
	[tilespmem:$0x10800] =	vst v63  }
0xcd: {  	_ =	swait.ge [sflag:s5], $0x800  }
0xce: {  	[sflag:s5] =	ssyncset.done $0x0  }
0xcf: {  	s14 =	sadd.s32 $0x780, s14;
	[sflag:s5] =	ssyncadd.s32 $0xFFFFF800  }
0xd0: {  	[tilespmem:s15], [sflag:$0x8] =	stream.indirect.gather [spmem:s2], $0x10, s14, s19, $0xb8;
	[tilespmem:$0x10800] =	vst v63  }
0xd1: {  	_ =	swait.ge [sflag:s16], $0x800  }
0xd2: {  	[sflag:s16] =	ssyncset.done $0x0  }
0xd3: {  	s10 =	simm.s32 $0x4C00;
	[sflag:s16] =	ssyncadd.s32 $0xFFFFF800  }
0xd4: {  	[spmem:s3] =	stream.indirect.scatter.add.f32 [tilespmem:s20], [sflag:$0x9], $0x10, s10, s19, $0xb8;
	[tilespmem:$0x10800] =	vst v63  }
0xd5: {  	_ =	swait.ge [sflag:s22], $0x800  }
0xd6: {  	[sflag:s22] =	ssyncset.done $0x0  }
0xd7: {  	s18 =	simm.s32 $0x4C80;
	[sflag:s22] =	ssyncadd.s32 $0xFFFFF800  }
0xd8: {  	[spmem:s3] =	stream.indirect.scatter.add.f32 [tilespmem:s21], [sflag:$0xA], $0x10, s18, s19, $0xb8;
	[tilespmem:$0x10800] =	vst v63  }
0xd9: {  	_ =	swait.ge [sflag:s24], $0x800  }
0xda: {  	[sflag:s24] =	ssyncset.done $0x0  }
0xdb: {  	s14 =	simm.s32 $0x4D00;
	[sflag:s24] =	ssyncadd.s32 $0xFFFFF800  }
0xdc: {  	[spmem:s3] =	stream.indirect.scatter.add.f32 [tilespmem:s23], [sflag:$0xB], $0x10, s14, s19, $0xb8;
	[tilespmem:$0x10800] =	vst v63  }
0xdd: {  	_ =	swait.ge [sflag:s26], $0x800  }
0xde: {  	[sflag:s26] =	ssyncset.done $0x0  }
0xdf: {  	s17 =	simm.s32 $0x4D80;
	[sflag:s26] =	ssyncadd.s32 $0xFFFFF800  }
0xe0: {  	[spmem:s3] =	stream.indirect.scatter.add.f32 [tilespmem:s25], [sflag:$0xC], $0x10, s17, s19, $0xb8;
	[tilespmem:$0x10800] =	vst v63  }
0xe1: {  	_ =	swait.ge [sflag:s29], $0x800  }
0xe2: {  	[sflag:s29] =	ssyncset.done $0x0  }
0xe3: {  	s18 =	simm.s32 $0x4E00;
	[sflag:s29] =	ssyncadd.s32 $0xFFFFF800  }
0xe4: {  	[spmem:s3] =	stream.indirect.scatter.add.f32 [tilespmem:s28], [sflag:$0xD], $0x10, s18, s19, $0xb8;
	[tilespmem:$0x10800] =	vst v63  }
0xe5: {  	_ =	swait.ge [sflag:s31], $0x800  }
0xe6: {  	[sflag:s31] =	ssyncset.done $0x0  }
0xe7: {  	s14 =	simm.s32 $0x4E80;
	[sflag:s31] =	ssyncadd.s32 $0xFFFFF800  }
0xe8: {  	[spmem:s3] =	stream.indirect.scatter.add.f32 [tilespmem:s30], [sflag:$0xE], $0x10, s14, s19, $0xb8;
	[tilespmem:$0x10800] =	vst v63  }
0xe9: {  	_ =	swait.ge [sflag:s1], $0x800  }
0xea: {  	[sflag:s1] =	ssyncset.done $0x0  }
0xeb: {  	s17 =	simm.s32 $0x4F00;
	[sflag:s1] =	ssyncadd.s32 $0xFFFFF800  }
0xec: {  	[spmem:s3] =	stream.indirect.scatter.add.f32 [tilespmem:s0], [sflag:$0xF], $0x10, s17, s19, $0xb8;
	[tilespmem:$0x10800] =	vst v63  }
0xed: {  	_ =	swait.ge [sflag:s4], $0x800  }
0xee: {  	[sflag:s4] =	ssyncset.done $0x0  }
0xef: {  	s18 =	simm.s32 $0x4F80;
	[sflag:s4] =	ssyncadd.s32 $0xFFFFF800  }
0xf0: {  	[spmem:s3] =	stream.indirect.scatter.add.f32 [tilespmem:s15], [sflag:$0x10], $0x10, s18, s19, $0xb8;
	[tilespmem:$0x10800] =	vst v63  }
0xf1: {  	_ =	swait.ge [sflag:s6], $0x800  }
0xf2: {  	[sflag:s6] =	ssyncset.done $0x0  }
0xf3: {  	[sflag:s6] =	ssyncadd.s32 $0xFFFFF800  }
0xf4: {  	_ =	swait.ge [sflag:s7], $0x800  }
0xf5: {  	[sflag:s7] =	ssyncset.done $0x0  }
0xf6: {  	[sflag:s7] =	ssyncadd.s32 $0xFFFFF800  }
0xf7: {  	_ =	swait.ge [sflag:s8], $0x800  }
0xf8: {  	[sflag:s8] =	ssyncset.done $0x0  }
0xf9: {  	[sflag:s8] =	ssyncadd.s32 $0xFFFFF800  }
0xfa: {  	_ =	swait.ge [sflag:s9], $0x800  }
0xfb: {  	[sflag:s9] =	ssyncset.done $0x0  }
0xfc: {  	[sflag:s9] =	ssyncadd.s32 $0xFFFFF800  }
0xfd: {  	_ =	swait.ge [sflag:s11], $0x800  }
0xfe: {  	[sflag:s11] =	ssyncset.done $0x0  }
0xff: {  	[sflag:s11] =	ssyncadd.s32 $0xFFFFF800  }
0x100: {  	_ =	swait.ge [sflag:s12], $0x800  }
0x101: {  	[sflag:s12] =	ssyncset.done $0x0  }
0x102: {  	[sflag:s12] =	ssyncadd.s32 $0xFFFFF800  }
0x103: {  	_ =	swait.ge [sflag:s13], $0x800  }
0x104: {  	[sflag:s13] =	ssyncset.done $0x0  }
0x105: {  	[sflag:s13] =	ssyncadd.s32 $0xFFFFF800  }
0x106: {  	_ =	swait.ge [sflag:s5], $0x800  }
0x107: {  	[sflag:s5] =	ssyncset.done $0x0  }
0x108: {  	[sflag:s5] =	ssyncadd.s32 $0xFFFFF800  }
0x109: {  	[bflag:$0x0] =	sbarrier.arrive $0xFFFF  }
0x10a: {  	s14 =	rddreg [dreg:$0x4]  }
0x10b: {  	s17 =	rddreg [dreg:$0x9]  }
0x10c: {  	s18 =	rddreg [dreg:$0xa];
	s10 =	sor.u32 $0x1C13, s14;
	s14 =	sshrl.u32 s17, $0x3  }
0x10d: {  	[hbm:s18], [sflag:s10] =	dma.local [spmem:s14], $0x500  }
0x10e: {  	s14 =	simm.s32 $0x13  }
0x10f: {  	_ =	swait.ge [sflag:s14], $0x500  }
0x110: {  	s17 =	rddreg [dreg:$0xd]  }
0x111: {  	s18 =	rddreg [dreg:$0xb];
	s17 =	sadd.s32 $0x1, s17  }
0x112: {  	p0 =	sne.s32 s17, s18  }
.Ltmp2:
0x113: {  	_ = 	snop;
	(pc) =	sbr.rel @p0 .LBB2_1-.Ltmp2, $3  }
0x114: {  	_ =	sdelay $0x1  }
0x115: {  	[sflag:s14] =	ssyncset.done $0x0  }
0x116: {  	[sflag:s14] =	ssyncadd.s32 $0xFFFFFB00  }
0x117: {  	_ =	sfence.sel $0x180000  }
0x118: {  	[bflag:$0x0] =	sbarrier.arrive $0xFFFF  }
0x119: {  	_ =	strace $0x9000004D  }
0x11a: {  	s0 =	stileid.u32;
	[bflag:$0x2] =	sbarrier.arrive $0xFFFF  }
0x11b: {  	p0 =	sne.s32 s0, $0x0;
	s0 =	rddreg [dreg:$0x3]  }
0x11c: {  	s0 =	sadd.s32 @!p0 $0x100000, s0  }
0x11d: {  	[sflag:s0] =	ssyncadd.tile.s32 @!p0 $0x1;
	_ =	shalt  }
.Lfunc_end2:
_tile_overlayer_lowered:
.L_overlay_start_2:
0x11e: {  	(tag) =	ssettag $0x2  }
0x11f: {  	s0 =	rddreg [dreg:$0x0];
	s2 =	stileid.u32  }
0x120: {  	s1 =	rddreg [dreg:$0x1];
	p0 =	sne.s32 s2, $0x0  }
0x121: {  	s3 =	rddreg [dreg:$0x2];
	[bflag:$0x3] =	sbarrier.arrive $0xFFFF;
	s2 =	simm.s32 @!p0 $0x1C13  }
0x122: {  	[timem:s3], [sflag:s2] =	dma.local @!p0 [hbm:s0], s1  }
0x123: {  	s0 =	simm.s32 @!p0 $0x13  }
0x124: {  	_ =	swait.ge @!p0 [sflag:s0], s1  }
0x125: {  	s1 =	ssub.s32 @!p0 $0x0, s1;
	[sflag:s0] =	ssyncset.done @!p0 $0x0  }
0x126: {  	[sflag:s0] =	ssyncadd.s32 @!p0 s1  }
0x127: {  	[bflag:$0x3] =	sbarrier.arrive $0xFFFF  }
0x128: {  	_ =	shalt  }

// kernel: kernel.8.cloned.1.call-start
scs
__scs_entry_jumppad:
0x0: {  	(pc) =	sbr.rel $0x88, $3  }
0x1: {  	(tag) =	ssettag $0x0;
	lr =	simm.s32 $0x1  }
0x2: {  	[smem:$0x3F9B] =	sst lr;
	_ =	strace $0xD0000000  }
0x3: {  	_ = 	snop  }
0x4: {  	_ = 	snop  }
0x5: {  	_ = 	snop  }
0x6: {  	_ = 	snop  }
0x7: {  	_ = 	snop  }
__scs_overlays_trampoline_lowered:
0x8: {  	[smem:$0x3FAA] =	sst s0  }
0x9: {  	[smem:$0x3FAB] =	sst s1  }
0xa: {  	[smem:$0x3FAC] =	sst s2  }
0xb: {  	[smem:$0x3FAD] =	sst s3  }
0xc: {  	[smem:$0x3FAE] =	sst s4  }
0xd: {  	[smem:$0x3FAF] =	sst s5  }
0xe: {  	[smem:$0x3FB0] =	sst s6  }
0xf: {  	[smem:$0x3FB1] =	sst s7  }
0x10: {  	[smem:$0x3FB2] =	sst s8  }
0x11: {  	[smem:$0x3FB3] =	sst s9;
	s0 =	simm.s32 @!p0 $0x0  }
0x12: {  	s1 =	sld [smem:$0x3F99];
	s0 =	simm.s32 @p0 $0x1  }
0x13: {  	[smem:$0x3FB4] =	sst s0;
	s0 =	simm.s32 @!p1 $0x0  }
0x14: {  	s2 =	sld [smem:$0x3F98];
	s0 =	simm.s32 @p1 $0x1  }
0x15: {  	[smem:$0x3FB5] =	sst s0;
	s0 =	simm.s32 @!p2 $0x0  }
0x16: {  	s3 =	sld [smem:$0x3FDB];
	s0 =	simm.s32 @p2 $0x1  }
0x17: {  	s4 =	simm.s32 $0x1BF5;
	[smem:$0x3FB7] =	sst s0  }
0x18: {  	s0 =	sld [smem:$0x3F9A];
	_ =	swait.ge [sflag:s4], $0x0  }
0x19: {  	s7 =	sld [smem:$0x3F9B]  }
0x1a: {  	s8 =	sadd.s32 $0xFFFFE003, lr  }
0x1b: {  	s9 =	sadd.s32 $0xFFFFFEF7, lr;
	s5 =	simm.s32 $0xFFFFFFFF;
	p2 =	slt.u32 s8, $0xFFFFF086  }
0x1c: {  	p1 =	slt.u32 s9, $0xF7A;
	s5 =	simm.s32 @!p2 $0x0  }
0x1d: {  	s5 =	simm.s32 @p1 $0x1;
	p0 =	seq.s32 s7, s2  }
0x1e: {  	s7 =	smul.u32 @!p0 $0xF7A, s2;
	p2 =	seq.s32 @!p0 s5, $0x0  }
0x1f: {  	s9 =	smul.u32 $0xF7A, s1;
	s8 =	simm.s32 @!p0 $0x1BF5;
	p2 =	por !p2, p0  }
0x20: {  	[sflag:s8] =	ssyncset.s32 @!p0 $0xFFFFF086;
	s6 =	sadd.s32 @!p0 s3, s7;
	s7 =	simm.s32 @!p0 $0x108  }
0x21: {  	s3 =	sadd.s32 s3, s9;
	s6 =	sadd.s32 @!p0 $0x88, s6;
	s7 =	simm.s32 @p2 $0x1082  }
0x22: {  	[simem:s7], [sflag:s8] =	dma.local @!p0 [hbm:s6], $0xF7A  }
0x23: {  	s9 =	sor.u32 $0xD0000000, s2;
	s6 =	simm.s32 $0x108;
	_ =	swait.ge @!p0 [sflag:s8], $0x0  }
0x24: {  	s3 =	sadd.s32 $0x88, s3;
	s6 =	simm.s32 @!p1 $0x1082;
	[sflag:s4] =	ssyncset.s32 $0xFFFFF086  }
0x25: {  	[simem:s6], [sflag:s4] =	dma.local [hbm:s3], $0xF7A  }
0x26: {  	[smem:$0x3F9B] =	sst s1;
	(tag) =	ssettag s2;
	_ =	strace s9  }
0x27: {  	s1 =	sld [smem:$0x3FAB]  }
0x28: {  	s2 =	sld [smem:$0x3FAC]  }
0x29: {  	s4 =	sld [smem:$0x3FAE]  }
0x2a: {  	p0 =	seq.s32 s5, $0x0;
	s5 =	sld [smem:$0x3FAF]  }
0x2b: {  	s6 =	sld [smem:$0x3FB0]  }
0x2c: {  	s7 =	sld [smem:$0x3FB1]  }
0x2d: {  	s3 =	simm.s32 $0x108;
	s8 =	sld [smem:$0x3FB2]  }
0x2e: {  	s3 =	simm.s32 @!p0 $0x1082;
	s9 =	sld [smem:$0x3FB3]  }
0x2f: {  	lr =	sadd.s32 s0, s3;
	s0 =	sld [smem:$0x3FAA]  }
0x30: {  	s3 =	sld [smem:$0x3FAD]  }
0x31: {  	[smem:$0x3FB6] =	sst s10  }
0x32: {  	s10 =	sld [smem:$0x3FB4];
	_ =	sdelay $0x3  }
0x33: {  	p0 =	seq.s32 s10, $0x1;
	s10 =	sld [smem:$0x3FB6];
	_ =	sdelay $0x3  }
0x34: {  	[smem:$0x3FB6] =	sst s10  }
0x35: {  	s10 =	sld [smem:$0x3FB5];
	_ =	sdelay $0x3  }
0x36: {  	p1 =	seq.s32 s10, $0x1;
	s10 =	sld [smem:$0x3FB6];
	_ =	sdelay $0x3  }
0x37: {  	[smem:$0x3FB6] =	sst s10  }
0x38: {  	s10 =	sld [smem:$0x3FB7]  }
0x39: {  	_ = 	snop;
	(pc) =	sbr.ind lr, $3  }
0x3a: {  	_ = 	snop  }
0x3b: {  	_ = 	snop  }
0x3c: {  	p2 =	seq.s32 s10, $0x1;
	s10 =	sld [smem:$0x3FB6]  }
0x3d: {  	_ =	shalt  }
0x3e: {  	_ =	shalt  }
0x3f: {  	_ =	shalt  }
0x40: {  	_ =	shalt  }
0x41: {  	_ =	shalt  }
0x42: {  	_ =	shalt  }
0x43: {  	_ =	shalt  }
0x44: {  	_ =	shalt  }
0x45: {  	_ =	shalt  }
0x46: {  	_ =	shalt  }
0x47: {  	_ =	shalt  }
0x48: {  	_ =	shalt  }
0x49: {  	_ =	shalt  }
0x4a: {  	_ =	shalt  }
0x4b: {  	_ =	shalt  }
0x4c: {  	_ =	shalt  }
0x4d: {  	_ =	shalt  }
0x4e: {  	_ =	shalt  }
0x4f: {  	_ =	shalt  }
0x50: {  	_ =	shalt  }
0x51: {  	_ =	shalt  }
0x52: {  	_ =	shalt  }
0x53: {  	_ =	shalt  }
0x54: {  	_ =	shalt  }
0x55: {  	_ =	shalt  }
0x56: {  	_ =	shalt  }
0x57: {  	_ =	shalt  }
0x58: {  	_ =	shalt  }
0x59: {  	_ =	shalt  }
0x5a: {  	_ =	shalt  }
0x5b: {  	_ =	shalt  }
0x5c: {  	_ =	shalt  }
0x5d: {  	_ =	shalt  }
0x5e: {  	_ =	shalt  }
0x5f: {  	_ =	shalt  }
0x60: {  	_ =	shalt  }
0x61: {  	_ =	shalt  }
0x62: {  	_ =	shalt  }
0x63: {  	_ =	shalt  }
0x64: {  	_ =	shalt  }
0x65: {  	_ =	shalt  }
0x66: {  	_ =	shalt  }
0x67: {  	_ =	shalt  }
0x68: {  	_ =	shalt  }
0x69: {  	_ =	shalt  }
0x6a: {  	_ =	shalt  }
0x6b: {  	_ =	shalt  }
0x6c: {  	_ =	shalt  }
0x6d: {  	_ =	shalt  }
0x6e: {  	_ =	shalt  }
0x6f: {  	_ =	shalt  }
0x70: {  	_ =	shalt  }
0x71: {  	_ =	shalt  }
0x72: {  	_ =	shalt  }
0x73: {  	_ =	shalt  }
0x74: {  	_ =	shalt  }
0x75: {  	_ =	shalt  }
0x76: {  	_ =	shalt  }
0x77: {  	_ =	shalt  }
0x78: {  	_ =	shalt  }
0x79: {  	_ =	shalt  }
0x7a: {  	_ =	shalt  }
0x7b: {  	_ =	shalt  }
0x7c: {  	_ =	shalt  }
0x7d: {  	_ =	shalt  }
0x7e: {  	_ =	shalt  }
0x7f: {  	_ =	shalt  }
0x80: {  	_ =	shalt  }
0x81: {  	_ =	shalt  }
0x82: {  	_ =	shalt  }
0x83: {  	_ =	shalt  }
0x84: {  	_ =	shalt  }
0x85: {  	_ =	shalt  }
0x86: {  	_ =	shalt  }
0x87: {  	_ =	shalt  }
.Lfunc_end0:
.L_simem_size_0:
called_computation_lowered:
.L_overlay_start_0:
0x88: {  	s2 =	sld [smem:$0x3FD9]  }
0x89: {  	s3 =	sld [smem:$0x3FFE];
	_ =	sdelay $0x1  }
0x8a: {  	s1 =	srdreg.scid  }
0x8b: {  	s0 =	sand.u32 $0x1, s1  }
0x8c: {  	s16 =	sshll.u32 s0, $0xA;
	s2 =	sadd.s32 s3, s2  }
0x8d: {  	s2 =	sadd.s32 s2, s16  }
0x8e: {  	[smem:$0x3FC2] =	sst s2  }
0x8f: {  	_ = 	snop  }
0x90: {  	(tm) =	ssettm $0x1  }
0x91: {  	s17 =	sld [smem:$0x3FFB];
	_ =	sdelay $0x3  }
0x92: {  	_ =	strace s17  }
0x93: {  	s2 =	sld [smem:$0x3FFC];
	_ =	sdelay $0x3  }
0x94: {  	_ =	strace s2  }
0x95: {  	s2 =	sld [smem:$0x3FFD];
	_ =	sdelay $0x3  }
0x96: {  	_ =	strace s2  }
0x97: {  	_ =	strace $0x8FFFFFFF  }
0x98: {  	s18 =	sld [smem:$0x3FDB];
	_ =	sdelay $0x1  }
0x99: {  	s19 =	simm.s32 $_scs_section_size  }
0x9a: {  	s4 =	simm.s32 $_size__tile_overlayer_lowered;
	s5 =	simm.s32 $_tile_overlayer_lowered  }
0x9b: {  	s22 =	simm.s32 $0x1BFF;
	s21 =	sshll.u32 s5, $0x1;
	s2 =	sadd.s32 s19, s18  }
0x9c: {  	s6 =	simm.s32 $0x0;
	s20 =	sshll.u32 s4, $0x1;
	s4 =	sadd.s32 s21, s2  }
0x9d: {  	[timem:s6], [sflag:s22] =	dma.local [hbm:s4], s20  }
0x9e: {  	_ =	swait.ge [sflag:s22], s20  }
0x9f: {  	s3 =	ssub.s32 $0x0, s20;
	[sflag:s22] =	ssyncset.done $0x0  }
0xa0: {  	[sflag:s22] =	ssyncadd.s32 s3;
	_ =	sdelay $0x1  }
0xa1: {  	s23 =	simm.s32 $0x1B8B  }
0xa2: {  	_ =	swait.ge [sflag:s23], $0x1  }
0xa3: {  	[sflag:s23] =	ssyncset.done $0x0  }
0xa4: {  	s25 =	simm.s32 $0x1B8E;
	s24 =	sld [smem:$0x3FFE];
	[sflag:s23] =	ssyncadd.s32 $0xFFFFFFFF  }
0xa5: {  	s26 =	simm.s32 $execute0_lowered;
	[smem:$0x3FD2] =	sst s25  }
0xa6: {  	s4 =	sshll.u32 s26, $0x1;
	_ =	strace $0x80000046;
	[dreg:$0x1] =	wrdreg $0xFFFFFFFF  }
0xa7: {  	s28 =	simm.s32 $_size_execute0_lowered;
	s2 =	sadd.s32 s2, s4;
	[dreg:$0x0] =	wrdreg $0x0  }
0xa8: {  	s4 =	sshll.u32 s28, $0x1;
	[dreg:$0x2] =	wrdreg s2  }
0xa9: {  	[dreg:$0x3] =	wrdreg s4  }
0xaa: {  	[dreg:$0x4] =	wrdreg $0xC0  }
0xab: {  	_ =	task [dreg:s6], $0x5FFFF  }
0xac: {  	[dreg:$0x1] =	wrdreg $0xFFFFFFFF  }
0xad: {  	[dreg:$0x0] =	wrdreg $0x60  }
0xae: {  	[dreg:$0x2] =	wrdreg s24  }
0xaf: {  	[dreg:$0x3] =	wrdreg $0x9  }
0xb0: {  	_ =	task.clear_ibuf [dreg:s6], $0x4FFFF;
	_ =	strace $0x90000046  }
0xb1: {  	s29 =	simm.s32 $0x9;
	_ =	strace $0x80000048  }
0xb2: {  	_ =	swait.ge [sflag:s29], $0x1  }
0xb3: {  	[sflag:s29] =	ssyncadd.s32 $0xFFFFFFFF  }
0xb4: {  	_ =	strace $0x90000048  }
0xb5: {  	_ =	sfence  }
0xb6: {  	s30 =	sld [smem:$0x0];
	_ =	sdelay $0x2  }
0xb7: {  	s31 =	sshll.u32 s1, $0xD;
	s1 =	sshrl.u32 s1, $0x2  }
0xb8: {  	s3 =	sand.u32 $0x4000, s31;
	s1 =	sadd.s32 s1, s30  }
0xb9: {  	s0 =	sor.u32 s3, s0;
	s1 =	sshll.u32 s1, $0x11  }
0xba: {  	s0 =	sor.u32 s1, s0  }
0xbb: {  	s0 =	sadd.s32 $0x8F2B, s0  }
0xbc: {  	[sflag:s0] =	ssyncadd.remote.s32 $0x1  }
0xbd: {  	_ =	sfence.sel $0xFFFF  }
0xbe: {  	[dreg:$0x0] =	wrdreg $0xFFFFFFFF;
	(pc) =	sbr.abs _section_cstart, $3  }
0xbf: {  	[dreg:$0x1] =	wrdreg $0xFFFFFFFF  }
0xc0: {  	_ =	task.clear_ibuf [dreg:s6], $0x2FFFF;
	_ =	strace $0x9FFFFFFF  }
0xc1: {  	(tm) =	ssettm $0x7FFFFFFF  }
tec
execute0_lowered:
.L_overlay_start_1:
0x0: {  	(tag) =	ssettag $0x1  }
0x1: {  	s0 =	srdreg.scid  }
0x2: {  	s3 =	sand.u32 $0x1, s0  }
0x3: {  	s0 =	stileid.u32;
	s1 =	sshll.u32 s3, $0x4  }
0x4: {  	s4 =	rddreg [dreg:$0x0];
	s5 =	sor.u32 s0, s1  }
0x5: {  	s2 =	simm.s32 $0x0;
	s8 =	simm.s32 $0x0;
	s6 =	smul.u32 $0x2710, s5  }
0x6: {  	[smem:$0x7FF] =	sst s2;
	s3 =	ssub.s32 $0x2, s3;
	s5 =	smul.u32 $0x500, s5  }
0x7: {  	s1 =	rddreg [dreg:$0x1];
	_ =	strace $0x80000047;
	s7 =	sshrl.u32 s3, $0x1  }
0x8: {  	s7 =	ssub.s32 s3, s7;
	s6 =	sshrl.u32 s6, $0x3;
	s5 =	sadd.s32 s5, s4  }
0x9: {  	s31 =	sadd.s32 s4, s6;
	s4 =	sadd.s32 $0x15000, s5;
	s5 =	smax.u32 s7, $0x1  }
0xa: {  	v0 =	vimm.f32 $0.0e+00;
	v1 =	vimm.f32 $1.000000000e+00;
	s6 =	simm.s32 $0x1;
	s7 =	simm.s32 $0x2710;
	s3 =	sadd.s32 $0xB240, s31  }
.LBB2_1:
0xb: {  	[tilespmem:s2], [sflag:$0x1] =	stream.linear.gather [hbm4b:s3+s2], $0x2710, $0x38;
	[tilespmem:$0x4F10] =	vst v63  }
0xc: {  	_ =	swait.ge [sflag:s6], $0x2710  }
0xd: {  	[sflag:s6] =	ssyncset.done $0x0  }
0xe: {  	s9 =	simm.s32 $0x0;
	s10 =	simm.s32 $0x200;
	[sflag:s6] =	ssyncadd.s32 $0xFFFFD8F0  }
.LBB2_2:
0xf: {  	p0 =	sne.s32 s10, $0x9E00;
	[tilespmem:s9+$0x2780] =	vst v0  }
0x10: {  	[tilespmem:s9+$0x2710] =	vst v0  }
0x11: {  	[tilespmem:s9+$0x2720] =	vst v0  }
.Ltmp0:
0x12: {  	[tilespmem:s9+$0x2730] =	vst v0;
	(pc) =	sbr.rel @p0 .LBB2_2-.Ltmp0, $4  }
0x13: {  	[tilespmem:s9+$0x2740] =	vst v0  }
0x14: {  	[tilespmem:s9+$0x2750] =	vst v0  }
0x15: {  	[tilespmem:s9+$0x2760] =	vst v0  }
0x16: {  	[tilespmem:s9+$0x2770] =	vst v0;
	s9 =	sshra.s32 s10, $0x2;
	s10 =	sadd.s32 $0x200, s10  }
0x17: {  	[tilespmem:s9+$0x2780] =	vst v0  }
0x18: {  	[tilespmem:s9+$0x2710] =	vst v0  }
0x19: {  	[tilespmem:s9+$0x2720] =	vst v0  }
0x1a: {  	[tilespmem:s9+$0x2730] =	vst v0  }
0x1b: {  	[tilespmem:s9+$0x2740] =	vst v0  }
0x1c: {  	[tilespmem:s9+$0x2750] =	vst v0  }
0x1d: {  	[tilespmem:s9+$0x2760] =	vst v0  }
0x1e: {  	[tilespmem:s9+$0x2770] =	vst v0;
	s9 =	simm.s32 $0x0  }
.LBB2_4:
0x1f: {  	s10 =	sshra.s32 s9, $0x2  }
0x20: {  	v2 =	vld [tilespmem:s10+$0x0];
	_ =	sdelay $0x7  }
0x21: {  	[tilespmem:v2+s7+$0x0] =	vst.idx.add.f32.msk $0xffff, v1  }
0x22: {  	v2 =	vld [tilespmem:s10+$0x10];
	_ =	sdelay $0x7  }
0x23: {  	[tilespmem:v2+s7+$0x0] =	vst.idx.add.f32.msk $0xffff, v1  }
0x24: {  	v2 =	vld [tilespmem:s10+$0x20];
	_ =	sdelay $0x7  }
0x25: {  	[tilespmem:v2+s7+$0x0] =	vst.idx.add.f32.msk $0xffff, v1  }
0x26: {  	v2 =	vld [tilespmem:s10+$0x30];
	_ =	sdelay $0x7  }
0x27: {  	[tilespmem:v2+s7+$0x0] =	vst.idx.add.f32.msk $0xffff, v1  }
0x28: {  	v2 =	vld [tilespmem:s10+$0x40];
	_ =	sdelay $0x2  }
0x29: {  	p0 =	sne.s32 s9, $0x9B00  }
.Ltmp1:
0x2a: {  	_ = 	snop;
	(pc) =	sbr.rel @p0 .LBB2_4-.Ltmp1, $2  }
0x2b: {  	_ =	sdelay $0x2  }
0x2c: {  	s9 =	sadd.s32 $0x140, s9;
	[tilespmem:v2+s7+$0x0] =	vst.idx.add.f32.msk $0xffff, v1  }
0x2d: {  	s8 =	sadd.s32 $0x1, s8  }
0x2e: {  	p0 =	sne.s32 s8, s5  }
.Ltmp2:
0x2f: {  	_ = 	snop;
	(pc) =	sbr.rel @p0 .LBB2_1-.Ltmp2, $4  }
0x30: {  	[hbm4b:s4+s2] =	stream.linear.scatter [tilespmem:s7], [sflag:$0x1], $0x2800, $0x38;
	[tilespmem:$0x4F10] =	vst v63  }
0x31: {  	_ =	swait.ge [sflag:s6], $0x2800  }
0x32: {  	[sflag:s6] =	ssyncset.done $0x0  }
0x33: {  	[sflag:s6] =	ssyncadd.s32 $0xFFFFD800  }
0x34: {  	_ =	sfence.sel $0x180000  }
0x35: {  	[bflag:$0x0] =	sbarrier.arrive $0xFFFF  }
0x36: {  	p0 =	sne.s32 s0, $0x0;
	_ =	strace $0x90000047  }
0x37: {  	s0 =	sadd.s32 @!p0 $0x100000, s1;
	[bflag:$0x2] =	sbarrier.arrive $0xFFFF  }
0x38: {  	[sflag:s0] =	ssyncadd.tile.s32 @!p0 $0x1;
	_ =	shalt  }
.Lfunc_end2:
_tile_overlayer_lowered:
.L_overlay_start_2:
0x39: {  	(tag) =	ssettag $0x2  }
0x3a: {  	s0 =	rddreg [dreg:$0x0];
	s2 =	stileid.u32  }
0x3b: {  	s1 =	rddreg [dreg:$0x1];
	p0 =	sne.s32 s2, $0x0  }
0x3c: {  	s3 =	rddreg [dreg:$0x2];
	[bflag:$0x3] =	sbarrier.arrive $0xFFFF;
	s2 =	simm.s32 @!p0 $0x1C02  }
0x3d: {  	[timem:s3], [sflag:s2] =	dma.local @!p0 [hbm:s0], s1  }
0x3e: {  	s0 =	simm.s32 @!p0 $0x2  }
0x3f: {  	_ =	swait.ge @!p0 [sflag:s0], s1  }
0x40: {  	s1 =	ssub.s32 @!p0 $0x0, s1;
	[sflag:s0] =	ssyncset.done @!p0 $0x0  }
0x41: {  	[sflag:s0] =	ssyncadd.s32 @!p0 s1  }
0x42: {  	[bflag:$0x3] =	sbarrier.arrive $0xFFFF  }
0x43: {  	_ =	shalt  }

</sc_bundles>
